<compile_context>
chip_gen: v7x
topology: tpu7x:2x2x1
jax: 0.10.2.dev20260603
libtpu: 0.0.44.dev20260713+nightly
codegen_flags: <defaults>
</compile_context>

<pallas_src>
import functools

import jax
import jax.numpy as jnp
import numpy as np
from jax import lax
from jax.experimental import pallas as pl
from jax.experimental.pallas import tpu as pltpu
from jax.experimental.pallas import tpu_sc as plsc

_IDX_CHUNK = 128


def _sc_gather(table, idx):
    B = idx.shape[0]
    D = table.shape[1]
    info = plsc.get_sparse_core_info()
    nw = info.num_cores * info.num_subcores
    b_per_w = B // nw
    n_chunks = b_per_w // _IDX_CHUNK
    mesh = plsc.VectorSubcoreMesh(core_axis_name="c", subcore_axis_name="s")

    @functools.partial(
        pl.kernel,
        mesh=mesh,
        compiler_params=pltpu.CompilerParams(use_tc_tiling_on_sc=False),
        out_type=jax.ShapeDtypeStruct((B, D), jnp.float32),
        scratch_types=[
            pltpu.VMEM((b_per_w,), jnp.int32),
            pltpu.VMEM((b_per_w, D), jnp.float32),
            pltpu.SemaphoreType.DMA,
        ],
    )
    def gather_kernel(table_hbm, idx_hbm, out_hbm, idx_v, rows_v, sem):
        wid = lax.axis_index("s") * info.num_cores + lax.axis_index("c")
        base = wid * b_per_w
        pltpu.sync_copy(idx_hbm.at[pl.ds(base, b_per_w)], idx_v)
        copies = []
        for j in range(n_chunks):
            copies.append(
                pltpu.async_copy(
                    table_hbm.at[idx_v.at[pl.ds(j * _IDX_CHUNK, _IDX_CHUNK)]],
                    rows_v.at[pl.ds(j * _IDX_CHUNK, _IDX_CHUNK)],
                    sem,
                )
            )
        for c in copies:
            c.wait()
        pltpu.sync_copy(rows_v, out_hbm.at[pl.ds(base, b_per_w)])

    return gather_kernel(table, idx.astype(jnp.int32))


_LANCZOS_G = 7.0
_LANCZOS_C = (
    0.99999999999980993,
    676.5203681218851,
    -1259.1392167224028,
    771.32342877765313,
    -176.61502916214059,
    12.507343278686905,
    -0.13857109526572012,
    9.9843695780195716e-6,
    1.5056327351493116e-7,
)
_HALF_LOG_2PI = 0.9189385332046727


def _lgamma(x):
    z = x - 1.0
    a = jnp.full_like(x, _LANCZOS_C[0])
    for i in range(1, 9):
        a = a + _LANCZOS_C[i] / (z + i)
    t = z + _LANCZOS_G + 0.5
    return _HALF_LOG_2PI + (z + 0.5) * jnp.log(t) - t + jnp.log(a)


def _digamma(x):
    shift = jnp.zeros_like(x)
    for k in range(6):
        shift = shift + 1.0 / (x + k)
    y = x + 6.0
    inv = 1.0 / y
    inv2 = inv * inv
    series = (
        jnp.log(y)
        - 0.5 * inv
        - inv2 * (1.0 / 12.0 - inv2 * (1.0 / 120.0 - inv2 / 252.0))
    )
    return series - shift


U32 = jnp.uint32
_R1 = (13, 15, 26, 6)
_R2 = (17, 29, 16, 24)
_C3 = np.uint32(0x1BD11BDA)
_LO = np.nextafter(np.float32(-1.0), np.float32(0.0))
_SQRT2 = np.array(np.sqrt(2), np.float32)
_THIRD = np.float32(1.0 / 3.0)
_SQUEEZE = np.float32(0.0331)
_MK1 = np.uint32(0)
_MK2 = np.uint32(12345)


def _tf_rounds(x0, x1, rots):
    for r in rots:
        x0 = x0 + x1
        x1 = (x1 << U32(r)) | (x1 >> U32(32 - r))
        x1 = x0 ^ x1
    return x0, x1


def _threefry(k, c0, c1):
    k1, k2 = k
    ks2 = k1 ^ k2 ^ _C3
    x0 = c0 + k1
    x1 = c1 + k2
    x0, x1 = _tf_rounds(x0, x1, _R1)
    x0 = x0 + k2
    x1 = x1 + ks2 + U32(1)
    x0, x1 = _tf_rounds(x0, x1, _R2)
    x0 = x0 + ks2
    x1 = x1 + k1 + U32(2)
    x0, x1 = _tf_rounds(x0, x1, _R1)
    x0 = x0 + k1
    x1 = x1 + k2 + U32(3)
    x0, x1 = _tf_rounds(x0, x1, _R2)
    x0 = x0 + k2
    x1 = x1 + ks2 + U32(4)
    x0, x1 = _tf_rounds(x0, x1, _R1)
    x0 = x0 + ks2
    x1 = x1 + k1 + U32(5)
    return x0, x1


def _u01(bits):
    fb = (bits >> U32(9)) | U32(0x3F800000)
    return lax.bitcast_convert_type(fb, jnp.float32) - np.float32(1.0)


def _bits(k):
    z = jnp.zeros_like(k[0])
    y0, y1 = _threefry(k, z, z)
    return y0 ^ y1


def _erf_inv(x):
    w = -lax.log1p(-x * x)
    w_small = w - np.float32(2.5)
    p = jnp.full_like(x, np.float32(2.81022636e-08))
    for cc in (
        3.43273939e-07,
        -3.5233877e-06,
        -4.39150654e-06,
        0.00021858087,
        -0.00125372503,
        -0.00417768164,
        0.246640727,
        1.50140941,
    ):
        p = np.float32(cc) + p * w_small
    w_big = lax.sqrt(w) - np.float32(3.0)
    q = jnp.full_like(x, np.float32(-0.000200214257))
    for cc in (
        0.000100950558,
        0.00134934322,
        -0.00367342844,
        0.00573950773,
        -0.0076224613,
        0.00943887047,
        1.00167406,
        2.83297682,
    ):
        q = np.float32(cc) + q * w_big
    return jnp.where(w < np.float32(5.0), p, q) * x


def _normal(k):
    f = _u01(_bits(k))
    u = f * (np.float32(1.0) - _LO) + _LO
    u = jnp.maximum(_LO, u)
    return _SQRT2 * _erf_inv(u)


def _sample_loggamma(lane, alpha):
    z = jnp.zeros_like(lane)
    mk = (jnp.full_like(lane, _MK1), jnp.full_like(lane, _MK2))
    kk = _threefry(mk, z, lane)
    key0 = _threefry(kk, z, z)
    subkey = _threefry(kk, z, z + U32(1))

    boost = alpha >= np.float32(1.0)
    aprime = jnp.where(boost, alpha, alpha + np.float32(1.0))
    d = aprime - _THIRD
    c = _THIRD / lax.sqrt(d)
    f1 = np.float32(1.0)

    def percond(x2, v3, u):
        c1 = u >= f1 - _SQUEEZE * (x2 * x2)
        c2 = lax.log(u) >= x2 * np.float32(0.5) + d * (f1 - v3 + lax.log(v3))
        return c1 & c2

    def outer_cond(st):
        _, _, x2, v3, u = st
        return jnp.any(percond(x2, v3, u))

    def outer_body(st):
        k1_, k2_, x2, v3, u = st
        key = (k1_, k2_)
        m = percond(x2, v3, u)
        key_n = _threefry(key, z, z)
        x_key = _threefry(key, z, z + U32(1))
        u_key = _threefry(key, z, z + U32(2))

        def inner_cond(s):
            return jnp.any(s[3] <= np.float32(0.0))

        def inner_body(s):
            xk1, xk2, x, v = s
            mi = v <= np.float32(0.0)
            xk = (xk1, xk2)
            xk_n = _threefry(xk, z, z)
            sub = _threefry(xk, z, z + U32(1))
            xx = _normal(sub)
            vv = f1 + xx * c
            return (
                jnp.where(mi, xk_n[0], xk1),
                jnp.where(mi, xk_n[1], xk2),
                jnp.where(mi, xx, x),
                jnp.where(mi, vv, v),
            )

        _, _, x, v = lax.while_loop(
            inner_cond,
            inner_body,
            (x_key[0], x_key[1], jnp.zeros_like(alpha), jnp.full_like(alpha, -1.0)),
        )
        x2n = x * x
        v3n = (v * v) * v
        un = _u01(_bits(u_key))
        return (
            jnp.where(m, key_n[0], k1_),
            jnp.where(m, key_n[1], k2_),
            jnp.where(m, x2n, x2),
            jnp.where(m, v3n, v3),
            jnp.where(m, un, u),
        )

    key_n = _threefry(key0, z, z)
    x_key = _threefry(key0, z, z + U32(1))
    u_key = _threefry(key0, z, z + U32(2))
    sub = _threefry(x_key, z, z + U32(1))
    x1 = _normal(sub)
    v1 = f1 + x1 * c

    def inner_cond0(s):
        return jnp.any(s[3] <= np.float32(0.0))

    def inner_body0(s):
        xk1, xk2, x, v = s
        mi = v <= np.float32(0.0)
        xk = (xk1, xk2)
        xk_n = _threefry(xk, z, z)
        sub_i = _threefry(xk, z, z + U32(1))
        xx = _normal(sub_i)
        vv = f1 + xx * c
        return (
            jnp.where(mi, xk_n[0], xk1),
            jnp.where(mi, xk_n[1], xk2),
            jnp.where(mi, xx, x),
            jnp.where(mi, vv, v),
        )

    xk0 = _threefry(x_key, z, z)
    _, _, x1, v1 = lax.while_loop(
        inner_cond0, inner_body0, (xk0[0], xk0[1], x1, v1)
    )
    init = (
        key_n[0],
        key_n[1],
        x1 * x1,
        (v1 * v1) * v1,
        _u01(_bits(u_key)),
    )
    _, _, _, v3, _ = lax.while_loop(outer_cond, outer_body, init)

    u_b = _u01(_bits(subkey))
    log_samples = lax.log1p(-u_b)
    log_boost = jnp.where(
        boost | (log_samples == np.float32(0.0)),
        np.float32(0.0),
        log_samples * (f1 / alpha),
    )
    return lax.log(d) + lax.log(v3) + log_boost


def _fused_body(prior_ref, rows_ref, alpha_ref, kl_ref, *, block_rows, kdim):
    bmw = block_rows
    wide = 2 * kdim
    conc = jnp.exp(rows_ref[...])

    c_iota = lax.broadcasted_iota(jnp.uint32, (bmw, wide), 1)
    mask_l = c_iota < U32(kdim)
    fzero = np.float32(0.0)
    fninf = np.float32(-np.inf)

    def half_sums(x):
        sl = jnp.sum(jnp.where(mask_l, x, fzero), axis=-1, keepdims=True)
        sr = jnp.sum(jnp.where(mask_l, fzero, x), axis=-1, keepdims=True)
        return sl, sr

    prior = prior_ref[...]
    qsum_l, qsum_r = half_sums(conc)
    psum = jnp.sum(jnp.where(mask_l[0:1], prior, fzero), axis=-1, keepdims=True)
    t1_l = _lgamma(qsum_l) - _lgamma(psum)
    t1_r = _lgamma(qsum_r) - _lgamma(psum)
    e2 = _lgamma(prior) - _lgamma(conc)
    t2_l, t2_r = half_sums(e2)
    qsum_sel = jnp.where(mask_l, qsum_l, qsum_r)
    e3 = (conc - prior) * (_digamma(conc) - _digamma(qsum_sel))
    t3_l, t3_r = half_sums(e3)
    kl_ref[...] = jnp.concatenate(
        [t1_l + t2_l + t3_l, t1_r + t2_r + t3_r], axis=1
    )

    r_iota = lax.broadcasted_iota(jnp.uint32, (bmw, wide), 0)
    base = lax.convert_element_type(pl.program_id(0), jnp.uint32) * U32(
        bmw * wide
    )
    lane = base + r_iota * U32(wide) + c_iota
    lg = _sample_loggamma(lane, conc)
    xmax_l = jnp.max(jnp.where(mask_l, lg, fninf), axis=-1, keepdims=True)
    xmax_r = jnp.max(jnp.where(mask_l, fninf, lg), axis=-1, keepdims=True)
    un = jnp.exp(lg - jnp.where(mask_l, xmax_l, xmax_r))
    s_l, s_r = half_sums(un)
    alpha_ref[...] = un / jnp.where(mask_l, s_l, s_r)


def _tc_fused(rows, prior_a, block_rows=64):
    B, K = rows.shape
    rows_w = rows.reshape(B // 2, 2 * K)
    prior_w = jnp.concatenate([prior_a, prior_a], axis=1)
    grid = ((B // 2) // block_rows,)
    alpha_w, kl_w = pl.pallas_call(
        functools.partial(_fused_body, block_rows=block_rows, kdim=K),
        grid=grid,
        compiler_params=pltpu.CompilerParams(
            dimension_semantics=("parallel",)
        ),
        in_specs=[
            pl.BlockSpec((1, 2 * K), lambda i: (0, 0)),
            pl.BlockSpec((block_rows, 2 * K), lambda i: (i, 0)),
        ],
        out_specs=[
            pl.BlockSpec((block_rows, 2 * K), lambda i: (i, 0)),
            pl.BlockSpec((block_rows, 2), lambda i: (i, 0)),
        ],
        out_shape=[
            jax.ShapeDtypeStruct((B // 2, 2 * K), jnp.float32),
            jax.ShapeDtypeStruct((B // 2, 2), jnp.float32),
        ],
    )(prior_w, rows_w)
    return alpha_w.reshape(B, K), kl_w.reshape(B, 1)


def kernel(idx, logc_weight, prior_a):
    rows = _sc_gather(logc_weight, idx)
    alpha, kl = _tc_fused(rows, prior_a)
    return (alpha, kl)

# --- scband reference (transcript-rebuilt; emitter-appended) ---
"""Pipeline reference for scband-label-mixer-90941637526214 (READ-ONLY COPY).

The authoritative reference and input builder live on the scoring server;
editing this copy changes nothing except your own understanding.
"""

import jax, jax.numpy as jnp
import numpy as np
from jax.scipy.special import gammaln, digamma

N = 1000000
K = 64
B = 16384


def setup_inputs(seed: int = 0) -> dict:
    key = jax.random.key(seed)
    idx = jax.random.randint(jax.random.fold_in(key, 0), (B,), 0, N, dtype=jnp.int64 if jax.config.jax_enable_x64 else jnp.int32)
    # learned params per init_kwargs: logc Embedding(N, K) initialized to zeros, prior_a ones(1, K)
    logc_weight = jnp.zeros((N, K), dtype=jnp.float32)
    prior_a = jnp.ones((1, K), dtype=jnp.float32)
    return {"idx": idx, "logc_weight": logc_weight, "prior_a": prior_a}


def _kl(alpha, prior_a):
    qsum = alpha.sum(-1, keepdims=True)
    psum = prior_a.sum(-1, keepdims=True)
    term1 = gammaln(qsum) - gammaln(psum)
    term2 = (gammaln(prior_a) - gammaln(alpha)).sum(-1, keepdims=True)
    term3 = ((alpha - prior_a) * (digamma(alpha) - digamma(qsum))).sum(-1, keepdims=True)
    return term1 + term2 + term3


def reference(idx, logc_weight, prior_a):
    # N > 1 branch: embedding gather then exp
    c = jnp.exp(jnp.take(logc_weight, idx, axis=0))  # [B, K]
    # Dirichlet(c).rsample() -- reparameterized Dirichlet sample (jax.random.dirichlet
    # is differentiable w.r.t. concentration, matching torch rsample semantics)
    sample_key = jax.random.key(12345)
    alpha = jax.random.dirichlet(sample_key, c)  # [B, K]
    kl = _kl(c, prior_a)  # [B, 1]  (torch code passes concentrations c into _kl)
    return (alpha, kl)

if __name__ == "__main__":
    import jax
    _d = setup_inputs()
    print(jax.jit(kernel)(*tuple(_d.values())))

</pallas_src>

<mosaic_0001>
#map = affine_map<(d0, d1) -> (0, 0)>
#map1 = affine_map<(d0, d1) -> (0)>
module attributes {stable_mosaic.version = 14 : i64} {
  func.func @gather_kernel(%arg0: i32, %arg1: i32, %arg2: memref<1000000x64xf32, #tpu.memory_space<hbm>>, %arg3: memref<16384xi32, #tpu.memory_space<hbm>>, %arg4: memref<16384x64xf32, #tpu.memory_space<hbm>>, %arg5: memref<512xi32, #tpu.memory_space<vmem>>, %arg6: memref<512x64xf32, #tpu.memory_space<vmem>>, %arg7: memref<!tpu.dma_semaphore, #tpu.memory_space<semaphore_mem>>) attributes {dimension_semantics = [#tpu.dimension_semantics<core_parallel>, #tpu.dimension_semantics<subcore_parallel>], iteration_bounds = array<i64: 2, 16>, scalar_prefetch = 0 : i64, scratch_operands = 3 : i64, tpu.core_type = #tpu.core_type<sc_vector_subcore>, window_params = [{transform_indices = #map}, {transform_indices = #map1}, {transform_indices = #map}]} {
    %mul3A = arith.constant 2 : i32
    %mul3A_0 = arith.muli %arg1, %mul3A : i32
    %add3A = arith.addi %mul3A_0, %arg0 : i32
    %mul3A_1 = arith.constant 512 : i32
    %mul3A_2 = arith.muli %add3A, %mul3A_1 : i32
    "tpu.region"() ({
      %run_scoped3A = tpu.sem_alloc : memref<!tpu.dma_semaphore, #tpu.memory_space<semaphore_mem>>
      %dma_start3A_65 = tpu.memref_slice %arg3[%mul3A_2] : memref<16384xi32, #tpu.memory_space<hbm>> -> memref<512xi32, #tpu.memory_space<hbm>>
      %dma_start3A_66 = tpu.memref_slice %arg3[%mul3A_2] : memref<16384xi32, #tpu.memory_space<hbm>> -> memref<512xi32, #tpu.memory_space<hbm>>
      tpu.enqueue_dma source(%dma_start3A_66 : memref<512xi32, #tpu.memory_space<hbm>>) target(%arg5 : memref<512xi32, #tpu.memory_space<vmem>>) target_semaphore(%run_scoped3A : memref<!tpu.dma_semaphore, #tpu.memory_space<semaphore_mem>>)
      %dma_wait3A_67 = tpu.memref_slice %arg3[%mul3A_2] : memref<16384xi32, #tpu.memory_space<hbm>> -> memref<512xi32, #tpu.memory_space<hbm>>
      %dma_wait3A_68 = tpu.memref_slice %arg3[%mul3A_2] : memref<16384xi32, #tpu.memory_space<hbm>> -> memref<512xi32, #tpu.memory_space<hbm>>
      tpu.wait_dma2 semaphore(%run_scoped3A : memref<!tpu.dma_semaphore, #tpu.memory_space<semaphore_mem>>) src(%dma_wait3A_68 : memref<512xi32, #tpu.memory_space<hbm>>) dst(%arg5 : memref<512xi32, #tpu.memory_space<vmem>>)
      tpu.yield
    }) : () -> ()
    %dma_start3A = arith.constant 0 : i32
    %dma_start3A_3 = arith.constant 0 : i32
    %dma_start3A_4 = tpu.memref_slice %arg6[%dma_start3A, %dma_start3A_3] : memref<512x64xf32, #tpu.memory_space<vmem>> -> memref<128x64xf32, #tpu.memory_space<vmem>>
    %dma_start3A_5 = arith.constant 0 : i32
    %dma_start3A_6 = tpu.memref_slice %arg5[%dma_start3A_5] : memref<512xi32, #tpu.memory_space<vmem>> -> memref<128xi32, #tpu.memory_space<vmem>>
    %dma_start3A_7 = arith.constant 0 : i32
    %dma_start3A_8 = arith.constant 0 : i32
    %dma_start3A_9 = tpu.memref_slice %arg2[%dma_start3A_7, %dma_start3A_8] : memref<1000000x64xf32, #tpu.memory_space<hbm>> -> memref<1000000x64xf32, #tpu.memory_space<hbm>>
    tpu.enqueue_indirect_dma source(%dma_start3A_9 : memref<1000000x64xf32, #tpu.memory_space<hbm>>) target(%dma_start3A_4 : memref<128x64xf32, #tpu.memory_space<vmem>>) offsets(%dma_start3A_6 : memref<128xi32, #tpu.memory_space<vmem>>) semaphore(%arg7 : memref<!tpu.dma_semaphore, #tpu.memory_space<semaphore_mem>>)
    %dma_start3A_10 = arith.constant 128 : i32
    %dma_start3A_11 = arith.constant 0 : i32
    %dma_start3A_12 = tpu.memref_slice %arg6[%dma_start3A_10, %dma_start3A_11] : memref<512x64xf32, #tpu.memory_space<vmem>> -> memref<128x64xf32, #tpu.memory_space<vmem>>
    %dma_start3A_13 = arith.constant 128 : i32
    %dma_start3A_14 = tpu.memref_slice %arg5[%dma_start3A_13] : memref<512xi32, #tpu.memory_space<vmem>> -> memref<128xi32, #tpu.memory_space<vmem>>
    %dma_start3A_15 = arith.constant 0 : i32
    %dma_start3A_16 = arith.constant 0 : i32
    %dma_start3A_17 = tpu.memref_slice %arg2[%dma_start3A_15, %dma_start3A_16] : memref<1000000x64xf32, #tpu.memory_space<hbm>> -> memref<1000000x64xf32, #tpu.memory_space<hbm>>
    tpu.enqueue_indirect_dma source(%dma_start3A_17 : memref<1000000x64xf32, #tpu.memory_space<hbm>>) target(%dma_start3A_12 : memref<128x64xf32, #tpu.memory_space<vmem>>) offsets(%dma_start3A_14 : memref<128xi32, #tpu.memory_space<vmem>>) semaphore(%arg7 : memref<!tpu.dma_semaphore, #tpu.memory_space<semaphore_mem>>)
    %dma_start3A_18 = arith.constant 256 : i32
    %dma_start3A_19 = arith.constant 0 : i32
    %dma_start3A_20 = tpu.memref_slice %arg6[%dma_start3A_18, %dma_start3A_19] : memref<512x64xf32, #tpu.memory_space<vmem>> -> memref<128x64xf32, #tpu.memory_space<vmem>>
    %dma_start3A_21 = arith.constant 256 : i32
    %dma_start3A_22 = tpu.memref_slice %arg5[%dma_start3A_21] : memref<512xi32, #tpu.memory_space<vmem>> -> memref<128xi32, #tpu.memory_space<vmem>>
    %dma_start3A_23 = arith.constant 0 : i32
    %dma_start3A_24 = arith.constant 0 : i32
    %dma_start3A_25 = tpu.memref_slice %arg2[%dma_start3A_23, %dma_start3A_24] : memref<1000000x64xf32, #tpu.memory_space<hbm>> -> memref<1000000x64xf32, #tpu.memory_space<hbm>>
    tpu.enqueue_indirect_dma source(%dma_start3A_25 : memref<1000000x64xf32, #tpu.memory_space<hbm>>) target(%dma_start3A_20 : memref<128x64xf32, #tpu.memory_space<vmem>>) offsets(%dma_start3A_22 : memref<128xi32, #tpu.memory_space<vmem>>) semaphore(%arg7 : memref<!tpu.dma_semaphore, #tpu.memory_space<semaphore_mem>>)
    %dma_start3A_26 = arith.constant 384 : i32
    %dma_start3A_27 = arith.constant 0 : i32
    %dma_start3A_28 = tpu.memref_slice %arg6[%dma_start3A_26, %dma_start3A_27] : memref<512x64xf32, #tpu.memory_space<vmem>> -> memref<128x64xf32, #tpu.memory_space<vmem>>
    %dma_start3A_29 = arith.constant 384 : i32
    %dma_start3A_30 = tpu.memref_slice %arg5[%dma_start3A_29] : memref<512xi32, #tpu.memory_space<vmem>> -> memref<128xi32, #tpu.memory_space<vmem>>
    %dma_start3A_31 = arith.constant 0 : i32
    %dma_start3A_32 = arith.constant 0 : i32
    %dma_start3A_33 = tpu.memref_slice %arg2[%dma_start3A_31, %dma_start3A_32] : memref<1000000x64xf32, #tpu.memory_space<hbm>> -> memref<1000000x64xf32, #tpu.memory_space<hbm>>
    tpu.enqueue_indirect_dma source(%dma_start3A_33 : memref<1000000x64xf32, #tpu.memory_space<hbm>>) target(%dma_start3A_28 : memref<128x64xf32, #tpu.memory_space<vmem>>) offsets(%dma_start3A_30 : memref<128xi32, #tpu.memory_space<vmem>>) semaphore(%arg7 : memref<!tpu.dma_semaphore, #tpu.memory_space<semaphore_mem>>)
    %dma_wait3A = arith.constant 0 : i32
    %dma_wait3A_34 = arith.constant 0 : i32
    %dma_wait3A_35 = tpu.memref_slice %arg6[%dma_wait3A, %dma_wait3A_34] : memref<512x64xf32, #tpu.memory_space<vmem>> -> memref<128x64xf32, #tpu.memory_space<vmem>>
    %dma_wait3A_36 = arith.constant 0 : i32
    %dma_wait3A_37 = tpu.memref_slice %arg5[%dma_wait3A_36] : memref<512xi32, #tpu.memory_space<vmem>> -> memref<128xi32, #tpu.memory_space<vmem>>
    %dma_wait3A_38 = arith.constant 0 : i32
    %dma_wait3A_39 = arith.constant 0 : i32
    %dma_wait3A_40 = tpu.memref_slice %arg2[%dma_wait3A_38, %dma_wait3A_39] : memref<1000000x64xf32, #tpu.memory_space<hbm>> -> memref<1000000x64xf32, #tpu.memory_space<hbm>>
    tpu.wait_indirect_dma semaphore(%arg7 : memref<!tpu.dma_semaphore, #tpu.memory_space<semaphore_mem>>) src(%dma_wait3A_40 : memref<1000000x64xf32, #tpu.memory_space<hbm>>) dst(%dma_wait3A_35 : memref<128x64xf32, #tpu.memory_space<vmem>>)
    %dma_wait3A_41 = arith.constant 128 : i32
    %dma_wait3A_42 = arith.constant 0 : i32
    %dma_wait3A_43 = tpu.memref_slice %arg6[%dma_wait3A_41, %dma_wait3A_42] : memref<512x64xf32, #tpu.memory_space<vmem>> -> memref<128x64xf32, #tpu.memory_space<vmem>>
    %dma_wait3A_44 = arith.constant 128 : i32
    %dma_wait3A_45 = tpu.memref_slice %arg5[%dma_wait3A_44] : memref<512xi32, #tpu.memory_space<vmem>> -> memref<128xi32, #tpu.memory_space<vmem>>
    %dma_wait3A_46 = arith.constant 0 : i32
    %dma_wait3A_47 = arith.constant 0 : i32
    %dma_wait3A_48 = tpu.memref_slice %arg2[%dma_wait3A_46, %dma_wait3A_47] : memref<1000000x64xf32, #tpu.memory_space<hbm>> -> memref<1000000x64xf32, #tpu.memory_space<hbm>>
    tpu.wait_indirect_dma semaphore(%arg7 : memref<!tpu.dma_semaphore, #tpu.memory_space<semaphore_mem>>) src(%dma_wait3A_48 : memref<1000000x64xf32, #tpu.memory_space<hbm>>) dst(%dma_wait3A_43 : memref<128x64xf32, #tpu.memory_space<vmem>>)
    %dma_wait3A_49 = arith.constant 256 : i32
    %dma_wait3A_50 = arith.constant 0 : i32
    %dma_wait3A_51 = tpu.memref_slice %arg6[%dma_wait3A_49, %dma_wait3A_50] : memref<512x64xf32, #tpu.memory_space<vmem>> -> memref<128x64xf32, #tpu.memory_space<vmem>>
    %dma_wait3A_52 = arith.constant 256 : i32
    %dma_wait3A_53 = tpu.memref_slice %arg5[%dma_wait3A_52] : memref<512xi32, #tpu.memory_space<vmem>> -> memref<128xi32, #tpu.memory_space<vmem>>
    %dma_wait3A_54 = arith.constant 0 : i32
    %dma_wait3A_55 = arith.constant 0 : i32
    %dma_wait3A_56 = tpu.memref_slice %arg2[%dma_wait3A_54, %dma_wait3A_55] : memref<1000000x64xf32, #tpu.memory_space<hbm>> -> memref<1000000x64xf32, #tpu.memory_space<hbm>>
    tpu.wait_indirect_dma semaphore(%arg7 : memref<!tpu.dma_semaphore, #tpu.memory_space<semaphore_mem>>) src(%dma_wait3A_56 : memref<1000000x64xf32, #tpu.memory_space<hbm>>) dst(%dma_wait3A_51 : memref<128x64xf32, #tpu.memory_space<vmem>>)
    %dma_wait3A_57 = arith.constant 384 : i32
    %dma_wait3A_58 = arith.constant 0 : i32
    %dma_wait3A_59 = tpu.memref_slice %arg6[%dma_wait3A_57, %dma_wait3A_58] : memref<512x64xf32, #tpu.memory_space<vmem>> -> memref<128x64xf32, #tpu.memory_space<vmem>>
    %dma_wait3A_60 = arith.constant 384 : i32
    %dma_wait3A_61 = tpu.memref_slice %arg5[%dma_wait3A_60] : memref<512xi32, #tpu.memory_space<vmem>> -> memref<128xi32, #tpu.memory_space<vmem>>
    %dma_wait3A_62 = arith.constant 0 : i32
    %dma_wait3A_63 = arith.constant 0 : i32
    %dma_wait3A_64 = tpu.memref_slice %arg2[%dma_wait3A_62, %dma_wait3A_63] : memref<1000000x64xf32, #tpu.memory_space<hbm>> -> memref<1000000x64xf32, #tpu.memory_space<hbm>>
    tpu.wait_indirect_dma semaphore(%arg7 : memref<!tpu.dma_semaphore, #tpu.memory_space<semaphore_mem>>) src(%dma_wait3A_64 : memref<1000000x64xf32, #tpu.memory_space<hbm>>) dst(%dma_wait3A_59 : memref<128x64xf32, #tpu.memory_space<vmem>>)
    "tpu.region"() ({
      %run_scoped3A = tpu.sem_alloc : memref<!tpu.dma_semaphore, #tpu.memory_space<semaphore_mem>>
      %dma_start3A_65 = arith.constant 0 : i32
      %dma_start3A_66 = tpu.memref_slice %arg4[%mul3A_2, %dma_start3A_65] : memref<16384x64xf32, #tpu.memory_space<hbm>> -> memref<512x64xf32, #tpu.memory_space<hbm>>
      %dma_start3A_67 = arith.constant 0 : i32
      %dma_start3A_68 = tpu.memref_slice %arg4[%mul3A_2, %dma_start3A_67] : memref<16384x64xf32, #tpu.memory_space<hbm>> -> memref<512x64xf32, #tpu.memory_space<hbm>>
      tpu.enqueue_dma source(%arg6 : memref<512x64xf32, #tpu.memory_space<vmem>>) target(%dma_start3A_68 : memref<512x64xf32, #tpu.memory_space<hbm>>) target_semaphore(%run_scoped3A : memref<!tpu.dma_semaphore, #tpu.memory_space<semaphore_mem>>)
      %dma_wait3A_69 = arith.constant 0 : i32
      %dma_wait3A_70 = tpu.memref_slice %arg4[%mul3A_2, %dma_wait3A_69] : memref<16384x64xf32, #tpu.memory_space<hbm>> -> memref<512x64xf32, #tpu.memory_space<hbm>>
      %dma_wait3A_71 = arith.constant 0 : i32
      %dma_wait3A_72 = tpu.memref_slice %arg4[%mul3A_2, %dma_wait3A_71] : memref<16384x64xf32, #tpu.memory_space<hbm>> -> memref<512x64xf32, #tpu.memory_space<hbm>>
      tpu.wait_dma2 semaphore(%run_scoped3A : memref<!tpu.dma_semaphore, #tpu.memory_space<semaphore_mem>>) src(%arg6 : memref<512x64xf32, #tpu.memory_space<vmem>>) dst(%dma_wait3A_72 : memref<512x64xf32, #tpu.memory_space<hbm>>)
      tpu.yield
    }) : () -> ()
    return
  }
}

module attributes {stable_mosaic.version = 14 : i64} {
  func.func @_fused_body(%arg0: i32, %arg1: memref<1x128xf32, #tpu.memory_space<vmem>>, %arg2: memref<64x128xf32, #tpu.memory_space<vmem>>, %arg3: memref<64x128xf32, #tpu.memory_space<vmem>>, %arg4: memref<64x2xf32, #tpu.memory_space<vmem>>) attributes {dimension_semantics = [#tpu.dimension_semantics<parallel>], iteration_bounds = array<i64: 128>, scalar_prefetch = 0 : i64, scratch_operands = 0 : i64, tpu.core_type = #tpu.core_type<tc>, window_params = [{pipeline_mode = #tpu.pipeline_mode<synchronous>, transform_indices = @transform_0, window_bounds = array<i64: 1, 128>}, {transform_indices = @transform_1, window_bounds = array<i64: 64, 128>}, {transform_indices = @transform_2, window_bounds = array<i64: 64, 128>}, {transform_indices = @transform_3, window_bounds = array<i64: 64, 2>}]} {
    %get3A = arith.constant 0 : index
    %get3A_0 = arith.constant 0 : index
    %get3A_1 = vector.load %arg2[%get3A, %get3A_0] : memref<64x128xf32, #tpu.memory_space<vmem>>, vector<64x128xf32>
    %exp3A = math.exp %get3A_1 : vector<64x128xf32>
    %iota3A = tpu.iota {dimensions = array<i32: 1>} : vector<64x128xi32>
    %lt3A = arith.constant 64 : i32
    %lt3A_2 = vector.broadcast %lt3A : i32 to vector<64x128xi32>
    %lt3A_3 = arith.cmpi ult, %iota3A, %lt3A_2 : vector<64x128xi32>
    %get3A_4 = arith.constant 0 : index
    %get3A_5 = arith.constant 0 : index
    %get3A_6 = vector.load %arg1[%get3A_4, %get3A_5] : memref<1x128xf32, #tpu.memory_space<vmem>>, vector<1x128xf32>
    %jit3A = arith.constant 0.000000e+00 : f32
    %broadcast_in_dim3A = vector.broadcast %jit3A : f32 to vector<64x128xf32>
    %select_n3A = arith.select %lt3A_3, %exp3A, %broadcast_in_dim3A : vector<64x128xi1>, vector<64x128xf32>
    %reduce_sum3A = arith.constant dense<0.000000e+00> : vector<64xf32>
    %reduce_sum3A_7 = vector.multi_reduction <add>, %select_n3A, %reduce_sum3A [1] : vector<64x128xf32> to vector<64xf32>
    %broadcast_in_dim3A_8 = vector.shape_cast %reduce_sum3A_7 : vector<64xf32> to vector<64x1xf32>
    %jit3A_9 = arith.constant 0.000000e+00 : f32
    %broadcast_in_dim3A_10 = vector.broadcast %jit3A_9 : f32 to vector<64x128xf32>
    %select_n3A_11 = arith.select %lt3A_3, %broadcast_in_dim3A_10, %exp3A : vector<64x128xi1>, vector<64x128xf32>
    %reduce_sum3A_12 = arith.constant dense<0.000000e+00> : vector<64xf32>
    %reduce_sum3A_13 = vector.multi_reduction <add>, %select_n3A_11, %reduce_sum3A_12 [1] : vector<64x128xf32> to vector<64xf32>
    %broadcast_in_dim3A_14 = vector.shape_cast %reduce_sum3A_13 : vector<64xf32> to vector<64x1xf32>
    %slice3A = vector.extract_strided_slice %lt3A_3 {offsets = [0, 0], sizes = [1, 128], strides = [1, 1]} : vector<64x128xi1> to vector<1x128xi1>
    %jit3A_15 = arith.constant 0.000000e+00 : f32
    %broadcast_in_dim3A_16 = vector.broadcast %jit3A_15 : f32 to vector<1x128xf32>
    %select_n3A_17 = arith.select %slice3A, %get3A_6, %broadcast_in_dim3A_16 : vector<1x128xi1>, vector<1x128xf32>
    %reduce_sum3A_18 = arith.constant dense<0.000000e+00> : vector<1xf32>
    %reduce_sum3A_19 = vector.multi_reduction <add>, %select_n3A_17, %reduce_sum3A_18 [1] : vector<1x128xf32> to vector<1xf32>
    %broadcast_in_dim3A_20 = vector.shape_cast %reduce_sum3A_19 : vector<1xf32> to vector<1x1xf32>
    %sub3A = arith.constant 1.000000e+00 : f32
    %sub3A_21 = vector.broadcast %sub3A : f32 to vector<64x1xf32>
    %sub3A_22 = arith.subf %broadcast_in_dim3A_8, %sub3A_21 : vector<64x1xf32>
    %broadcast_in_dim3A_23 = arith.constant 1.000000e+00 : f32
    %broadcast_in_dim3A_24 = vector.broadcast %broadcast_in_dim3A_23 : f32 to vector<64x1xf32>
    %add3A = arith.constant 1.000000e+00 : f32
    %add3A_25 = vector.broadcast %add3A : f32 to vector<64x1xf32>
    %add3A_26 = arith.addf %sub3A_22, %add3A_25 : vector<64x1xf32>
    %div3A = arith.constant 676.520386 : f32
    %div3A_27 = vector.broadcast %div3A : f32 to vector<64x1xf32>
    %div3A_28 = arith.divf %div3A_27, %add3A_26 : vector<64x1xf32>
    %add3A_29 = arith.addf %broadcast_in_dim3A_24, %div3A_28 : vector<64x1xf32>
    %add3A_30 = arith.constant 2.000000e+00 : f32
    %add3A_31 = vector.broadcast %add3A_30 : f32 to vector<64x1xf32>
    %add3A_32 = arith.addf %sub3A_22, %add3A_31 : vector<64x1xf32>
    %div3A_33 = arith.constant -1259.13916 : f32
    %div3A_34 = vector.broadcast %div3A_33 : f32 to vector<64x1xf32>
    %div3A_35 = arith.divf %div3A_34, %add3A_32 : vector<64x1xf32>
    %add3A_36 = arith.addf %add3A_29, %div3A_35 : vector<64x1xf32>
    %add3A_37 = arith.constant 3.000000e+00 : f32
    %add3A_38 = vector.broadcast %add3A_37 : f32 to vector<64x1xf32>
    %add3A_39 = arith.addf %sub3A_22, %add3A_38 : vector<64x1xf32>
    %div3A_40 = arith.constant 771.323425 : f32
    %div3A_41 = vector.broadcast %div3A_40 : f32 to vector<64x1xf32>
    %div3A_42 = arith.divf %div3A_41, %add3A_39 : vector<64x1xf32>
    %add3A_43 = arith.addf %add3A_36, %div3A_42 : vector<64x1xf32>
    %add3A_44 = arith.constant 4.000000e+00 : f32
    %add3A_45 = vector.broadcast %add3A_44 : f32 to vector<64x1xf32>
    %add3A_46 = arith.addf %sub3A_22, %add3A_45 : vector<64x1xf32>
    %div3A_47 = arith.constant -176.615036 : f32
    %div3A_48 = vector.broadcast %div3A_47 : f32 to vector<64x1xf32>
    %div3A_49 = arith.divf %div3A_48, %add3A_46 : vector<64x1xf32>
    %add3A_50 = arith.addf %add3A_43, %div3A_49 : vector<64x1xf32>
    %add3A_51 = arith.constant 5.000000e+00 : f32
    %add3A_52 = vector.broadcast %add3A_51 : f32 to vector<64x1xf32>
    %add3A_53 = arith.addf %sub3A_22, %add3A_52 : vector<64x1xf32>
    %div3A_54 = arith.constant 12.5073433 : f32
    %div3A_55 = vector.broadcast %div3A_54 : f32 to vector<64x1xf32>
    %div3A_56 = arith.divf %div3A_55, %add3A_53 : vector<64x1xf32>
    %add3A_57 = arith.addf %add3A_50, %div3A_56 : vector<64x1xf32>
    %add3A_58 = arith.constant 6.000000e+00 : f32
    %add3A_59 = vector.broadcast %add3A_58 : f32 to vector<64x1xf32>
    %add3A_60 = arith.addf %sub3A_22, %add3A_59 : vector<64x1xf32>
    %div3A_61 = arith.constant -0.138571098 : f32
    %div3A_62 = vector.broadcast %div3A_61 : f32 to vector<64x1xf32>
    %div3A_63 = arith.divf %div3A_62, %add3A_60 : vector<64x1xf32>
    %add3A_64 = arith.addf %add3A_57, %div3A_63 : vector<64x1xf32>
    %add3A_65 = arith.constant 7.000000e+00 : f32
    %add3A_66 = vector.broadcast %add3A_65 : f32 to vector<64x1xf32>
    %add3A_67 = arith.addf %sub3A_22, %add3A_66 : vector<64x1xf32>
    %div3A_68 = arith.constant 9.98436917E-6 : f32
    %div3A_69 = vector.broadcast %div3A_68 : f32 to vector<64x1xf32>
    %div3A_70 = arith.divf %div3A_69, %add3A_67 : vector<64x1xf32>
    %add3A_71 = arith.addf %add3A_64, %div3A_70 : vector<64x1xf32>
    %add3A_72 = arith.constant 8.000000e+00 : f32
    %add3A_73 = vector.broadcast %add3A_72 : f32 to vector<64x1xf32>
    %add3A_74 = arith.addf %sub3A_22, %add3A_73 : vector<64x1xf32>
    %div3A_75 = arith.constant 1.50563267E-7 : f32
    %div3A_76 = vector.broadcast %div3A_75 : f32 to vector<64x1xf32>
    %div3A_77 = arith.divf %div3A_76, %add3A_74 : vector<64x1xf32>
    %add3A_78 = arith.addf %add3A_71, %div3A_77 : vector<64x1xf32>
    %add3A_79 = arith.constant 7.000000e+00 : f32
    %add3A_80 = vector.broadcast %add3A_79 : f32 to vector<64x1xf32>
    %add3A_81 = arith.addf %sub3A_22, %add3A_80 : vector<64x1xf32>
    %add3A_82 = arith.constant 5.000000e-01 : f32
    %add3A_83 = vector.broadcast %add3A_82 : f32 to vector<64x1xf32>
    %add3A_84 = arith.addf %add3A_81, %add3A_83 : vector<64x1xf32>
    %add3A_85 = arith.constant 5.000000e-01 : f32
    %add3A_86 = vector.broadcast %add3A_85 : f32 to vector<64x1xf32>
    %add3A_87 = arith.addf %sub3A_22, %add3A_86 : vector<64x1xf32>
    %log3A = math.log %add3A_84 : vector<64x1xf32>
    %mul3A = arith.mulf %add3A_87, %log3A : vector<64x1xf32>
    %add3A_88 = arith.constant 0.918938517 : f32
    %add3A_89 = vector.broadcast %add3A_88 : f32 to vector<64x1xf32>
    %add3A_90 = arith.addf %add3A_89, %mul3A : vector<64x1xf32>
    %sub3A_91 = arith.subf %add3A_90, %add3A_84 : vector<64x1xf32>
    %log3A_92 = math.log %add3A_78 : vector<64x1xf32>
    %add3A_93 = arith.addf %sub3A_91, %log3A_92 : vector<64x1xf32>
    %sub3A_94 = arith.constant 1.000000e+00 : f32
    %sub3A_95 = vector.broadcast %sub3A_94 : f32 to vector<1x1xf32>
    %sub3A_96 = arith.subf %broadcast_in_dim3A_20, %sub3A_95 : vector<1x1xf32>
    %broadcast_in_dim3A_97 = arith.constant 1.000000e+00 : f32
    %broadcast_in_dim3A_98 = vector.broadcast %broadcast_in_dim3A_97 : f32 to vector<1x1xf32>
    %add3A_99 = arith.constant 1.000000e+00 : f32
    %add3A_100 = vector.broadcast %add3A_99 : f32 to vector<1x1xf32>
    %add3A_101 = arith.addf %sub3A_96, %add3A_100 : vector<1x1xf32>
    %div3A_102 = arith.constant 676.520386 : f32
    %div3A_103 = vector.broadcast %div3A_102 : f32 to vector<1x1xf32>
    %div3A_104 = arith.divf %div3A_103, %add3A_101 : vector<1x1xf32>
    %add3A_105 = arith.addf %broadcast_in_dim3A_98, %div3A_104 : vector<1x1xf32>
    %add3A_106 = arith.constant 2.000000e+00 : f32
    %add3A_107 = vector.broadcast %add3A_106 : f32 to vector<1x1xf32>
    %add3A_108 = arith.addf %sub3A_96, %add3A_107 : vector<1x1xf32>
    %div3A_109 = arith.constant -1259.13916 : f32
    %div3A_110 = vector.broadcast %div3A_109 : f32 to vector<1x1xf32>
    %div3A_111 = arith.divf %div3A_110, %add3A_108 : vector<1x1xf32>
    %add3A_112 = arith.addf %add3A_105, %div3A_111 : vector<1x1xf32>
    %add3A_113 = arith.constant 3.000000e+00 : f32
    %add3A_114 = vector.broadcast %add3A_113 : f32 to vector<1x1xf32>
    %add3A_115 = arith.addf %sub3A_96, %add3A_114 : vector<1x1xf32>
    %div3A_116 = arith.constant 771.323425 : f32
    %div3A_117 = vector.broadcast %div3A_116 : f32 to vector<1x1xf32>
    %div3A_118 = arith.divf %div3A_117, %add3A_115 : vector<1x1xf32>
    %add3A_119 = arith.addf %add3A_112, %div3A_118 : vector<1x1xf32>
    %add3A_120 = arith.constant 4.000000e+00 : f32
    %add3A_121 = vector.broadcast %add3A_120 : f32 to vector<1x1xf32>
    %add3A_122 = arith.addf %sub3A_96, %add3A_121 : vector<1x1xf32>
    %div3A_123 = arith.constant -176.615036 : f32
    %div3A_124 = vector.broadcast %div3A_123 : f32 to vector<1x1xf32>
    %div3A_125 = arith.divf %div3A_124, %add3A_122 : vector<1x1xf32>
    %add3A_126 = arith.addf %add3A_119, %div3A_125 : vector<1x1xf32>
    %add3A_127 = arith.constant 5.000000e+00 : f32
    %add3A_128 = vector.broadcast %add3A_127 : f32 to vector<1x1xf32>
    %add3A_129 = arith.addf %sub3A_96, %add3A_128 : vector<1x1xf32>
    %div3A_130 = arith.constant 12.5073433 : f32
    %div3A_131 = vector.broadcast %div3A_130 : f32 to vector<1x1xf32>
    %div3A_132 = arith.divf %div3A_131, %add3A_129 : vector<1x1xf32>
    %add3A_133 = arith.addf %add3A_126, %div3A_132 : vector<1x1xf32>
    %add3A_134 = arith.constant 6.000000e+00 : f32
    %add3A_135 = vector.broadcast %add3A_134 : f32 to vector<1x1xf32>
    %add3A_136 = arith.addf %sub3A_96, %add3A_135 : vector<1x1xf32>
    %div3A_137 = arith.constant -0.138571098 : f32
    %div3A_138 = vector.broadcast %div3A_137 : f32 to vector<1x1xf32>
    %div3A_139 = arith.divf %div3A_138, %add3A_136 : vector<1x1xf32>
    %add3A_140 = arith.addf %add3A_133, %div3A_139 : vector<1x1xf32>
    %add3A_141 = arith.constant 7.000000e+00 : f32
    %add3A_142 = vector.broadcast %add3A_141 : f32 to vector<1x1xf32>
    %add3A_143 = arith.addf %sub3A_96, %add3A_142 : vector<1x1xf32>
    %div3A_144 = arith.constant 9.98436917E-6 : f32
    %div3A_145 = vector.broadcast %div3A_144 : f32 to vector<1x1xf32>
    %div3A_146 = arith.divf %div3A_145, %add3A_143 : vector<1x1xf32>
    %add3A_147 = arith.addf %add3A_140, %div3A_146 : vector<1x1xf32>
    %add3A_148 = arith.constant 8.000000e+00 : f32
    %add3A_149 = vector.broadcast %add3A_148 : f32 to vector<1x1xf32>
    %add3A_150 = arith.addf %sub3A_96, %add3A_149 : vector<1x1xf32>
    %div3A_151 = arith.constant 1.50563267E-7 : f32
    %div3A_152 = vector.broadcast %div3A_151 : f32 to vector<1x1xf32>
    %div3A_153 = arith.divf %div3A_152, %add3A_150 : vector<1x1xf32>
    %add3A_154 = arith.addf %add3A_147, %div3A_153 : vector<1x1xf32>
    %add3A_155 = arith.constant 7.000000e+00 : f32
    %add3A_156 = vector.broadcast %add3A_155 : f32 to vector<1x1xf32>
    %add3A_157 = arith.addf %sub3A_96, %add3A_156 : vector<1x1xf32>
    %add3A_158 = arith.constant 5.000000e-01 : f32
    %add3A_159 = vector.broadcast %add3A_158 : f32 to vector<1x1xf32>
    %add3A_160 = arith.addf %add3A_157, %add3A_159 : vector<1x1xf32>
    %add3A_161 = arith.constant 5.000000e-01 : f32
    %add3A_162 = vector.broadcast %add3A_161 : f32 to vector<1x1xf32>
    %add3A_163 = arith.addf %sub3A_96, %add3A_162 : vector<1x1xf32>
    %log3A_164 = math.log %add3A_160 : vector<1x1xf32>
    %mul3A_165 = arith.mulf %add3A_163, %log3A_164 : vector<1x1xf32>
    %add3A_166 = arith.constant 0.918938517 : f32
    %add3A_167 = vector.broadcast %add3A_166 : f32 to vector<1x1xf32>
    %add3A_168 = arith.addf %add3A_167, %mul3A_165 : vector<1x1xf32>
    %sub3A_169 = arith.subf %add3A_168, %add3A_160 : vector<1x1xf32>
    %log3A_170 = math.log %add3A_154 : vector<1x1xf32>
    %add3A_171 = arith.addf %sub3A_169, %log3A_170 : vector<1x1xf32>
    %sub3A_172 = vector.broadcast %add3A_171 : vector<1x1xf32> to vector<64x1xf32>
    %sub3A_173 = arith.subf %add3A_93, %sub3A_172 : vector<64x1xf32>
    %sub3A_174 = arith.constant 1.000000e+00 : f32
    %sub3A_175 = vector.broadcast %sub3A_174 : f32 to vector<64x1xf32>
    %sub3A_176 = arith.subf %broadcast_in_dim3A_14, %sub3A_175 : vector<64x1xf32>
    %broadcast_in_dim3A_177 = arith.constant 1.000000e+00 : f32
    %broadcast_in_dim3A_178 = vector.broadcast %broadcast_in_dim3A_177 : f32 to vector<64x1xf32>
    %add3A_179 = arith.constant 1.000000e+00 : f32
    %add3A_180 = vector.broadcast %add3A_179 : f32 to vector<64x1xf32>
    %add3A_181 = arith.addf %sub3A_176, %add3A_180 : vector<64x1xf32>
    %div3A_182 = arith.constant 676.520386 : f32
    %div3A_183 = vector.broadcast %div3A_182 : f32 to vector<64x1xf32>
    %div3A_184 = arith.divf %div3A_183, %add3A_181 : vector<64x1xf32>
    %add3A_185 = arith.addf %broadcast_in_dim3A_178, %div3A_184 : vector<64x1xf32>
    %add3A_186 = arith.constant 2.000000e+00 : f32
    %add3A_187 = vector.broadcast %add3A_186 : f32 to vector<64x1xf32>
    %add3A_188 = arith.addf %sub3A_176, %add3A_187 : vector<64x1xf32>
    %div3A_189 = arith.constant -1259.13916 : f32
    %div3A_190 = vector.broadcast %div3A_189 : f32 to vector<64x1xf32>
    %div3A_191 = arith.divf %div3A_190, %add3A_188 : vector<64x1xf32>
    %add3A_192 = arith.addf %add3A_185, %div3A_191 : vector<64x1xf32>
    %add3A_193 = arith.constant 3.000000e+00 : f32
    %add3A_194 = vector.broadcast %add3A_193 : f32 to vector<64x1xf32>
    %add3A_195 = arith.addf %sub3A_176, %add3A_194 : vector<64x1xf32>
    %div3A_196 = arith.constant 771.323425 : f32
    %div3A_197 = vector.broadcast %div3A_196 : f32 to vector<64x1xf32>
    %div3A_198 = arith.divf %div3A_197, %add3A_195 : vector<64x1xf32>
    %add3A_199 = arith.addf %add3A_192, %div3A_198 : vector<64x1xf32>
    %add3A_200 = arith.constant 4.000000e+00 : f32
    %add3A_201 = vector.broadcast %add3A_200 : f32 to vector<64x1xf32>
    %add3A_202 = arith.addf %sub3A_176, %add3A_201 : vector<64x1xf32>
    %div3A_203 = arith.constant -176.615036 : f32
    %div3A_204 = vector.broadcast %div3A_203 : f32 to vector<64x1xf32>
    %div3A_205 = arith.divf %div3A_204, %add3A_202 : vector<64x1xf32>
    %add3A_206 = arith.addf %add3A_199, %div3A_205 : vector<64x1xf32>
    %add3A_207 = arith.constant 5.000000e+00 : f32
    %add3A_208 = vector.broadcast %add3A_207 : f32 to vector<64x1xf32>
    %add3A_209 = arith.addf %sub3A_176, %add3A_208 : vector<64x1xf32>
    %div3A_210 = arith.constant 12.5073433 : f32
    %div3A_211 = vector.broadcast %div3A_210 : f32 to vector<64x1xf32>
    %div3A_212 = arith.divf %div3A_211, %add3A_209 : vector<64x1xf32>
    %add3A_213 = arith.addf %add3A_206, %div3A_212 : vector<64x1xf32>
    %add3A_214 = arith.constant 6.000000e+00 : f32
    %add3A_215 = vector.broadcast %add3A_214 : f32 to vector<64x1xf32>
    %add3A_216 = arith.addf %sub3A_176, %add3A_215 : vector<64x1xf32>
    %div3A_217 = arith.constant -0.138571098 : f32
    %div3A_218 = vector.broadcast %div3A_217 : f32 to vector<64x1xf32>
    %div3A_219 = arith.divf %div3A_218, %add3A_216 : vector<64x1xf32>
    %add3A_220 = arith.addf %add3A_213, %div3A_219 : vector<64x1xf32>
    %add3A_221 = arith.constant 7.000000e+00 : f32
    %add3A_222 = vector.broadcast %add3A_221 : f32 to vector<64x1xf32>
    %add3A_223 = arith.addf %sub3A_176, %add3A_222 : vector<64x1xf32>
    %div3A_224 = arith.constant 9.98436917E-6 : f32
    %div3A_225 = vector.broadcast %div3A_224 : f32 to vector<64x1xf32>
    %div3A_226 = arith.divf %div3A_225, %add3A_223 : vector<64x1xf32>
    %add3A_227 = arith.addf %add3A_220, %div3A_226 : vector<64x1xf32>
    %add3A_228 = arith.constant 8.000000e+00 : f32
    %add3A_229 = vector.broadcast %add3A_228 : f32 to vector<64x1xf32>
    %add3A_230 = arith.addf %sub3A_176, %add3A_229 : vector<64x1xf32>
    %div3A_231 = arith.constant 1.50563267E-7 : f32
    %div3A_232 = vector.broadcast %div3A_231 : f32 to vector<64x1xf32>
    %div3A_233 = arith.divf %div3A_232, %add3A_230 : vector<64x1xf32>
    %add3A_234 = arith.addf %add3A_227, %div3A_233 : vector<64x1xf32>
    %add3A_235 = arith.constant 7.000000e+00 : f32
    %add3A_236 = vector.broadcast %add3A_235 : f32 to vector<64x1xf32>
    %add3A_237 = arith.addf %sub3A_176, %add3A_236 : vector<64x1xf32>
    %add3A_238 = arith.constant 5.000000e-01 : f32
    %add3A_239 = vector.broadcast %add3A_238 : f32 to vector<64x1xf32>
    %add3A_240 = arith.addf %add3A_237, %add3A_239 : vector<64x1xf32>
    %add3A_241 = arith.constant 5.000000e-01 : f32
    %add3A_242 = vector.broadcast %add3A_241 : f32 to vector<64x1xf32>
    %add3A_243 = arith.addf %sub3A_176, %add3A_242 : vector<64x1xf32>
    %log3A_244 = math.log %add3A_240 : vector<64x1xf32>
    %mul3A_245 = arith.mulf %add3A_243, %log3A_244 : vector<64x1xf32>
    %add3A_246 = arith.constant 0.918938517 : f32
    %add3A_247 = vector.broadcast %add3A_246 : f32 to vector<64x1xf32>
    %add3A_248 = arith.addf %add3A_247, %mul3A_245 : vector<64x1xf32>
    %sub3A_249 = arith.subf %add3A_248, %add3A_240 : vector<64x1xf32>
    %log3A_250 = math.log %add3A_234 : vector<64x1xf32>
    %add3A_251 = arith.addf %sub3A_249, %log3A_250 : vector<64x1xf32>
    %sub3A_252 = arith.constant 1.000000e+00 : f32
    %sub3A_253 = vector.broadcast %sub3A_252 : f32 to vector<1x1xf32>
    %sub3A_254 = arith.subf %broadcast_in_dim3A_20, %sub3A_253 : vector<1x1xf32>
    %broadcast_in_dim3A_255 = arith.constant 1.000000e+00 : f32
    %broadcast_in_dim3A_256 = vector.broadcast %broadcast_in_dim3A_255 : f32 to vector<1x1xf32>
    %add3A_257 = arith.constant 1.000000e+00 : f32
    %add3A_258 = vector.broadcast %add3A_257 : f32 to vector<1x1xf32>
    %add3A_259 = arith.addf %sub3A_254, %add3A_258 : vector<1x1xf32>
    %div3A_260 = arith.constant 676.520386 : f32
    %div3A_261 = vector.broadcast %div3A_260 : f32 to vector<1x1xf32>
    %div3A_262 = arith.divf %div3A_261, %add3A_259 : vector<1x1xf32>
    %add3A_263 = arith.addf %broadcast_in_dim3A_256, %div3A_262 : vector<1x1xf32>
    %add3A_264 = arith.constant 2.000000e+00 : f32
    %add3A_265 = vector.broadcast %add3A_264 : f32 to vector<1x1xf32>
    %add3A_266 = arith.addf %sub3A_254, %add3A_265 : vector<1x1xf32>
    %div3A_267 = arith.constant -1259.13916 : f32
    %div3A_268 = vector.broadcast %div3A_267 : f32 to vector<1x1xf32>
    %div3A_269 = arith.divf %div3A_268, %add3A_266 : vector<1x1xf32>
    %add3A_270 = arith.addf %add3A_263, %div3A_269 : vector<1x1xf32>
    %add3A_271 = arith.constant 3.000000e+00 : f32
    %add3A_272 = vector.broadcast %add3A_271 : f32 to vector<1x1xf32>
    %add3A_273 = arith.addf %sub3A_254, %add3A_272 : vector<1x1xf32>
    %div3A_274 = arith.constant 771.323425 : f32
    %div3A_275 = vector.broadcast %div3A_274 : f32 to vector<1x1xf32>
    %div3A_276 = arith.divf %div3A_275, %add3A_273 : vector<1x1xf32>
    %add3A_277 = arith.addf %add3A_270, %div3A_276 : vector<1x1xf32>
    %add3A_278 = arith.constant 4.000000e+00 : f32
    %add3A_279 = vector.broadcast %add3A_278 : f32 to vector<1x1xf32>
    %add3A_280 = arith.addf %sub3A_254, %add3A_279 : vector<1x1xf32>
    %div3A_281 = arith.constant -176.615036 : f32
    %div3A_282 = vector.broadcast %div3A_281 : f32 to vector<1x1xf32>
    %div3A_283 = arith.divf %div3A_282, %add3A_280 : vector<1x1xf32>
    %add3A_284 = arith.addf %add3A_277, %div3A_283 : vector<1x1xf32>
    %add3A_285 = arith.constant 5.000000e+00 : f32
    %add3A_286 = vector.broadcast %add3A_285 : f32 to vector<1x1xf32>
    %add3A_287 = arith.addf %sub3A_254, %add3A_286 : vector<1x1xf32>
    %div3A_288 = arith.constant 12.5073433 : f32
    %div3A_289 = vector.broadcast %div3A_288 : f32 to vector<1x1xf32>
    %div3A_290 = arith.divf %div3A_289, %add3A_287 : vector<1x1xf32>
    %add3A_291 = arith.addf %add3A_284, %div3A_290 : vector<1x1xf32>
    %add3A_292 = arith.constant 6.000000e+00 : f32
    %add3A_293 = vector.broadcast %add3A_292 : f32 to vector<1x1xf32>
    %add3A_294 = arith.addf %sub3A_254, %add3A_293 : vector<1x1xf32>
    %div3A_295 = arith.constant -0.138571098 : f32
    %div3A_296 = vector.broadcast %div3A_295 : f32 to vector<1x1xf32>
    %div3A_297 = arith.divf %div3A_296, %add3A_294 : vector<1x1xf32>
    %add3A_298 = arith.addf %add3A_291, %div3A_297 : vector<1x1xf32>
    %add3A_299 = arith.constant 7.000000e+00 : f32
    %add3A_300 = vector.broadcast %add3A_299 : f32 to vector<1x1xf32>
    %add3A_301 = arith.addf %sub3A_254, %add3A_300 : vector<1x1xf32>
    %div3A_302 = arith.constant 9.98436917E-6 : f32
    %div3A_303 = vector.broadcast %div3A_302 : f32 to vector<1x1xf32>
    %div3A_304 = arith.divf %div3A_303, %add3A_301 : vector<1x1xf32>
    %add3A_305 = arith.addf %add3A_298, %div3A_304 : vector<1x1xf32>
    %add3A_306 = arith.constant 8.000000e+00 : f32
    %add3A_307 = vector.broadcast %add3A_306 : f32 to vector<1x1xf32>
    %add3A_308 = arith.addf %sub3A_254, %add3A_307 : vector<1x1xf32>
    %div3A_309 = arith.constant 1.50563267E-7 : f32
    %div3A_310 = vector.broadcast %div3A_309 : f32 to vector<1x1xf32>
    %div3A_311 = arith.divf %div3A_310, %add3A_308 : vector<1x1xf32>
    %add3A_312 = arith.addf %add3A_305, %div3A_311 : vector<1x1xf32>
    %add3A_313 = arith.constant 7.000000e+00 : f32
    %add3A_314 = vector.broadcast %add3A_313 : f32 to vector<1x1xf32>
    %add3A_315 = arith.addf %sub3A_254, %add3A_314 : vector<1x1xf32>
    %add3A_316 = arith.constant 5.000000e-01 : f32
    %add3A_317 = vector.broadcast %add3A_316 : f32 to vector<1x1xf32>
    %add3A_318 = arith.addf %add3A_315, %add3A_317 : vector<1x1xf32>
    %add3A_319 = arith.constant 5.000000e-01 : f32
    %add3A_320 = vector.broadcast %add3A_319 : f32 to vector<1x1xf32>
    %add3A_321 = arith.addf %sub3A_254, %add3A_320 : vector<1x1xf32>
    %log3A_322 = math.log %add3A_318 : vector<1x1xf32>
    %mul3A_323 = arith.mulf %add3A_321, %log3A_322 : vector<1x1xf32>
    %add3A_324 = arith.constant 0.918938517 : f32
    %add3A_325 = vector.broadcast %add3A_324 : f32 to vector<1x1xf32>
    %add3A_326 = arith.addf %add3A_325, %mul3A_323 : vector<1x1xf32>
    %sub3A_327 = arith.subf %add3A_326, %add3A_318 : vector<1x1xf32>
    %log3A_328 = math.log %add3A_312 : vector<1x1xf32>
    %add3A_329 = arith.addf %sub3A_327, %log3A_328 : vector<1x1xf32>
    %sub3A_330 = vector.broadcast %add3A_329 : vector<1x1xf32> to vector<64x1xf32>
    %sub3A_331 = arith.subf %add3A_251, %sub3A_330 : vector<64x1xf32>
    %sub3A_332 = arith.constant 1.000000e+00 : f32
    %sub3A_333 = vector.broadcast %sub3A_332 : f32 to vector<1x128xf32>
    %sub3A_334 = arith.subf %get3A_6, %sub3A_333 : vector<1x128xf32>
    %broadcast_in_dim3A_335 = arith.constant 1.000000e+00 : f32
    %broadcast_in_dim3A_336 = vector.broadcast %broadcast_in_dim3A_335 : f32 to vector<1x128xf32>
    %add3A_337 = arith.constant 1.000000e+00 : f32
    %add3A_338 = vector.broadcast %add3A_337 : f32 to vector<1x128xf32>
    %add3A_339 = arith.addf %sub3A_334, %add3A_338 : vector<1x128xf32>
    %div3A_340 = arith.constant 676.520386 : f32
    %div3A_341 = vector.broadcast %div3A_340 : f32 to vector<1x128xf32>
    %div3A_342 = arith.divf %div3A_341, %add3A_339 : vector<1x128xf32>
    %add3A_343 = arith.addf %broadcast_in_dim3A_336, %div3A_342 : vector<1x128xf32>
    %add3A_344 = arith.constant 2.000000e+00 : f32
    %add3A_345 = vector.broadcast %add3A_344 : f32 to vector<1x128xf32>
    %add3A_346 = arith.addf %sub3A_334, %add3A_345 : vector<1x128xf32>
    %div3A_347 = arith.constant -1259.13916 : f32
    %div3A_348 = vector.broadcast %div3A_347 : f32 to vector<1x128xf32>
    %div3A_349 = arith.divf %div3A_348, %add3A_346 : vector<1x128xf32>
    %add3A_350 = arith.addf %add3A_343, %div3A_349 : vector<1x128xf32>
    %add3A_351 = arith.constant 3.000000e+00 : f32
    %add3A_352 = vector.broadcast %add3A_351 : f32 to vector<1x128xf32>
    %add3A_353 = arith.addf %sub3A_334, %add3A_352 : vector<1x128xf32>
    %div3A_354 = arith.constant 771.323425 : f32
    %div3A_355 = vector.broadcast %div3A_354 : f32 to vector<1x128xf32>
    %div3A_356 = arith.divf %div3A_355, %add3A_353 : vector<1x128xf32>
    %add3A_357 = arith.addf %add3A_350, %div3A_356 : vector<1x128xf32>
    %add3A_358 = arith.constant 4.000000e+00 : f32
    %add3A_359 = vector.broadcast %add3A_358 : f32 to vector<1x128xf32>
    %add3A_360 = arith.addf %sub3A_334, %add3A_359 : vector<1x128xf32>
    %div3A_361 = arith.constant -176.615036 : f32
    %div3A_362 = vector.broadcast %div3A_361 : f32 to vector<1x128xf32>
    %div3A_363 = arith.divf %div3A_362, %add3A_360 : vector<1x128xf32>
    %add3A_364 = arith.addf %add3A_357, %div3A_363 : vector<1x128xf32>
    %add3A_365 = arith.constant 5.000000e+00 : f32
    %add3A_366 = vector.broadcast %add3A_365 : f32 to vector<1x128xf32>
    %add3A_367 = arith.addf %sub3A_334, %add3A_366 : vector<1x128xf32>
    %div3A_368 = arith.constant 12.5073433 : f32
    %div3A_369 = vector.broadcast %div3A_368 : f32 to vector<1x128xf32>
    %div3A_370 = arith.divf %div3A_369, %add3A_367 : vector<1x128xf32>
    %add3A_371 = arith.addf %add3A_364, %div3A_370 : vector<1x128xf32>
    %add3A_372 = arith.constant 6.000000e+00 : f32
    %add3A_373 = vector.broadcast %add3A_372 : f32 to vector<1x128xf32>
    %add3A_374 = arith.addf %sub3A_334, %add3A_373 : vector<1x128xf32>
    %div3A_375 = arith.constant -0.138571098 : f32
    %div3A_376 = vector.broadcast %div3A_375 : f32 to vector<1x128xf32>
    %div3A_377 = arith.divf %div3A_376, %add3A_374 : vector<1x128xf32>
    %add3A_378 = arith.addf %add3A_371, %div3A_377 : vector<1x128xf32>
    %add3A_379 = arith.constant 7.000000e+00 : f32
    %add3A_380 = vector.broadcast %add3A_379 : f32 to vector<1x128xf32>
    %add3A_381 = arith.addf %sub3A_334, %add3A_380 : vector<1x128xf32>
    %div3A_382 = arith.constant 9.98436917E-6 : f32
    %div3A_383 = vector.broadcast %div3A_382 : f32 to vector<1x128xf32>
    %div3A_384 = arith.divf %div3A_383, %add3A_381 : vector<1x128xf32>
    %add3A_385 = arith.addf %add3A_378, %div3A_384 : vector<1x128xf32>
    %add3A_386 = arith.constant 8.000000e+00 : f32
    %add3A_387 = vector.broadcast %add3A_386 : f32 to vector<1x128xf32>
    %add3A_388 = arith.addf %sub3A_334, %add3A_387 : vector<1x128xf32>
    %div3A_389 = arith.constant 1.50563267E-7 : f32
    %div3A_390 = vector.broadcast %div3A_389 : f32 to vector<1x128xf32>
    %div3A_391 = arith.divf %div3A_390, %add3A_388 : vector<1x128xf32>
    %add3A_392 = arith.addf %add3A_385, %div3A_391 : vector<1x128xf32>
    %add3A_393 = arith.constant 7.000000e+00 : f32
    %add3A_394 = vector.broadcast %add3A_393 : f32 to vector<1x128xf32>
    %add3A_395 = arith.addf %sub3A_334, %add3A_394 : vector<1x128xf32>
    %add3A_396 = arith.constant 5.000000e-01 : f32
    %add3A_397 = vector.broadcast %add3A_396 : f32 to vector<1x128xf32>
    %add3A_398 = arith.addf %add3A_395, %add3A_397 : vector<1x128xf32>
    %add3A_399 = arith.constant 5.000000e-01 : f32
    %add3A_400 = vector.broadcast %add3A_399 : f32 to vector<1x128xf32>
    %add3A_401 = arith.addf %sub3A_334, %add3A_400 : vector<1x128xf32>
    %log3A_402 = math.log %add3A_398 : vector<1x128xf32>
    %mul3A_403 = arith.mulf %add3A_401, %log3A_402 : vector<1x128xf32>
    %add3A_404 = arith.constant 0.918938517 : f32
    %add3A_405 = vector.broadcast %add3A_404 : f32 to vector<1x128xf32>
    %add3A_406 = arith.addf %add3A_405, %mul3A_403 : vector<1x128xf32>
    %sub3A_407 = arith.subf %add3A_406, %add3A_398 : vector<1x128xf32>
    %log3A_408 = math.log %add3A_392 : vector<1x128xf32>
    %add3A_409 = arith.addf %sub3A_407, %log3A_408 : vector<1x128xf32>
    %sub3A_410 = arith.constant 1.000000e+00 : f32
    %sub3A_411 = vector.broadcast %sub3A_410 : f32 to vector<64x128xf32>
    %sub3A_412 = arith.subf %exp3A, %sub3A_411 : vector<64x128xf32>
    %broadcast_in_dim3A_413 = arith.constant 1.000000e+00 : f32
    %broadcast_in_dim3A_414 = vector.broadcast %broadcast_in_dim3A_413 : f32 to vector<64x128xf32>
    %add3A_415 = arith.constant 1.000000e+00 : f32
    %add3A_416 = vector.broadcast %add3A_415 : f32 to vector<64x128xf32>
    %add3A_417 = arith.addf %sub3A_412, %add3A_416 : vector<64x128xf32>
    %div3A_418 = arith.constant 676.520386 : f32
    %div3A_419 = vector.broadcast %div3A_418 : f32 to vector<64x128xf32>
    %div3A_420 = arith.divf %div3A_419, %add3A_417 : vector<64x128xf32>
    %add3A_421 = arith.addf %broadcast_in_dim3A_414, %div3A_420 : vector<64x128xf32>
    %add3A_422 = arith.constant 2.000000e+00 : f32
    %add3A_423 = vector.broadcast %add3A_422 : f32 to vector<64x128xf32>
    %add3A_424 = arith.addf %sub3A_412, %add3A_423 : vector<64x128xf32>
    %div3A_425 = arith.constant -1259.13916 : f32
    %div3A_426 = vector.broadcast %div3A_425 : f32 to vector<64x128xf32>
    %div3A_427 = arith.divf %div3A_426, %add3A_424 : vector<64x128xf32>
    %add3A_428 = arith.addf %add3A_421, %div3A_427 : vector<64x128xf32>
    %add3A_429 = arith.constant 3.000000e+00 : f32
    %add3A_430 = vector.broadcast %add3A_429 : f32 to vector<64x128xf32>
    %add3A_431 = arith.addf %sub3A_412, %add3A_430 : vector<64x128xf32>
    %div3A_432 = arith.constant 771.323425 : f32
    %div3A_433 = vector.broadcast %div3A_432 : f32 to vector<64x128xf32>
    %div3A_434 = arith.divf %div3A_433, %add3A_431 : vector<64x128xf32>
    %add3A_435 = arith.addf %add3A_428, %div3A_434 : vector<64x128xf32>
    %add3A_436 = arith.constant 4.000000e+00 : f32
    %add3A_437 = vector.broadcast %add3A_436 : f32 to vector<64x128xf32>
    %add3A_438 = arith.addf %sub3A_412, %add3A_437 : vector<64x128xf32>
    %div3A_439 = arith.constant -176.615036 : f32
    %div3A_440 = vector.broadcast %div3A_439 : f32 to vector<64x128xf32>
    %div3A_441 = arith.divf %div3A_440, %add3A_438 : vector<64x128xf32>
    %add3A_442 = arith.addf %add3A_435, %div3A_441 : vector<64x128xf32>
    %add3A_443 = arith.constant 5.000000e+00 : f32
    %add3A_444 = vector.broadcast %add3A_443 : f32 to vector<64x128xf32>
    %add3A_445 = arith.addf %sub3A_412, %add3A_444 : vector<64x128xf32>
    %div3A_446 = arith.constant 12.5073433 : f32
    %div3A_447 = vector.broadcast %div3A_446 : f32 to vector<64x128xf32>
    %div3A_448 = arith.divf %div3A_447, %add3A_445 : vector<64x128xf32>
    %add3A_449 = arith.addf %add3A_442, %div3A_448 : vector<64x128xf32>
    %add3A_450 = arith.constant 6.000000e+00 : f32
    %add3A_451 = vector.broadcast %add3A_450 : f32 to vector<64x128xf32>
    %add3A_452 = arith.addf %sub3A_412, %add3A_451 : vector<64x128xf32>
    %div3A_453 = arith.constant -0.138571098 : f32
    %div3A_454 = vector.broadcast %div3A_453 : f32 to vector<64x128xf32>
    %div3A_455 = arith.divf %div3A_454, %add3A_452 : vector<64x128xf32>
    %add3A_456 = arith.addf %add3A_449, %div3A_455 : vector<64x128xf32>
    %add3A_457 = arith.constant 7.000000e+00 : f32
    %add3A_458 = vector.broadcast %add3A_457 : f32 to vector<64x128xf32>
    %add3A_459 = arith.addf %sub3A_412, %add3A_458 : vector<64x128xf32>
    %div3A_460 = arith.constant 9.98436917E-6 : f32
    %div3A_461 = vector.broadcast %div3A_460 : f32 to vector<64x128xf32>
    %div3A_462 = arith.divf %div3A_461, %add3A_459 : vector<64x128xf32>
    %add3A_463 = arith.addf %add3A_456, %div3A_462 : vector<64x128xf32>
    %add3A_464 = arith.constant 8.000000e+00 : f32
    %add3A_465 = vector.broadcast %add3A_464 : f32 to vector<64x128xf32>
    %add3A_466 = arith.addf %sub3A_412, %add3A_465 : vector<64x128xf32>
    %div3A_467 = arith.constant 1.50563267E-7 : f32
    %div3A_468 = vector.broadcast %div3A_467 : f32 to vector<64x128xf32>
    %div3A_469 = arith.divf %div3A_468, %add3A_466 : vector<64x128xf32>
    %add3A_470 = arith.addf %add3A_463, %div3A_469 : vector<64x128xf32>
    %add3A_471 = arith.constant 7.000000e+00 : f32
    %add3A_472 = vector.broadcast %add3A_471 : f32 to vector<64x128xf32>
    %add3A_473 = arith.addf %sub3A_412, %add3A_472 : vector<64x128xf32>
    %add3A_474 = arith.constant 5.000000e-01 : f32
    %add3A_475 = vector.broadcast %add3A_474 : f32 to vector<64x128xf32>
    %add3A_476 = arith.addf %add3A_473, %add3A_475 : vector<64x128xf32>
    %add3A_477 = arith.constant 5.000000e-01 : f32
    %add3A_478 = vector.broadcast %add3A_477 : f32 to vector<64x128xf32>
    %add3A_479 = arith.addf %sub3A_412, %add3A_478 : vector<64x128xf32>
    %log3A_480 = math.log %add3A_476 : vector<64x128xf32>
    %mul3A_481 = arith.mulf %add3A_479, %log3A_480 : vector<64x128xf32>
    %add3A_482 = arith.constant 0.918938517 : f32
    %add3A_483 = vector.broadcast %add3A_482 : f32 to vector<64x128xf32>
    %add3A_484 = arith.addf %add3A_483, %mul3A_481 : vector<64x128xf32>
    %sub3A_485 = arith.subf %add3A_484, %add3A_476 : vector<64x128xf32>
    %log3A_486 = math.log %add3A_470 : vector<64x128xf32>
    %add3A_487 = arith.addf %sub3A_485, %log3A_486 : vector<64x128xf32>
    %sub3A_488 = vector.broadcast %add3A_409 : vector<1x128xf32> to vector<64x128xf32>
    %sub3A_489 = arith.subf %sub3A_488, %add3A_487 : vector<64x128xf32>
    %jit3A_490 = arith.constant 0.000000e+00 : f32
    %broadcast_in_dim3A_491 = vector.broadcast %jit3A_490 : f32 to vector<64x128xf32>
    %select_n3A_492 = arith.select %lt3A_3, %sub3A_489, %broadcast_in_dim3A_491 : vector<64x128xi1>, vector<64x128xf32>
    %reduce_sum3A_493 = arith.constant dense<0.000000e+00> : vector<64xf32>
    %reduce_sum3A_494 = vector.multi_reduction <add>, %select_n3A_492, %reduce_sum3A_493 [1] : vector<64x128xf32> to vector<64xf32>
    %broadcast_in_dim3A_495 = vector.shape_cast %reduce_sum3A_494 : vector<64xf32> to vector<64x1xf32>
    %jit3A_496 = arith.constant 0.000000e+00 : f32
    %broadcast_in_dim3A_497 = vector.broadcast %jit3A_496 : f32 to vector<64x128xf32>
    %select_n3A_498 = arith.select %lt3A_3, %broadcast_in_dim3A_497, %sub3A_489 : vector<64x128xi1>, vector<64x128xf32>
    %reduce_sum3A_499 = arith.constant dense<0.000000e+00> : vector<64xf32>
    %reduce_sum3A_500 = vector.multi_reduction <add>, %select_n3A_498, %reduce_sum3A_499 [1] : vector<64x128xf32> to vector<64xf32>
    %broadcast_in_dim3A_501 = vector.shape_cast %reduce_sum3A_500 : vector<64xf32> to vector<64x1xf32>
    %broadcast_in_dim3A_502 = vector.shape_cast %broadcast_in_dim3A_8 : vector<64x1xf32> to vector<64x1xf32>
    %broadcast_in_dim3A_503 = vector.broadcast %broadcast_in_dim3A_502 : vector<64x1xf32> to vector<64x128xf32>
    %broadcast_in_dim3A_504 = vector.shape_cast %broadcast_in_dim3A_14 : vector<64x1xf32> to vector<64x1xf32>
    %broadcast_in_dim3A_505 = vector.broadcast %broadcast_in_dim3A_504 : vector<64x1xf32> to vector<64x128xf32>
    %select_n3A_506 = arith.select %lt3A_3, %broadcast_in_dim3A_503, %broadcast_in_dim3A_505 : vector<64x128xi1>, vector<64x128xf32>
    %sub3A_507 = vector.broadcast %get3A_6 : vector<1x128xf32> to vector<64x128xf32>
    %sub3A_508 = arith.subf %exp3A, %sub3A_507 : vector<64x128xf32>
    %broadcast_in_dim3A_509 = arith.constant 0.000000e+00 : f32
    %broadcast_in_dim3A_510 = vector.broadcast %broadcast_in_dim3A_509 : f32 to vector<64x128xf32>
    %add3A_511 = arith.constant 0.000000e+00 : f32
    %add3A_512 = vector.broadcast %add3A_511 : f32 to vector<64x128xf32>
    %add3A_513 = arith.addf %exp3A, %add3A_512 : vector<64x128xf32>
    %div3A_514 = arith.constant 1.000000e+00 : f32
    %div3A_515 = vector.broadcast %div3A_514 : f32 to vector<64x128xf32>
    %div3A_516 = arith.divf %div3A_515, %add3A_513 : vector<64x128xf32>
    %add3A_517 = arith.addf %broadcast_in_dim3A_510, %div3A_516 : vector<64x128xf32>
    %add3A_518 = arith.constant 1.000000e+00 : f32
    %add3A_519 = vector.broadcast %add3A_518 : f32 to vector<64x128xf32>
    %add3A_520 = arith.addf %exp3A, %add3A_519 : vector<64x128xf32>
    %div3A_521 = arith.constant 1.000000e+00 : f32
    %div3A_522 = vector.broadcast %div3A_521 : f32 to vector<64x128xf32>
    %div3A_523 = arith.divf %div3A_522, %add3A_520 : vector<64x128xf32>
    %add3A_524 = arith.addf %add3A_517, %div3A_523 : vector<64x128xf32>
    %add3A_525 = arith.constant 2.000000e+00 : f32
    %add3A_526 = vector.broadcast %add3A_525 : f32 to vector<64x128xf32>
    %add3A_527 = arith.addf %exp3A, %add3A_526 : vector<64x128xf32>
    %div3A_528 = arith.constant 1.000000e+00 : f32
    %div3A_529 = vector.broadcast %div3A_528 : f32 to vector<64x128xf32>
    %div3A_530 = arith.divf %div3A_529, %add3A_527 : vector<64x128xf32>
    %add3A_531 = arith.addf %add3A_524, %div3A_530 : vector<64x128xf32>
    %add3A_532 = arith.constant 3.000000e+00 : f32
    %add3A_533 = vector.broadcast %add3A_532 : f32 to vector<64x128xf32>
    %add3A_534 = arith.addf %exp3A, %add3A_533 : vector<64x128xf32>
    %div3A_535 = arith.constant 1.000000e+00 : f32
    %div3A_536 = vector.broadcast %div3A_535 : f32 to vector<64x128xf32>
    %div3A_537 = arith.divf %div3A_536, %add3A_534 : vector<64x128xf32>
    %add3A_538 = arith.addf %add3A_531, %div3A_537 : vector<64x128xf32>
    %add3A_539 = arith.constant 4.000000e+00 : f32
    %add3A_540 = vector.broadcast %add3A_539 : f32 to vector<64x128xf32>
    %add3A_541 = arith.addf %exp3A, %add3A_540 : vector<64x128xf32>
    %div3A_542 = arith.constant 1.000000e+00 : f32
    %div3A_543 = vector.broadcast %div3A_542 : f32 to vector<64x128xf32>
    %div3A_544 = arith.divf %div3A_543, %add3A_541 : vector<64x128xf32>
    %add3A_545 = arith.addf %add3A_538, %div3A_544 : vector<64x128xf32>
    %add3A_546 = arith.constant 5.000000e+00 : f32
    %add3A_547 = vector.broadcast %add3A_546 : f32 to vector<64x128xf32>
    %add3A_548 = arith.addf %exp3A, %add3A_547 : vector<64x128xf32>
    %div3A_549 = arith.constant 1.000000e+00 : f32
    %div3A_550 = vector.broadcast %div3A_549 : f32 to vector<64x128xf32>
    %div3A_551 = arith.divf %div3A_550, %add3A_548 : vector<64x128xf32>
    %add3A_552 = arith.addf %add3A_545, %div3A_551 : vector<64x128xf32>
    %add3A_553 = arith.constant 6.000000e+00 : f32
    %add3A_554 = vector.broadcast %add3A_553 : f32 to vector<64x128xf32>
    %add3A_555 = arith.addf %exp3A, %add3A_554 : vector<64x128xf32>
    %div3A_556 = arith.constant 1.000000e+00 : f32
    %div3A_557 = vector.broadcast %div3A_556 : f32 to vector<64x128xf32>
    %div3A_558 = arith.divf %div3A_557, %add3A_555 : vector<64x128xf32>
    %mul3A_559 = arith.mulf %div3A_558, %div3A_558 : vector<64x128xf32>
    %log3A_560 = math.log %add3A_555 : vector<64x128xf32>
    %mul3A_561 = arith.constant 5.000000e-01 : f32
    %mul3A_562 = vector.broadcast %mul3A_561 : f32 to vector<64x128xf32>
    %mul3A_563 = arith.mulf %mul3A_562, %div3A_558 : vector<64x128xf32>
    %sub3A_564 = arith.subf %log3A_560, %mul3A_563 : vector<64x128xf32>
    %div3A_565 = arith.constant 2.520000e+02 : f32
    %div3A_566 = vector.broadcast %div3A_565 : f32 to vector<64x128xf32>
    %div3A_567 = arith.divf %mul3A_559, %div3A_566 : vector<64x128xf32>
    %sub3A_568 = arith.constant 0.00833333377 : f32
    %sub3A_569 = vector.broadcast %sub3A_568 : f32 to vector<64x128xf32>
    %sub3A_570 = arith.subf %sub3A_569, %div3A_567 : vector<64x128xf32>
    %mul3A_571 = arith.mulf %mul3A_559, %sub3A_570 : vector<64x128xf32>
    %sub3A_572 = arith.constant 0.0833333358 : f32
    %sub3A_573 = vector.broadcast %sub3A_572 : f32 to vector<64x128xf32>
    %sub3A_574 = arith.subf %sub3A_573, %mul3A_571 : vector<64x128xf32>
    %mul3A_575 = arith.mulf %mul3A_559, %sub3A_574 : vector<64x128xf32>
    %sub3A_576 = arith.subf %sub3A_564, %mul3A_575 : vector<64x128xf32>
    %sub3A_577 = arith.subf %sub3A_576, %add3A_552 : vector<64x128xf32>
    %broadcast_in_dim3A_578 = arith.constant 0.000000e+00 : f32
    %broadcast_in_dim3A_579 = vector.broadcast %broadcast_in_dim3A_578 : f32 to vector<64x128xf32>
    %add3A_580 = arith.constant 0.000000e+00 : f32
    %add3A_581 = vector.broadcast %add3A_580 : f32 to vector<64x128xf32>
    %add3A_582 = arith.addf %select_n3A_506, %add3A_581 : vector<64x128xf32>
    %div3A_583 = arith.constant 1.000000e+00 : f32
    %div3A_584 = vector.broadcast %div3A_583 : f32 to vector<64x128xf32>
    %div3A_585 = arith.divf %div3A_584, %add3A_582 : vector<64x128xf32>
    %add3A_586 = arith.addf %broadcast_in_dim3A_579, %div3A_585 : vector<64x128xf32>
    %add3A_587 = arith.constant 1.000000e+00 : f32
    %add3A_588 = vector.broadcast %add3A_587 : f32 to vector<64x128xf32>
    %add3A_589 = arith.addf %select_n3A_506, %add3A_588 : vector<64x128xf32>
    %div3A_590 = arith.constant 1.000000e+00 : f32
    %div3A_591 = vector.broadcast %div3A_590 : f32 to vector<64x128xf32>
    %div3A_592 = arith.divf %div3A_591, %add3A_589 : vector<64x128xf32>
    %add3A_593 = arith.addf %add3A_586, %div3A_592 : vector<64x128xf32>
    %add3A_594 = arith.constant 2.000000e+00 : f32
    %add3A_595 = vector.broadcast %add3A_594 : f32 to vector<64x128xf32>
    %add3A_596 = arith.addf %select_n3A_506, %add3A_595 : vector<64x128xf32>
    %div3A_597 = arith.constant 1.000000e+00 : f32
    %div3A_598 = vector.broadcast %div3A_597 : f32 to vector<64x128xf32>
    %div3A_599 = arith.divf %div3A_598, %add3A_596 : vector<64x128xf32>
    %add3A_600 = arith.addf %add3A_593, %div3A_599 : vector<64x128xf32>
    %add3A_601 = arith.constant 3.000000e+00 : f32
    %add3A_602 = vector.broadcast %add3A_601 : f32 to vector<64x128xf32>
    %add3A_603 = arith.addf %select_n3A_506, %add3A_602 : vector<64x128xf32>
    %div3A_604 = arith.constant 1.000000e+00 : f32
    %div3A_605 = vector.broadcast %div3A_604 : f32 to vector<64x128xf32>
    %div3A_606 = arith.divf %div3A_605, %add3A_603 : vector<64x128xf32>
    %add3A_607 = arith.addf %add3A_600, %div3A_606 : vector<64x128xf32>
    %add3A_608 = arith.constant 4.000000e+00 : f32
    %add3A_609 = vector.broadcast %add3A_608 : f32 to vector<64x128xf32>
    %add3A_610 = arith.addf %select_n3A_506, %add3A_609 : vector<64x128xf32>
    %div3A_611 = arith.constant 1.000000e+00 : f32
    %div3A_612 = vector.broadcast %div3A_611 : f32 to vector<64x128xf32>
    %div3A_613 = arith.divf %div3A_612, %add3A_610 : vector<64x128xf32>
    %add3A_614 = arith.addf %add3A_607, %div3A_613 : vector<64x128xf32>
    %add3A_615 = arith.constant 5.000000e+00 : f32
    %add3A_616 = vector.broadcast %add3A_615 : f32 to vector<64x128xf32>
    %add3A_617 = arith.addf %select_n3A_506, %add3A_616 : vector<64x128xf32>
    %div3A_618 = arith.constant 1.000000e+00 : f32
    %div3A_619 = vector.broadcast %div3A_618 : f32 to vector<64x128xf32>
    %div3A_620 = arith.divf %div3A_619, %add3A_617 : vector<64x128xf32>
    %add3A_621 = arith.addf %add3A_614, %div3A_620 : vector<64x128xf32>
    %add3A_622 = arith.constant 6.000000e+00 : f32
    %add3A_623 = vector.broadcast %add3A_622 : f32 to vector<64x128xf32>
    %add3A_624 = arith.addf %select_n3A_506, %add3A_623 : vector<64x128xf32>
    %div3A_625 = arith.constant 1.000000e+00 : f32
    %div3A_626 = vector.broadcast %div3A_625 : f32 to vector<64x128xf32>
    %div3A_627 = arith.divf %div3A_626, %add3A_624 : vector<64x128xf32>
    %mul3A_628 = arith.mulf %div3A_627, %div3A_627 : vector<64x128xf32>
    %log3A_629 = math.log %add3A_624 : vector<64x128xf32>
    %mul3A_630 = arith.constant 5.000000e-01 : f32
    %mul3A_631 = vector.broadcast %mul3A_630 : f32 to vector<64x128xf32>
    %mul3A_632 = arith.mulf %mul3A_631, %div3A_627 : vector<64x128xf32>
    %sub3A_633 = arith.subf %log3A_629, %mul3A_632 : vector<64x128xf32>
    %div3A_634 = arith.constant 2.520000e+02 : f32
    %div3A_635 = vector.broadcast %div3A_634 : f32 to vector<64x128xf32>
    %div3A_636 = arith.divf %mul3A_628, %div3A_635 : vector<64x128xf32>
    %sub3A_637 = arith.constant 0.00833333377 : f32
    %sub3A_638 = vector.broadcast %sub3A_637 : f32 to vector<64x128xf32>
    %sub3A_639 = arith.subf %sub3A_638, %div3A_636 : vector<64x128xf32>
    %mul3A_640 = arith.mulf %mul3A_628, %sub3A_639 : vector<64x128xf32>
    %sub3A_641 = arith.constant 0.0833333358 : f32
    %sub3A_642 = vector.broadcast %sub3A_641 : f32 to vector<64x128xf32>
    %sub3A_643 = arith.subf %sub3A_642, %mul3A_640 : vector<64x128xf32>
    %mul3A_644 = arith.mulf %mul3A_628, %sub3A_643 : vector<64x128xf32>
    %sub3A_645 = arith.subf %sub3A_633, %mul3A_644 : vector<64x128xf32>
    %sub3A_646 = arith.subf %sub3A_645, %add3A_621 : vector<64x128xf32>
    %sub3A_647 = arith.subf %sub3A_577, %sub3A_646 : vector<64x128xf32>
    %mul3A_648 = arith.mulf %sub3A_508, %sub3A_647 : vector<64x128xf32>
    %jit3A_649 = arith.constant 0.000000e+00 : f32
    %broadcast_in_dim3A_650 = vector.broadcast %jit3A_649 : f32 to vector<64x128xf32>
    %select_n3A_651 = arith.select %lt3A_3, %mul3A_648, %broadcast_in_dim3A_650 : vector<64x128xi1>, vector<64x128xf32>
    %reduce_sum3A_652 = arith.constant dense<0.000000e+00> : vector<64xf32>
    %reduce_sum3A_653 = vector.multi_reduction <add>, %select_n3A_651, %reduce_sum3A_652 [1] : vector<64x128xf32> to vector<64xf32>
    %broadcast_in_dim3A_654 = vector.shape_cast %reduce_sum3A_653 : vector<64xf32> to vector<64x1xf32>
    %jit3A_655 = arith.constant 0.000000e+00 : f32
    %broadcast_in_dim3A_656 = vector.broadcast %jit3A_655 : f32 to vector<64x128xf32>
    %select_n3A_657 = arith.select %lt3A_3, %broadcast_in_dim3A_656, %mul3A_648 : vector<64x128xi1>, vector<64x128xf32>
    %reduce_sum3A_658 = arith.constant dense<0.000000e+00> : vector<64xf32>
    %reduce_sum3A_659 = vector.multi_reduction <add>, %select_n3A_657, %reduce_sum3A_658 [1] : vector<64x128xf32> to vector<64xf32>
    %broadcast_in_dim3A_660 = vector.shape_cast %reduce_sum3A_659 : vector<64xf32> to vector<64x1xf32>
    %add3A_661 = arith.addf %sub3A_173, %broadcast_in_dim3A_495 : vector<64x1xf32>
    %add3A_662 = arith.addf %add3A_661, %broadcast_in_dim3A_654 : vector<64x1xf32>
    %add3A_663 = arith.addf %sub3A_331, %broadcast_in_dim3A_501 : vector<64x1xf32>
    %add3A_664 = arith.addf %add3A_663, %broadcast_in_dim3A_660 : vector<64x1xf32>
    %concatenate3A = tpu.concatenate %add3A_662, %add3A_664 in 1 : vector<64x1xf32>, vector<64x1xf32> -> vector<64x2xf32>
    %swap3A = arith.constant 0 : index
    %swap3A_665 = arith.constant 0 : index
    %swap3A_666 = vector.load %arg4[%swap3A, %swap3A_665] : memref<64x2xf32, #tpu.memory_space<vmem>>, vector<64x2xf32>
    tpu.vector_store %arg4[%swap3A, %swap3A_665], %concatenate3A {strides = array<i32>} : memref<64x2xf32, #tpu.memory_space<vmem>>, vector<64x2xf32>,
    %iota3A_667 = tpu.iota {dimensions = array<i32: 0>} : vector<64x128xi32>
    %mul3A_668 = arith.constant 8192 : i32
    %mul3A_669 = arith.muli %arg0, %mul3A_668 : i32
    %mul3A_670 = arith.constant 128 : i32
    %mul3A_671 = vector.broadcast %mul3A_670 : i32 to vector<64x128xi32>
    %mul3A_672 = arith.muli %iota3A_667, %mul3A_671 : vector<64x128xi32>
    %add3A_673 = vector.broadcast %mul3A_669 : i32 to vector<64x128xi32>
    %add3A_674 = arith.addi %add3A_673, %mul3A_672 : vector<64x128xi32>
    %add3A_675 = arith.addi %add3A_674, %iota3A : vector<64x128xi32>
    %broadcast_in_dim3A_676 = arith.constant 0 : i32
    %broadcast_in_dim3A_677 = vector.broadcast %broadcast_in_dim3A_676 : i32 to vector<64x128xi32>
    %broadcast_in_dim3A_678 = arith.constant 0 : i32
    %broadcast_in_dim3A_679 = vector.broadcast %broadcast_in_dim3A_678 : i32 to vector<64x128xi32>
    %broadcast_in_dim3A_680 = arith.constant 12345 : i32
    %broadcast_in_dim3A_681 = vector.broadcast %broadcast_in_dim3A_680 : i32 to vector<64x128xi32>
    %xor3A = arith.xori %broadcast_in_dim3A_679, %broadcast_in_dim3A_681 : vector<64x128xi32>
    %xor3A_682 = arith.constant 466688986 : i32
    %xor3A_683 = vector.broadcast %xor3A_682 : i32 to vector<64x128xi32>
    %xor3A_684 = arith.xori %xor3A, %xor3A_683 : vector<64x128xi32>
    %add3A_685 = arith.addi %broadcast_in_dim3A_677, %broadcast_in_dim3A_679 : vector<64x128xi32>
    %add3A_686 = arith.addi %add3A_675, %broadcast_in_dim3A_681 : vector<64x128xi32>
    %add3A_687 = arith.addi %add3A_685, %add3A_686 : vector<64x128xi32>
    %shift_left3A = arith.constant 13 : i32
    %shift_left3A_688 = vector.broadcast %shift_left3A : i32 to vector<64x128xi32>
    %shift_left3A_689 = arith.shli %add3A_686, %shift_left3A_688 : vector<64x128xi32>
    %shift_right_logical3A = arith.constant 19 : i32
    %shift_right_logical3A_690 = vector.broadcast %shift_right_logical3A : i32 to vector<64x128xi32>
    %shift_right_logical3A_691 = arith.shrui %add3A_686, %shift_right_logical3A_690 : vector<64x128xi32>
    %or3A = arith.ori %shift_left3A_689, %shift_right_logical3A_691 : vector<64x128xi32>
    %xor3A_692 = arith.xori %add3A_687, %or3A : vector<64x128xi32>
    %add3A_693 = arith.addi %add3A_687, %xor3A_692 : vector<64x128xi32>
    %shift_left3A_694 = arith.constant 15 : i32
    %shift_left3A_695 = vector.broadcast %shift_left3A_694 : i32 to vector<64x128xi32>
    %shift_left3A_696 = arith.shli %xor3A_692, %shift_left3A_695 : vector<64x128xi32>
    %shift_right_logical3A_697 = arith.constant 17 : i32
    %shift_right_logical3A_698 = vector.broadcast %shift_right_logical3A_697 : i32 to vector<64x128xi32>
    %shift_right_logical3A_699 = arith.shrui %xor3A_692, %shift_right_logical3A_698 : vector<64x128xi32>
    %or3A_700 = arith.ori %shift_left3A_696, %shift_right_logical3A_699 : vector<64x128xi32>
    %xor3A_701 = arith.xori %add3A_693, %or3A_700 : vector<64x128xi32>
    %add3A_702 = arith.addi %add3A_693, %xor3A_701 : vector<64x128xi32>
    %shift_left3A_703 = arith.constant 26 : i32
    %shift_left3A_704 = vector.broadcast %shift_left3A_703 : i32 to vector<64x128xi32>
    %shift_left3A_705 = arith.shli %xor3A_701, %shift_left3A_704 : vector<64x128xi32>
    %shift_right_logical3A_706 = arith.constant 6 : i32
    %shift_right_logical3A_707 = vector.broadcast %shift_right_logical3A_706 : i32 to vector<64x128xi32>
    %shift_right_logical3A_708 = arith.shrui %xor3A_701, %shift_right_logical3A_707 : vector<64x128xi32>
    %or3A_709 = arith.ori %shift_left3A_705, %shift_right_logical3A_708 : vector<64x128xi32>
    %xor3A_710 = arith.xori %add3A_702, %or3A_709 : vector<64x128xi32>
    %add3A_711 = arith.addi %add3A_702, %xor3A_710 : vector<64x128xi32>
    %shift_left3A_712 = arith.constant 6 : i32
    %shift_left3A_713 = vector.broadcast %shift_left3A_712 : i32 to vector<64x128xi32>
    %shift_left3A_714 = arith.shli %xor3A_710, %shift_left3A_713 : vector<64x128xi32>
    %shift_right_logical3A_715 = arith.constant 26 : i32
    %shift_right_logical3A_716 = vector.broadcast %shift_right_logical3A_715 : i32 to vector<64x128xi32>
    %shift_right_logical3A_717 = arith.shrui %xor3A_710, %shift_right_logical3A_716 : vector<64x128xi32>
    %or3A_718 = arith.ori %shift_left3A_714, %shift_right_logical3A_717 : vector<64x128xi32>
    %xor3A_719 = arith.xori %add3A_711, %or3A_718 : vector<64x128xi32>
    %add3A_720 = arith.addi %add3A_711, %broadcast_in_dim3A_681 : vector<64x128xi32>
    %add3A_721 = arith.addi %xor3A_719, %xor3A_684 : vector<64x128xi32>
    %add3A_722 = arith.constant 1 : i32
    %add3A_723 = vector.broadcast %add3A_722 : i32 to vector<64x128xi32>
    %add3A_724 = arith.addi %add3A_721, %add3A_723 : vector<64x128xi32>
    %add3A_725 = arith.addi %add3A_720, %add3A_724 : vector<64x128xi32>
    %shift_left3A_726 = arith.constant 17 : i32
    %shift_left3A_727 = vector.broadcast %shift_left3A_726 : i32 to vector<64x128xi32>
    %shift_left3A_728 = arith.shli %add3A_724, %shift_left3A_727 : vector<64x128xi32>
    %shift_right_logical3A_729 = arith.constant 15 : i32
    %shift_right_logical3A_730 = vector.broadcast %shift_right_logical3A_729 : i32 to vector<64x128xi32>
    %shift_right_logical3A_731 = arith.shrui %add3A_724, %shift_right_logical3A_730 : vector<64x128xi32>
    %or3A_732 = arith.ori %shift_left3A_728, %shift_right_logical3A_731 : vector<64x128xi32>
    %xor3A_733 = arith.xori %add3A_725, %or3A_732 : vector<64x128xi32>
    %add3A_734 = arith.addi %add3A_725, %xor3A_733 : vector<64x128xi32>
    %shift_left3A_735 = arith.constant 29 : i32
    %shift_left3A_736 = vector.broadcast %shift_left3A_735 : i32 to vector<64x128xi32>
    %shift_left3A_737 = arith.shli %xor3A_733, %shift_left3A_736 : vector<64x128xi32>
    %shift_right_logical3A_738 = arith.constant 3 : i32
    %shift_right_logical3A_739 = vector.broadcast %shift_right_logical3A_738 : i32 to vector<64x128xi32>
    %shift_right_logical3A_740 = arith.shrui %xor3A_733, %shift_right_logical3A_739 : vector<64x128xi32>
    %or3A_741 = arith.ori %shift_left3A_737, %shift_right_logical3A_740 : vector<64x128xi32>
    %xor3A_742 = arith.xori %add3A_734, %or3A_741 : vector<64x128xi32>
    %add3A_743 = arith.addi %add3A_734, %xor3A_742 : vector<64x128xi32>
    %shift_left3A_744 = arith.constant 16 : i32
    %shift_left3A_745 = vector.broadcast %shift_left3A_744 : i32 to vector<64x128xi32>
    %shift_left3A_746 = arith.shli %xor3A_742, %shift_left3A_745 : vector<64x128xi32>
    %shift_right_logical3A_747 = arith.constant 16 : i32
    %shift_right_logical3A_748 = vector.broadcast %shift_right_logical3A_747 : i32 to vector<64x128xi32>
    %shift_right_logical3A_749 = arith.shrui %xor3A_742, %shift_right_logical3A_748 : vector<64x128xi32>
    %or3A_750 = arith.ori %shift_left3A_746, %shift_right_logical3A_749 : vector<64x128xi32>
    %xor3A_751 = arith.xori %add3A_743, %or3A_750 : vector<64x128xi32>
    %add3A_752 = arith.addi %add3A_743, %xor3A_751 : vector<64x128xi32>
    %shift_left3A_753 = arith.constant 24 : i32
    %shift_left3A_754 = vector.broadcast %shift_left3A_753 : i32 to vector<64x128xi32>
    %shift_left3A_755 = arith.shli %xor3A_751, %shift_left3A_754 : vector<64x128xi32>
    %shift_right_logical3A_756 = arith.constant 8 : i32
    %shift_right_logical3A_757 = vector.broadcast %shift_right_logical3A_756 : i32 to vector<64x128xi32>
    %shift_right_logical3A_758 = arith.shrui %xor3A_751, %shift_right_logical3A_757 : vector<64x128xi32>
    %or3A_759 = arith.ori %shift_left3A_755, %shift_right_logical3A_758 : vector<64x128xi32>
    %xor3A_760 = arith.xori %add3A_752, %or3A_759 : vector<64x128xi32>
    %add3A_761 = arith.addi %add3A_752, %xor3A_684 : vector<64x128xi32>
    %add3A_762 = arith.addi %xor3A_760, %broadcast_in_dim3A_679 : vector<64x128xi32>
    %add3A_763 = arith.constant 2 : i32
    %add3A_764 = vector.broadcast %add3A_763 : i32 to vector<64x128xi32>
    %add3A_765 = arith.addi %add3A_762, %add3A_764 : vector<64x128xi32>
    %add3A_766 = arith.addi %add3A_761, %add3A_765 : vector<64x128xi32>
    %shift_left3A_767 = arith.constant 13 : i32
    %shift_left3A_768 = vector.broadcast %shift_left3A_767 : i32 to vector<64x128xi32>
    %shift_left3A_769 = arith.shli %add3A_765, %shift_left3A_768 : vector<64x128xi32>
    %shift_right_logical3A_770 = arith.constant 19 : i32
    %shift_right_logical3A_771 = vector.broadcast %shift_right_logical3A_770 : i32 to vector<64x128xi32>
    %shift_right_logical3A_772 = arith.shrui %add3A_765, %shift_right_logical3A_771 : vector<64x128xi32>
    %or3A_773 = arith.ori %shift_left3A_769, %shift_right_logical3A_772 : vector<64x128xi32>
    %xor3A_774 = arith.xori %add3A_766, %or3A_773 : vector<64x128xi32>
    %add3A_775 = arith.addi %add3A_766, %xor3A_774 : vector<64x128xi32>
    %shift_left3A_776 = arith.constant 15 : i32
    %shift_left3A_777 = vector.broadcast %shift_left3A_776 : i32 to vector<64x128xi32>
    %shift_left3A_778 = arith.shli %xor3A_774, %shift_left3A_777 : vector<64x128xi32>
    %shift_right_logical3A_779 = arith.constant 17 : i32
    %shift_right_logical3A_780 = vector.broadcast %shift_right_logical3A_779 : i32 to vector<64x128xi32>
    %shift_right_logical3A_781 = arith.shrui %xor3A_774, %shift_right_logical3A_780 : vector<64x128xi32>
    %or3A_782 = arith.ori %shift_left3A_778, %shift_right_logical3A_781 : vector<64x128xi32>
    %xor3A_783 = arith.xori %add3A_775, %or3A_782 : vector<64x128xi32>
    %add3A_784 = arith.addi %add3A_775, %xor3A_783 : vector<64x128xi32>
    %shift_left3A_785 = arith.constant 26 : i32
    %shift_left3A_786 = vector.broadcast %shift_left3A_785 : i32 to vector<64x128xi32>
    %shift_left3A_787 = arith.shli %xor3A_783, %shift_left3A_786 : vector<64x128xi32>
    %shift_right_logical3A_788 = arith.constant 6 : i32
    %shift_right_logical3A_789 = vector.broadcast %shift_right_logical3A_788 : i32 to vector<64x128xi32>
    %shift_right_logical3A_790 = arith.shrui %xor3A_783, %shift_right_logical3A_789 : vector<64x128xi32>
    %or3A_791 = arith.ori %shift_left3A_787, %shift_right_logical3A_790 : vector<64x128xi32>
    %xor3A_792 = arith.xori %add3A_784, %or3A_791 : vector<64x128xi32>
    %add3A_793 = arith.addi %add3A_784, %xor3A_792 : vector<64x128xi32>
    %shift_left3A_794 = arith.constant 6 : i32
    %shift_left3A_795 = vector.broadcast %shift_left3A_794 : i32 to vector<64x128xi32>
    %shift_left3A_796 = arith.shli %xor3A_792, %shift_left3A_795 : vector<64x128xi32>
    %shift_right_logical3A_797 = arith.constant 26 : i32
    %shift_right_logical3A_798 = vector.broadcast %shift_right_logical3A_797 : i32 to vector<64x128xi32>
    %shift_right_logical3A_799 = arith.shrui %xor3A_792, %shift_right_logical3A_798 : vector<64x128xi32>
    %or3A_800 = arith.ori %shift_left3A_796, %shift_right_logical3A_799 : vector<64x128xi32>
    %xor3A_801 = arith.xori %add3A_793, %or3A_800 : vector<64x128xi32>
    %add3A_802 = arith.addi %add3A_793, %broadcast_in_dim3A_679 : vector<64x128xi32>
    %add3A_803 = arith.addi %xor3A_801, %broadcast_in_dim3A_681 : vector<64x128xi32>
    %add3A_804 = arith.constant 3 : i32
    %add3A_805 = vector.broadcast %add3A_804 : i32 to vector<64x128xi32>
    %add3A_806 = arith.addi %add3A_803, %add3A_805 : vector<64x128xi32>
    %add3A_807 = arith.addi %add3A_802, %add3A_806 : vector<64x128xi32>
    %shift_left3A_808 = arith.constant 17 : i32
    %shift_left3A_809 = vector.broadcast %shift_left3A_808 : i32 to vector<64x128xi32>
    %shift_left3A_810 = arith.shli %add3A_806, %shift_left3A_809 : vector<64x128xi32>
    %shift_right_logical3A_811 = arith.constant 15 : i32
    %shift_right_logical3A_812 = vector.broadcast %shift_right_logical3A_811 : i32 to vector<64x128xi32>
    %shift_right_logical3A_813 = arith.shrui %add3A_806, %shift_right_logical3A_812 : vector<64x128xi32>
    %or3A_814 = arith.ori %shift_left3A_810, %shift_right_logical3A_813 : vector<64x128xi32>
    %xor3A_815 = arith.xori %add3A_807, %or3A_814 : vector<64x128xi32>
    %add3A_816 = arith.addi %add3A_807, %xor3A_815 : vector<64x128xi32>
    %shift_left3A_817 = arith.constant 29 : i32
    %shift_left3A_818 = vector.broadcast %shift_left3A_817 : i32 to vector<64x128xi32>
    %shift_left3A_819 = arith.shli %xor3A_815, %shift_left3A_818 : vector<64x128xi32>
    %shift_right_logical3A_820 = arith.constant 3 : i32
    %shift_right_logical3A_821 = vector.broadcast %shift_right_logical3A_820 : i32 to vector<64x128xi32>
    %shift_right_logical3A_822 = arith.shrui %xor3A_815, %shift_right_logical3A_821 : vector<64x128xi32>
    %or3A_823 = arith.ori %shift_left3A_819, %shift_right_logical3A_822 : vector<64x128xi32>
    %xor3A_824 = arith.xori %add3A_816, %or3A_823 : vector<64x128xi32>
    %add3A_825 = arith.addi %add3A_816, %xor3A_824 : vector<64x128xi32>
    %shift_left3A_826 = arith.constant 16 : i32
    %shift_left3A_827 = vector.broadcast %shift_left3A_826 : i32 to vector<64x128xi32>
    %shift_left3A_828 = arith.shli %xor3A_824, %shift_left3A_827 : vector<64x128xi32>
    %shift_right_logical3A_829 = arith.constant 16 : i32
    %shift_right_logical3A_830 = vector.broadcast %shift_right_logical3A_829 : i32 to vector<64x128xi32>
    %shift_right_logical3A_831 = arith.shrui %xor3A_824, %shift_right_logical3A_830 : vector<64x128xi32>
    %or3A_832 = arith.ori %shift_left3A_828, %shift_right_logical3A_831 : vector<64x128xi32>
    %xor3A_833 = arith.xori %add3A_825, %or3A_832 : vector<64x128xi32>
    %add3A_834 = arith.addi %add3A_825, %xor3A_833 : vector<64x128xi32>
    %shift_left3A_835 = arith.constant 24 : i32
    %shift_left3A_836 = vector.broadcast %shift_left3A_835 : i32 to vector<64x128xi32>
    %shift_left3A_837 = arith.shli %xor3A_833, %shift_left3A_836 : vector<64x128xi32>
    %shift_right_logical3A_838 = arith.constant 8 : i32
    %shift_right_logical3A_839 = vector.broadcast %shift_right_logical3A_838 : i32 to vector<64x128xi32>
    %shift_right_logical3A_840 = arith.shrui %xor3A_833, %shift_right_logical3A_839 : vector<64x128xi32>
    %or3A_841 = arith.ori %shift_left3A_837, %shift_right_logical3A_840 : vector<64x128xi32>
    %xor3A_842 = arith.xori %add3A_834, %or3A_841 : vector<64x128xi32>
    %add3A_843 = arith.addi %add3A_834, %broadcast_in_dim3A_681 : vector<64x128xi32>
    %add3A_844 = arith.addi %xor3A_842, %xor3A_684 : vector<64x128xi32>
    %add3A_845 = arith.constant 4 : i32
    %add3A_846 = vector.broadcast %add3A_845 : i32 to vector<64x128xi32>
    %add3A_847 = arith.addi %add3A_844, %add3A_846 : vector<64x128xi32>
    %add3A_848 = arith.addi %add3A_843, %add3A_847 : vector<64x128xi32>
    %shift_left3A_849 = arith.constant 13 : i32
    %shift_left3A_850 = vector.broadcast %shift_left3A_849 : i32 to vector<64x128xi32>
    %shift_left3A_851 = arith.shli %add3A_847, %shift_left3A_850 : vector<64x128xi32>
    %shift_right_logical3A_852 = arith.constant 19 : i32
    %shift_right_logical3A_853 = vector.broadcast %shift_right_logical3A_852 : i32 to vector<64x128xi32>
    %shift_right_logical3A_854 = arith.shrui %add3A_847, %shift_right_logical3A_853 : vector<64x128xi32>
    %or3A_855 = arith.ori %shift_left3A_851, %shift_right_logical3A_854 : vector<64x128xi32>
    %xor3A_856 = arith.xori %add3A_848, %or3A_855 : vector<64x128xi32>
    %add3A_857 = arith.addi %add3A_848, %xor3A_856 : vector<64x128xi32>
    %shift_left3A_858 = arith.constant 15 : i32
    %shift_left3A_859 = vector.broadcast %shift_left3A_858 : i32 to vector<64x128xi32>
    %shift_left3A_860 = arith.shli %xor3A_856, %shift_left3A_859 : vector<64x128xi32>
    %shift_right_logical3A_861 = arith.constant 17 : i32
    %shift_right_logical3A_862 = vector.broadcast %shift_right_logical3A_861 : i32 to vector<64x128xi32>
    %shift_right_logical3A_863 = arith.shrui %xor3A_856, %shift_right_logical3A_862 : vector<64x128xi32>
    %or3A_864 = arith.ori %shift_left3A_860, %shift_right_logical3A_863 : vector<64x128xi32>
    %xor3A_865 = arith.xori %add3A_857, %or3A_864 : vector<64x128xi32>
    %add3A_866 = arith.addi %add3A_857, %xor3A_865 : vector<64x128xi32>
    %shift_left3A_867 = arith.constant 26 : i32
    %shift_left3A_868 = vector.broadcast %shift_left3A_867 : i32 to vector<64x128xi32>
    %shift_left3A_869 = arith.shli %xor3A_865, %shift_left3A_868 : vector<64x128xi32>
    %shift_right_logical3A_870 = arith.constant 6 : i32
    %shift_right_logical3A_871 = vector.broadcast %shift_right_logical3A_870 : i32 to vector<64x128xi32>
    %shift_right_logical3A_872 = arith.shrui %xor3A_865, %shift_right_logical3A_871 : vector<64x128xi32>
    %or3A_873 = arith.ori %shift_left3A_869, %shift_right_logical3A_872 : vector<64x128xi32>
    %xor3A_874 = arith.xori %add3A_866, %or3A_873 : vector<64x128xi32>
    %add3A_875 = arith.addi %add3A_866, %xor3A_874 : vector<64x128xi32>
    %shift_left3A_876 = arith.constant 6 : i32
    %shift_left3A_877 = vector.broadcast %shift_left3A_876 : i32 to vector<64x128xi32>
    %shift_left3A_878 = arith.shli %xor3A_874, %shift_left3A_877 : vector<64x128xi32>
    %shift_right_logical3A_879 = arith.constant 26 : i32
    %shift_right_logical3A_880 = vector.broadcast %shift_right_logical3A_879 : i32 to vector<64x128xi32>
    %shift_right_logical3A_881 = arith.shrui %xor3A_874, %shift_right_logical3A_880 : vector<64x128xi32>
    %or3A_882 = arith.ori %shift_left3A_878, %shift_right_logical3A_881 : vector<64x128xi32>
    %xor3A_883 = arith.xori %add3A_875, %or3A_882 : vector<64x128xi32>
    %add3A_884 = arith.addi %add3A_875, %xor3A_684 : vector<64x128xi32>
    %add3A_885 = arith.addi %xor3A_883, %broadcast_in_dim3A_679 : vector<64x128xi32>
    %add3A_886 = arith.constant 5 : i32
    %add3A_887 = vector.broadcast %add3A_886 : i32 to vector<64x128xi32>
    %add3A_888 = arith.addi %add3A_885, %add3A_887 : vector<64x128xi32>
    %xor3A_889 = arith.xori %add3A_884, %add3A_888 : vector<64x128xi32>
    %xor3A_890 = arith.constant 466688986 : i32
    %xor3A_891 = vector.broadcast %xor3A_890 : i32 to vector<64x128xi32>
    %xor3A_892 = arith.xori %xor3A_889, %xor3A_891 : vector<64x128xi32>
    %add3A_893 = arith.addi %broadcast_in_dim3A_677, %add3A_884 : vector<64x128xi32>
    %add3A_894 = arith.addi %broadcast_in_dim3A_677, %add3A_888 : vector<64x128xi32>
    %add3A_895 = arith.addi %add3A_893, %add3A_894 : vector<64x128xi32>
    %shift_left3A_896 = arith.constant 13 : i32
    %shift_left3A_897 = vector.broadcast %shift_left3A_896 : i32 to vector<64x128xi32>
    %shift_left3A_898 = arith.shli %add3A_894, %shift_left3A_897 : vector<64x128xi32>
    %shift_right_logical3A_899 = arith.constant 19 : i32
    %shift_right_logical3A_900 = vector.broadcast %shift_right_logical3A_899 : i32 to vector<64x128xi32>
    %shift_right_logical3A_901 = arith.shrui %add3A_894, %shift_right_logical3A_900 : vector<64x128xi32>
    %or3A_902 = arith.ori %shift_left3A_898, %shift_right_logical3A_901 : vector<64x128xi32>
    %xor3A_903 = arith.xori %add3A_895, %or3A_902 : vector<64x128xi32>
    %add3A_904 = arith.addi %add3A_895, %xor3A_903 : vector<64x128xi32>
    %shift_left3A_905 = arith.constant 15 : i32
    %shift_left3A_906 = vector.broadcast %shift_left3A_905 : i32 to vector<64x128xi32>
    %shift_left3A_907 = arith.shli %xor3A_903, %shift_left3A_906 : vector<64x128xi32>
    %shift_right_logical3A_908 = arith.constant 17 : i32
    %shift_right_logical3A_909 = vector.broadcast %shift_right_logical3A_908 : i32 to vector<64x128xi32>
    %shift_right_logical3A_910 = arith.shrui %xor3A_903, %shift_right_logical3A_909 : vector<64x128xi32>
    %or3A_911 = arith.ori %shift_left3A_907, %shift_right_logical3A_910 : vector<64x128xi32>
    %xor3A_912 = arith.xori %add3A_904, %or3A_911 : vector<64x128xi32>
    %add3A_913 = arith.addi %add3A_904, %xor3A_912 : vector<64x128xi32>
    %shift_left3A_914 = arith.constant 26 : i32
    %shift_left3A_915 = vector.broadcast %shift_left3A_914 : i32 to vector<64x128xi32>
    %shift_left3A_916 = arith.shli %xor3A_912, %shift_left3A_915 : vector<64x128xi32>
    %shift_right_logical3A_917 = arith.constant 6 : i32
    %shift_right_logical3A_918 = vector.broadcast %shift_right_logical3A_917 : i32 to vector<64x128xi32>
    %shift_right_logical3A_919 = arith.shrui %xor3A_912, %shift_right_logical3A_918 : vector<64x128xi32>
    %or3A_920 = arith.ori %shift_left3A_916, %shift_right_logical3A_919 : vector<64x128xi32>
    %xor3A_921 = arith.xori %add3A_913, %or3A_920 : vector<64x128xi32>
    %add3A_922 = arith.addi %add3A_913, %xor3A_921 : vector<64x128xi32>
    %shift_left3A_923 = arith.constant 6 : i32
    %shift_left3A_924 = vector.broadcast %shift_left3A_923 : i32 to vector<64x128xi32>
    %shift_left3A_925 = arith.shli %xor3A_921, %shift_left3A_924 : vector<64x128xi32>
    %shift_right_logical3A_926 = arith.constant 26 : i32
    %shift_right_logical3A_927 = vector.broadcast %shift_right_logical3A_926 : i32 to vector<64x128xi32>
    %shift_right_logical3A_928 = arith.shrui %xor3A_921, %shift_right_logical3A_927 : vector<64x128xi32>
    %or3A_929 = arith.ori %shift_left3A_925, %shift_right_logical3A_928 : vector<64x128xi32>
    %xor3A_930 = arith.xori %add3A_922, %or3A_929 : vector<64x128xi32>
    %add3A_931 = arith.addi %add3A_922, %add3A_888 : vector<64x128xi32>
    %add3A_932 = arith.addi %xor3A_930, %xor3A_892 : vector<64x128xi32>
    %add3A_933 = arith.constant 1 : i32
    %add3A_934 = vector.broadcast %add3A_933 : i32 to vector<64x128xi32>
    %add3A_935 = arith.addi %add3A_932, %add3A_934 : vector<64x128xi32>
    %add3A_936 = arith.addi %add3A_931, %add3A_935 : vector<64x128xi32>
    %shift_left3A_937 = arith.constant 17 : i32
    %shift_left3A_938 = vector.broadcast %shift_left3A_937 : i32 to vector<64x128xi32>
    %shift_left3A_939 = arith.shli %add3A_935, %shift_left3A_938 : vector<64x128xi32>
    %shift_right_logical3A_940 = arith.constant 15 : i32
    %shift_right_logical3A_941 = vector.broadcast %shift_right_logical3A_940 : i32 to vector<64x128xi32>
    %shift_right_logical3A_942 = arith.shrui %add3A_935, %shift_right_logical3A_941 : vector<64x128xi32>
    %or3A_943 = arith.ori %shift_left3A_939, %shift_right_logical3A_942 : vector<64x128xi32>
    %xor3A_944 = arith.xori %add3A_936, %or3A_943 : vector<64x128xi32>
    %add3A_945 = arith.addi %add3A_936, %xor3A_944 : vector<64x128xi32>
    %shift_left3A_946 = arith.constant 29 : i32
    %shift_left3A_947 = vector.broadcast %shift_left3A_946 : i32 to vector<64x128xi32>
    %shift_left3A_948 = arith.shli %xor3A_944, %shift_left3A_947 : vector<64x128xi32>
    %shift_right_logical3A_949 = arith.constant 3 : i32
    %shift_right_logical3A_950 = vector.broadcast %shift_right_logical3A_949 : i32 to vector<64x128xi32>
    %shift_right_logical3A_951 = arith.shrui %xor3A_944, %shift_right_logical3A_950 : vector<64x128xi32>
    %or3A_952 = arith.ori %shift_left3A_948, %shift_right_logical3A_951 : vector<64x128xi32>
    %xor3A_953 = arith.xori %add3A_945, %or3A_952 : vector<64x128xi32>
    %add3A_954 = arith.addi %add3A_945, %xor3A_953 : vector<64x128xi32>
    %shift_left3A_955 = arith.constant 16 : i32
    %shift_left3A_956 = vector.broadcast %shift_left3A_955 : i32 to vector<64x128xi32>
    %shift_left3A_957 = arith.shli %xor3A_953, %shift_left3A_956 : vector<64x128xi32>
    %shift_right_logical3A_958 = arith.constant 16 : i32
    %shift_right_logical3A_959 = vector.broadcast %shift_right_logical3A_958 : i32 to vector<64x128xi32>
    %shift_right_logical3A_960 = arith.shrui %xor3A_953, %shift_right_logical3A_959 : vector<64x128xi32>
    %or3A_961 = arith.ori %shift_left3A_957, %shift_right_logical3A_960 : vector<64x128xi32>
    %xor3A_962 = arith.xori %add3A_954, %or3A_961 : vector<64x128xi32>
    %add3A_963 = arith.addi %add3A_954, %xor3A_962 : vector<64x128xi32>
    %shift_left3A_964 = arith.constant 24 : i32
    %shift_left3A_965 = vector.broadcast %shift_left3A_964 : i32 to vector<64x128xi32>
    %shift_left3A_966 = arith.shli %xor3A_962, %shift_left3A_965 : vector<64x128xi32>
    %shift_right_logical3A_967 = arith.constant 8 : i32
    %shift_right_logical3A_968 = vector.broadcast %shift_right_logical3A_967 : i32 to vector<64x128xi32>
    %shift_right_logical3A_969 = arith.shrui %xor3A_962, %shift_right_logical3A_968 : vector<64x128xi32>
    %or3A_970 = arith.ori %shift_left3A_966, %shift_right_logical3A_969 : vector<64x128xi32>
    %xor3A_971 = arith.xori %add3A_963, %or3A_970 : vector<64x128xi32>
    %add3A_972 = arith.addi %add3A_963, %xor3A_892 : vector<64x128xi32>
    %add3A_973 = arith.addi %xor3A_971, %add3A_884 : vector<64x128xi32>
    %add3A_974 = arith.constant 2 : i32
    %add3A_975 = vector.broadcast %add3A_974 : i32 to vector<64x128xi32>
    %add3A_976 = arith.addi %add3A_973, %add3A_975 : vector<64x128xi32>
    %add3A_977 = arith.addi %add3A_972, %add3A_976 : vector<64x128xi32>
    %shift_left3A_978 = arith.constant 13 : i32
    %shift_left3A_979 = vector.broadcast %shift_left3A_978 : i32 to vector<64x128xi32>
    %shift_left3A_980 = arith.shli %add3A_976, %shift_left3A_979 : vector<64x128xi32>
    %shift_right_logical3A_981 = arith.constant 19 : i32
    %shift_right_logical3A_982 = vector.broadcast %shift_right_logical3A_981 : i32 to vector<64x128xi32>
    %shift_right_logical3A_983 = arith.shrui %add3A_976, %shift_right_logical3A_982 : vector<64x128xi32>
    %or3A_984 = arith.ori %shift_left3A_980, %shift_right_logical3A_983 : vector<64x128xi32>
    %xor3A_985 = arith.xori %add3A_977, %or3A_984 : vector<64x128xi32>
    %add3A_986 = arith.addi %add3A_977, %xor3A_985 : vector<64x128xi32>
    %shift_left3A_987 = arith.constant 15 : i32
    %shift_left3A_988 = vector.broadcast %shift_left3A_987 : i32 to vector<64x128xi32>
    %shift_left3A_989 = arith.shli %xor3A_985, %shift_left3A_988 : vector<64x128xi32>
    %shift_right_logical3A_990 = arith.constant 17 : i32
    %shift_right_logical3A_991 = vector.broadcast %shift_right_logical3A_990 : i32 to vector<64x128xi32>
    %shift_right_logical3A_992 = arith.shrui %xor3A_985, %shift_right_logical3A_991 : vector<64x128xi32>
    %or3A_993 = arith.ori %shift_left3A_989, %shift_right_logical3A_992 : vector<64x128xi32>
    %xor3A_994 = arith.xori %add3A_986, %or3A_993 : vector<64x128xi32>
    %add3A_995 = arith.addi %add3A_986, %xor3A_994 : vector<64x128xi32>
    %shift_left3A_996 = arith.constant 26 : i32
    %shift_left3A_997 = vector.broadcast %shift_left3A_996 : i32 to vector<64x128xi32>
    %shift_left3A_998 = arith.shli %xor3A_994, %shift_left3A_997 : vector<64x128xi32>
    %shift_right_logical3A_999 = arith.constant 6 : i32
    %shift_right_logical3A_1000 = vector.broadcast %shift_right_logical3A_999 : i32 to vector<64x128xi32>
    %shift_right_logical3A_1001 = arith.shrui %xor3A_994, %shift_right_logical3A_1000 : vector<64x128xi32>
    %or3A_1002 = arith.ori %shift_left3A_998, %shift_right_logical3A_1001 : vector<64x128xi32>
    %xor3A_1003 = arith.xori %add3A_995, %or3A_1002 : vector<64x128xi32>
    %add3A_1004 = arith.addi %add3A_995, %xor3A_1003 : vector<64x128xi32>
    %shift_left3A_1005 = arith.constant 6 : i32
    %shift_left3A_1006 = vector.broadcast %shift_left3A_1005 : i32 to vector<64x128xi32>
    %shift_left3A_1007 = arith.shli %xor3A_1003, %shift_left3A_1006 : vector<64x128xi32>
    %shift_right_logical3A_1008 = arith.constant 26 : i32
    %shift_right_logical3A_1009 = vector.broadcast %shift_right_logical3A_1008 : i32 to vector<64x128xi32>
    %shift_right_logical3A_1010 = arith.shrui %xor3A_1003, %shift_right_logical3A_1009 : vector<64x128xi32>
    %or3A_1011 = arith.ori %shift_left3A_1007, %shift_right_logical3A_1010 : vector<64x128xi32>
    %xor3A_1012 = arith.xori %add3A_1004, %or3A_1011 : vector<64x128xi32>
    %add3A_1013 = arith.addi %add3A_1004, %add3A_884 : vector<64x128xi32>
    %add3A_1014 = arith.addi %xor3A_1012, %add3A_888 : vector<64x128xi32>
    %add3A_1015 = arith.constant 3 : i32
    %add3A_1016 = vector.broadcast %add3A_1015 : i32 to vector<64x128xi32>
    %add3A_1017 = arith.addi %add3A_1014, %add3A_1016 : vector<64x128xi32>
    %add3A_1018 = arith.addi %add3A_1013, %add3A_1017 : vector<64x128xi32>
    %shift_left3A_1019 = arith.constant 17 : i32
    %shift_left3A_1020 = vector.broadcast %shift_left3A_1019 : i32 to vector<64x128xi32>
    %shift_left3A_1021 = arith.shli %add3A_1017, %shift_left3A_1020 : vector<64x128xi32>
    %shift_right_logical3A_1022 = arith.constant 15 : i32
    %shift_right_logical3A_1023 = vector.broadcast %shift_right_logical3A_1022 : i32 to vector<64x128xi32>
    %shift_right_logical3A_1024 = arith.shrui %add3A_1017, %shift_right_logical3A_1023 : vector<64x128xi32>
    %or3A_1025 = arith.ori %shift_left3A_1021, %shift_right_logical3A_1024 : vector<64x128xi32>
    %xor3A_1026 = arith.xori %add3A_1018, %or3A_1025 : vector<64x128xi32>
    %add3A_1027 = arith.addi %add3A_1018, %xor3A_1026 : vector<64x128xi32>
    %shift_left3A_1028 = arith.constant 29 : i32
    %shift_left3A_1029 = vector.broadcast %shift_left3A_1028 : i32 to vector<64x128xi32>
    %shift_left3A_1030 = arith.shli %xor3A_1026, %shift_left3A_1029 : vector<64x128xi32>
    %shift_right_logical3A_1031 = arith.constant 3 : i32
    %shift_right_logical3A_1032 = vector.broadcast %shift_right_logical3A_1031 : i32 to vector<64x128xi32>
    %shift_right_logical3A_1033 = arith.shrui %xor3A_1026, %shift_right_logical3A_1032 : vector<64x128xi32>
    %or3A_1034 = arith.ori %shift_left3A_1030, %shift_right_logical3A_1033 : vector<64x128xi32>
    %xor3A_1035 = arith.xori %add3A_1027, %or3A_1034 : vector<64x128xi32>
    %add3A_1036 = arith.addi %add3A_1027, %xor3A_1035 : vector<64x128xi32>
    %shift_left3A_1037 = arith.constant 16 : i32
    %shift_left3A_1038 = vector.broadcast %shift_left3A_1037 : i32 to vector<64x128xi32>
    %shift_left3A_1039 = arith.shli %xor3A_1035, %shift_left3A_1038 : vector<64x128xi32>
    %shift_right_logical3A_1040 = arith.constant 16 : i32
    %shift_right_logical3A_1041 = vector.broadcast %shift_right_logical3A_1040 : i32 to vector<64x128xi32>
    %shift_right_logical3A_1042 = arith.shrui %xor3A_1035, %shift_right_logical3A_1041 : vector<64x128xi32>
    %or3A_1043 = arith.ori %shift_left3A_1039, %shift_right_logical3A_1042 : vector<64x128xi32>
    %xor3A_1044 = arith.xori %add3A_1036, %or3A_1043 : vector<64x128xi32>
    %add3A_1045 = arith.addi %add3A_1036, %xor3A_1044 : vector<64x128xi32>
    %shift_left3A_1046 = arith.constant 24 : i32
    %shift_left3A_1047 = vector.broadcast %shift_left3A_1046 : i32 to vector<64x128xi32>
    %shift_left3A_1048 = arith.shli %xor3A_1044, %shift_left3A_1047 : vector<64x128xi32>
    %shift_right_logical3A_1049 = arith.constant 8 : i32
    %shift_right_logical3A_1050 = vector.broadcast %shift_right_logical3A_1049 : i32 to vector<64x128xi32>
    %shift_right_logical3A_1051 = arith.shrui %xor3A_1044, %shift_right_logical3A_1050 : vector<64x128xi32>
    %or3A_1052 = arith.ori %shift_left3A_1048, %shift_right_logical3A_1051 : vector<64x128xi32>
    %xor3A_1053 = arith.xori %add3A_1045, %or3A_1052 : vector<64x128xi32>
    %add3A_1054 = arith.addi %add3A_1045, %add3A_888 : vector<64x128xi32>
    %add3A_1055 = arith.addi %xor3A_1053, %xor3A_892 : vector<64x128xi32>
    %add3A_1056 = arith.constant 4 : i32
    %add3A_1057 = vector.broadcast %add3A_1056 : i32 to vector<64x128xi32>
    %add3A_1058 = arith.addi %add3A_1055, %add3A_1057 : vector<64x128xi32>
    %add3A_1059 = arith.addi %add3A_1054, %add3A_1058 : vector<64x128xi32>
    %shift_left3A_1060 = arith.constant 13 : i32
    %shift_left3A_1061 = vector.broadcast %shift_left3A_1060 : i32 to vector<64x128xi32>
    %shift_left3A_1062 = arith.shli %add3A_1058, %shift_left3A_1061 : vector<64x128xi32>
    %shift_right_logical3A_1063 = arith.constant 19 : i32
    %shift_right_logical3A_1064 = vector.broadcast %shift_right_logical3A_1063 : i32 to vector<64x128xi32>
    %shift_right_logical3A_1065 = arith.shrui %add3A_1058, %shift_right_logical3A_1064 : vector<64x128xi32>
    %or3A_1066 = arith.ori %shift_left3A_1062, %shift_right_logical3A_1065 : vector<64x128xi32>
    %xor3A_1067 = arith.xori %add3A_1059, %or3A_1066 : vector<64x128xi32>
    %add3A_1068 = arith.addi %add3A_1059, %xor3A_1067 : vector<64x128xi32>
    %shift_left3A_1069 = arith.constant 15 : i32
    %shift_left3A_1070 = vector.broadcast %shift_left3A_1069 : i32 to vector<64x128xi32>
    %shift_left3A_1071 = arith.shli %xor3A_1067, %shift_left3A_1070 : vector<64x128xi32>
    %shift_right_logical3A_1072 = arith.constant 17 : i32
    %shift_right_logical3A_1073 = vector.broadcast %shift_right_logical3A_1072 : i32 to vector<64x128xi32>
    %shift_right_logical3A_1074 = arith.shrui %xor3A_1067, %shift_right_logical3A_1073 : vector<64x128xi32>
    %or3A_1075 = arith.ori %shift_left3A_1071, %shift_right_logical3A_1074 : vector<64x128xi32>
    %xor3A_1076 = arith.xori %add3A_1068, %or3A_1075 : vector<64x128xi32>
    %add3A_1077 = arith.addi %add3A_1068, %xor3A_1076 : vector<64x128xi32>
    %shift_left3A_1078 = arith.constant 26 : i32
    %shift_left3A_1079 = vector.broadcast %shift_left3A_1078 : i32 to vector<64x128xi32>
    %shift_left3A_1080 = arith.shli %xor3A_1076, %shift_left3A_1079 : vector<64x128xi32>
    %shift_right_logical3A_1081 = arith.constant 6 : i32
    %shift_right_logical3A_1082 = vector.broadcast %shift_right_logical3A_1081 : i32 to vector<64x128xi32>
    %shift_right_logical3A_1083 = arith.shrui %xor3A_1076, %shift_right_logical3A_1082 : vector<64x128xi32>
    %or3A_1084 = arith.ori %shift_left3A_1080, %shift_right_logical3A_1083 : vector<64x128xi32>
    %xor3A_1085 = arith.xori %add3A_1077, %or3A_1084 : vector<64x128xi32>
    %add3A_1086 = arith.addi %add3A_1077, %xor3A_1085 : vector<64x128xi32>
    %shift_left3A_1087 = arith.constant 6 : i32
    %shift_left3A_1088 = vector.broadcast %shift_left3A_1087 : i32 to vector<64x128xi32>
    %shift_left3A_1089 = arith.shli %xor3A_1085, %shift_left3A_1088 : vector<64x128xi32>
    %shift_right_logical3A_1090 = arith.constant 26 : i32
    %shift_right_logical3A_1091 = vector.broadcast %shift_right_logical3A_1090 : i32 to vector<64x128xi32>
    %shift_right_logical3A_1092 = arith.shrui %xor3A_1085, %shift_right_logical3A_1091 : vector<64x128xi32>
    %or3A_1093 = arith.ori %shift_left3A_1089, %shift_right_logical3A_1092 : vector<64x128xi32>
    %xor3A_1094 = arith.xori %add3A_1086, %or3A_1093 : vector<64x128xi32>
    %add3A_1095 = arith.addi %add3A_1086, %xor3A_892 : vector<64x128xi32>
    %add3A_1096 = arith.addi %xor3A_1094, %add3A_884 : vector<64x128xi32>
    %add3A_1097 = arith.constant 5 : i32
    %add3A_1098 = vector.broadcast %add3A_1097 : i32 to vector<64x128xi32>
    %add3A_1099 = arith.addi %add3A_1096, %add3A_1098 : vector<64x128xi32>
    %add3A_1100 = arith.constant 1 : i32
    %add3A_1101 = vector.broadcast %add3A_1100 : i32 to vector<64x128xi32>
    %add3A_1102 = arith.addi %broadcast_in_dim3A_677, %add3A_1101 : vector<64x128xi32>
    %xor3A_1103 = arith.xori %add3A_884, %add3A_888 : vector<64x128xi32>
    %xor3A_1104 = arith.constant 466688986 : i32
    %xor3A_1105 = vector.broadcast %xor3A_1104 : i32 to vector<64x128xi32>
    %xor3A_1106 = arith.xori %xor3A_1103, %xor3A_1105 : vector<64x128xi32>
    %add3A_1107 = arith.addi %broadcast_in_dim3A_677, %add3A_884 : vector<64x128xi32>
    %add3A_1108 = arith.addi %add3A_1102, %add3A_888 : vector<64x128xi32>
    %add3A_1109 = arith.addi %add3A_1107, %add3A_1108 : vector<64x128xi32>
    %shift_left3A_1110 = arith.constant 13 : i32
    %shift_left3A_1111 = vector.broadcast %shift_left3A_1110 : i32 to vector<64x128xi32>
    %shift_left3A_1112 = arith.shli %add3A_1108, %shift_left3A_1111 : vector<64x128xi32>
    %shift_right_logical3A_1113 = arith.constant 19 : i32
    %shift_right_logical3A_1114 = vector.broadcast %shift_right_logical3A_1113 : i32 to vector<64x128xi32>
    %shift_right_logical3A_1115 = arith.shrui %add3A_1108, %shift_right_logical3A_1114 : vector<64x128xi32>
    %or3A_1116 = arith.ori %shift_left3A_1112, %shift_right_logical3A_1115 : vector<64x128xi32>
    %xor3A_1117 = arith.xori %add3A_1109, %or3A_1116 : vector<64x128xi32>
    %add3A_1118 = arith.addi %add3A_1109, %xor3A_1117 : vector<64x128xi32>
    %shift_left3A_1119 = arith.constant 15 : i32
    %shift_left3A_1120 = vector.broadcast %shift_left3A_1119 : i32 to vector<64x128xi32>
    %shift_left3A_1121 = arith.shli %xor3A_1117, %shift_left3A_1120 : vector<64x128xi32>
    %shift_right_logical3A_1122 = arith.constant 17 : i32
    %shift_right_logical3A_1123 = vector.broadcast %shift_right_logical3A_1122 : i32 to vector<64x128xi32>
    %shift_right_logical3A_1124 = arith.shrui %xor3A_1117, %shift_right_logical3A_1123 : vector<64x128xi32>
    %or3A_1125 = arith.ori %shift_left3A_1121, %shift_right_logical3A_1124 : vector<64x128xi32>
    %xor3A_1126 = arith.xori %add3A_1118, %or3A_1125 : vector<64x128xi32>
    %add3A_1127 = arith.addi %add3A_1118, %xor3A_1126 : vector<64x128xi32>
    %shift_left3A_1128 = arith.constant 26 : i32
    %shift_left3A_1129 = vector.broadcast %shift_left3A_1128 : i32 to vector<64x128xi32>
    %shift_left3A_1130 = arith.shli %xor3A_1126, %shift_left3A_1129 : vector<64x128xi32>
    %shift_right_logical3A_1131 = arith.constant 6 : i32
    %shift_right_logical3A_1132 = vector.broadcast %shift_right_logical3A_1131 : i32 to vector<64x128xi32>
    %shift_right_logical3A_1133 = arith.shrui %xor3A_1126, %shift_right_logical3A_1132 : vector<64x128xi32>
    %or3A_1134 = arith.ori %shift_left3A_1130, %shift_right_logical3A_1133 : vector<64x128xi32>
    %xor3A_1135 = arith.xori %add3A_1127, %or3A_1134 : vector<64x128xi32>
    %add3A_1136 = arith.addi %add3A_1127, %xor3A_1135 : vector<64x128xi32>
    %shift_left3A_1137 = arith.constant 6 : i32
    %shift_left3A_1138 = vector.broadcast %shift_left3A_1137 : i32 to vector<64x128xi32>
    %shift_left3A_1139 = arith.shli %xor3A_1135, %shift_left3A_1138 : vector<64x128xi32>
    %shift_right_logical3A_1140 = arith.constant 26 : i32
    %shift_right_logical3A_1141 = vector.broadcast %shift_right_logical3A_1140 : i32 to vector<64x128xi32>
    %shift_right_logical3A_1142 = arith.shrui %xor3A_1135, %shift_right_logical3A_1141 : vector<64x128xi32>
    %or3A_1143 = arith.ori %shift_left3A_1139, %shift_right_logical3A_1142 : vector<64x128xi32>
    %xor3A_1144 = arith.xori %add3A_1136, %or3A_1143 : vector<64x128xi32>
    %add3A_1145 = arith.addi %add3A_1136, %add3A_888 : vector<64x128xi32>
    %add3A_1146 = arith.addi %xor3A_1144, %xor3A_1106 : vector<64x128xi32>
    %add3A_1147 = arith.constant 1 : i32
    %add3A_1148 = vector.broadcast %add3A_1147 : i32 to vector<64x128xi32>
    %add3A_1149 = arith.addi %add3A_1146, %add3A_1148 : vector<64x128xi32>
    %add3A_1150 = arith.addi %add3A_1145, %add3A_1149 : vector<64x128xi32>
    %shift_left3A_1151 = arith.constant 17 : i32
    %shift_left3A_1152 = vector.broadcast %shift_left3A_1151 : i32 to vector<64x128xi32>
    %shift_left3A_1153 = arith.shli %add3A_1149, %shift_left3A_1152 : vector<64x128xi32>
    %shift_right_logical3A_1154 = arith.constant 15 : i32
    %shift_right_logical3A_1155 = vector.broadcast %shift_right_logical3A_1154 : i32 to vector<64x128xi32>
    %shift_right_logical3A_1156 = arith.shrui %add3A_1149, %shift_right_logical3A_1155 : vector<64x128xi32>
    %or3A_1157 = arith.ori %shift_left3A_1153, %shift_right_logical3A_1156 : vector<64x128xi32>
    %xor3A_1158 = arith.xori %add3A_1150, %or3A_1157 : vector<64x128xi32>
    %add3A_1159 = arith.addi %add3A_1150, %xor3A_1158 : vector<64x128xi32>
    %shift_left3A_1160 = arith.constant 29 : i32
    %shift_left3A_1161 = vector.broadcast %shift_left3A_1160 : i32 to vector<64x128xi32>
    %shift_left3A_1162 = arith.shli %xor3A_1158, %shift_left3A_1161 : vector<64x128xi32>
    %shift_right_logical3A_1163 = arith.constant 3 : i32
    %shift_right_logical3A_1164 = vector.broadcast %shift_right_logical3A_1163 : i32 to vector<64x128xi32>
    %shift_right_logical3A_1165 = arith.shrui %xor3A_1158, %shift_right_logical3A_1164 : vector<64x128xi32>
    %or3A_1166 = arith.ori %shift_left3A_1162, %shift_right_logical3A_1165 : vector<64x128xi32>
    %xor3A_1167 = arith.xori %add3A_1159, %or3A_1166 : vector<64x128xi32>
    %add3A_1168 = arith.addi %add3A_1159, %xor3A_1167 : vector<64x128xi32>
    %shift_left3A_1169 = arith.constant 16 : i32
    %shift_left3A_1170 = vector.broadcast %shift_left3A_1169 : i32 to vector<64x128xi32>
    %shift_left3A_1171 = arith.shli %xor3A_1167, %shift_left3A_1170 : vector<64x128xi32>
    %shift_right_logical3A_1172 = arith.constant 16 : i32
    %shift_right_logical3A_1173 = vector.broadcast %shift_right_logical3A_1172 : i32 to vector<64x128xi32>
    %shift_right_logical3A_1174 = arith.shrui %xor3A_1167, %shift_right_logical3A_1173 : vector<64x128xi32>
    %or3A_1175 = arith.ori %shift_left3A_1171, %shift_right_logical3A_1174 : vector<64x128xi32>
    %xor3A_1176 = arith.xori %add3A_1168, %or3A_1175 : vector<64x128xi32>
    %add3A_1177 = arith.addi %add3A_1168, %xor3A_1176 : vector<64x128xi32>
    %shift_left3A_1178 = arith.constant 24 : i32
    %shift_left3A_1179 = vector.broadcast %shift_left3A_1178 : i32 to vector<64x128xi32>
    %shift_left3A_1180 = arith.shli %xor3A_1176, %shift_left3A_1179 : vector<64x128xi32>
    %shift_right_logical3A_1181 = arith.constant 8 : i32
    %shift_right_logical3A_1182 = vector.broadcast %shift_right_logical3A_1181 : i32 to vector<64x128xi32>
    %shift_right_logical3A_1183 = arith.shrui %xor3A_1176, %shift_right_logical3A_1182 : vector<64x128xi32>
    %or3A_1184 = arith.ori %shift_left3A_1180, %shift_right_logical3A_1183 : vector<64x128xi32>
    %xor3A_1185 = arith.xori %add3A_1177, %or3A_1184 : vector<64x128xi32>
    %add3A_1186 = arith.addi %add3A_1177, %xor3A_1106 : vector<64x128xi32>
    %add3A_1187 = arith.addi %xor3A_1185, %add3A_884 : vector<64x128xi32>
    %add3A_1188 = arith.constant 2 : i32
    %add3A_1189 = vector.broadcast %add3A_1188 : i32 to vector<64x128xi32>
    %add3A_1190 = arith.addi %add3A_1187, %add3A_1189 : vector<64x128xi32>
    %add3A_1191 = arith.addi %add3A_1186, %add3A_1190 : vector<64x128xi32>
    %shift_left3A_1192 = arith.constant 13 : i32
    %shift_left3A_1193 = vector.broadcast %shift_left3A_1192 : i32 to vector<64x128xi32>
    %shift_left3A_1194 = arith.shli %add3A_1190, %shift_left3A_1193 : vector<64x128xi32>
    %shift_right_logical3A_1195 = arith.constant 19 : i32
    %shift_right_logical3A_1196 = vector.broadcast %shift_right_logical3A_1195 : i32 to vector<64x128xi32>
    %shift_right_logical3A_1197 = arith.shrui %add3A_1190, %shift_right_logical3A_1196 : vector<64x128xi32>
    %or3A_1198 = arith.ori %shift_left3A_1194, %shift_right_logical3A_1197 : vector<64x128xi32>
    %xor3A_1199 = arith.xori %add3A_1191, %or3A_1198 : vector<64x128xi32>
    %add3A_1200 = arith.addi %add3A_1191, %xor3A_1199 : vector<64x128xi32>
    %shift_left3A_1201 = arith.constant 15 : i32
    %shift_left3A_1202 = vector.broadcast %shift_left3A_1201 : i32 to vector<64x128xi32>
    %shift_left3A_1203 = arith.shli %xor3A_1199, %shift_left3A_1202 : vector<64x128xi32>
    %shift_right_logical3A_1204 = arith.constant 17 : i32
    %shift_right_logical3A_1205 = vector.broadcast %shift_right_logical3A_1204 : i32 to vector<64x128xi32>
    %shift_right_logical3A_1206 = arith.shrui %xor3A_1199, %shift_right_logical3A_1205 : vector<64x128xi32>
    %or3A_1207 = arith.ori %shift_left3A_1203, %shift_right_logical3A_1206 : vector<64x128xi32>
    %xor3A_1208 = arith.xori %add3A_1200, %or3A_1207 : vector<64x128xi32>
    %add3A_1209 = arith.addi %add3A_1200, %xor3A_1208 : vector<64x128xi32>
    %shift_left3A_1210 = arith.constant 26 : i32
    %shift_left3A_1211 = vector.broadcast %shift_left3A_1210 : i32 to vector<64x128xi32>
    %shift_left3A_1212 = arith.shli %xor3A_1208, %shift_left3A_1211 : vector<64x128xi32>
    %shift_right_logical3A_1213 = arith.constant 6 : i32
    %shift_right_logical3A_1214 = vector.broadcast %shift_right_logical3A_1213 : i32 to vector<64x128xi32>
    %shift_right_logical3A_1215 = arith.shrui %xor3A_1208, %shift_right_logical3A_1214 : vector<64x128xi32>
    %or3A_1216 = arith.ori %shift_left3A_1212, %shift_right_logical3A_1215 : vector<64x128xi32>
    %xor3A_1217 = arith.xori %add3A_1209, %or3A_1216 : vector<64x128xi32>
    %add3A_1218 = arith.addi %add3A_1209, %xor3A_1217 : vector<64x128xi32>
    %shift_left3A_1219 = arith.constant 6 : i32
    %shift_left3A_1220 = vector.broadcast %shift_left3A_1219 : i32 to vector<64x128xi32>
    %shift_left3A_1221 = arith.shli %xor3A_1217, %shift_left3A_1220 : vector<64x128xi32>
    %shift_right_logical3A_1222 = arith.constant 26 : i32
    %shift_right_logical3A_1223 = vector.broadcast %shift_right_logical3A_1222 : i32 to vector<64x128xi32>
    %shift_right_logical3A_1224 = arith.shrui %xor3A_1217, %shift_right_logical3A_1223 : vector<64x128xi32>
    %or3A_1225 = arith.ori %shift_left3A_1221, %shift_right_logical3A_1224 : vector<64x128xi32>
    %xor3A_1226 = arith.xori %add3A_1218, %or3A_1225 : vector<64x128xi32>
    %add3A_1227 = arith.addi %add3A_1218, %add3A_884 : vector<64x128xi32>
    %add3A_1228 = arith.addi %xor3A_1226, %add3A_888 : vector<64x128xi32>
    %add3A_1229 = arith.constant 3 : i32
    %add3A_1230 = vector.broadcast %add3A_1229 : i32 to vector<64x128xi32>
    %add3A_1231 = arith.addi %add3A_1228, %add3A_1230 : vector<64x128xi32>
    %add3A_1232 = arith.addi %add3A_1227, %add3A_1231 : vector<64x128xi32>
    %shift_left3A_1233 = arith.constant 17 : i32
    %shift_left3A_1234 = vector.broadcast %shift_left3A_1233 : i32 to vector<64x128xi32>
    %shift_left3A_1235 = arith.shli %add3A_1231, %shift_left3A_1234 : vector<64x128xi32>
    %shift_right_logical3A_1236 = arith.constant 15 : i32
    %shift_right_logical3A_1237 = vector.broadcast %shift_right_logical3A_1236 : i32 to vector<64x128xi32>
    %shift_right_logical3A_1238 = arith.shrui %add3A_1231, %shift_right_logical3A_1237 : vector<64x128xi32>
    %or3A_1239 = arith.ori %shift_left3A_1235, %shift_right_logical3A_1238 : vector<64x128xi32>
    %xor3A_1240 = arith.xori %add3A_1232, %or3A_1239 : vector<64x128xi32>
    %add3A_1241 = arith.addi %add3A_1232, %xor3A_1240 : vector<64x128xi32>
    %shift_left3A_1242 = arith.constant 29 : i32
    %shift_left3A_1243 = vector.broadcast %shift_left3A_1242 : i32 to vector<64x128xi32>
    %shift_left3A_1244 = arith.shli %xor3A_1240, %shift_left3A_1243 : vector<64x128xi32>
    %shift_right_logical3A_1245 = arith.constant 3 : i32
    %shift_right_logical3A_1246 = vector.broadcast %shift_right_logical3A_1245 : i32 to vector<64x128xi32>
    %shift_right_logical3A_1247 = arith.shrui %xor3A_1240, %shift_right_logical3A_1246 : vector<64x128xi32>
    %or3A_1248 = arith.ori %shift_left3A_1244, %shift_right_logical3A_1247 : vector<64x128xi32>
    %xor3A_1249 = arith.xori %add3A_1241, %or3A_1248 : vector<64x128xi32>
    %add3A_1250 = arith.addi %add3A_1241, %xor3A_1249 : vector<64x128xi32>
    %shift_left3A_1251 = arith.constant 16 : i32
    %shift_left3A_1252 = vector.broadcast %shift_left3A_1251 : i32 to vector<64x128xi32>
    %shift_left3A_1253 = arith.shli %xor3A_1249, %shift_left3A_1252 : vector<64x128xi32>
    %shift_right_logical3A_1254 = arith.constant 16 : i32
    %shift_right_logical3A_1255 = vector.broadcast %shift_right_logical3A_1254 : i32 to vector<64x128xi32>
    %shift_right_logical3A_1256 = arith.shrui %xor3A_1249, %shift_right_logical3A_1255 : vector<64x128xi32>
    %or3A_1257 = arith.ori %shift_left3A_1253, %shift_right_logical3A_1256 : vector<64x128xi32>
    %xor3A_1258 = arith.xori %add3A_1250, %or3A_1257 : vector<64x128xi32>
    %add3A_1259 = arith.addi %add3A_1250, %xor3A_1258 : vector<64x128xi32>
    %shift_left3A_1260 = arith.constant 24 : i32
    %shift_left3A_1261 = vector.broadcast %shift_left3A_1260 : i32 to vector<64x128xi32>
    %shift_left3A_1262 = arith.shli %xor3A_1258, %shift_left3A_1261 : vector<64x128xi32>
    %shift_right_logical3A_1263 = arith.constant 8 : i32
    %shift_right_logical3A_1264 = vector.broadcast %shift_right_logical3A_1263 : i32 to vector<64x128xi32>
    %shift_right_logical3A_1265 = arith.shrui %xor3A_1258, %shift_right_logical3A_1264 : vector<64x128xi32>
    %or3A_1266 = arith.ori %shift_left3A_1262, %shift_right_logical3A_1265 : vector<64x128xi32>
    %xor3A_1267 = arith.xori %add3A_1259, %or3A_1266 : vector<64x128xi32>
    %add3A_1268 = arith.addi %add3A_1259, %add3A_888 : vector<64x128xi32>
    %add3A_1269 = arith.addi %xor3A_1267, %xor3A_1106 : vector<64x128xi32>
    %add3A_1270 = arith.constant 4 : i32
    %add3A_1271 = vector.broadcast %add3A_1270 : i32 to vector<64x128xi32>
    %add3A_1272 = arith.addi %add3A_1269, %add3A_1271 : vector<64x128xi32>
    %add3A_1273 = arith.addi %add3A_1268, %add3A_1272 : vector<64x128xi32>
    %shift_left3A_1274 = arith.constant 13 : i32
    %shift_left3A_1275 = vector.broadcast %shift_left3A_1274 : i32 to vector<64x128xi32>
    %shift_left3A_1276 = arith.shli %add3A_1272, %shift_left3A_1275 : vector<64x128xi32>
    %shift_right_logical3A_1277 = arith.constant 19 : i32
    %shift_right_logical3A_1278 = vector.broadcast %shift_right_logical3A_1277 : i32 to vector<64x128xi32>
    %shift_right_logical3A_1279 = arith.shrui %add3A_1272, %shift_right_logical3A_1278 : vector<64x128xi32>
    %or3A_1280 = arith.ori %shift_left3A_1276, %shift_right_logical3A_1279 : vector<64x128xi32>
    %xor3A_1281 = arith.xori %add3A_1273, %or3A_1280 : vector<64x128xi32>
    %add3A_1282 = arith.addi %add3A_1273, %xor3A_1281 : vector<64x128xi32>
    %shift_left3A_1283 = arith.constant 15 : i32
    %shift_left3A_1284 = vector.broadcast %shift_left3A_1283 : i32 to vector<64x128xi32>
    %shift_left3A_1285 = arith.shli %xor3A_1281, %shift_left3A_1284 : vector<64x128xi32>
    %shift_right_logical3A_1286 = arith.constant 17 : i32
    %shift_right_logical3A_1287 = vector.broadcast %shift_right_logical3A_1286 : i32 to vector<64x128xi32>
    %shift_right_logical3A_1288 = arith.shrui %xor3A_1281, %shift_right_logical3A_1287 : vector<64x128xi32>
    %or3A_1289 = arith.ori %shift_left3A_1285, %shift_right_logical3A_1288 : vector<64x128xi32>
    %xor3A_1290 = arith.xori %add3A_1282, %or3A_1289 : vector<64x128xi32>
    %add3A_1291 = arith.addi %add3A_1282, %xor3A_1290 : vector<64x128xi32>
    %shift_left3A_1292 = arith.constant 26 : i32
    %shift_left3A_1293 = vector.broadcast %shift_left3A_1292 : i32 to vector<64x128xi32>
    %shift_left3A_1294 = arith.shli %xor3A_1290, %shift_left3A_1293 : vector<64x128xi32>
    %shift_right_logical3A_1295 = arith.constant 6 : i32
    %shift_right_logical3A_1296 = vector.broadcast %shift_right_logical3A_1295 : i32 to vector<64x128xi32>
    %shift_right_logical3A_1297 = arith.shrui %xor3A_1290, %shift_right_logical3A_1296 : vector<64x128xi32>
    %or3A_1298 = arith.ori %shift_left3A_1294, %shift_right_logical3A_1297 : vector<64x128xi32>
    %xor3A_1299 = arith.xori %add3A_1291, %or3A_1298 : vector<64x128xi32>
    %add3A_1300 = arith.addi %add3A_1291, %xor3A_1299 : vector<64x128xi32>
    %shift_left3A_1301 = arith.constant 6 : i32
    %shift_left3A_1302 = vector.broadcast %shift_left3A_1301 : i32 to vector<64x128xi32>
    %shift_left3A_1303 = arith.shli %xor3A_1299, %shift_left3A_1302 : vector<64x128xi32>
    %shift_right_logical3A_1304 = arith.constant 26 : i32
    %shift_right_logical3A_1305 = vector.broadcast %shift_right_logical3A_1304 : i32 to vector<64x128xi32>
    %shift_right_logical3A_1306 = arith.shrui %xor3A_1299, %shift_right_logical3A_1305 : vector<64x128xi32>
    %or3A_1307 = arith.ori %shift_left3A_1303, %shift_right_logical3A_1306 : vector<64x128xi32>
    %xor3A_1308 = arith.xori %add3A_1300, %or3A_1307 : vector<64x128xi32>
    %add3A_1309 = arith.addi %add3A_1300, %xor3A_1106 : vector<64x128xi32>
    %add3A_1310 = arith.addi %xor3A_1308, %add3A_884 : vector<64x128xi32>
    %add3A_1311 = arith.constant 5 : i32
    %add3A_1312 = vector.broadcast %add3A_1311 : i32 to vector<64x128xi32>
    %add3A_1313 = arith.addi %add3A_1310, %add3A_1312 : vector<64x128xi32>
    %ge3A = arith.constant 1.000000e+00 : f32
    %ge3A_1314 = vector.broadcast %ge3A : f32 to vector<64x128xf32>
    %ge3A_1315 = arith.cmpf oge, %exp3A, %ge3A_1314 : vector<64x128xf32>
    %add3A_1316 = arith.constant 1.000000e+00 : f32
    %add3A_1317 = vector.broadcast %add3A_1316 : f32 to vector<64x128xf32>
    %add3A_1318 = arith.addf %exp3A, %add3A_1317 : vector<64x128xf32>
    %select_n3A_1319 = arith.select %ge3A_1315, %exp3A, %add3A_1318 : vector<64x128xi1>, vector<64x128xf32>
    %sub3A_1320 = arith.constant 0.333333343 : f32
    %sub3A_1321 = vector.broadcast %sub3A_1320 : f32 to vector<64x128xf32>
    %sub3A_1322 = arith.subf %select_n3A_1319, %sub3A_1321 : vector<64x128xf32>
    %sqrt3A = math.sqrt %sub3A_1322 : vector<64x128xf32>
    %div3A_1323 = arith.constant 0.333333343 : f32
    %div3A_1324 = vector.broadcast %div3A_1323 : f32 to vector<64x128xf32>
    %div3A_1325 = arith.divf %div3A_1324, %sqrt3A : vector<64x128xf32>
    %xor3A_1326 = arith.xori %add3A_1095, %add3A_1099 : vector<64x128xi32>
    %xor3A_1327 = arith.constant 466688986 : i32
    %xor3A_1328 = vector.broadcast %xor3A_1327 : i32 to vector<64x128xi32>
    %xor3A_1329 = arith.xori %xor3A_1326, %xor3A_1328 : vector<64x128xi32>
    %add3A_1330 = arith.addi %broadcast_in_dim3A_677, %add3A_1095 : vector<64x128xi32>
    %add3A_1331 = arith.addi %broadcast_in_dim3A_677, %add3A_1099 : vector<64x128xi32>
    %add3A_1332 = arith.addi %add3A_1330, %add3A_1331 : vector<64x128xi32>
    %shift_left3A_1333 = arith.constant 13 : i32
    %shift_left3A_1334 = vector.broadcast %shift_left3A_1333 : i32 to vector<64x128xi32>
    %shift_left3A_1335 = arith.shli %add3A_1331, %shift_left3A_1334 : vector<64x128xi32>
    %shift_right_logical3A_1336 = arith.constant 19 : i32
    %shift_right_logical3A_1337 = vector.broadcast %shift_right_logical3A_1336 : i32 to vector<64x128xi32>
    %shift_right_logical3A_1338 = arith.shrui %add3A_1331, %shift_right_logical3A_1337 : vector<64x128xi32>
    %or3A_1339 = arith.ori %shift_left3A_1335, %shift_right_logical3A_1338 : vector<64x128xi32>
    %xor3A_1340 = arith.xori %add3A_1332, %or3A_1339 : vector<64x128xi32>
    %add3A_1341 = arith.addi %add3A_1332, %xor3A_1340 : vector<64x128xi32>
    %shift_left3A_1342 = arith.constant 15 : i32
    %shift_left3A_1343 = vector.broadcast %shift_left3A_1342 : i32 to vector<64x128xi32>
    %shift_left3A_1344 = arith.shli %xor3A_1340, %shift_left3A_1343 : vector<64x128xi32>
    %shift_right_logical3A_1345 = arith.constant 17 : i32
    %shift_right_logical3A_1346 = vector.broadcast %shift_right_logical3A_1345 : i32 to vector<64x128xi32>
    %shift_right_logical3A_1347 = arith.shrui %xor3A_1340, %shift_right_logical3A_1346 : vector<64x128xi32>
    %or3A_1348 = arith.ori %shift_left3A_1344, %shift_right_logical3A_1347 : vector<64x128xi32>
    %xor3A_1349 = arith.xori %add3A_1341, %or3A_1348 : vector<64x128xi32>
    %add3A_1350 = arith.addi %add3A_1341, %xor3A_1349 : vector<64x128xi32>
    %shift_left3A_1351 = arith.constant 26 : i32
    %shift_left3A_1352 = vector.broadcast %shift_left3A_1351 : i32 to vector<64x128xi32>
    %shift_left3A_1353 = arith.shli %xor3A_1349, %shift_left3A_1352 : vector<64x128xi32>
    %shift_right_logical3A_1354 = arith.constant 6 : i32
    %shift_right_logical3A_1355 = vector.broadcast %shift_right_logical3A_1354 : i32 to vector<64x128xi32>
    %shift_right_logical3A_1356 = arith.shrui %xor3A_1349, %shift_right_logical3A_1355 : vector<64x128xi32>
    %or3A_1357 = arith.ori %shift_left3A_1353, %shift_right_logical3A_1356 : vector<64x128xi32>
    %xor3A_1358 = arith.xori %add3A_1350, %or3A_1357 : vector<64x128xi32>
    %add3A_1359 = arith.addi %add3A_1350, %xor3A_1358 : vector<64x128xi32>
    %shift_left3A_1360 = arith.constant 6 : i32
    %shift_left3A_1361 = vector.broadcast %shift_left3A_1360 : i32 to vector<64x128xi32>
    %shift_left3A_1362 = arith.shli %xor3A_1358, %shift_left3A_1361 : vector<64x128xi32>
    %shift_right_logical3A_1363 = arith.constant 26 : i32
    %shift_right_logical3A_1364 = vector.broadcast %shift_right_logical3A_1363 : i32 to vector<64x128xi32>
    %shift_right_logical3A_1365 = arith.shrui %xor3A_1358, %shift_right_logical3A_1364 : vector<64x128xi32>
    %or3A_1366 = arith.ori %shift_left3A_1362, %shift_right_logical3A_1365 : vector<64x128xi32>
    %xor3A_1367 = arith.xori %add3A_1359, %or3A_1366 : vector<64x128xi32>
    %add3A_1368 = arith.addi %add3A_1359, %add3A_1099 : vector<64x128xi32>
    %add3A_1369 = arith.addi %xor3A_1367, %xor3A_1329 : vector<64x128xi32>
    %add3A_1370 = arith.constant 1 : i32
    %add3A_1371 = vector.broadcast %add3A_1370 : i32 to vector<64x128xi32>
    %add3A_1372 = arith.addi %add3A_1369, %add3A_1371 : vector<64x128xi32>
    %add3A_1373 = arith.addi %add3A_1368, %add3A_1372 : vector<64x128xi32>
    %shift_left3A_1374 = arith.constant 17 : i32
    %shift_left3A_1375 = vector.broadcast %shift_left3A_1374 : i32 to vector<64x128xi32>
    %shift_left3A_1376 = arith.shli %add3A_1372, %shift_left3A_1375 : vector<64x128xi32>
    %shift_right_logical3A_1377 = arith.constant 15 : i32
    %shift_right_logical3A_1378 = vector.broadcast %shift_right_logical3A_1377 : i32 to vector<64x128xi32>
    %shift_right_logical3A_1379 = arith.shrui %add3A_1372, %shift_right_logical3A_1378 : vector<64x128xi32>
    %or3A_1380 = arith.ori %shift_left3A_1376, %shift_right_logical3A_1379 : vector<64x128xi32>
    %xor3A_1381 = arith.xori %add3A_1373, %or3A_1380 : vector<64x128xi32>
    %add3A_1382 = arith.addi %add3A_1373, %xor3A_1381 : vector<64x128xi32>
    %shift_left3A_1383 = arith.constant 29 : i32
    %shift_left3A_1384 = vector.broadcast %shift_left3A_1383 : i32 to vector<64x128xi32>
    %shift_left3A_1385 = arith.shli %xor3A_1381, %shift_left3A_1384 : vector<64x128xi32>
    %shift_right_logical3A_1386 = arith.constant 3 : i32
    %shift_right_logical3A_1387 = vector.broadcast %shift_right_logical3A_1386 : i32 to vector<64x128xi32>
    %shift_right_logical3A_1388 = arith.shrui %xor3A_1381, %shift_right_logical3A_1387 : vector<64x128xi32>
    %or3A_1389 = arith.ori %shift_left3A_1385, %shift_right_logical3A_1388 : vector<64x128xi32>
    %xor3A_1390 = arith.xori %add3A_1382, %or3A_1389 : vector<64x128xi32>
    %add3A_1391 = arith.addi %add3A_1382, %xor3A_1390 : vector<64x128xi32>
    %shift_left3A_1392 = arith.constant 16 : i32
    %shift_left3A_1393 = vector.broadcast %shift_left3A_1392 : i32 to vector<64x128xi32>
    %shift_left3A_1394 = arith.shli %xor3A_1390, %shift_left3A_1393 : vector<64x128xi32>
    %shift_right_logical3A_1395 = arith.constant 16 : i32
    %shift_right_logical3A_1396 = vector.broadcast %shift_right_logical3A_1395 : i32 to vector<64x128xi32>
    %shift_right_logical3A_1397 = arith.shrui %xor3A_1390, %shift_right_logical3A_1396 : vector<64x128xi32>
    %or3A_1398 = arith.ori %shift_left3A_1394, %shift_right_logical3A_1397 : vector<64x128xi32>
    %xor3A_1399 = arith.xori %add3A_1391, %or3A_1398 : vector<64x128xi32>
    %add3A_1400 = arith.addi %add3A_1391, %xor3A_1399 : vector<64x128xi32>
    %shift_left3A_1401 = arith.constant 24 : i32
    %shift_left3A_1402 = vector.broadcast %shift_left3A_1401 : i32 to vector<64x128xi32>
    %shift_left3A_1403 = arith.shli %xor3A_1399, %shift_left3A_1402 : vector<64x128xi32>
    %shift_right_logical3A_1404 = arith.constant 8 : i32
    %shift_right_logical3A_1405 = vector.broadcast %shift_right_logical3A_1404 : i32 to vector<64x128xi32>
    %shift_right_logical3A_1406 = arith.shrui %xor3A_1399, %shift_right_logical3A_1405 : vector<64x128xi32>
    %or3A_1407 = arith.ori %shift_left3A_1403, %shift_right_logical3A_1406 : vector<64x128xi32>
    %xor3A_1408 = arith.xori %add3A_1400, %or3A_1407 : vector<64x128xi32>
    %add3A_1409 = arith.addi %add3A_1400, %xor3A_1329 : vector<64x128xi32>
    %add3A_1410 = arith.addi %xor3A_1408, %add3A_1095 : vector<64x128xi32>
    %add3A_1411 = arith.constant 2 : i32
    %add3A_1412 = vector.broadcast %add3A_1411 : i32 to vector<64x128xi32>
    %add3A_1413 = arith.addi %add3A_1410, %add3A_1412 : vector<64x128xi32>
    %add3A_1414 = arith.addi %add3A_1409, %add3A_1413 : vector<64x128xi32>
    %shift_left3A_1415 = arith.constant 13 : i32
    %shift_left3A_1416 = vector.broadcast %shift_left3A_1415 : i32 to vector<64x128xi32>
    %shift_left3A_1417 = arith.shli %add3A_1413, %shift_left3A_1416 : vector<64x128xi32>
    %shift_right_logical3A_1418 = arith.constant 19 : i32
    %shift_right_logical3A_1419 = vector.broadcast %shift_right_logical3A_1418 : i32 to vector<64x128xi32>
    %shift_right_logical3A_1420 = arith.shrui %add3A_1413, %shift_right_logical3A_1419 : vector<64x128xi32>
    %or3A_1421 = arith.ori %shift_left3A_1417, %shift_right_logical3A_1420 : vector<64x128xi32>
    %xor3A_1422 = arith.xori %add3A_1414, %or3A_1421 : vector<64x128xi32>
    %add3A_1423 = arith.addi %add3A_1414, %xor3A_1422 : vector<64x128xi32>
    %shift_left3A_1424 = arith.constant 15 : i32
    %shift_left3A_1425 = vector.broadcast %shift_left3A_1424 : i32 to vector<64x128xi32>
    %shift_left3A_1426 = arith.shli %xor3A_1422, %shift_left3A_1425 : vector<64x128xi32>
    %shift_right_logical3A_1427 = arith.constant 17 : i32
    %shift_right_logical3A_1428 = vector.broadcast %shift_right_logical3A_1427 : i32 to vector<64x128xi32>
    %shift_right_logical3A_1429 = arith.shrui %xor3A_1422, %shift_right_logical3A_1428 : vector<64x128xi32>
    %or3A_1430 = arith.ori %shift_left3A_1426, %shift_right_logical3A_1429 : vector<64x128xi32>
    %xor3A_1431 = arith.xori %add3A_1423, %or3A_1430 : vector<64x128xi32>
    %add3A_1432 = arith.addi %add3A_1423, %xor3A_1431 : vector<64x128xi32>
    %shift_left3A_1433 = arith.constant 26 : i32
    %shift_left3A_1434 = vector.broadcast %shift_left3A_1433 : i32 to vector<64x128xi32>
    %shift_left3A_1435 = arith.shli %xor3A_1431, %shift_left3A_1434 : vector<64x128xi32>
    %shift_right_logical3A_1436 = arith.constant 6 : i32
    %shift_right_logical3A_1437 = vector.broadcast %shift_right_logical3A_1436 : i32 to vector<64x128xi32>
    %shift_right_logical3A_1438 = arith.shrui %xor3A_1431, %shift_right_logical3A_1437 : vector<64x128xi32>
    %or3A_1439 = arith.ori %shift_left3A_1435, %shift_right_logical3A_1438 : vector<64x128xi32>
    %xor3A_1440 = arith.xori %add3A_1432, %or3A_1439 : vector<64x128xi32>
    %add3A_1441 = arith.addi %add3A_1432, %xor3A_1440 : vector<64x128xi32>
    %shift_left3A_1442 = arith.constant 6 : i32
    %shift_left3A_1443 = vector.broadcast %shift_left3A_1442 : i32 to vector<64x128xi32>
    %shift_left3A_1444 = arith.shli %xor3A_1440, %shift_left3A_1443 : vector<64x128xi32>
    %shift_right_logical3A_1445 = arith.constant 26 : i32
    %shift_right_logical3A_1446 = vector.broadcast %shift_right_logical3A_1445 : i32 to vector<64x128xi32>
    %shift_right_logical3A_1447 = arith.shrui %xor3A_1440, %shift_right_logical3A_1446 : vector<64x128xi32>
    %or3A_1448 = arith.ori %shift_left3A_1444, %shift_right_logical3A_1447 : vector<64x128xi32>
    %xor3A_1449 = arith.xori %add3A_1441, %or3A_1448 : vector<64x128xi32>
    %add3A_1450 = arith.addi %add3A_1441, %add3A_1095 : vector<64x128xi32>
    %add3A_1451 = arith.addi %xor3A_1449, %add3A_1099 : vector<64x128xi32>
    %add3A_1452 = arith.constant 3 : i32
    %add3A_1453 = vector.broadcast %add3A_1452 : i32 to vector<64x128xi32>
    %add3A_1454 = arith.addi %add3A_1451, %add3A_1453 : vector<64x128xi32>
    %add3A_1455 = arith.addi %add3A_1450, %add3A_1454 : vector<64x128xi32>
    %shift_left3A_1456 = arith.constant 17 : i32
    %shift_left3A_1457 = vector.broadcast %shift_left3A_1456 : i32 to vector<64x128xi32>
    %shift_left3A_1458 = arith.shli %add3A_1454, %shift_left3A_1457 : vector<64x128xi32>
    %shift_right_logical3A_1459 = arith.constant 15 : i32
    %shift_right_logical3A_1460 = vector.broadcast %shift_right_logical3A_1459 : i32 to vector<64x128xi32>
    %shift_right_logical3A_1461 = arith.shrui %add3A_1454, %shift_right_logical3A_1460 : vector<64x128xi32>
    %or3A_1462 = arith.ori %shift_left3A_1458, %shift_right_logical3A_1461 : vector<64x128xi32>
    %xor3A_1463 = arith.xori %add3A_1455, %or3A_1462 : vector<64x128xi32>
    %add3A_1464 = arith.addi %add3A_1455, %xor3A_1463 : vector<64x128xi32>
    %shift_left3A_1465 = arith.constant 29 : i32
    %shift_left3A_1466 = vector.broadcast %shift_left3A_1465 : i32 to vector<64x128xi32>
    %shift_left3A_1467 = arith.shli %xor3A_1463, %shift_left3A_1466 : vector<64x128xi32>
    %shift_right_logical3A_1468 = arith.constant 3 : i32
    %shift_right_logical3A_1469 = vector.broadcast %shift_right_logical3A_1468 : i32 to vector<64x128xi32>
    %shift_right_logical3A_1470 = arith.shrui %xor3A_1463, %shift_right_logical3A_1469 : vector<64x128xi32>
    %or3A_1471 = arith.ori %shift_left3A_1467, %shift_right_logical3A_1470 : vector<64x128xi32>
    %xor3A_1472 = arith.xori %add3A_1464, %or3A_1471 : vector<64x128xi32>
    %add3A_1473 = arith.addi %add3A_1464, %xor3A_1472 : vector<64x128xi32>
    %shift_left3A_1474 = arith.constant 16 : i32
    %shift_left3A_1475 = vector.broadcast %shift_left3A_1474 : i32 to vector<64x128xi32>
    %shift_left3A_1476 = arith.shli %xor3A_1472, %shift_left3A_1475 : vector<64x128xi32>
    %shift_right_logical3A_1477 = arith.constant 16 : i32
    %shift_right_logical3A_1478 = vector.broadcast %shift_right_logical3A_1477 : i32 to vector<64x128xi32>
    %shift_right_logical3A_1479 = arith.shrui %xor3A_1472, %shift_right_logical3A_1478 : vector<64x128xi32>
    %or3A_1480 = arith.ori %shift_left3A_1476, %shift_right_logical3A_1479 : vector<64x128xi32>
    %xor3A_1481 = arith.xori %add3A_1473, %or3A_1480 : vector<64x128xi32>
    %add3A_1482 = arith.addi %add3A_1473, %xor3A_1481 : vector<64x128xi32>
    %shift_left3A_1483 = arith.constant 24 : i32
    %shift_left3A_1484 = vector.broadcast %shift_left3A_1483 : i32 to vector<64x128xi32>
    %shift_left3A_1485 = arith.shli %xor3A_1481, %shift_left3A_1484 : vector<64x128xi32>
    %shift_right_logical3A_1486 = arith.constant 8 : i32
    %shift_right_logical3A_1487 = vector.broadcast %shift_right_logical3A_1486 : i32 to vector<64x128xi32>
    %shift_right_logical3A_1488 = arith.shrui %xor3A_1481, %shift_right_logical3A_1487 : vector<64x128xi32>
    %or3A_1489 = arith.ori %shift_left3A_1485, %shift_right_logical3A_1488 : vector<64x128xi32>
    %xor3A_1490 = arith.xori %add3A_1482, %or3A_1489 : vector<64x128xi32>
    %add3A_1491 = arith.addi %add3A_1482, %add3A_1099 : vector<64x128xi32>
    %add3A_1492 = arith.addi %xor3A_1490, %xor3A_1329 : vector<64x128xi32>
    %add3A_1493 = arith.constant 4 : i32
    %add3A_1494 = vector.broadcast %add3A_1493 : i32 to vector<64x128xi32>
    %add3A_1495 = arith.addi %add3A_1492, %add3A_1494 : vector<64x128xi32>
    %add3A_1496 = arith.addi %add3A_1491, %add3A_1495 : vector<64x128xi32>
    %shift_left3A_1497 = arith.constant 13 : i32
    %shift_left3A_1498 = vector.broadcast %shift_left3A_1497 : i32 to vector<64x128xi32>
    %shift_left3A_1499 = arith.shli %add3A_1495, %shift_left3A_1498 : vector<64x128xi32>
    %shift_right_logical3A_1500 = arith.constant 19 : i32
    %shift_right_logical3A_1501 = vector.broadcast %shift_right_logical3A_1500 : i32 to vector<64x128xi32>
    %shift_right_logical3A_1502 = arith.shrui %add3A_1495, %shift_right_logical3A_1501 : vector<64x128xi32>
    %or3A_1503 = arith.ori %shift_left3A_1499, %shift_right_logical3A_1502 : vector<64x128xi32>
    %xor3A_1504 = arith.xori %add3A_1496, %or3A_1503 : vector<64x128xi32>
    %add3A_1505 = arith.addi %add3A_1496, %xor3A_1504 : vector<64x128xi32>
    %shift_left3A_1506 = arith.constant 15 : i32
    %shift_left3A_1507 = vector.broadcast %shift_left3A_1506 : i32 to vector<64x128xi32>
    %shift_left3A_1508 = arith.shli %xor3A_1504, %shift_left3A_1507 : vector<64x128xi32>
    %shift_right_logical3A_1509 = arith.constant 17 : i32
    %shift_right_logical3A_1510 = vector.broadcast %shift_right_logical3A_1509 : i32 to vector<64x128xi32>
    %shift_right_logical3A_1511 = arith.shrui %xor3A_1504, %shift_right_logical3A_1510 : vector<64x128xi32>
    %or3A_1512 = arith.ori %shift_left3A_1508, %shift_right_logical3A_1511 : vector<64x128xi32>
    %xor3A_1513 = arith.xori %add3A_1505, %or3A_1512 : vector<64x128xi32>
    %add3A_1514 = arith.addi %add3A_1505, %xor3A_1513 : vector<64x128xi32>
    %shift_left3A_1515 = arith.constant 26 : i32
    %shift_left3A_1516 = vector.broadcast %shift_left3A_1515 : i32 to vector<64x128xi32>
    %shift_left3A_1517 = arith.shli %xor3A_1513, %shift_left3A_1516 : vector<64x128xi32>
    %shift_right_logical3A_1518 = arith.constant 6 : i32
    %shift_right_logical3A_1519 = vector.broadcast %shift_right_logical3A_1518 : i32 to vector<64x128xi32>
    %shift_right_logical3A_1520 = arith.shrui %xor3A_1513, %shift_right_logical3A_1519 : vector<64x128xi32>
    %or3A_1521 = arith.ori %shift_left3A_1517, %shift_right_logical3A_1520 : vector<64x128xi32>
    %xor3A_1522 = arith.xori %add3A_1514, %or3A_1521 : vector<64x128xi32>
    %add3A_1523 = arith.addi %add3A_1514, %xor3A_1522 : vector<64x128xi32>
    %shift_left3A_1524 = arith.constant 6 : i32
    %shift_left3A_1525 = vector.broadcast %shift_left3A_1524 : i32 to vector<64x128xi32>
    %shift_left3A_1526 = arith.shli %xor3A_1522, %shift_left3A_1525 : vector<64x128xi32>
    %shift_right_logical3A_1527 = arith.constant 26 : i32
    %shift_right_logical3A_1528 = vector.broadcast %shift_right_logical3A_1527 : i32 to vector<64x128xi32>
    %shift_right_logical3A_1529 = arith.shrui %xor3A_1522, %shift_right_logical3A_1528 : vector<64x128xi32>
    %or3A_1530 = arith.ori %shift_left3A_1526, %shift_right_logical3A_1529 : vector<64x128xi32>
    %xor3A_1531 = arith.xori %add3A_1523, %or3A_1530 : vector<64x128xi32>
    %add3A_1532 = arith.addi %add3A_1523, %xor3A_1329 : vector<64x128xi32>
    %add3A_1533 = arith.addi %xor3A_1531, %add3A_1095 : vector<64x128xi32>
    %add3A_1534 = arith.constant 5 : i32
    %add3A_1535 = vector.broadcast %add3A_1534 : i32 to vector<64x128xi32>
    %add3A_1536 = arith.addi %add3A_1533, %add3A_1535 : vector<64x128xi32>
    %add3A_1537 = arith.constant 1 : i32
    %add3A_1538 = vector.broadcast %add3A_1537 : i32 to vector<64x128xi32>
    %add3A_1539 = arith.addi %broadcast_in_dim3A_677, %add3A_1538 : vector<64x128xi32>
    %xor3A_1540 = arith.xori %add3A_1095, %add3A_1099 : vector<64x128xi32>
    %xor3A_1541 = arith.constant 466688986 : i32
    %xor3A_1542 = vector.broadcast %xor3A_1541 : i32 to vector<64x128xi32>
    %xor3A_1543 = arith.xori %xor3A_1540, %xor3A_1542 : vector<64x128xi32>
    %add3A_1544 = arith.addi %broadcast_in_dim3A_677, %add3A_1095 : vector<64x128xi32>
    %add3A_1545 = arith.addi %add3A_1539, %add3A_1099 : vector<64x128xi32>
    %add3A_1546 = arith.addi %add3A_1544, %add3A_1545 : vector<64x128xi32>
    %shift_left3A_1547 = arith.constant 13 : i32
    %shift_left3A_1548 = vector.broadcast %shift_left3A_1547 : i32 to vector<64x128xi32>
    %shift_left3A_1549 = arith.shli %add3A_1545, %shift_left3A_1548 : vector<64x128xi32>
    %shift_right_logical3A_1550 = arith.constant 19 : i32
    %shift_right_logical3A_1551 = vector.broadcast %shift_right_logical3A_1550 : i32 to vector<64x128xi32>
    %shift_right_logical3A_1552 = arith.shrui %add3A_1545, %shift_right_logical3A_1551 : vector<64x128xi32>
    %or3A_1553 = arith.ori %shift_left3A_1549, %shift_right_logical3A_1552 : vector<64x128xi32>
    %xor3A_1554 = arith.xori %add3A_1546, %or3A_1553 : vector<64x128xi32>
    %add3A_1555 = arith.addi %add3A_1546, %xor3A_1554 : vector<64x128xi32>
    %shift_left3A_1556 = arith.constant 15 : i32
    %shift_left3A_1557 = vector.broadcast %shift_left3A_1556 : i32 to vector<64x128xi32>
    %shift_left3A_1558 = arith.shli %xor3A_1554, %shift_left3A_1557 : vector<64x128xi32>
    %shift_right_logical3A_1559 = arith.constant 17 : i32
    %shift_right_logical3A_1560 = vector.broadcast %shift_right_logical3A_1559 : i32 to vector<64x128xi32>
    %shift_right_logical3A_1561 = arith.shrui %xor3A_1554, %shift_right_logical3A_1560 : vector<64x128xi32>
    %or3A_1562 = arith.ori %shift_left3A_1558, %shift_right_logical3A_1561 : vector<64x128xi32>
    %xor3A_1563 = arith.xori %add3A_1555, %or3A_1562 : vector<64x128xi32>
    %add3A_1564 = arith.addi %add3A_1555, %xor3A_1563 : vector<64x128xi32>
    %shift_left3A_1565 = arith.constant 26 : i32
    %shift_left3A_1566 = vector.broadcast %shift_left3A_1565 : i32 to vector<64x128xi32>
    %shift_left3A_1567 = arith.shli %xor3A_1563, %shift_left3A_1566 : vector<64x128xi32>
    %shift_right_logical3A_1568 = arith.constant 6 : i32
    %shift_right_logical3A_1569 = vector.broadcast %shift_right_logical3A_1568 : i32 to vector<64x128xi32>
    %shift_right_logical3A_1570 = arith.shrui %xor3A_1563, %shift_right_logical3A_1569 : vector<64x128xi32>
    %or3A_1571 = arith.ori %shift_left3A_1567, %shift_right_logical3A_1570 : vector<64x128xi32>
    %xor3A_1572 = arith.xori %add3A_1564, %or3A_1571 : vector<64x128xi32>
    %add3A_1573 = arith.addi %add3A_1564, %xor3A_1572 : vector<64x128xi32>
    %shift_left3A_1574 = arith.constant 6 : i32
    %shift_left3A_1575 = vector.broadcast %shift_left3A_1574 : i32 to vector<64x128xi32>
    %shift_left3A_1576 = arith.shli %xor3A_1572, %shift_left3A_1575 : vector<64x128xi32>
    %shift_right_logical3A_1577 = arith.constant 26 : i32
    %shift_right_logical3A_1578 = vector.broadcast %shift_right_logical3A_1577 : i32 to vector<64x128xi32>
    %shift_right_logical3A_1579 = arith.shrui %xor3A_1572, %shift_right_logical3A_1578 : vector<64x128xi32>
    %or3A_1580 = arith.ori %shift_left3A_1576, %shift_right_logical3A_1579 : vector<64x128xi32>
    %xor3A_1581 = arith.xori %add3A_1573, %or3A_1580 : vector<64x128xi32>
    %add3A_1582 = arith.addi %add3A_1573, %add3A_1099 : vector<64x128xi32>
    %add3A_1583 = arith.addi %xor3A_1581, %xor3A_1543 : vector<64x128xi32>
    %add3A_1584 = arith.constant 1 : i32
    %add3A_1585 = vector.broadcast %add3A_1584 : i32 to vector<64x128xi32>
    %add3A_1586 = arith.addi %add3A_1583, %add3A_1585 : vector<64x128xi32>
    %add3A_1587 = arith.addi %add3A_1582, %add3A_1586 : vector<64x128xi32>
    %shift_left3A_1588 = arith.constant 17 : i32
    %shift_left3A_1589 = vector.broadcast %shift_left3A_1588 : i32 to vector<64x128xi32>
    %shift_left3A_1590 = arith.shli %add3A_1586, %shift_left3A_1589 : vector<64x128xi32>
    %shift_right_logical3A_1591 = arith.constant 15 : i32
    %shift_right_logical3A_1592 = vector.broadcast %shift_right_logical3A_1591 : i32 to vector<64x128xi32>
    %shift_right_logical3A_1593 = arith.shrui %add3A_1586, %shift_right_logical3A_1592 : vector<64x128xi32>
    %or3A_1594 = arith.ori %shift_left3A_1590, %shift_right_logical3A_1593 : vector<64x128xi32>
    %xor3A_1595 = arith.xori %add3A_1587, %or3A_1594 : vector<64x128xi32>
    %add3A_1596 = arith.addi %add3A_1587, %xor3A_1595 : vector<64x128xi32>
    %shift_left3A_1597 = arith.constant 29 : i32
    %shift_left3A_1598 = vector.broadcast %shift_left3A_1597 : i32 to vector<64x128xi32>
    %shift_left3A_1599 = arith.shli %xor3A_1595, %shift_left3A_1598 : vector<64x128xi32>
    %shift_right_logical3A_1600 = arith.constant 3 : i32
    %shift_right_logical3A_1601 = vector.broadcast %shift_right_logical3A_1600 : i32 to vector<64x128xi32>
    %shift_right_logical3A_1602 = arith.shrui %xor3A_1595, %shift_right_logical3A_1601 : vector<64x128xi32>
    %or3A_1603 = arith.ori %shift_left3A_1599, %shift_right_logical3A_1602 : vector<64x128xi32>
    %xor3A_1604 = arith.xori %add3A_1596, %or3A_1603 : vector<64x128xi32>
    %add3A_1605 = arith.addi %add3A_1596, %xor3A_1604 : vector<64x128xi32>
    %shift_left3A_1606 = arith.constant 16 : i32
    %shift_left3A_1607 = vector.broadcast %shift_left3A_1606 : i32 to vector<64x128xi32>
    %shift_left3A_1608 = arith.shli %xor3A_1604, %shift_left3A_1607 : vector<64x128xi32>
    %shift_right_logical3A_1609 = arith.constant 16 : i32
    %shift_right_logical3A_1610 = vector.broadcast %shift_right_logical3A_1609 : i32 to vector<64x128xi32>
    %shift_right_logical3A_1611 = arith.shrui %xor3A_1604, %shift_right_logical3A_1610 : vector<64x128xi32>
    %or3A_1612 = arith.ori %shift_left3A_1608, %shift_right_logical3A_1611 : vector<64x128xi32>
    %xor3A_1613 = arith.xori %add3A_1605, %or3A_1612 : vector<64x128xi32>
    %add3A_1614 = arith.addi %add3A_1605, %xor3A_1613 : vector<64x128xi32>
    %shift_left3A_1615 = arith.constant 24 : i32
    %shift_left3A_1616 = vector.broadcast %shift_left3A_1615 : i32 to vector<64x128xi32>
    %shift_left3A_1617 = arith.shli %xor3A_1613, %shift_left3A_1616 : vector<64x128xi32>
    %shift_right_logical3A_1618 = arith.constant 8 : i32
    %shift_right_logical3A_1619 = vector.broadcast %shift_right_logical3A_1618 : i32 to vector<64x128xi32>
    %shift_right_logical3A_1620 = arith.shrui %xor3A_1613, %shift_right_logical3A_1619 : vector<64x128xi32>
    %or3A_1621 = arith.ori %shift_left3A_1617, %shift_right_logical3A_1620 : vector<64x128xi32>
    %xor3A_1622 = arith.xori %add3A_1614, %or3A_1621 : vector<64x128xi32>
    %add3A_1623 = arith.addi %add3A_1614, %xor3A_1543 : vector<64x128xi32>
    %add3A_1624 = arith.addi %xor3A_1622, %add3A_1095 : vector<64x128xi32>
    %add3A_1625 = arith.constant 2 : i32
    %add3A_1626 = vector.broadcast %add3A_1625 : i32 to vector<64x128xi32>
    %add3A_1627 = arith.addi %add3A_1624, %add3A_1626 : vector<64x128xi32>
    %add3A_1628 = arith.addi %add3A_1623, %add3A_1627 : vector<64x128xi32>
    %shift_left3A_1629 = arith.constant 13 : i32
    %shift_left3A_1630 = vector.broadcast %shift_left3A_1629 : i32 to vector<64x128xi32>
    %shift_left3A_1631 = arith.shli %add3A_1627, %shift_left3A_1630 : vector<64x128xi32>
    %shift_right_logical3A_1632 = arith.constant 19 : i32
    %shift_right_logical3A_1633 = vector.broadcast %shift_right_logical3A_1632 : i32 to vector<64x128xi32>
    %shift_right_logical3A_1634 = arith.shrui %add3A_1627, %shift_right_logical3A_1633 : vector<64x128xi32>
    %or3A_1635 = arith.ori %shift_left3A_1631, %shift_right_logical3A_1634 : vector<64x128xi32>
    %xor3A_1636 = arith.xori %add3A_1628, %or3A_1635 : vector<64x128xi32>
    %add3A_1637 = arith.addi %add3A_1628, %xor3A_1636 : vector<64x128xi32>
    %shift_left3A_1638 = arith.constant 15 : i32
    %shift_left3A_1639 = vector.broadcast %shift_left3A_1638 : i32 to vector<64x128xi32>
    %shift_left3A_1640 = arith.shli %xor3A_1636, %shift_left3A_1639 : vector<64x128xi32>
    %shift_right_logical3A_1641 = arith.constant 17 : i32
    %shift_right_logical3A_1642 = vector.broadcast %shift_right_logical3A_1641 : i32 to vector<64x128xi32>
    %shift_right_logical3A_1643 = arith.shrui %xor3A_1636, %shift_right_logical3A_1642 : vector<64x128xi32>
    %or3A_1644 = arith.ori %shift_left3A_1640, %shift_right_logical3A_1643 : vector<64x128xi32>
    %xor3A_1645 = arith.xori %add3A_1637, %or3A_1644 : vector<64x128xi32>
    %add3A_1646 = arith.addi %add3A_1637, %xor3A_1645 : vector<64x128xi32>
    %shift_left3A_1647 = arith.constant 26 : i32
    %shift_left3A_1648 = vector.broadcast %shift_left3A_1647 : i32 to vector<64x128xi32>
    %shift_left3A_1649 = arith.shli %xor3A_1645, %shift_left3A_1648 : vector<64x128xi32>
    %shift_right_logical3A_1650 = arith.constant 6 : i32
    %shift_right_logical3A_1651 = vector.broadcast %shift_right_logical3A_1650 : i32 to vector<64x128xi32>
    %shift_right_logical3A_1652 = arith.shrui %xor3A_1645, %shift_right_logical3A_1651 : vector<64x128xi32>
    %or3A_1653 = arith.ori %shift_left3A_1649, %shift_right_logical3A_1652 : vector<64x128xi32>
    %xor3A_1654 = arith.xori %add3A_1646, %or3A_1653 : vector<64x128xi32>
    %add3A_1655 = arith.addi %add3A_1646, %xor3A_1654 : vector<64x128xi32>
    %shift_left3A_1656 = arith.constant 6 : i32
    %shift_left3A_1657 = vector.broadcast %shift_left3A_1656 : i32 to vector<64x128xi32>
    %shift_left3A_1658 = arith.shli %xor3A_1654, %shift_left3A_1657 : vector<64x128xi32>
    %shift_right_logical3A_1659 = arith.constant 26 : i32
    %shift_right_logical3A_1660 = vector.broadcast %shift_right_logical3A_1659 : i32 to vector<64x128xi32>
    %shift_right_logical3A_1661 = arith.shrui %xor3A_1654, %shift_right_logical3A_1660 : vector<64x128xi32>
    %or3A_1662 = arith.ori %shift_left3A_1658, %shift_right_logical3A_1661 : vector<64x128xi32>
    %xor3A_1663 = arith.xori %add3A_1655, %or3A_1662 : vector<64x128xi32>
    %add3A_1664 = arith.addi %add3A_1655, %add3A_1095 : vector<64x128xi32>
    %add3A_1665 = arith.addi %xor3A_1663, %add3A_1099 : vector<64x128xi32>
    %add3A_1666 = arith.constant 3 : i32
    %add3A_1667 = vector.broadcast %add3A_1666 : i32 to vector<64x128xi32>
    %add3A_1668 = arith.addi %add3A_1665, %add3A_1667 : vector<64x128xi32>
    %add3A_1669 = arith.addi %add3A_1664, %add3A_1668 : vector<64x128xi32>
    %shift_left3A_1670 = arith.constant 17 : i32
    %shift_left3A_1671 = vector.broadcast %shift_left3A_1670 : i32 to vector<64x128xi32>
    %shift_left3A_1672 = arith.shli %add3A_1668, %shift_left3A_1671 : vector<64x128xi32>
    %shift_right_logical3A_1673 = arith.constant 15 : i32
    %shift_right_logical3A_1674 = vector.broadcast %shift_right_logical3A_1673 : i32 to vector<64x128xi32>
    %shift_right_logical3A_1675 = arith.shrui %add3A_1668, %shift_right_logical3A_1674 : vector<64x128xi32>
    %or3A_1676 = arith.ori %shift_left3A_1672, %shift_right_logical3A_1675 : vector<64x128xi32>
    %xor3A_1677 = arith.xori %add3A_1669, %or3A_1676 : vector<64x128xi32>
    %add3A_1678 = arith.addi %add3A_1669, %xor3A_1677 : vector<64x128xi32>
    %shift_left3A_1679 = arith.constant 29 : i32
    %shift_left3A_1680 = vector.broadcast %shift_left3A_1679 : i32 to vector<64x128xi32>
    %shift_left3A_1681 = arith.shli %xor3A_1677, %shift_left3A_1680 : vector<64x128xi32>
    %shift_right_logical3A_1682 = arith.constant 3 : i32
    %shift_right_logical3A_1683 = vector.broadcast %shift_right_logical3A_1682 : i32 to vector<64x128xi32>
    %shift_right_logical3A_1684 = arith.shrui %xor3A_1677, %shift_right_logical3A_1683 : vector<64x128xi32>
    %or3A_1685 = arith.ori %shift_left3A_1681, %shift_right_logical3A_1684 : vector<64x128xi32>
    %xor3A_1686 = arith.xori %add3A_1678, %or3A_1685 : vector<64x128xi32>
    %add3A_1687 = arith.addi %add3A_1678, %xor3A_1686 : vector<64x128xi32>
    %shift_left3A_1688 = arith.constant 16 : i32
    %shift_left3A_1689 = vector.broadcast %shift_left3A_1688 : i32 to vector<64x128xi32>
    %shift_left3A_1690 = arith.shli %xor3A_1686, %shift_left3A_1689 : vector<64x128xi32>
    %shift_right_logical3A_1691 = arith.constant 16 : i32
    %shift_right_logical3A_1692 = vector.broadcast %shift_right_logical3A_1691 : i32 to vector<64x128xi32>
    %shift_right_logical3A_1693 = arith.shrui %xor3A_1686, %shift_right_logical3A_1692 : vector<64x128xi32>
    %or3A_1694 = arith.ori %shift_left3A_1690, %shift_right_logical3A_1693 : vector<64x128xi32>
    %xor3A_1695 = arith.xori %add3A_1687, %or3A_1694 : vector<64x128xi32>
    %add3A_1696 = arith.addi %add3A_1687, %xor3A_1695 : vector<64x128xi32>
    %shift_left3A_1697 = arith.constant 24 : i32
    %shift_left3A_1698 = vector.broadcast %shift_left3A_1697 : i32 to vector<64x128xi32>
    %shift_left3A_1699 = arith.shli %xor3A_1695, %shift_left3A_1698 : vector<64x128xi32>
    %shift_right_logical3A_1700 = arith.constant 8 : i32
    %shift_right_logical3A_1701 = vector.broadcast %shift_right_logical3A_1700 : i32 to vector<64x128xi32>
    %shift_right_logical3A_1702 = arith.shrui %xor3A_1695, %shift_right_logical3A_1701 : vector<64x128xi32>
    %or3A_1703 = arith.ori %shift_left3A_1699, %shift_right_logical3A_1702 : vector<64x128xi32>
    %xor3A_1704 = arith.xori %add3A_1696, %or3A_1703 : vector<64x128xi32>
    %add3A_1705 = arith.addi %add3A_1696, %add3A_1099 : vector<64x128xi32>
    %add3A_1706 = arith.addi %xor3A_1704, %xor3A_1543 : vector<64x128xi32>
    %add3A_1707 = arith.constant 4 : i32
    %add3A_1708 = vector.broadcast %add3A_1707 : i32 to vector<64x128xi32>
    %add3A_1709 = arith.addi %add3A_1706, %add3A_1708 : vector<64x128xi32>
    %add3A_1710 = arith.addi %add3A_1705, %add3A_1709 : vector<64x128xi32>
    %shift_left3A_1711 = arith.constant 13 : i32
    %shift_left3A_1712 = vector.broadcast %shift_left3A_1711 : i32 to vector<64x128xi32>
    %shift_left3A_1713 = arith.shli %add3A_1709, %shift_left3A_1712 : vector<64x128xi32>
    %shift_right_logical3A_1714 = arith.constant 19 : i32
    %shift_right_logical3A_1715 = vector.broadcast %shift_right_logical3A_1714 : i32 to vector<64x128xi32>
    %shift_right_logical3A_1716 = arith.shrui %add3A_1709, %shift_right_logical3A_1715 : vector<64x128xi32>
    %or3A_1717 = arith.ori %shift_left3A_1713, %shift_right_logical3A_1716 : vector<64x128xi32>
    %xor3A_1718 = arith.xori %add3A_1710, %or3A_1717 : vector<64x128xi32>
    %add3A_1719 = arith.addi %add3A_1710, %xor3A_1718 : vector<64x128xi32>
    %shift_left3A_1720 = arith.constant 15 : i32
    %shift_left3A_1721 = vector.broadcast %shift_left3A_1720 : i32 to vector<64x128xi32>
    %shift_left3A_1722 = arith.shli %xor3A_1718, %shift_left3A_1721 : vector<64x128xi32>
    %shift_right_logical3A_1723 = arith.constant 17 : i32
    %shift_right_logical3A_1724 = vector.broadcast %shift_right_logical3A_1723 : i32 to vector<64x128xi32>
    %shift_right_logical3A_1725 = arith.shrui %xor3A_1718, %shift_right_logical3A_1724 : vector<64x128xi32>
    %or3A_1726 = arith.ori %shift_left3A_1722, %shift_right_logical3A_1725 : vector<64x128xi32>
    %xor3A_1727 = arith.xori %add3A_1719, %or3A_1726 : vector<64x128xi32>
    %add3A_1728 = arith.addi %add3A_1719, %xor3A_1727 : vector<64x128xi32>
    %shift_left3A_1729 = arith.constant 26 : i32
    %shift_left3A_1730 = vector.broadcast %shift_left3A_1729 : i32 to vector<64x128xi32>
    %shift_left3A_1731 = arith.shli %xor3A_1727, %shift_left3A_1730 : vector<64x128xi32>
    %shift_right_logical3A_1732 = arith.constant 6 : i32
    %shift_right_logical3A_1733 = vector.broadcast %shift_right_logical3A_1732 : i32 to vector<64x128xi32>
    %shift_right_logical3A_1734 = arith.shrui %xor3A_1727, %shift_right_logical3A_1733 : vector<64x128xi32>
    %or3A_1735 = arith.ori %shift_left3A_1731, %shift_right_logical3A_1734 : vector<64x128xi32>
    %xor3A_1736 = arith.xori %add3A_1728, %or3A_1735 : vector<64x128xi32>
    %add3A_1737 = arith.addi %add3A_1728, %xor3A_1736 : vector<64x128xi32>
    %shift_left3A_1738 = arith.constant 6 : i32
    %shift_left3A_1739 = vector.broadcast %shift_left3A_1738 : i32 to vector<64x128xi32>
    %shift_left3A_1740 = arith.shli %xor3A_1736, %shift_left3A_1739 : vector<64x128xi32>
    %shift_right_logical3A_1741 = arith.constant 26 : i32
    %shift_right_logical3A_1742 = vector.broadcast %shift_right_logical3A_1741 : i32 to vector<64x128xi32>
    %shift_right_logical3A_1743 = arith.shrui %xor3A_1736, %shift_right_logical3A_1742 : vector<64x128xi32>
    %or3A_1744 = arith.ori %shift_left3A_1740, %shift_right_logical3A_1743 : vector<64x128xi32>
    %xor3A_1745 = arith.xori %add3A_1737, %or3A_1744 : vector<64x128xi32>
    %add3A_1746 = arith.addi %add3A_1737, %xor3A_1543 : vector<64x128xi32>
    %add3A_1747 = arith.addi %xor3A_1745, %add3A_1095 : vector<64x128xi32>
    %add3A_1748 = arith.constant 5 : i32
    %add3A_1749 = vector.broadcast %add3A_1748 : i32 to vector<64x128xi32>
    %add3A_1750 = arith.addi %add3A_1747, %add3A_1749 : vector<64x128xi32>
    %add3A_1751 = arith.constant 2 : i32
    %add3A_1752 = vector.broadcast %add3A_1751 : i32 to vector<64x128xi32>
    %add3A_1753 = arith.addi %broadcast_in_dim3A_677, %add3A_1752 : vector<64x128xi32>
    %xor3A_1754 = arith.xori %add3A_1095, %add3A_1099 : vector<64x128xi32>
    %xor3A_1755 = arith.constant 466688986 : i32
    %xor3A_1756 = vector.broadcast %xor3A_1755 : i32 to vector<64x128xi32>
    %xor3A_1757 = arith.xori %xor3A_1754, %xor3A_1756 : vector<64x128xi32>
    %add3A_1758 = arith.addi %broadcast_in_dim3A_677, %add3A_1095 : vector<64x128xi32>
    %add3A_1759 = arith.addi %add3A_1753, %add3A_1099 : vector<64x128xi32>
    %add3A_1760 = arith.addi %add3A_1758, %add3A_1759 : vector<64x128xi32>
    %shift_left3A_1761 = arith.constant 13 : i32
    %shift_left3A_1762 = vector.broadcast %shift_left3A_1761 : i32 to vector<64x128xi32>
    %shift_left3A_1763 = arith.shli %add3A_1759, %shift_left3A_1762 : vector<64x128xi32>
    %shift_right_logical3A_1764 = arith.constant 19 : i32
    %shift_right_logical3A_1765 = vector.broadcast %shift_right_logical3A_1764 : i32 to vector<64x128xi32>
    %shift_right_logical3A_1766 = arith.shrui %add3A_1759, %shift_right_logical3A_1765 : vector<64x128xi32>
    %or3A_1767 = arith.ori %shift_left3A_1763, %shift_right_logical3A_1766 : vector<64x128xi32>
    %xor3A_1768 = arith.xori %add3A_1760, %or3A_1767 : vector<64x128xi32>
    %add3A_1769 = arith.addi %add3A_1760, %xor3A_1768 : vector<64x128xi32>
    %shift_left3A_1770 = arith.constant 15 : i32
    %shift_left3A_1771 = vector.broadcast %shift_left3A_1770 : i32 to vector<64x128xi32>
    %shift_left3A_1772 = arith.shli %xor3A_1768, %shift_left3A_1771 : vector<64x128xi32>
    %shift_right_logical3A_1773 = arith.constant 17 : i32
    %shift_right_logical3A_1774 = vector.broadcast %shift_right_logical3A_1773 : i32 to vector<64x128xi32>
    %shift_right_logical3A_1775 = arith.shrui %xor3A_1768, %shift_right_logical3A_1774 : vector<64x128xi32>
    %or3A_1776 = arith.ori %shift_left3A_1772, %shift_right_logical3A_1775 : vector<64x128xi32>
    %xor3A_1777 = arith.xori %add3A_1769, %or3A_1776 : vector<64x128xi32>
    %add3A_1778 = arith.addi %add3A_1769, %xor3A_1777 : vector<64x128xi32>
    %shift_left3A_1779 = arith.constant 26 : i32
    %shift_left3A_1780 = vector.broadcast %shift_left3A_1779 : i32 to vector<64x128xi32>
    %shift_left3A_1781 = arith.shli %xor3A_1777, %shift_left3A_1780 : vector<64x128xi32>
    %shift_right_logical3A_1782 = arith.constant 6 : i32
    %shift_right_logical3A_1783 = vector.broadcast %shift_right_logical3A_1782 : i32 to vector<64x128xi32>
    %shift_right_logical3A_1784 = arith.shrui %xor3A_1777, %shift_right_logical3A_1783 : vector<64x128xi32>
    %or3A_1785 = arith.ori %shift_left3A_1781, %shift_right_logical3A_1784 : vector<64x128xi32>
    %xor3A_1786 = arith.xori %add3A_1778, %or3A_1785 : vector<64x128xi32>
    %add3A_1787 = arith.addi %add3A_1778, %xor3A_1786 : vector<64x128xi32>
    %shift_left3A_1788 = arith.constant 6 : i32
    %shift_left3A_1789 = vector.broadcast %shift_left3A_1788 : i32 to vector<64x128xi32>
    %shift_left3A_1790 = arith.shli %xor3A_1786, %shift_left3A_1789 : vector<64x128xi32>
    %shift_right_logical3A_1791 = arith.constant 26 : i32
    %shift_right_logical3A_1792 = vector.broadcast %shift_right_logical3A_1791 : i32 to vector<64x128xi32>
    %shift_right_logical3A_1793 = arith.shrui %xor3A_1786, %shift_right_logical3A_1792 : vector<64x128xi32>
    %or3A_1794 = arith.ori %shift_left3A_1790, %shift_right_logical3A_1793 : vector<64x128xi32>
    %xor3A_1795 = arith.xori %add3A_1787, %or3A_1794 : vector<64x128xi32>
    %add3A_1796 = arith.addi %add3A_1787, %add3A_1099 : vector<64x128xi32>
    %add3A_1797 = arith.addi %xor3A_1795, %xor3A_1757 : vector<64x128xi32>
    %add3A_1798 = arith.constant 1 : i32
    %add3A_1799 = vector.broadcast %add3A_1798 : i32 to vector<64x128xi32>
    %add3A_1800 = arith.addi %add3A_1797, %add3A_1799 : vector<64x128xi32>
    %add3A_1801 = arith.addi %add3A_1796, %add3A_1800 : vector<64x128xi32>
    %shift_left3A_1802 = arith.constant 17 : i32
    %shift_left3A_1803 = vector.broadcast %shift_left3A_1802 : i32 to vector<64x128xi32>
    %shift_left3A_1804 = arith.shli %add3A_1800, %shift_left3A_1803 : vector<64x128xi32>
    %shift_right_logical3A_1805 = arith.constant 15 : i32
    %shift_right_logical3A_1806 = vector.broadcast %shift_right_logical3A_1805 : i32 to vector<64x128xi32>
    %shift_right_logical3A_1807 = arith.shrui %add3A_1800, %shift_right_logical3A_1806 : vector<64x128xi32>
    %or3A_1808 = arith.ori %shift_left3A_1804, %shift_right_logical3A_1807 : vector<64x128xi32>
    %xor3A_1809 = arith.xori %add3A_1801, %or3A_1808 : vector<64x128xi32>
    %add3A_1810 = arith.addi %add3A_1801, %xor3A_1809 : vector<64x128xi32>
    %shift_left3A_1811 = arith.constant 29 : i32
    %shift_left3A_1812 = vector.broadcast %shift_left3A_1811 : i32 to vector<64x128xi32>
    %shift_left3A_1813 = arith.shli %xor3A_1809, %shift_left3A_1812 : vector<64x128xi32>
    %shift_right_logical3A_1814 = arith.constant 3 : i32
    %shift_right_logical3A_1815 = vector.broadcast %shift_right_logical3A_1814 : i32 to vector<64x128xi32>
    %shift_right_logical3A_1816 = arith.shrui %xor3A_1809, %shift_right_logical3A_1815 : vector<64x128xi32>
    %or3A_1817 = arith.ori %shift_left3A_1813, %shift_right_logical3A_1816 : vector<64x128xi32>
    %xor3A_1818 = arith.xori %add3A_1810, %or3A_1817 : vector<64x128xi32>
    %add3A_1819 = arith.addi %add3A_1810, %xor3A_1818 : vector<64x128xi32>
    %shift_left3A_1820 = arith.constant 16 : i32
    %shift_left3A_1821 = vector.broadcast %shift_left3A_1820 : i32 to vector<64x128xi32>
    %shift_left3A_1822 = arith.shli %xor3A_1818, %shift_left3A_1821 : vector<64x128xi32>
    %shift_right_logical3A_1823 = arith.constant 16 : i32
    %shift_right_logical3A_1824 = vector.broadcast %shift_right_logical3A_1823 : i32 to vector<64x128xi32>
    %shift_right_logical3A_1825 = arith.shrui %xor3A_1818, %shift_right_logical3A_1824 : vector<64x128xi32>
    %or3A_1826 = arith.ori %shift_left3A_1822, %shift_right_logical3A_1825 : vector<64x128xi32>
    %xor3A_1827 = arith.xori %add3A_1819, %or3A_1826 : vector<64x128xi32>
    %add3A_1828 = arith.addi %add3A_1819, %xor3A_1827 : vector<64x128xi32>
    %shift_left3A_1829 = arith.constant 24 : i32
    %shift_left3A_1830 = vector.broadcast %shift_left3A_1829 : i32 to vector<64x128xi32>
    %shift_left3A_1831 = arith.shli %xor3A_1827, %shift_left3A_1830 : vector<64x128xi32>
    %shift_right_logical3A_1832 = arith.constant 8 : i32
    %shift_right_logical3A_1833 = vector.broadcast %shift_right_logical3A_1832 : i32 to vector<64x128xi32>
    %shift_right_logical3A_1834 = arith.shrui %xor3A_1827, %shift_right_logical3A_1833 : vector<64x128xi32>
    %or3A_1835 = arith.ori %shift_left3A_1831, %shift_right_logical3A_1834 : vector<64x128xi32>
    %xor3A_1836 = arith.xori %add3A_1828, %or3A_1835 : vector<64x128xi32>
    %add3A_1837 = arith.addi %add3A_1828, %xor3A_1757 : vector<64x128xi32>
    %add3A_1838 = arith.addi %xor3A_1836, %add3A_1095 : vector<64x128xi32>
    %add3A_1839 = arith.constant 2 : i32
    %add3A_1840 = vector.broadcast %add3A_1839 : i32 to vector<64x128xi32>
    %add3A_1841 = arith.addi %add3A_1838, %add3A_1840 : vector<64x128xi32>
    %add3A_1842 = arith.addi %add3A_1837, %add3A_1841 : vector<64x128xi32>
    %shift_left3A_1843 = arith.constant 13 : i32
    %shift_left3A_1844 = vector.broadcast %shift_left3A_1843 : i32 to vector<64x128xi32>
    %shift_left3A_1845 = arith.shli %add3A_1841, %shift_left3A_1844 : vector<64x128xi32>
    %shift_right_logical3A_1846 = arith.constant 19 : i32
    %shift_right_logical3A_1847 = vector.broadcast %shift_right_logical3A_1846 : i32 to vector<64x128xi32>
    %shift_right_logical3A_1848 = arith.shrui %add3A_1841, %shift_right_logical3A_1847 : vector<64x128xi32>
    %or3A_1849 = arith.ori %shift_left3A_1845, %shift_right_logical3A_1848 : vector<64x128xi32>
    %xor3A_1850 = arith.xori %add3A_1842, %or3A_1849 : vector<64x128xi32>
    %add3A_1851 = arith.addi %add3A_1842, %xor3A_1850 : vector<64x128xi32>
    %shift_left3A_1852 = arith.constant 15 : i32
    %shift_left3A_1853 = vector.broadcast %shift_left3A_1852 : i32 to vector<64x128xi32>
    %shift_left3A_1854 = arith.shli %xor3A_1850, %shift_left3A_1853 : vector<64x128xi32>
    %shift_right_logical3A_1855 = arith.constant 17 : i32
    %shift_right_logical3A_1856 = vector.broadcast %shift_right_logical3A_1855 : i32 to vector<64x128xi32>
    %shift_right_logical3A_1857 = arith.shrui %xor3A_1850, %shift_right_logical3A_1856 : vector<64x128xi32>
    %or3A_1858 = arith.ori %shift_left3A_1854, %shift_right_logical3A_1857 : vector<64x128xi32>
    %xor3A_1859 = arith.xori %add3A_1851, %or3A_1858 : vector<64x128xi32>
    %add3A_1860 = arith.addi %add3A_1851, %xor3A_1859 : vector<64x128xi32>
    %shift_left3A_1861 = arith.constant 26 : i32
    %shift_left3A_1862 = vector.broadcast %shift_left3A_1861 : i32 to vector<64x128xi32>
    %shift_left3A_1863 = arith.shli %xor3A_1859, %shift_left3A_1862 : vector<64x128xi32>
    %shift_right_logical3A_1864 = arith.constant 6 : i32
    %shift_right_logical3A_1865 = vector.broadcast %shift_right_logical3A_1864 : i32 to vector<64x128xi32>
    %shift_right_logical3A_1866 = arith.shrui %xor3A_1859, %shift_right_logical3A_1865 : vector<64x128xi32>
    %or3A_1867 = arith.ori %shift_left3A_1863, %shift_right_logical3A_1866 : vector<64x128xi32>
    %xor3A_1868 = arith.xori %add3A_1860, %or3A_1867 : vector<64x128xi32>
    %add3A_1869 = arith.addi %add3A_1860, %xor3A_1868 : vector<64x128xi32>
    %shift_left3A_1870 = arith.constant 6 : i32
    %shift_left3A_1871 = vector.broadcast %shift_left3A_1870 : i32 to vector<64x128xi32>
    %shift_left3A_1872 = arith.shli %xor3A_1868, %shift_left3A_1871 : vector<64x128xi32>
    %shift_right_logical3A_1873 = arith.constant 26 : i32
    %shift_right_logical3A_1874 = vector.broadcast %shift_right_logical3A_1873 : i32 to vector<64x128xi32>
    %shift_right_logical3A_1875 = arith.shrui %xor3A_1868, %shift_right_logical3A_1874 : vector<64x128xi32>
    %or3A_1876 = arith.ori %shift_left3A_1872, %shift_right_logical3A_1875 : vector<64x128xi32>
    %xor3A_1877 = arith.xori %add3A_1869, %or3A_1876 : vector<64x128xi32>
    %add3A_1878 = arith.addi %add3A_1869, %add3A_1095 : vector<64x128xi32>
    %add3A_1879 = arith.addi %xor3A_1877, %add3A_1099 : vector<64x128xi32>
    %add3A_1880 = arith.constant 3 : i32
    %add3A_1881 = vector.broadcast %add3A_1880 : i32 to vector<64x128xi32>
    %add3A_1882 = arith.addi %add3A_1879, %add3A_1881 : vector<64x128xi32>
    %add3A_1883 = arith.addi %add3A_1878, %add3A_1882 : vector<64x128xi32>
    %shift_left3A_1884 = arith.constant 17 : i32
    %shift_left3A_1885 = vector.broadcast %shift_left3A_1884 : i32 to vector<64x128xi32>
    %shift_left3A_1886 = arith.shli %add3A_1882, %shift_left3A_1885 : vector<64x128xi32>
    %shift_right_logical3A_1887 = arith.constant 15 : i32
    %shift_right_logical3A_1888 = vector.broadcast %shift_right_logical3A_1887 : i32 to vector<64x128xi32>
    %shift_right_logical3A_1889 = arith.shrui %add3A_1882, %shift_right_logical3A_1888 : vector<64x128xi32>
    %or3A_1890 = arith.ori %shift_left3A_1886, %shift_right_logical3A_1889 : vector<64x128xi32>
    %xor3A_1891 = arith.xori %add3A_1883, %or3A_1890 : vector<64x128xi32>
    %add3A_1892 = arith.addi %add3A_1883, %xor3A_1891 : vector<64x128xi32>
    %shift_left3A_1893 = arith.constant 29 : i32
    %shift_left3A_1894 = vector.broadcast %shift_left3A_1893 : i32 to vector<64x128xi32>
    %shift_left3A_1895 = arith.shli %xor3A_1891, %shift_left3A_1894 : vector<64x128xi32>
    %shift_right_logical3A_1896 = arith.constant 3 : i32
    %shift_right_logical3A_1897 = vector.broadcast %shift_right_logical3A_1896 : i32 to vector<64x128xi32>
    %shift_right_logical3A_1898 = arith.shrui %xor3A_1891, %shift_right_logical3A_1897 : vector<64x128xi32>
    %or3A_1899 = arith.ori %shift_left3A_1895, %shift_right_logical3A_1898 : vector<64x128xi32>
    %xor3A_1900 = arith.xori %add3A_1892, %or3A_1899 : vector<64x128xi32>
    %add3A_1901 = arith.addi %add3A_1892, %xor3A_1900 : vector<64x128xi32>
    %shift_left3A_1902 = arith.constant 16 : i32
    %shift_left3A_1903 = vector.broadcast %shift_left3A_1902 : i32 to vector<64x128xi32>
    %shift_left3A_1904 = arith.shli %xor3A_1900, %shift_left3A_1903 : vector<64x128xi32>
    %shift_right_logical3A_1905 = arith.constant 16 : i32
    %shift_right_logical3A_1906 = vector.broadcast %shift_right_logical3A_1905 : i32 to vector<64x128xi32>
    %shift_right_logical3A_1907 = arith.shrui %xor3A_1900, %shift_right_logical3A_1906 : vector<64x128xi32>
    %or3A_1908 = arith.ori %shift_left3A_1904, %shift_right_logical3A_1907 : vector<64x128xi32>
    %xor3A_1909 = arith.xori %add3A_1901, %or3A_1908 : vector<64x128xi32>
    %add3A_1910 = arith.addi %add3A_1901, %xor3A_1909 : vector<64x128xi32>
    %shift_left3A_1911 = arith.constant 24 : i32
    %shift_left3A_1912 = vector.broadcast %shift_left3A_1911 : i32 to vector<64x128xi32>
    %shift_left3A_1913 = arith.shli %xor3A_1909, %shift_left3A_1912 : vector<64x128xi32>
    %shift_right_logical3A_1914 = arith.constant 8 : i32
    %shift_right_logical3A_1915 = vector.broadcast %shift_right_logical3A_1914 : i32 to vector<64x128xi32>
    %shift_right_logical3A_1916 = arith.shrui %xor3A_1909, %shift_right_logical3A_1915 : vector<64x128xi32>
    %or3A_1917 = arith.ori %shift_left3A_1913, %shift_right_logical3A_1916 : vector<64x128xi32>
    %xor3A_1918 = arith.xori %add3A_1910, %or3A_1917 : vector<64x128xi32>
    %add3A_1919 = arith.addi %add3A_1910, %add3A_1099 : vector<64x128xi32>
    %add3A_1920 = arith.addi %xor3A_1918, %xor3A_1757 : vector<64x128xi32>
    %add3A_1921 = arith.constant 4 : i32
    %add3A_1922 = vector.broadcast %add3A_1921 : i32 to vector<64x128xi32>
    %add3A_1923 = arith.addi %add3A_1920, %add3A_1922 : vector<64x128xi32>
    %add3A_1924 = arith.addi %add3A_1919, %add3A_1923 : vector<64x128xi32>
    %shift_left3A_1925 = arith.constant 13 : i32
    %shift_left3A_1926 = vector.broadcast %shift_left3A_1925 : i32 to vector<64x128xi32>
    %shift_left3A_1927 = arith.shli %add3A_1923, %shift_left3A_1926 : vector<64x128xi32>
    %shift_right_logical3A_1928 = arith.constant 19 : i32
    %shift_right_logical3A_1929 = vector.broadcast %shift_right_logical3A_1928 : i32 to vector<64x128xi32>
    %shift_right_logical3A_1930 = arith.shrui %add3A_1923, %shift_right_logical3A_1929 : vector<64x128xi32>
    %or3A_1931 = arith.ori %shift_left3A_1927, %shift_right_logical3A_1930 : vector<64x128xi32>
    %xor3A_1932 = arith.xori %add3A_1924, %or3A_1931 : vector<64x128xi32>
    %add3A_1933 = arith.addi %add3A_1924, %xor3A_1932 : vector<64x128xi32>
    %shift_left3A_1934 = arith.constant 15 : i32
    %shift_left3A_1935 = vector.broadcast %shift_left3A_1934 : i32 to vector<64x128xi32>
    %shift_left3A_1936 = arith.shli %xor3A_1932, %shift_left3A_1935 : vector<64x128xi32>
    %shift_right_logical3A_1937 = arith.constant 17 : i32
    %shift_right_logical3A_1938 = vector.broadcast %shift_right_logical3A_1937 : i32 to vector<64x128xi32>
    %shift_right_logical3A_1939 = arith.shrui %xor3A_1932, %shift_right_logical3A_1938 : vector<64x128xi32>
    %or3A_1940 = arith.ori %shift_left3A_1936, %shift_right_logical3A_1939 : vector<64x128xi32>
    %xor3A_1941 = arith.xori %add3A_1933, %or3A_1940 : vector<64x128xi32>
    %add3A_1942 = arith.addi %add3A_1933, %xor3A_1941 : vector<64x128xi32>
    %shift_left3A_1943 = arith.constant 26 : i32
    %shift_left3A_1944 = vector.broadcast %shift_left3A_1943 : i32 to vector<64x128xi32>
    %shift_left3A_1945 = arith.shli %xor3A_1941, %shift_left3A_1944 : vector<64x128xi32>
    %shift_right_logical3A_1946 = arith.constant 6 : i32
    %shift_right_logical3A_1947 = vector.broadcast %shift_right_logical3A_1946 : i32 to vector<64x128xi32>
    %shift_right_logical3A_1948 = arith.shrui %xor3A_1941, %shift_right_logical3A_1947 : vector<64x128xi32>
    %or3A_1949 = arith.ori %shift_left3A_1945, %shift_right_logical3A_1948 : vector<64x128xi32>
    %xor3A_1950 = arith.xori %add3A_1942, %or3A_1949 : vector<64x128xi32>
    %add3A_1951 = arith.addi %add3A_1942, %xor3A_1950 : vector<64x128xi32>
    %shift_left3A_1952 = arith.constant 6 : i32
    %shift_left3A_1953 = vector.broadcast %shift_left3A_1952 : i32 to vector<64x128xi32>
    %shift_left3A_1954 = arith.shli %xor3A_1950, %shift_left3A_1953 : vector<64x128xi32>
    %shift_right_logical3A_1955 = arith.constant 26 : i32
    %shift_right_logical3A_1956 = vector.broadcast %shift_right_logical3A_1955 : i32 to vector<64x128xi32>
    %shift_right_logical3A_1957 = arith.shrui %xor3A_1950, %shift_right_logical3A_1956 : vector<64x128xi32>
    %or3A_1958 = arith.ori %shift_left3A_1954, %shift_right_logical3A_1957 : vector<64x128xi32>
    %xor3A_1959 = arith.xori %add3A_1951, %or3A_1958 : vector<64x128xi32>
    %add3A_1960 = arith.addi %add3A_1951, %xor3A_1757 : vector<64x128xi32>
    %add3A_1961 = arith.addi %xor3A_1959, %add3A_1095 : vector<64x128xi32>
    %add3A_1962 = arith.constant 5 : i32
    %add3A_1963 = vector.broadcast %add3A_1962 : i32 to vector<64x128xi32>
    %add3A_1964 = arith.addi %add3A_1961, %add3A_1963 : vector<64x128xi32>
    %add3A_1965 = arith.constant 1 : i32
    %add3A_1966 = vector.broadcast %add3A_1965 : i32 to vector<64x128xi32>
    %add3A_1967 = arith.addi %broadcast_in_dim3A_677, %add3A_1966 : vector<64x128xi32>
    %xor3A_1968 = arith.xori %add3A_1746, %add3A_1750 : vector<64x128xi32>
    %xor3A_1969 = arith.constant 466688986 : i32
    %xor3A_1970 = vector.broadcast %xor3A_1969 : i32 to vector<64x128xi32>
    %xor3A_1971 = arith.xori %xor3A_1968, %xor3A_1970 : vector<64x128xi32>
    %add3A_1972 = arith.addi %broadcast_in_dim3A_677, %add3A_1746 : vector<64x128xi32>
    %add3A_1973 = arith.addi %add3A_1967, %add3A_1750 : vector<64x128xi32>
    %add3A_1974 = arith.addi %add3A_1972, %add3A_1973 : vector<64x128xi32>
    %shift_left3A_1975 = arith.constant 13 : i32
    %shift_left3A_1976 = vector.broadcast %shift_left3A_1975 : i32 to vector<64x128xi32>
    %shift_left3A_1977 = arith.shli %add3A_1973, %shift_left3A_1976 : vector<64x128xi32>
    %shift_right_logical3A_1978 = arith.constant 19 : i32
    %shift_right_logical3A_1979 = vector.broadcast %shift_right_logical3A_1978 : i32 to vector<64x128xi32>
    %shift_right_logical3A_1980 = arith.shrui %add3A_1973, %shift_right_logical3A_1979 : vector<64x128xi32>
    %or3A_1981 = arith.ori %shift_left3A_1977, %shift_right_logical3A_1980 : vector<64x128xi32>
    %xor3A_1982 = arith.xori %add3A_1974, %or3A_1981 : vector<64x128xi32>
    %add3A_1983 = arith.addi %add3A_1974, %xor3A_1982 : vector<64x128xi32>
    %shift_left3A_1984 = arith.constant 15 : i32
    %shift_left3A_1985 = vector.broadcast %shift_left3A_1984 : i32 to vector<64x128xi32>
    %shift_left3A_1986 = arith.shli %xor3A_1982, %shift_left3A_1985 : vector<64x128xi32>
    %shift_right_logical3A_1987 = arith.constant 17 : i32
    %shift_right_logical3A_1988 = vector.broadcast %shift_right_logical3A_1987 : i32 to vector<64x128xi32>
    %shift_right_logical3A_1989 = arith.shrui %xor3A_1982, %shift_right_logical3A_1988 : vector<64x128xi32>
    %or3A_1990 = arith.ori %shift_left3A_1986, %shift_right_logical3A_1989 : vector<64x128xi32>
    %xor3A_1991 = arith.xori %add3A_1983, %or3A_1990 : vector<64x128xi32>
    %add3A_1992 = arith.addi %add3A_1983, %xor3A_1991 : vector<64x128xi32>
    %shift_left3A_1993 = arith.constant 26 : i32
    %shift_left3A_1994 = vector.broadcast %shift_left3A_1993 : i32 to vector<64x128xi32>
    %shift_left3A_1995 = arith.shli %xor3A_1991, %shift_left3A_1994 : vector<64x128xi32>
    %shift_right_logical3A_1996 = arith.constant 6 : i32
    %shift_right_logical3A_1997 = vector.broadcast %shift_right_logical3A_1996 : i32 to vector<64x128xi32>
    %shift_right_logical3A_1998 = arith.shrui %xor3A_1991, %shift_right_logical3A_1997 : vector<64x128xi32>
    %or3A_1999 = arith.ori %shift_left3A_1995, %shift_right_logical3A_1998 : vector<64x128xi32>
    %xor3A_2000 = arith.xori %add3A_1992, %or3A_1999 : vector<64x128xi32>
    %add3A_2001 = arith.addi %add3A_1992, %xor3A_2000 : vector<64x128xi32>
    %shift_left3A_2002 = arith.constant 6 : i32
    %shift_left3A_2003 = vector.broadcast %shift_left3A_2002 : i32 to vector<64x128xi32>
    %shift_left3A_2004 = arith.shli %xor3A_2000, %shift_left3A_2003 : vector<64x128xi32>
    %shift_right_logical3A_2005 = arith.constant 26 : i32
    %shift_right_logical3A_2006 = vector.broadcast %shift_right_logical3A_2005 : i32 to vector<64x128xi32>
    %shift_right_logical3A_2007 = arith.shrui %xor3A_2000, %shift_right_logical3A_2006 : vector<64x128xi32>
    %or3A_2008 = arith.ori %shift_left3A_2004, %shift_right_logical3A_2007 : vector<64x128xi32>
    %xor3A_2009 = arith.xori %add3A_2001, %or3A_2008 : vector<64x128xi32>
    %add3A_2010 = arith.addi %add3A_2001, %add3A_1750 : vector<64x128xi32>
    %add3A_2011 = arith.addi %xor3A_2009, %xor3A_1971 : vector<64x128xi32>
    %add3A_2012 = arith.constant 1 : i32
    %add3A_2013 = vector.broadcast %add3A_2012 : i32 to vector<64x128xi32>
    %add3A_2014 = arith.addi %add3A_2011, %add3A_2013 : vector<64x128xi32>
    %add3A_2015 = arith.addi %add3A_2010, %add3A_2014 : vector<64x128xi32>
    %shift_left3A_2016 = arith.constant 17 : i32
    %shift_left3A_2017 = vector.broadcast %shift_left3A_2016 : i32 to vector<64x128xi32>
    %shift_left3A_2018 = arith.shli %add3A_2014, %shift_left3A_2017 : vector<64x128xi32>
    %shift_right_logical3A_2019 = arith.constant 15 : i32
    %shift_right_logical3A_2020 = vector.broadcast %shift_right_logical3A_2019 : i32 to vector<64x128xi32>
    %shift_right_logical3A_2021 = arith.shrui %add3A_2014, %shift_right_logical3A_2020 : vector<64x128xi32>
    %or3A_2022 = arith.ori %shift_left3A_2018, %shift_right_logical3A_2021 : vector<64x128xi32>
    %xor3A_2023 = arith.xori %add3A_2015, %or3A_2022 : vector<64x128xi32>
    %add3A_2024 = arith.addi %add3A_2015, %xor3A_2023 : vector<64x128xi32>
    %shift_left3A_2025 = arith.constant 29 : i32
    %shift_left3A_2026 = vector.broadcast %shift_left3A_2025 : i32 to vector<64x128xi32>
    %shift_left3A_2027 = arith.shli %xor3A_2023, %shift_left3A_2026 : vector<64x128xi32>
    %shift_right_logical3A_2028 = arith.constant 3 : i32
    %shift_right_logical3A_2029 = vector.broadcast %shift_right_logical3A_2028 : i32 to vector<64x128xi32>
    %shift_right_logical3A_2030 = arith.shrui %xor3A_2023, %shift_right_logical3A_2029 : vector<64x128xi32>
    %or3A_2031 = arith.ori %shift_left3A_2027, %shift_right_logical3A_2030 : vector<64x128xi32>
    %xor3A_2032 = arith.xori %add3A_2024, %or3A_2031 : vector<64x128xi32>
    %add3A_2033 = arith.addi %add3A_2024, %xor3A_2032 : vector<64x128xi32>
    %shift_left3A_2034 = arith.constant 16 : i32
    %shift_left3A_2035 = vector.broadcast %shift_left3A_2034 : i32 to vector<64x128xi32>
    %shift_left3A_2036 = arith.shli %xor3A_2032, %shift_left3A_2035 : vector<64x128xi32>
    %shift_right_logical3A_2037 = arith.constant 16 : i32
    %shift_right_logical3A_2038 = vector.broadcast %shift_right_logical3A_2037 : i32 to vector<64x128xi32>
    %shift_right_logical3A_2039 = arith.shrui %xor3A_2032, %shift_right_logical3A_2038 : vector<64x128xi32>
    %or3A_2040 = arith.ori %shift_left3A_2036, %shift_right_logical3A_2039 : vector<64x128xi32>
    %xor3A_2041 = arith.xori %add3A_2033, %or3A_2040 : vector<64x128xi32>
    %add3A_2042 = arith.addi %add3A_2033, %xor3A_2041 : vector<64x128xi32>
    %shift_left3A_2043 = arith.constant 24 : i32
    %shift_left3A_2044 = vector.broadcast %shift_left3A_2043 : i32 to vector<64x128xi32>
    %shift_left3A_2045 = arith.shli %xor3A_2041, %shift_left3A_2044 : vector<64x128xi32>
    %shift_right_logical3A_2046 = arith.constant 8 : i32
    %shift_right_logical3A_2047 = vector.broadcast %shift_right_logical3A_2046 : i32 to vector<64x128xi32>
    %shift_right_logical3A_2048 = arith.shrui %xor3A_2041, %shift_right_logical3A_2047 : vector<64x128xi32>
    %or3A_2049 = arith.ori %shift_left3A_2045, %shift_right_logical3A_2048 : vector<64x128xi32>
    %xor3A_2050 = arith.xori %add3A_2042, %or3A_2049 : vector<64x128xi32>
    %add3A_2051 = arith.addi %add3A_2042, %xor3A_1971 : vector<64x128xi32>
    %add3A_2052 = arith.addi %xor3A_2050, %add3A_1746 : vector<64x128xi32>
    %add3A_2053 = arith.constant 2 : i32
    %add3A_2054 = vector.broadcast %add3A_2053 : i32 to vector<64x128xi32>
    %add3A_2055 = arith.addi %add3A_2052, %add3A_2054 : vector<64x128xi32>
    %add3A_2056 = arith.addi %add3A_2051, %add3A_2055 : vector<64x128xi32>
    %shift_left3A_2057 = arith.constant 13 : i32
    %shift_left3A_2058 = vector.broadcast %shift_left3A_2057 : i32 to vector<64x128xi32>
    %shift_left3A_2059 = arith.shli %add3A_2055, %shift_left3A_2058 : vector<64x128xi32>
    %shift_right_logical3A_2060 = arith.constant 19 : i32
    %shift_right_logical3A_2061 = vector.broadcast %shift_right_logical3A_2060 : i32 to vector<64x128xi32>
    %shift_right_logical3A_2062 = arith.shrui %add3A_2055, %shift_right_logical3A_2061 : vector<64x128xi32>
    %or3A_2063 = arith.ori %shift_left3A_2059, %shift_right_logical3A_2062 : vector<64x128xi32>
    %xor3A_2064 = arith.xori %add3A_2056, %or3A_2063 : vector<64x128xi32>
    %add3A_2065 = arith.addi %add3A_2056, %xor3A_2064 : vector<64x128xi32>
    %shift_left3A_2066 = arith.constant 15 : i32
    %shift_left3A_2067 = vector.broadcast %shift_left3A_2066 : i32 to vector<64x128xi32>
    %shift_left3A_2068 = arith.shli %xor3A_2064, %shift_left3A_2067 : vector<64x128xi32>
    %shift_right_logical3A_2069 = arith.constant 17 : i32
    %shift_right_logical3A_2070 = vector.broadcast %shift_right_logical3A_2069 : i32 to vector<64x128xi32>
    %shift_right_logical3A_2071 = arith.shrui %xor3A_2064, %shift_right_logical3A_2070 : vector<64x128xi32>
    %or3A_2072 = arith.ori %shift_left3A_2068, %shift_right_logical3A_2071 : vector<64x128xi32>
    %xor3A_2073 = arith.xori %add3A_2065, %or3A_2072 : vector<64x128xi32>
    %add3A_2074 = arith.addi %add3A_2065, %xor3A_2073 : vector<64x128xi32>
    %shift_left3A_2075 = arith.constant 26 : i32
    %shift_left3A_2076 = vector.broadcast %shift_left3A_2075 : i32 to vector<64x128xi32>
    %shift_left3A_2077 = arith.shli %xor3A_2073, %shift_left3A_2076 : vector<64x128xi32>
    %shift_right_logical3A_2078 = arith.constant 6 : i32
    %shift_right_logical3A_2079 = vector.broadcast %shift_right_logical3A_2078 : i32 to vector<64x128xi32>
    %shift_right_logical3A_2080 = arith.shrui %xor3A_2073, %shift_right_logical3A_2079 : vector<64x128xi32>
    %or3A_2081 = arith.ori %shift_left3A_2077, %shift_right_logical3A_2080 : vector<64x128xi32>
    %xor3A_2082 = arith.xori %add3A_2074, %or3A_2081 : vector<64x128xi32>
    %add3A_2083 = arith.addi %add3A_2074, %xor3A_2082 : vector<64x128xi32>
    %shift_left3A_2084 = arith.constant 6 : i32
    %shift_left3A_2085 = vector.broadcast %shift_left3A_2084 : i32 to vector<64x128xi32>
    %shift_left3A_2086 = arith.shli %xor3A_2082, %shift_left3A_2085 : vector<64x128xi32>
    %shift_right_logical3A_2087 = arith.constant 26 : i32
    %shift_right_logical3A_2088 = vector.broadcast %shift_right_logical3A_2087 : i32 to vector<64x128xi32>
    %shift_right_logical3A_2089 = arith.shrui %xor3A_2082, %shift_right_logical3A_2088 : vector<64x128xi32>
    %or3A_2090 = arith.ori %shift_left3A_2086, %shift_right_logical3A_2089 : vector<64x128xi32>
    %xor3A_2091 = arith.xori %add3A_2083, %or3A_2090 : vector<64x128xi32>
    %add3A_2092 = arith.addi %add3A_2083, %add3A_1746 : vector<64x128xi32>
    %add3A_2093 = arith.addi %xor3A_2091, %add3A_1750 : vector<64x128xi32>
    %add3A_2094 = arith.constant 3 : i32
    %add3A_2095 = vector.broadcast %add3A_2094 : i32 to vector<64x128xi32>
    %add3A_2096 = arith.addi %add3A_2093, %add3A_2095 : vector<64x128xi32>
    %add3A_2097 = arith.addi %add3A_2092, %add3A_2096 : vector<64x128xi32>
    %shift_left3A_2098 = arith.constant 17 : i32
    %shift_left3A_2099 = vector.broadcast %shift_left3A_2098 : i32 to vector<64x128xi32>
    %shift_left3A_2100 = arith.shli %add3A_2096, %shift_left3A_2099 : vector<64x128xi32>
    %shift_right_logical3A_2101 = arith.constant 15 : i32
    %shift_right_logical3A_2102 = vector.broadcast %shift_right_logical3A_2101 : i32 to vector<64x128xi32>
    %shift_right_logical3A_2103 = arith.shrui %add3A_2096, %shift_right_logical3A_2102 : vector<64x128xi32>
    %or3A_2104 = arith.ori %shift_left3A_2100, %shift_right_logical3A_2103 : vector<64x128xi32>
    %xor3A_2105 = arith.xori %add3A_2097, %or3A_2104 : vector<64x128xi32>
    %add3A_2106 = arith.addi %add3A_2097, %xor3A_2105 : vector<64x128xi32>
    %shift_left3A_2107 = arith.constant 29 : i32
    %shift_left3A_2108 = vector.broadcast %shift_left3A_2107 : i32 to vector<64x128xi32>
    %shift_left3A_2109 = arith.shli %xor3A_2105, %shift_left3A_2108 : vector<64x128xi32>
    %shift_right_logical3A_2110 = arith.constant 3 : i32
    %shift_right_logical3A_2111 = vector.broadcast %shift_right_logical3A_2110 : i32 to vector<64x128xi32>
    %shift_right_logical3A_2112 = arith.shrui %xor3A_2105, %shift_right_logical3A_2111 : vector<64x128xi32>
    %or3A_2113 = arith.ori %shift_left3A_2109, %shift_right_logical3A_2112 : vector<64x128xi32>
    %xor3A_2114 = arith.xori %add3A_2106, %or3A_2113 : vector<64x128xi32>
    %add3A_2115 = arith.addi %add3A_2106, %xor3A_2114 : vector<64x128xi32>
    %shift_left3A_2116 = arith.constant 16 : i32
    %shift_left3A_2117 = vector.broadcast %shift_left3A_2116 : i32 to vector<64x128xi32>
    %shift_left3A_2118 = arith.shli %xor3A_2114, %shift_left3A_2117 : vector<64x128xi32>
    %shift_right_logical3A_2119 = arith.constant 16 : i32
    %shift_right_logical3A_2120 = vector.broadcast %shift_right_logical3A_2119 : i32 to vector<64x128xi32>
    %shift_right_logical3A_2121 = arith.shrui %xor3A_2114, %shift_right_logical3A_2120 : vector<64x128xi32>
    %or3A_2122 = arith.ori %shift_left3A_2118, %shift_right_logical3A_2121 : vector<64x128xi32>
    %xor3A_2123 = arith.xori %add3A_2115, %or3A_2122 : vector<64x128xi32>
    %add3A_2124 = arith.addi %add3A_2115, %xor3A_2123 : vector<64x128xi32>
    %shift_left3A_2125 = arith.constant 24 : i32
    %shift_left3A_2126 = vector.broadcast %shift_left3A_2125 : i32 to vector<64x128xi32>
    %shift_left3A_2127 = arith.shli %xor3A_2123, %shift_left3A_2126 : vector<64x128xi32>
    %shift_right_logical3A_2128 = arith.constant 8 : i32
    %shift_right_logical3A_2129 = vector.broadcast %shift_right_logical3A_2128 : i32 to vector<64x128xi32>
    %shift_right_logical3A_2130 = arith.shrui %xor3A_2123, %shift_right_logical3A_2129 : vector<64x128xi32>
    %or3A_2131 = arith.ori %shift_left3A_2127, %shift_right_logical3A_2130 : vector<64x128xi32>
    %xor3A_2132 = arith.xori %add3A_2124, %or3A_2131 : vector<64x128xi32>
    %add3A_2133 = arith.addi %add3A_2124, %add3A_1750 : vector<64x128xi32>
    %add3A_2134 = arith.addi %xor3A_2132, %xor3A_1971 : vector<64x128xi32>
    %add3A_2135 = arith.constant 4 : i32
    %add3A_2136 = vector.broadcast %add3A_2135 : i32 to vector<64x128xi32>
    %add3A_2137 = arith.addi %add3A_2134, %add3A_2136 : vector<64x128xi32>
    %add3A_2138 = arith.addi %add3A_2133, %add3A_2137 : vector<64x128xi32>
    %shift_left3A_2139 = arith.constant 13 : i32
    %shift_left3A_2140 = vector.broadcast %shift_left3A_2139 : i32 to vector<64x128xi32>
    %shift_left3A_2141 = arith.shli %add3A_2137, %shift_left3A_2140 : vector<64x128xi32>
    %shift_right_logical3A_2142 = arith.constant 19 : i32
    %shift_right_logical3A_2143 = vector.broadcast %shift_right_logical3A_2142 : i32 to vector<64x128xi32>
    %shift_right_logical3A_2144 = arith.shrui %add3A_2137, %shift_right_logical3A_2143 : vector<64x128xi32>
    %or3A_2145 = arith.ori %shift_left3A_2141, %shift_right_logical3A_2144 : vector<64x128xi32>
    %xor3A_2146 = arith.xori %add3A_2138, %or3A_2145 : vector<64x128xi32>
    %add3A_2147 = arith.addi %add3A_2138, %xor3A_2146 : vector<64x128xi32>
    %shift_left3A_2148 = arith.constant 15 : i32
    %shift_left3A_2149 = vector.broadcast %shift_left3A_2148 : i32 to vector<64x128xi32>
    %shift_left3A_2150 = arith.shli %xor3A_2146, %shift_left3A_2149 : vector<64x128xi32>
    %shift_right_logical3A_2151 = arith.constant 17 : i32
    %shift_right_logical3A_2152 = vector.broadcast %shift_right_logical3A_2151 : i32 to vector<64x128xi32>
    %shift_right_logical3A_2153 = arith.shrui %xor3A_2146, %shift_right_logical3A_2152 : vector<64x128xi32>
    %or3A_2154 = arith.ori %shift_left3A_2150, %shift_right_logical3A_2153 : vector<64x128xi32>
    %xor3A_2155 = arith.xori %add3A_2147, %or3A_2154 : vector<64x128xi32>
    %add3A_2156 = arith.addi %add3A_2147, %xor3A_2155 : vector<64x128xi32>
    %shift_left3A_2157 = arith.constant 26 : i32
    %shift_left3A_2158 = vector.broadcast %shift_left3A_2157 : i32 to vector<64x128xi32>
    %shift_left3A_2159 = arith.shli %xor3A_2155, %shift_left3A_2158 : vector<64x128xi32>
    %shift_right_logical3A_2160 = arith.constant 6 : i32
    %shift_right_logical3A_2161 = vector.broadcast %shift_right_logical3A_2160 : i32 to vector<64x128xi32>
    %shift_right_logical3A_2162 = arith.shrui %xor3A_2155, %shift_right_logical3A_2161 : vector<64x128xi32>
    %or3A_2163 = arith.ori %shift_left3A_2159, %shift_right_logical3A_2162 : vector<64x128xi32>
    %xor3A_2164 = arith.xori %add3A_2156, %or3A_2163 : vector<64x128xi32>
    %add3A_2165 = arith.addi %add3A_2156, %xor3A_2164 : vector<64x128xi32>
    %shift_left3A_2166 = arith.constant 6 : i32
    %shift_left3A_2167 = vector.broadcast %shift_left3A_2166 : i32 to vector<64x128xi32>
    %shift_left3A_2168 = arith.shli %xor3A_2164, %shift_left3A_2167 : vector<64x128xi32>
    %shift_right_logical3A_2169 = arith.constant 26 : i32
    %shift_right_logical3A_2170 = vector.broadcast %shift_right_logical3A_2169 : i32 to vector<64x128xi32>
    %shift_right_logical3A_2171 = arith.shrui %xor3A_2164, %shift_right_logical3A_2170 : vector<64x128xi32>
    %or3A_2172 = arith.ori %shift_left3A_2168, %shift_right_logical3A_2171 : vector<64x128xi32>
    %xor3A_2173 = arith.xori %add3A_2165, %or3A_2172 : vector<64x128xi32>
    %add3A_2174 = arith.addi %add3A_2165, %xor3A_1971 : vector<64x128xi32>
    %add3A_2175 = arith.addi %xor3A_2173, %add3A_1746 : vector<64x128xi32>
    %add3A_2176 = arith.constant 5 : i32
    %add3A_2177 = vector.broadcast %add3A_2176 : i32 to vector<64x128xi32>
    %add3A_2178 = arith.addi %add3A_2175, %add3A_2177 : vector<64x128xi32>
    %broadcast_in_dim3A_2179 = arith.constant 0 : i32
    %broadcast_in_dim3A_2180 = vector.broadcast %broadcast_in_dim3A_2179 : i32 to vector<64x128xi32>
    %xor3A_2181 = arith.xori %add3A_2174, %add3A_2178 : vector<64x128xi32>
    %xor3A_2182 = arith.constant 466688986 : i32
    %xor3A_2183 = vector.broadcast %xor3A_2182 : i32 to vector<64x128xi32>
    %xor3A_2184 = arith.xori %xor3A_2181, %xor3A_2183 : vector<64x128xi32>
    %add3A_2185 = arith.addi %broadcast_in_dim3A_2180, %add3A_2174 : vector<64x128xi32>
    %add3A_2186 = arith.addi %broadcast_in_dim3A_2180, %add3A_2178 : vector<64x128xi32>
    %add3A_2187 = arith.addi %add3A_2185, %add3A_2186 : vector<64x128xi32>
    %shift_left3A_2188 = arith.constant 13 : i32
    %shift_left3A_2189 = vector.broadcast %shift_left3A_2188 : i32 to vector<64x128xi32>
    %shift_left3A_2190 = arith.shli %add3A_2186, %shift_left3A_2189 : vector<64x128xi32>
    %shift_right_logical3A_2191 = arith.constant 19 : i32
    %shift_right_logical3A_2192 = vector.broadcast %shift_right_logical3A_2191 : i32 to vector<64x128xi32>
    %shift_right_logical3A_2193 = arith.shrui %add3A_2186, %shift_right_logical3A_2192 : vector<64x128xi32>
    %or3A_2194 = arith.ori %shift_left3A_2190, %shift_right_logical3A_2193 : vector<64x128xi32>
    %xor3A_2195 = arith.xori %add3A_2187, %or3A_2194 : vector<64x128xi32>
    %add3A_2196 = arith.addi %add3A_2187, %xor3A_2195 : vector<64x128xi32>
    %shift_left3A_2197 = arith.constant 15 : i32
    %shift_left3A_2198 = vector.broadcast %shift_left3A_2197 : i32 to vector<64x128xi32>
    %shift_left3A_2199 = arith.shli %xor3A_2195, %shift_left3A_2198 : vector<64x128xi32>
    %shift_right_logical3A_2200 = arith.constant 17 : i32
    %shift_right_logical3A_2201 = vector.broadcast %shift_right_logical3A_2200 : i32 to vector<64x128xi32>
    %shift_right_logical3A_2202 = arith.shrui %xor3A_2195, %shift_right_logical3A_2201 : vector<64x128xi32>
    %or3A_2203 = arith.ori %shift_left3A_2199, %shift_right_logical3A_2202 : vector<64x128xi32>
    %xor3A_2204 = arith.xori %add3A_2196, %or3A_2203 : vector<64x128xi32>
    %add3A_2205 = arith.addi %add3A_2196, %xor3A_2204 : vector<64x128xi32>
    %shift_left3A_2206 = arith.constant 26 : i32
    %shift_left3A_2207 = vector.broadcast %shift_left3A_2206 : i32 to vector<64x128xi32>
    %shift_left3A_2208 = arith.shli %xor3A_2204, %shift_left3A_2207 : vector<64x128xi32>
    %shift_right_logical3A_2209 = arith.constant 6 : i32
    %shift_right_logical3A_2210 = vector.broadcast %shift_right_logical3A_2209 : i32 to vector<64x128xi32>
    %shift_right_logical3A_2211 = arith.shrui %xor3A_2204, %shift_right_logical3A_2210 : vector<64x128xi32>
    %or3A_2212 = arith.ori %shift_left3A_2208, %shift_right_logical3A_2211 : vector<64x128xi32>
    %xor3A_2213 = arith.xori %add3A_2205, %or3A_2212 : vector<64x128xi32>
    %add3A_2214 = arith.addi %add3A_2205, %xor3A_2213 : vector<64x128xi32>
    %shift_left3A_2215 = arith.constant 6 : i32
    %shift_left3A_2216 = vector.broadcast %shift_left3A_2215 : i32 to vector<64x128xi32>
    %shift_left3A_2217 = arith.shli %xor3A_2213, %shift_left3A_2216 : vector<64x128xi32>
    %shift_right_logical3A_2218 = arith.constant 26 : i32
    %shift_right_logical3A_2219 = vector.broadcast %shift_right_logical3A_2218 : i32 to vector<64x128xi32>
    %shift_right_logical3A_2220 = arith.shrui %xor3A_2213, %shift_right_logical3A_2219 : vector<64x128xi32>
    %or3A_2221 = arith.ori %shift_left3A_2217, %shift_right_logical3A_2220 : vector<64x128xi32>
    %xor3A_2222 = arith.xori %add3A_2214, %or3A_2221 : vector<64x128xi32>
    %add3A_2223 = arith.addi %add3A_2214, %add3A_2178 : vector<64x128xi32>
    %add3A_2224 = arith.addi %xor3A_2222, %xor3A_2184 : vector<64x128xi32>
    %add3A_2225 = arith.constant 1 : i32
    %add3A_2226 = vector.broadcast %add3A_2225 : i32 to vector<64x128xi32>
    %add3A_2227 = arith.addi %add3A_2224, %add3A_2226 : vector<64x128xi32>
    %add3A_2228 = arith.addi %add3A_2223, %add3A_2227 : vector<64x128xi32>
    %shift_left3A_2229 = arith.constant 17 : i32
    %shift_left3A_2230 = vector.broadcast %shift_left3A_2229 : i32 to vector<64x128xi32>
    %shift_left3A_2231 = arith.shli %add3A_2227, %shift_left3A_2230 : vector<64x128xi32>
    %shift_right_logical3A_2232 = arith.constant 15 : i32
    %shift_right_logical3A_2233 = vector.broadcast %shift_right_logical3A_2232 : i32 to vector<64x128xi32>
    %shift_right_logical3A_2234 = arith.shrui %add3A_2227, %shift_right_logical3A_2233 : vector<64x128xi32>
    %or3A_2235 = arith.ori %shift_left3A_2231, %shift_right_logical3A_2234 : vector<64x128xi32>
    %xor3A_2236 = arith.xori %add3A_2228, %or3A_2235 : vector<64x128xi32>
    %add3A_2237 = arith.addi %add3A_2228, %xor3A_2236 : vector<64x128xi32>
    %shift_left3A_2238 = arith.constant 29 : i32
    %shift_left3A_2239 = vector.broadcast %shift_left3A_2238 : i32 to vector<64x128xi32>
    %shift_left3A_2240 = arith.shli %xor3A_2236, %shift_left3A_2239 : vector<64x128xi32>
    %shift_right_logical3A_2241 = arith.constant 3 : i32
    %shift_right_logical3A_2242 = vector.broadcast %shift_right_logical3A_2241 : i32 to vector<64x128xi32>
    %shift_right_logical3A_2243 = arith.shrui %xor3A_2236, %shift_right_logical3A_2242 : vector<64x128xi32>
    %or3A_2244 = arith.ori %shift_left3A_2240, %shift_right_logical3A_2243 : vector<64x128xi32>
    %xor3A_2245 = arith.xori %add3A_2237, %or3A_2244 : vector<64x128xi32>
    %add3A_2246 = arith.addi %add3A_2237, %xor3A_2245 : vector<64x128xi32>
    %shift_left3A_2247 = arith.constant 16 : i32
    %shift_left3A_2248 = vector.broadcast %shift_left3A_2247 : i32 to vector<64x128xi32>
    %shift_left3A_2249 = arith.shli %xor3A_2245, %shift_left3A_2248 : vector<64x128xi32>
    %shift_right_logical3A_2250 = arith.constant 16 : i32
    %shift_right_logical3A_2251 = vector.broadcast %shift_right_logical3A_2250 : i32 to vector<64x128xi32>
    %shift_right_logical3A_2252 = arith.shrui %xor3A_2245, %shift_right_logical3A_2251 : vector<64x128xi32>
    %or3A_2253 = arith.ori %shift_left3A_2249, %shift_right_logical3A_2252 : vector<64x128xi32>
    %xor3A_2254 = arith.xori %add3A_2246, %or3A_2253 : vector<64x128xi32>
    %add3A_2255 = arith.addi %add3A_2246, %xor3A_2254 : vector<64x128xi32>
    %shift_left3A_2256 = arith.constant 24 : i32
    %shift_left3A_2257 = vector.broadcast %shift_left3A_2256 : i32 to vector<64x128xi32>
    %shift_left3A_2258 = arith.shli %xor3A_2254, %shift_left3A_2257 : vector<64x128xi32>
    %shift_right_logical3A_2259 = arith.constant 8 : i32
    %shift_right_logical3A_2260 = vector.broadcast %shift_right_logical3A_2259 : i32 to vector<64x128xi32>
    %shift_right_logical3A_2261 = arith.shrui %xor3A_2254, %shift_right_logical3A_2260 : vector<64x128xi32>
    %or3A_2262 = arith.ori %shift_left3A_2258, %shift_right_logical3A_2261 : vector<64x128xi32>
    %xor3A_2263 = arith.xori %add3A_2255, %or3A_2262 : vector<64x128xi32>
    %add3A_2264 = arith.addi %add3A_2255, %xor3A_2184 : vector<64x128xi32>
    %add3A_2265 = arith.addi %xor3A_2263, %add3A_2174 : vector<64x128xi32>
    %add3A_2266 = arith.constant 2 : i32
    %add3A_2267 = vector.broadcast %add3A_2266 : i32 to vector<64x128xi32>
    %add3A_2268 = arith.addi %add3A_2265, %add3A_2267 : vector<64x128xi32>
    %add3A_2269 = arith.addi %add3A_2264, %add3A_2268 : vector<64x128xi32>
    %shift_left3A_2270 = arith.constant 13 : i32
    %shift_left3A_2271 = vector.broadcast %shift_left3A_2270 : i32 to vector<64x128xi32>
    %shift_left3A_2272 = arith.shli %add3A_2268, %shift_left3A_2271 : vector<64x128xi32>
    %shift_right_logical3A_2273 = arith.constant 19 : i32
    %shift_right_logical3A_2274 = vector.broadcast %shift_right_logical3A_2273 : i32 to vector<64x128xi32>
    %shift_right_logical3A_2275 = arith.shrui %add3A_2268, %shift_right_logical3A_2274 : vector<64x128xi32>
    %or3A_2276 = arith.ori %shift_left3A_2272, %shift_right_logical3A_2275 : vector<64x128xi32>
    %xor3A_2277 = arith.xori %add3A_2269, %or3A_2276 : vector<64x128xi32>
    %add3A_2278 = arith.addi %add3A_2269, %xor3A_2277 : vector<64x128xi32>
    %shift_left3A_2279 = arith.constant 15 : i32
    %shift_left3A_2280 = vector.broadcast %shift_left3A_2279 : i32 to vector<64x128xi32>
    %shift_left3A_2281 = arith.shli %xor3A_2277, %shift_left3A_2280 : vector<64x128xi32>
    %shift_right_logical3A_2282 = arith.constant 17 : i32
    %shift_right_logical3A_2283 = vector.broadcast %shift_right_logical3A_2282 : i32 to vector<64x128xi32>
    %shift_right_logical3A_2284 = arith.shrui %xor3A_2277, %shift_right_logical3A_2283 : vector<64x128xi32>
    %or3A_2285 = arith.ori %shift_left3A_2281, %shift_right_logical3A_2284 : vector<64x128xi32>
    %xor3A_2286 = arith.xori %add3A_2278, %or3A_2285 : vector<64x128xi32>
    %add3A_2287 = arith.addi %add3A_2278, %xor3A_2286 : vector<64x128xi32>
    %shift_left3A_2288 = arith.constant 26 : i32
    %shift_left3A_2289 = vector.broadcast %shift_left3A_2288 : i32 to vector<64x128xi32>
    %shift_left3A_2290 = arith.shli %xor3A_2286, %shift_left3A_2289 : vector<64x128xi32>
    %shift_right_logical3A_2291 = arith.constant 6 : i32
    %shift_right_logical3A_2292 = vector.broadcast %shift_right_logical3A_2291 : i32 to vector<64x128xi32>
    %shift_right_logical3A_2293 = arith.shrui %xor3A_2286, %shift_right_logical3A_2292 : vector<64x128xi32>
    %or3A_2294 = arith.ori %shift_left3A_2290, %shift_right_logical3A_2293 : vector<64x128xi32>
    %xor3A_2295 = arith.xori %add3A_2287, %or3A_2294 : vector<64x128xi32>
    %add3A_2296 = arith.addi %add3A_2287, %xor3A_2295 : vector<64x128xi32>
    %shift_left3A_2297 = arith.constant 6 : i32
    %shift_left3A_2298 = vector.broadcast %shift_left3A_2297 : i32 to vector<64x128xi32>
    %shift_left3A_2299 = arith.shli %xor3A_2295, %shift_left3A_2298 : vector<64x128xi32>
    %shift_right_logical3A_2300 = arith.constant 26 : i32
    %shift_right_logical3A_2301 = vector.broadcast %shift_right_logical3A_2300 : i32 to vector<64x128xi32>
    %shift_right_logical3A_2302 = arith.shrui %xor3A_2295, %shift_right_logical3A_2301 : vector<64x128xi32>
    %or3A_2303 = arith.ori %shift_left3A_2299, %shift_right_logical3A_2302 : vector<64x128xi32>
    %xor3A_2304 = arith.xori %add3A_2296, %or3A_2303 : vector<64x128xi32>
    %add3A_2305 = arith.addi %add3A_2296, %add3A_2174 : vector<64x128xi32>
    %add3A_2306 = arith.addi %xor3A_2304, %add3A_2178 : vector<64x128xi32>
    %add3A_2307 = arith.constant 3 : i32
    %add3A_2308 = vector.broadcast %add3A_2307 : i32 to vector<64x128xi32>
    %add3A_2309 = arith.addi %add3A_2306, %add3A_2308 : vector<64x128xi32>
    %add3A_2310 = arith.addi %add3A_2305, %add3A_2309 : vector<64x128xi32>
    %shift_left3A_2311 = arith.constant 17 : i32
    %shift_left3A_2312 = vector.broadcast %shift_left3A_2311 : i32 to vector<64x128xi32>
    %shift_left3A_2313 = arith.shli %add3A_2309, %shift_left3A_2312 : vector<64x128xi32>
    %shift_right_logical3A_2314 = arith.constant 15 : i32
    %shift_right_logical3A_2315 = vector.broadcast %shift_right_logical3A_2314 : i32 to vector<64x128xi32>
    %shift_right_logical3A_2316 = arith.shrui %add3A_2309, %shift_right_logical3A_2315 : vector<64x128xi32>
    %or3A_2317 = arith.ori %shift_left3A_2313, %shift_right_logical3A_2316 : vector<64x128xi32>
    %xor3A_2318 = arith.xori %add3A_2310, %or3A_2317 : vector<64x128xi32>
    %add3A_2319 = arith.addi %add3A_2310, %xor3A_2318 : vector<64x128xi32>
    %shift_left3A_2320 = arith.constant 29 : i32
    %shift_left3A_2321 = vector.broadcast %shift_left3A_2320 : i32 to vector<64x128xi32>
    %shift_left3A_2322 = arith.shli %xor3A_2318, %shift_left3A_2321 : vector<64x128xi32>
    %shift_right_logical3A_2323 = arith.constant 3 : i32
    %shift_right_logical3A_2324 = vector.broadcast %shift_right_logical3A_2323 : i32 to vector<64x128xi32>
    %shift_right_logical3A_2325 = arith.shrui %xor3A_2318, %shift_right_logical3A_2324 : vector<64x128xi32>
    %or3A_2326 = arith.ori %shift_left3A_2322, %shift_right_logical3A_2325 : vector<64x128xi32>
    %xor3A_2327 = arith.xori %add3A_2319, %or3A_2326 : vector<64x128xi32>
    %add3A_2328 = arith.addi %add3A_2319, %xor3A_2327 : vector<64x128xi32>
    %shift_left3A_2329 = arith.constant 16 : i32
    %shift_left3A_2330 = vector.broadcast %shift_left3A_2329 : i32 to vector<64x128xi32>
    %shift_left3A_2331 = arith.shli %xor3A_2327, %shift_left3A_2330 : vector<64x128xi32>
    %shift_right_logical3A_2332 = arith.constant 16 : i32
    %shift_right_logical3A_2333 = vector.broadcast %shift_right_logical3A_2332 : i32 to vector<64x128xi32>
    %shift_right_logical3A_2334 = arith.shrui %xor3A_2327, %shift_right_logical3A_2333 : vector<64x128xi32>
    %or3A_2335 = arith.ori %shift_left3A_2331, %shift_right_logical3A_2334 : vector<64x128xi32>
    %xor3A_2336 = arith.xori %add3A_2328, %or3A_2335 : vector<64x128xi32>
    %add3A_2337 = arith.addi %add3A_2328, %xor3A_2336 : vector<64x128xi32>
    %shift_left3A_2338 = arith.constant 24 : i32
    %shift_left3A_2339 = vector.broadcast %shift_left3A_2338 : i32 to vector<64x128xi32>
    %shift_left3A_2340 = arith.shli %xor3A_2336, %shift_left3A_2339 : vector<64x128xi32>
    %shift_right_logical3A_2341 = arith.constant 8 : i32
    %shift_right_logical3A_2342 = vector.broadcast %shift_right_logical3A_2341 : i32 to vector<64x128xi32>
    %shift_right_logical3A_2343 = arith.shrui %xor3A_2336, %shift_right_logical3A_2342 : vector<64x128xi32>
    %or3A_2344 = arith.ori %shift_left3A_2340, %shift_right_logical3A_2343 : vector<64x128xi32>
    %xor3A_2345 = arith.xori %add3A_2337, %or3A_2344 : vector<64x128xi32>
    %add3A_2346 = arith.addi %add3A_2337, %add3A_2178 : vector<64x128xi32>
    %add3A_2347 = arith.addi %xor3A_2345, %xor3A_2184 : vector<64x128xi32>
    %add3A_2348 = arith.constant 4 : i32
    %add3A_2349 = vector.broadcast %add3A_2348 : i32 to vector<64x128xi32>
    %add3A_2350 = arith.addi %add3A_2347, %add3A_2349 : vector<64x128xi32>
    %add3A_2351 = arith.addi %add3A_2346, %add3A_2350 : vector<64x128xi32>
    %shift_left3A_2352 = arith.constant 13 : i32
    %shift_left3A_2353 = vector.broadcast %shift_left3A_2352 : i32 to vector<64x128xi32>
    %shift_left3A_2354 = arith.shli %add3A_2350, %shift_left3A_2353 : vector<64x128xi32>
    %shift_right_logical3A_2355 = arith.constant 19 : i32
    %shift_right_logical3A_2356 = vector.broadcast %shift_right_logical3A_2355 : i32 to vector<64x128xi32>
    %shift_right_logical3A_2357 = arith.shrui %add3A_2350, %shift_right_logical3A_2356 : vector<64x128xi32>
    %or3A_2358 = arith.ori %shift_left3A_2354, %shift_right_logical3A_2357 : vector<64x128xi32>
    %xor3A_2359 = arith.xori %add3A_2351, %or3A_2358 : vector<64x128xi32>
    %add3A_2360 = arith.addi %add3A_2351, %xor3A_2359 : vector<64x128xi32>
    %shift_left3A_2361 = arith.constant 15 : i32
    %shift_left3A_2362 = vector.broadcast %shift_left3A_2361 : i32 to vector<64x128xi32>
    %shift_left3A_2363 = arith.shli %xor3A_2359, %shift_left3A_2362 : vector<64x128xi32>
    %shift_right_logical3A_2364 = arith.constant 17 : i32
    %shift_right_logical3A_2365 = vector.broadcast %shift_right_logical3A_2364 : i32 to vector<64x128xi32>
    %shift_right_logical3A_2366 = arith.shrui %xor3A_2359, %shift_right_logical3A_2365 : vector<64x128xi32>
    %or3A_2367 = arith.ori %shift_left3A_2363, %shift_right_logical3A_2366 : vector<64x128xi32>
    %xor3A_2368 = arith.xori %add3A_2360, %or3A_2367 : vector<64x128xi32>
    %add3A_2369 = arith.addi %add3A_2360, %xor3A_2368 : vector<64x128xi32>
    %shift_left3A_2370 = arith.constant 26 : i32
    %shift_left3A_2371 = vector.broadcast %shift_left3A_2370 : i32 to vector<64x128xi32>
    %shift_left3A_2372 = arith.shli %xor3A_2368, %shift_left3A_2371 : vector<64x128xi32>
    %shift_right_logical3A_2373 = arith.constant 6 : i32
    %shift_right_logical3A_2374 = vector.broadcast %shift_right_logical3A_2373 : i32 to vector<64x128xi32>
    %shift_right_logical3A_2375 = arith.shrui %xor3A_2368, %shift_right_logical3A_2374 : vector<64x128xi32>
    %or3A_2376 = arith.ori %shift_left3A_2372, %shift_right_logical3A_2375 : vector<64x128xi32>
    %xor3A_2377 = arith.xori %add3A_2369, %or3A_2376 : vector<64x128xi32>
    %add3A_2378 = arith.addi %add3A_2369, %xor3A_2377 : vector<64x128xi32>
    %shift_left3A_2379 = arith.constant 6 : i32
    %shift_left3A_2380 = vector.broadcast %shift_left3A_2379 : i32 to vector<64x128xi32>
    %shift_left3A_2381 = arith.shli %xor3A_2377, %shift_left3A_2380 : vector<64x128xi32>
    %shift_right_logical3A_2382 = arith.constant 26 : i32
    %shift_right_logical3A_2383 = vector.broadcast %shift_right_logical3A_2382 : i32 to vector<64x128xi32>
    %shift_right_logical3A_2384 = arith.shrui %xor3A_2377, %shift_right_logical3A_2383 : vector<64x128xi32>
    %or3A_2385 = arith.ori %shift_left3A_2381, %shift_right_logical3A_2384 : vector<64x128xi32>
    %xor3A_2386 = arith.xori %add3A_2378, %or3A_2385 : vector<64x128xi32>
    %add3A_2387 = arith.addi %add3A_2378, %xor3A_2184 : vector<64x128xi32>
    %add3A_2388 = arith.addi %xor3A_2386, %add3A_2174 : vector<64x128xi32>
    %add3A_2389 = arith.constant 5 : i32
    %add3A_2390 = vector.broadcast %add3A_2389 : i32 to vector<64x128xi32>
    %add3A_2391 = arith.addi %add3A_2388, %add3A_2390 : vector<64x128xi32>
    %xor3A_2392 = arith.xori %add3A_2387, %add3A_2391 : vector<64x128xi32>
    %shift_right_logical3A_2393 = arith.constant 9 : i32
    %shift_right_logical3A_2394 = vector.broadcast %shift_right_logical3A_2393 : i32 to vector<64x128xi32>
    %shift_right_logical3A_2395 = arith.shrui %xor3A_2392, %shift_right_logical3A_2394 : vector<64x128xi32>
    %or3A_2396 = arith.constant 1065353216 : i32
    %or3A_2397 = vector.broadcast %or3A_2396 : i32 to vector<64x128xi32>
    %or3A_2398 = arith.ori %shift_right_logical3A_2395, %or3A_2397 : vector<64x128xi32>
    %bitcast_convert_type3A = tpu.bitcast %or3A_2398 : vector<64x128xi32> -> vector<64x128xf32>
    %sub3A_2399 = arith.constant 1.000000e+00 : f32
    %sub3A_2400 = vector.broadcast %sub3A_2399 : f32 to vector<64x128xf32>
    %sub3A_2401 = arith.subf %bitcast_convert_type3A, %sub3A_2400 : vector<64x128xf32>
    %mul3A_2402 = arith.constant 2.000000e+00 : f32
    %mul3A_2403 = vector.broadcast %mul3A_2402 : f32 to vector<64x128xf32>
    %mul3A_2404 = arith.mulf %sub3A_2401, %mul3A_2403 : vector<64x128xf32>
    %add3A_2405 = arith.constant -0.99999994 : f32
    %add3A_2406 = vector.broadcast %add3A_2405 : f32 to vector<64x128xf32>
    %add3A_2407 = arith.addf %mul3A_2404, %add3A_2406 : vector<64x128xf32>
    %max3A = arith.constant -0.99999994 : f32
    %max3A_2408 = vector.broadcast %max3A : f32 to vector<64x128xf32>
    %max3A_2409 = arith.maximumf %max3A_2408, %add3A_2407 : vector<64x128xf32>
    %neg3A = arith.constant 0.000000e+00 : f32
    %neg3A_2410 = vector.broadcast %neg3A : f32 to vector<64x128xf32>
    %neg3A_2411 = arith.subf %neg3A_2410, %max3A_2409 : vector<64x128xf32>
    %mul3A_2412 = arith.mulf %neg3A_2411, %max3A_2409 : vector<64x128xf32>
    %log1p3A = math.log1p %mul3A_2412 : vector<64x128xf32>
    %neg3A_2413 = arith.constant 0.000000e+00 : f32
    %neg3A_2414 = vector.broadcast %neg3A_2413 : f32 to vector<64x128xf32>
    %neg3A_2415 = arith.subf %neg3A_2414, %log1p3A : vector<64x128xf32>
    %sub3A_2416 = arith.constant 2.500000e+00 : f32
    %sub3A_2417 = vector.broadcast %sub3A_2416 : f32 to vector<64x128xf32>
    %sub3A_2418 = arith.subf %neg3A_2415, %sub3A_2417 : vector<64x128xf32>
    %broadcast_in_dim3A_2419 = arith.constant 2.81022636E-8 : f32
    %broadcast_in_dim3A_2420 = vector.broadcast %broadcast_in_dim3A_2419 : f32 to vector<64x128xf32>
    %mul3A_2421 = arith.mulf %broadcast_in_dim3A_2420, %sub3A_2418 : vector<64x128xf32>
    %add3A_2422 = arith.constant 3.43273939E-7 : f32
    %add3A_2423 = vector.broadcast %add3A_2422 : f32 to vector<64x128xf32>
    %add3A_2424 = arith.addf %add3A_2423, %mul3A_2421 : vector<64x128xf32>
    %mul3A_2425 = arith.mulf %add3A_2424, %sub3A_2418 : vector<64x128xf32>
    %add3A_2426 = arith.constant -3.5233877E-6 : f32
    %add3A_2427 = vector.broadcast %add3A_2426 : f32 to vector<64x128xf32>
    %add3A_2428 = arith.addf %add3A_2427, %mul3A_2425 : vector<64x128xf32>
    %mul3A_2429 = arith.mulf %add3A_2428, %sub3A_2418 : vector<64x128xf32>
    %add3A_2430 = arith.constant -4.39150654E-6 : f32
    %add3A_2431 = vector.broadcast %add3A_2430 : f32 to vector<64x128xf32>
    %add3A_2432 = arith.addf %add3A_2431, %mul3A_2429 : vector<64x128xf32>
    %mul3A_2433 = arith.mulf %add3A_2432, %sub3A_2418 : vector<64x128xf32>
    %add3A_2434 = arith.constant 2.1858087E-4 : f32
    %add3A_2435 = vector.broadcast %add3A_2434 : f32 to vector<64x128xf32>
    %add3A_2436 = arith.addf %add3A_2435, %mul3A_2433 : vector<64x128xf32>
    %mul3A_2437 = arith.mulf %add3A_2436, %sub3A_2418 : vector<64x128xf32>
    %add3A_2438 = arith.constant -0.00125372503 : f32
    %add3A_2439 = vector.broadcast %add3A_2438 : f32 to vector<64x128xf32>
    %add3A_2440 = arith.addf %add3A_2439, %mul3A_2437 : vector<64x128xf32>
    %mul3A_2441 = arith.mulf %add3A_2440, %sub3A_2418 : vector<64x128xf32>
    %add3A_2442 = arith.constant -0.00417768164 : f32
    %add3A_2443 = vector.broadcast %add3A_2442 : f32 to vector<64x128xf32>
    %add3A_2444 = arith.addf %add3A_2443, %mul3A_2441 : vector<64x128xf32>
    %mul3A_2445 = arith.mulf %add3A_2444, %sub3A_2418 : vector<64x128xf32>
    %add3A_2446 = arith.constant 0.246640727 : f32
    %add3A_2447 = vector.broadcast %add3A_2446 : f32 to vector<64x128xf32>
    %add3A_2448 = arith.addf %add3A_2447, %mul3A_2445 : vector<64x128xf32>
    %mul3A_2449 = arith.mulf %add3A_2448, %sub3A_2418 : vector<64x128xf32>
    %add3A_2450 = arith.constant 1.50140941 : f32
    %add3A_2451 = vector.broadcast %add3A_2450 : f32 to vector<64x128xf32>
    %add3A_2452 = arith.addf %add3A_2451, %mul3A_2449 : vector<64x128xf32>
    %sqrt3A_2453 = math.sqrt %neg3A_2415 : vector<64x128xf32>
    %sub3A_2454 = arith.constant 3.000000e+00 : f32
    %sub3A_2455 = vector.broadcast %sub3A_2454 : f32 to vector<64x128xf32>
    %sub3A_2456 = arith.subf %sqrt3A_2453, %sub3A_2455 : vector<64x128xf32>
    %broadcast_in_dim3A_2457 = arith.constant -2.00214257E-4 : f32
    %broadcast_in_dim3A_2458 = vector.broadcast %broadcast_in_dim3A_2457 : f32 to vector<64x128xf32>
    %mul3A_2459 = arith.mulf %broadcast_in_dim3A_2458, %sub3A_2456 : vector<64x128xf32>
    %add3A_2460 = arith.constant 1.00950558E-4 : f32
    %add3A_2461 = vector.broadcast %add3A_2460 : f32 to vector<64x128xf32>
    %add3A_2462 = arith.addf %add3A_2461, %mul3A_2459 : vector<64x128xf32>
    %mul3A_2463 = arith.mulf %add3A_2462, %sub3A_2456 : vector<64x128xf32>
    %add3A_2464 = arith.constant 0.00134934322 : f32
    %add3A_2465 = vector.broadcast %add3A_2464 : f32 to vector<64x128xf32>
    %add3A_2466 = arith.addf %add3A_2465, %mul3A_2463 : vector<64x128xf32>
    %mul3A_2467 = arith.mulf %add3A_2466, %sub3A_2456 : vector<64x128xf32>
    %add3A_2468 = arith.constant -0.00367342844 : f32
    %add3A_2469 = vector.broadcast %add3A_2468 : f32 to vector<64x128xf32>
    %add3A_2470 = arith.addf %add3A_2469, %mul3A_2467 : vector<64x128xf32>
    %mul3A_2471 = arith.mulf %add3A_2470, %sub3A_2456 : vector<64x128xf32>
    %add3A_2472 = arith.constant 0.00573950773 : f32
    %add3A_2473 = vector.broadcast %add3A_2472 : f32 to vector<64x128xf32>
    %add3A_2474 = arith.addf %add3A_2473, %mul3A_2471 : vector<64x128xf32>
    %mul3A_2475 = arith.mulf %add3A_2474, %sub3A_2456 : vector<64x128xf32>
    %add3A_2476 = arith.constant -0.0076224613 : f32
    %add3A_2477 = vector.broadcast %add3A_2476 : f32 to vector<64x128xf32>
    %add3A_2478 = arith.addf %add3A_2477, %mul3A_2475 : vector<64x128xf32>
    %mul3A_2479 = arith.mulf %add3A_2478, %sub3A_2456 : vector<64x128xf32>
    %add3A_2480 = arith.constant 0.00943887047 : f32
    %add3A_2481 = vector.broadcast %add3A_2480 : f32 to vector<64x128xf32>
    %add3A_2482 = arith.addf %add3A_2481, %mul3A_2479 : vector<64x128xf32>
    %mul3A_2483 = arith.mulf %add3A_2482, %sub3A_2456 : vector<64x128xf32>
    %add3A_2484 = arith.constant 1.00167406 : f32
    %add3A_2485 = vector.broadcast %add3A_2484 : f32 to vector<64x128xf32>
    %add3A_2486 = arith.addf %add3A_2485, %mul3A_2483 : vector<64x128xf32>
    %mul3A_2487 = arith.mulf %add3A_2486, %sub3A_2456 : vector<64x128xf32>
    %add3A_2488 = arith.constant 2.83297682 : f32
    %add3A_2489 = vector.broadcast %add3A_2488 : f32 to vector<64x128xf32>
    %add3A_2490 = arith.addf %add3A_2489, %mul3A_2487 : vector<64x128xf32>
    %lt3A_2491 = arith.constant 5.000000e+00 : f32
    %lt3A_2492 = vector.broadcast %lt3A_2491 : f32 to vector<64x128xf32>
    %lt3A_2493 = arith.cmpf olt, %neg3A_2415, %lt3A_2492 : vector<64x128xf32>
    %select_n3A_2494 = arith.select %lt3A_2493, %add3A_2452, %add3A_2490 : vector<64x128xi1>, vector<64x128xf32>
    %mul3A_2495 = arith.mulf %select_n3A_2494, %max3A_2409 : vector<64x128xf32>
    %mul3A_2496 = arith.constant 1.41421354 : f32
    %mul3A_2497 = vector.broadcast %mul3A_2496 : f32 to vector<64x128xf32>
    %mul3A_2498 = arith.mulf %mul3A_2497, %mul3A_2495 : vector<64x128xf32>
    %mul3A_2499 = arith.mulf %mul3A_2498, %div3A_1325 : vector<64x128xf32>
    %add3A_2500 = arith.constant 1.000000e+00 : f32
    %add3A_2501 = vector.broadcast %add3A_2500 : f32 to vector<64x128xf32>
    %add3A_2502 = arith.addf %add3A_2501, %mul3A_2499 : vector<64x128xf32>
    %xor3A_2503 = arith.xori %add3A_1746, %add3A_1750 : vector<64x128xi32>
    %xor3A_2504 = arith.constant 466688986 : i32
    %xor3A_2505 = vector.broadcast %xor3A_2504 : i32 to vector<64x128xi32>
    %xor3A_2506 = arith.xori %xor3A_2503, %xor3A_2505 : vector<64x128xi32>
    %add3A_2507 = arith.addi %broadcast_in_dim3A_677, %add3A_1746 : vector<64x128xi32>
    %add3A_2508 = arith.addi %broadcast_in_dim3A_677, %add3A_1750 : vector<64x128xi32>
    %add3A_2509 = arith.addi %add3A_2507, %add3A_2508 : vector<64x128xi32>
    %shift_left3A_2510 = arith.constant 13 : i32
    %shift_left3A_2511 = vector.broadcast %shift_left3A_2510 : i32 to vector<64x128xi32>
    %shift_left3A_2512 = arith.shli %add3A_2508, %shift_left3A_2511 : vector<64x128xi32>
    %shift_right_logical3A_2513 = arith.constant 19 : i32
    %shift_right_logical3A_2514 = vector.broadcast %shift_right_logical3A_2513 : i32 to vector<64x128xi32>
    %shift_right_logical3A_2515 = arith.shrui %add3A_2508, %shift_right_logical3A_2514 : vector<64x128xi32>
    %or3A_2516 = arith.ori %shift_left3A_2512, %shift_right_logical3A_2515 : vector<64x128xi32>
    %xor3A_2517 = arith.xori %add3A_2509, %or3A_2516 : vector<64x128xi32>
    %add3A_2518 = arith.addi %add3A_2509, %xor3A_2517 : vector<64x128xi32>
    %shift_left3A_2519 = arith.constant 15 : i32
    %shift_left3A_2520 = vector.broadcast %shift_left3A_2519 : i32 to vector<64x128xi32>
    %shift_left3A_2521 = arith.shli %xor3A_2517, %shift_left3A_2520 : vector<64x128xi32>
    %shift_right_logical3A_2522 = arith.constant 17 : i32
    %shift_right_logical3A_2523 = vector.broadcast %shift_right_logical3A_2522 : i32 to vector<64x128xi32>
    %shift_right_logical3A_2524 = arith.shrui %xor3A_2517, %shift_right_logical3A_2523 : vector<64x128xi32>
    %or3A_2525 = arith.ori %shift_left3A_2521, %shift_right_logical3A_2524 : vector<64x128xi32>
    %xor3A_2526 = arith.xori %add3A_2518, %or3A_2525 : vector<64x128xi32>
    %add3A_2527 = arith.addi %add3A_2518, %xor3A_2526 : vector<64x128xi32>
    %shift_left3A_2528 = arith.constant 26 : i32
    %shift_left3A_2529 = vector.broadcast %shift_left3A_2528 : i32 to vector<64x128xi32>
    %shift_left3A_2530 = arith.shli %xor3A_2526, %shift_left3A_2529 : vector<64x128xi32>
    %shift_right_logical3A_2531 = arith.constant 6 : i32
    %shift_right_logical3A_2532 = vector.broadcast %shift_right_logical3A_2531 : i32 to vector<64x128xi32>
    %shift_right_logical3A_2533 = arith.shrui %xor3A_2526, %shift_right_logical3A_2532 : vector<64x128xi32>
    %or3A_2534 = arith.ori %shift_left3A_2530, %shift_right_logical3A_2533 : vector<64x128xi32>
    %xor3A_2535 = arith.xori %add3A_2527, %or3A_2534 : vector<64x128xi32>
    %add3A_2536 = arith.addi %add3A_2527, %xor3A_2535 : vector<64x128xi32>
    %shift_left3A_2537 = arith.constant 6 : i32
    %shift_left3A_2538 = vector.broadcast %shift_left3A_2537 : i32 to vector<64x128xi32>
    %shift_left3A_2539 = arith.shli %xor3A_2535, %shift_left3A_2538 : vector<64x128xi32>
    %shift_right_logical3A_2540 = arith.constant 26 : i32
    %shift_right_logical3A_2541 = vector.broadcast %shift_right_logical3A_2540 : i32 to vector<64x128xi32>
    %shift_right_logical3A_2542 = arith.shrui %xor3A_2535, %shift_right_logical3A_2541 : vector<64x128xi32>
    %or3A_2543 = arith.ori %shift_left3A_2539, %shift_right_logical3A_2542 : vector<64x128xi32>
    %xor3A_2544 = arith.xori %add3A_2536, %or3A_2543 : vector<64x128xi32>
    %add3A_2545 = arith.addi %add3A_2536, %add3A_1750 : vector<64x128xi32>
    %add3A_2546 = arith.addi %xor3A_2544, %xor3A_2506 : vector<64x128xi32>
    %add3A_2547 = arith.constant 1 : i32
    %add3A_2548 = vector.broadcast %add3A_2547 : i32 to vector<64x128xi32>
    %add3A_2549 = arith.addi %add3A_2546, %add3A_2548 : vector<64x128xi32>
    %add3A_2550 = arith.addi %add3A_2545, %add3A_2549 : vector<64x128xi32>
    %shift_left3A_2551 = arith.constant 17 : i32
    %shift_left3A_2552 = vector.broadcast %shift_left3A_2551 : i32 to vector<64x128xi32>
    %shift_left3A_2553 = arith.shli %add3A_2549, %shift_left3A_2552 : vector<64x128xi32>
    %shift_right_logical3A_2554 = arith.constant 15 : i32
    %shift_right_logical3A_2555 = vector.broadcast %shift_right_logical3A_2554 : i32 to vector<64x128xi32>
    %shift_right_logical3A_2556 = arith.shrui %add3A_2549, %shift_right_logical3A_2555 : vector<64x128xi32>
    %or3A_2557 = arith.ori %shift_left3A_2553, %shift_right_logical3A_2556 : vector<64x128xi32>
    %xor3A_2558 = arith.xori %add3A_2550, %or3A_2557 : vector<64x128xi32>
    %add3A_2559 = arith.addi %add3A_2550, %xor3A_2558 : vector<64x128xi32>
    %shift_left3A_2560 = arith.constant 29 : i32
    %shift_left3A_2561 = vector.broadcast %shift_left3A_2560 : i32 to vector<64x128xi32>
    %shift_left3A_2562 = arith.shli %xor3A_2558, %shift_left3A_2561 : vector<64x128xi32>
    %shift_right_logical3A_2563 = arith.constant 3 : i32
    %shift_right_logical3A_2564 = vector.broadcast %shift_right_logical3A_2563 : i32 to vector<64x128xi32>
    %shift_right_logical3A_2565 = arith.shrui %xor3A_2558, %shift_right_logical3A_2564 : vector<64x128xi32>
    %or3A_2566 = arith.ori %shift_left3A_2562, %shift_right_logical3A_2565 : vector<64x128xi32>
    %xor3A_2567 = arith.xori %add3A_2559, %or3A_2566 : vector<64x128xi32>
    %add3A_2568 = arith.addi %add3A_2559, %xor3A_2567 : vector<64x128xi32>
    %shift_left3A_2569 = arith.constant 16 : i32
    %shift_left3A_2570 = vector.broadcast %shift_left3A_2569 : i32 to vector<64x128xi32>
    %shift_left3A_2571 = arith.shli %xor3A_2567, %shift_left3A_2570 : vector<64x128xi32>
    %shift_right_logical3A_2572 = arith.constant 16 : i32
    %shift_right_logical3A_2573 = vector.broadcast %shift_right_logical3A_2572 : i32 to vector<64x128xi32>
    %shift_right_logical3A_2574 = arith.shrui %xor3A_2567, %shift_right_logical3A_2573 : vector<64x128xi32>
    %or3A_2575 = arith.ori %shift_left3A_2571, %shift_right_logical3A_2574 : vector<64x128xi32>
    %xor3A_2576 = arith.xori %add3A_2568, %or3A_2575 : vector<64x128xi32>
    %add3A_2577 = arith.addi %add3A_2568, %xor3A_2576 : vector<64x128xi32>
    %shift_left3A_2578 = arith.constant 24 : i32
    %shift_left3A_2579 = vector.broadcast %shift_left3A_2578 : i32 to vector<64x128xi32>
    %shift_left3A_2580 = arith.shli %xor3A_2576, %shift_left3A_2579 : vector<64x128xi32>
    %shift_right_logical3A_2581 = arith.constant 8 : i32
    %shift_right_logical3A_2582 = vector.broadcast %shift_right_logical3A_2581 : i32 to vector<64x128xi32>
    %shift_right_logical3A_2583 = arith.shrui %xor3A_2576, %shift_right_logical3A_2582 : vector<64x128xi32>
    %or3A_2584 = arith.ori %shift_left3A_2580, %shift_right_logical3A_2583 : vector<64x128xi32>
    %xor3A_2585 = arith.xori %add3A_2577, %or3A_2584 : vector<64x128xi32>
    %add3A_2586 = arith.addi %add3A_2577, %xor3A_2506 : vector<64x128xi32>
    %add3A_2587 = arith.addi %xor3A_2585, %add3A_1746 : vector<64x128xi32>
    %add3A_2588 = arith.constant 2 : i32
    %add3A_2589 = vector.broadcast %add3A_2588 : i32 to vector<64x128xi32>
    %add3A_2590 = arith.addi %add3A_2587, %add3A_2589 : vector<64x128xi32>
    %add3A_2591 = arith.addi %add3A_2586, %add3A_2590 : vector<64x128xi32>
    %shift_left3A_2592 = arith.constant 13 : i32
    %shift_left3A_2593 = vector.broadcast %shift_left3A_2592 : i32 to vector<64x128xi32>
    %shift_left3A_2594 = arith.shli %add3A_2590, %shift_left3A_2593 : vector<64x128xi32>
    %shift_right_logical3A_2595 = arith.constant 19 : i32
    %shift_right_logical3A_2596 = vector.broadcast %shift_right_logical3A_2595 : i32 to vector<64x128xi32>
    %shift_right_logical3A_2597 = arith.shrui %add3A_2590, %shift_right_logical3A_2596 : vector<64x128xi32>
    %or3A_2598 = arith.ori %shift_left3A_2594, %shift_right_logical3A_2597 : vector<64x128xi32>
    %xor3A_2599 = arith.xori %add3A_2591, %or3A_2598 : vector<64x128xi32>
    %add3A_2600 = arith.addi %add3A_2591, %xor3A_2599 : vector<64x128xi32>
    %shift_left3A_2601 = arith.constant 15 : i32
    %shift_left3A_2602 = vector.broadcast %shift_left3A_2601 : i32 to vector<64x128xi32>
    %shift_left3A_2603 = arith.shli %xor3A_2599, %shift_left3A_2602 : vector<64x128xi32>
    %shift_right_logical3A_2604 = arith.constant 17 : i32
    %shift_right_logical3A_2605 = vector.broadcast %shift_right_logical3A_2604 : i32 to vector<64x128xi32>
    %shift_right_logical3A_2606 = arith.shrui %xor3A_2599, %shift_right_logical3A_2605 : vector<64x128xi32>
    %or3A_2607 = arith.ori %shift_left3A_2603, %shift_right_logical3A_2606 : vector<64x128xi32>
    %xor3A_2608 = arith.xori %add3A_2600, %or3A_2607 : vector<64x128xi32>
    %add3A_2609 = arith.addi %add3A_2600, %xor3A_2608 : vector<64x128xi32>
    %shift_left3A_2610 = arith.constant 26 : i32
    %shift_left3A_2611 = vector.broadcast %shift_left3A_2610 : i32 to vector<64x128xi32>
    %shift_left3A_2612 = arith.shli %xor3A_2608, %shift_left3A_2611 : vector<64x128xi32>
    %shift_right_logical3A_2613 = arith.constant 6 : i32
    %shift_right_logical3A_2614 = vector.broadcast %shift_right_logical3A_2613 : i32 to vector<64x128xi32>
    %shift_right_logical3A_2615 = arith.shrui %xor3A_2608, %shift_right_logical3A_2614 : vector<64x128xi32>
    %or3A_2616 = arith.ori %shift_left3A_2612, %shift_right_logical3A_2615 : vector<64x128xi32>
    %xor3A_2617 = arith.xori %add3A_2609, %or3A_2616 : vector<64x128xi32>
    %add3A_2618 = arith.addi %add3A_2609, %xor3A_2617 : vector<64x128xi32>
    %shift_left3A_2619 = arith.constant 6 : i32
    %shift_left3A_2620 = vector.broadcast %shift_left3A_2619 : i32 to vector<64x128xi32>
    %shift_left3A_2621 = arith.shli %xor3A_2617, %shift_left3A_2620 : vector<64x128xi32>
    %shift_right_logical3A_2622 = arith.constant 26 : i32
    %shift_right_logical3A_2623 = vector.broadcast %shift_right_logical3A_2622 : i32 to vector<64x128xi32>
    %shift_right_logical3A_2624 = arith.shrui %xor3A_2617, %shift_right_logical3A_2623 : vector<64x128xi32>
    %or3A_2625 = arith.ori %shift_left3A_2621, %shift_right_logical3A_2624 : vector<64x128xi32>
    %xor3A_2626 = arith.xori %add3A_2618, %or3A_2625 : vector<64x128xi32>
    %add3A_2627 = arith.addi %add3A_2618, %add3A_1746 : vector<64x128xi32>
    %add3A_2628 = arith.addi %xor3A_2626, %add3A_1750 : vector<64x128xi32>
    %add3A_2629 = arith.constant 3 : i32
    %add3A_2630 = vector.broadcast %add3A_2629 : i32 to vector<64x128xi32>
    %add3A_2631 = arith.addi %add3A_2628, %add3A_2630 : vector<64x128xi32>
    %add3A_2632 = arith.addi %add3A_2627, %add3A_2631 : vector<64x128xi32>
    %shift_left3A_2633 = arith.constant 17 : i32
    %shift_left3A_2634 = vector.broadcast %shift_left3A_2633 : i32 to vector<64x128xi32>
    %shift_left3A_2635 = arith.shli %add3A_2631, %shift_left3A_2634 : vector<64x128xi32>
    %shift_right_logical3A_2636 = arith.constant 15 : i32
    %shift_right_logical3A_2637 = vector.broadcast %shift_right_logical3A_2636 : i32 to vector<64x128xi32>
    %shift_right_logical3A_2638 = arith.shrui %add3A_2631, %shift_right_logical3A_2637 : vector<64x128xi32>
    %or3A_2639 = arith.ori %shift_left3A_2635, %shift_right_logical3A_2638 : vector<64x128xi32>
    %xor3A_2640 = arith.xori %add3A_2632, %or3A_2639 : vector<64x128xi32>
    %add3A_2641 = arith.addi %add3A_2632, %xor3A_2640 : vector<64x128xi32>
    %shift_left3A_2642 = arith.constant 29 : i32
    %shift_left3A_2643 = vector.broadcast %shift_left3A_2642 : i32 to vector<64x128xi32>
    %shift_left3A_2644 = arith.shli %xor3A_2640, %shift_left3A_2643 : vector<64x128xi32>
    %shift_right_logical3A_2645 = arith.constant 3 : i32
    %shift_right_logical3A_2646 = vector.broadcast %shift_right_logical3A_2645 : i32 to vector<64x128xi32>
    %shift_right_logical3A_2647 = arith.shrui %xor3A_2640, %shift_right_logical3A_2646 : vector<64x128xi32>
    %or3A_2648 = arith.ori %shift_left3A_2644, %shift_right_logical3A_2647 : vector<64x128xi32>
    %xor3A_2649 = arith.xori %add3A_2641, %or3A_2648 : vector<64x128xi32>
    %add3A_2650 = arith.addi %add3A_2641, %xor3A_2649 : vector<64x128xi32>
    %shift_left3A_2651 = arith.constant 16 : i32
    %shift_left3A_2652 = vector.broadcast %shift_left3A_2651 : i32 to vector<64x128xi32>
    %shift_left3A_2653 = arith.shli %xor3A_2649, %shift_left3A_2652 : vector<64x128xi32>
    %shift_right_logical3A_2654 = arith.constant 16 : i32
    %shift_right_logical3A_2655 = vector.broadcast %shift_right_logical3A_2654 : i32 to vector<64x128xi32>
    %shift_right_logical3A_2656 = arith.shrui %xor3A_2649, %shift_right_logical3A_2655 : vector<64x128xi32>
    %or3A_2657 = arith.ori %shift_left3A_2653, %shift_right_logical3A_2656 : vector<64x128xi32>
    %xor3A_2658 = arith.xori %add3A_2650, %or3A_2657 : vector<64x128xi32>
    %add3A_2659 = arith.addi %add3A_2650, %xor3A_2658 : vector<64x128xi32>
    %shift_left3A_2660 = arith.constant 24 : i32
    %shift_left3A_2661 = vector.broadcast %shift_left3A_2660 : i32 to vector<64x128xi32>
    %shift_left3A_2662 = arith.shli %xor3A_2658, %shift_left3A_2661 : vector<64x128xi32>
    %shift_right_logical3A_2663 = arith.constant 8 : i32
    %shift_right_logical3A_2664 = vector.broadcast %shift_right_logical3A_2663 : i32 to vector<64x128xi32>
    %shift_right_logical3A_2665 = arith.shrui %xor3A_2658, %shift_right_logical3A_2664 : vector<64x128xi32>
    %or3A_2666 = arith.ori %shift_left3A_2662, %shift_right_logical3A_2665 : vector<64x128xi32>
    %xor3A_2667 = arith.xori %add3A_2659, %or3A_2666 : vector<64x128xi32>
    %add3A_2668 = arith.addi %add3A_2659, %add3A_1750 : vector<64x128xi32>
    %add3A_2669 = arith.addi %xor3A_2667, %xor3A_2506 : vector<64x128xi32>
    %add3A_2670 = arith.constant 4 : i32
    %add3A_2671 = vector.broadcast %add3A_2670 : i32 to vector<64x128xi32>
    %add3A_2672 = arith.addi %add3A_2669, %add3A_2671 : vector<64x128xi32>
    %add3A_2673 = arith.addi %add3A_2668, %add3A_2672 : vector<64x128xi32>
    %shift_left3A_2674 = arith.constant 13 : i32
    %shift_left3A_2675 = vector.broadcast %shift_left3A_2674 : i32 to vector<64x128xi32>
    %shift_left3A_2676 = arith.shli %add3A_2672, %shift_left3A_2675 : vector<64x128xi32>
    %shift_right_logical3A_2677 = arith.constant 19 : i32
    %shift_right_logical3A_2678 = vector.broadcast %shift_right_logical3A_2677 : i32 to vector<64x128xi32>
    %shift_right_logical3A_2679 = arith.shrui %add3A_2672, %shift_right_logical3A_2678 : vector<64x128xi32>
    %or3A_2680 = arith.ori %shift_left3A_2676, %shift_right_logical3A_2679 : vector<64x128xi32>
    %xor3A_2681 = arith.xori %add3A_2673, %or3A_2680 : vector<64x128xi32>
    %add3A_2682 = arith.addi %add3A_2673, %xor3A_2681 : vector<64x128xi32>
    %shift_left3A_2683 = arith.constant 15 : i32
    %shift_left3A_2684 = vector.broadcast %shift_left3A_2683 : i32 to vector<64x128xi32>
    %shift_left3A_2685 = arith.shli %xor3A_2681, %shift_left3A_2684 : vector<64x128xi32>
    %shift_right_logical3A_2686 = arith.constant 17 : i32
    %shift_right_logical3A_2687 = vector.broadcast %shift_right_logical3A_2686 : i32 to vector<64x128xi32>
    %shift_right_logical3A_2688 = arith.shrui %xor3A_2681, %shift_right_logical3A_2687 : vector<64x128xi32>
    %or3A_2689 = arith.ori %shift_left3A_2685, %shift_right_logical3A_2688 : vector<64x128xi32>
    %xor3A_2690 = arith.xori %add3A_2682, %or3A_2689 : vector<64x128xi32>
    %add3A_2691 = arith.addi %add3A_2682, %xor3A_2690 : vector<64x128xi32>
    %shift_left3A_2692 = arith.constant 26 : i32
    %shift_left3A_2693 = vector.broadcast %shift_left3A_2692 : i32 to vector<64x128xi32>
    %shift_left3A_2694 = arith.shli %xor3A_2690, %shift_left3A_2693 : vector<64x128xi32>
    %shift_right_logical3A_2695 = arith.constant 6 : i32
    %shift_right_logical3A_2696 = vector.broadcast %shift_right_logical3A_2695 : i32 to vector<64x128xi32>
    %shift_right_logical3A_2697 = arith.shrui %xor3A_2690, %shift_right_logical3A_2696 : vector<64x128xi32>
    %or3A_2698 = arith.ori %shift_left3A_2694, %shift_right_logical3A_2697 : vector<64x128xi32>
    %xor3A_2699 = arith.xori %add3A_2691, %or3A_2698 : vector<64x128xi32>
    %add3A_2700 = arith.addi %add3A_2691, %xor3A_2699 : vector<64x128xi32>
    %shift_left3A_2701 = arith.constant 6 : i32
    %shift_left3A_2702 = vector.broadcast %shift_left3A_2701 : i32 to vector<64x128xi32>
    %shift_left3A_2703 = arith.shli %xor3A_2699, %shift_left3A_2702 : vector<64x128xi32>
    %shift_right_logical3A_2704 = arith.constant 26 : i32
    %shift_right_logical3A_2705 = vector.broadcast %shift_right_logical3A_2704 : i32 to vector<64x128xi32>
    %shift_right_logical3A_2706 = arith.shrui %xor3A_2699, %shift_right_logical3A_2705 : vector<64x128xi32>
    %or3A_2707 = arith.ori %shift_left3A_2703, %shift_right_logical3A_2706 : vector<64x128xi32>
    %xor3A_2708 = arith.xori %add3A_2700, %or3A_2707 : vector<64x128xi32>
    %add3A_2709 = arith.addi %add3A_2700, %xor3A_2506 : vector<64x128xi32>
    %add3A_2710 = arith.addi %xor3A_2708, %add3A_1746 : vector<64x128xi32>
    %add3A_2711 = arith.constant 5 : i32
    %add3A_2712 = vector.broadcast %add3A_2711 : i32 to vector<64x128xi32>
    %add3A_2713 = arith.addi %add3A_2710, %add3A_2712 : vector<64x128xi32>
    %while3A:4 = scf.while (%while3A_3223 = %add3A_2709, %while3A_3224 = %add3A_2713, %while3A_3225 = %mul3A_2498, %while3A_3226 = %add3A_2502) : (vector<64x128xi32>, vector<64x128xi32>, vector<64x128xf32>, vector<64x128xf32>) -> (vector<64x128xi32>, vector<64x128xi32>, vector<64x128xf32>, vector<64x128xf32>) {
      %le3A = arith.constant 0.000000e+00 : f32
      %le3A_3227 = vector.broadcast %le3A : f32 to vector<64x128xf32>
      %le3A_3228 = arith.cmpf ole, %while3A_3226, %le3A_3227 : vector<64x128xf32>
      %reduce_or3A = arith.constant 1.000000e+00 : f32
      %reduce_or3A_3229 = arith.constant 0.000000e+00 : f32
      %reduce_or3A_3230 = vector.broadcast %reduce_or3A : f32 to vector<64x128xf32>
      %reduce_or3A_3231 = vector.broadcast %reduce_or3A_3229 : f32 to vector<64x128xf32>
      %reduce_or3A_3232 = arith.select %le3A_3228, %reduce_or3A_3230, %reduce_or3A_3231 : vector<64x128xi1>, vector<64x128xf32>
      %reduce_or3A_3233 = vector.shape_cast %reduce_or3A_3232 : vector<64x128xf32> to vector<1x64x128xf32>
      %reduce_or3A_3234 = arith.constant dense<0xFF800000> : vector<1xf32>
      %reduce_or3A_3235 = vector.multi_reduction <maximumf>, %reduce_or3A_3233, %reduce_or3A_3234 [1, 2] : vector<1x64x128xf32> to vector<1xf32>
      %reduce_or3A_3236 = vector.shape_cast %reduce_or3A_3235 : vector<1xf32> to vector<1x1x1xf32>
      %reduce_or3A_3237 = vector.extract %reduce_or3A_3236[0, 0, 0] : f32 from vector<1x1x1xf32>
      %reduce_or3A_3238 = arith.constant 0.000000e+00 : f32
      %reduce_or3A_3239 = arith.cmpf ogt, %reduce_or3A_3237, %reduce_or3A_3238 : f32
      scf.condition(%reduce_or3A_3239) %while3A_3223, %while3A_3224, %while3A_3225, %while3A_3226 : vector<64x128xi32>, vector<64x128xi32>, vector<64x128xf32>, vector<64x128xf32>
    } do {
    ^bb0(%while3A_3223: vector<64x128xi32>, %while3A_3224: vector<64x128xi32>, %while3A_3225: vector<64x128xf32>, %while3A_3226: vector<64x128xf32>):
      %le3A = arith.constant 0.000000e+00 : f32
      %le3A_3227 = vector.broadcast %le3A : f32 to vector<64x128xf32>
      %le3A_3228 = arith.cmpf ole, %while3A_3226, %le3A_3227 : vector<64x128xf32>
      %xor3A_3229 = arith.xori %while3A_3223, %while3A_3224 : vector<64x128xi32>
      %xor3A_3230 = arith.constant 466688986 : i32
      %xor3A_3231 = vector.broadcast %xor3A_3230 : i32 to vector<64x128xi32>
      %xor3A_3232 = arith.xori %xor3A_3229, %xor3A_3231 : vector<64x128xi32>
      %add3A_3233 = arith.addi %broadcast_in_dim3A_677, %while3A_3223 : vector<64x128xi32>
      %add3A_3234 = arith.addi %broadcast_in_dim3A_677, %while3A_3224 : vector<64x128xi32>
      %add3A_3235 = arith.addi %add3A_3233, %add3A_3234 : vector<64x128xi32>
      %shift_left3A_3236 = arith.constant 13 : i32
      %shift_left3A_3237 = vector.broadcast %shift_left3A_3236 : i32 to vector<64x128xi32>
      %shift_left3A_3238 = arith.shli %add3A_3234, %shift_left3A_3237 : vector<64x128xi32>
      %shift_right_logical3A_3239 = arith.constant 19 : i32
      %shift_right_logical3A_3240 = vector.broadcast %shift_right_logical3A_3239 : i32 to vector<64x128xi32>
      %shift_right_logical3A_3241 = arith.shrui %add3A_3234, %shift_right_logical3A_3240 : vector<64x128xi32>
      %or3A_3242 = arith.ori %shift_left3A_3238, %shift_right_logical3A_3241 : vector<64x128xi32>
      %xor3A_3243 = arith.xori %add3A_3235, %or3A_3242 : vector<64x128xi32>
      %add3A_3244 = arith.addi %add3A_3235, %xor3A_3243 : vector<64x128xi32>
      %shift_left3A_3245 = arith.constant 15 : i32
      %shift_left3A_3246 = vector.broadcast %shift_left3A_3245 : i32 to vector<64x128xi32>
      %shift_left3A_3247 = arith.shli %xor3A_3243, %shift_left3A_3246 : vector<64x128xi32>
      %shift_right_logical3A_3248 = arith.constant 17 : i32
      %shift_right_logical3A_3249 = vector.broadcast %shift_right_logical3A_3248 : i32 to vector<64x128xi32>
      %shift_right_logical3A_3250 = arith.shrui %xor3A_3243, %shift_right_logical3A_3249 : vector<64x128xi32>
      %or3A_3251 = arith.ori %shift_left3A_3247, %shift_right_logical3A_3250 : vector<64x128xi32>
      %xor3A_3252 = arith.xori %add3A_3244, %or3A_3251 : vector<64x128xi32>
      %add3A_3253 = arith.addi %add3A_3244, %xor3A_3252 : vector<64x128xi32>
      %shift_left3A_3254 = arith.constant 26 : i32
      %shift_left3A_3255 = vector.broadcast %shift_left3A_3254 : i32 to vector<64x128xi32>
      %shift_left3A_3256 = arith.shli %xor3A_3252, %shift_left3A_3255 : vector<64x128xi32>
      %shift_right_logical3A_3257 = arith.constant 6 : i32
      %shift_right_logical3A_3258 = vector.broadcast %shift_right_logical3A_3257 : i32 to vector<64x128xi32>
      %shift_right_logical3A_3259 = arith.shrui %xor3A_3252, %shift_right_logical3A_3258 : vector<64x128xi32>
      %or3A_3260 = arith.ori %shift_left3A_3256, %shift_right_logical3A_3259 : vector<64x128xi32>
      %xor3A_3261 = arith.xori %add3A_3253, %or3A_3260 : vector<64x128xi32>
      %add3A_3262 = arith.addi %add3A_3253, %xor3A_3261 : vector<64x128xi32>
      %shift_left3A_3263 = arith.constant 6 : i32
      %shift_left3A_3264 = vector.broadcast %shift_left3A_3263 : i32 to vector<64x128xi32>
      %shift_left3A_3265 = arith.shli %xor3A_3261, %shift_left3A_3264 : vector<64x128xi32>
      %shift_right_logical3A_3266 = arith.constant 26 : i32
      %shift_right_logical3A_3267 = vector.broadcast %shift_right_logical3A_3266 : i32 to vector<64x128xi32>
      %shift_right_logical3A_3268 = arith.shrui %xor3A_3261, %shift_right_logical3A_3267 : vector<64x128xi32>
      %or3A_3269 = arith.ori %shift_left3A_3265, %shift_right_logical3A_3268 : vector<64x128xi32>
      %xor3A_3270 = arith.xori %add3A_3262, %or3A_3269 : vector<64x128xi32>
      %add3A_3271 = arith.addi %add3A_3262, %while3A_3224 : vector<64x128xi32>
      %add3A_3272 = arith.addi %xor3A_3270, %xor3A_3232 : vector<64x128xi32>
      %add3A_3273 = arith.constant 1 : i32
      %add3A_3274 = vector.broadcast %add3A_3273 : i32 to vector<64x128xi32>
      %add3A_3275 = arith.addi %add3A_3272, %add3A_3274 : vector<64x128xi32>
      %add3A_3276 = arith.addi %add3A_3271, %add3A_3275 : vector<64x128xi32>
      %shift_left3A_3277 = arith.constant 17 : i32
      %shift_left3A_3278 = vector.broadcast %shift_left3A_3277 : i32 to vector<64x128xi32>
      %shift_left3A_3279 = arith.shli %add3A_3275, %shift_left3A_3278 : vector<64x128xi32>
      %shift_right_logical3A_3280 = arith.constant 15 : i32
      %shift_right_logical3A_3281 = vector.broadcast %shift_right_logical3A_3280 : i32 to vector<64x128xi32>
      %shift_right_logical3A_3282 = arith.shrui %add3A_3275, %shift_right_logical3A_3281 : vector<64x128xi32>
      %or3A_3283 = arith.ori %shift_left3A_3279, %shift_right_logical3A_3282 : vector<64x128xi32>
      %xor3A_3284 = arith.xori %add3A_3276, %or3A_3283 : vector<64x128xi32>
      %add3A_3285 = arith.addi %add3A_3276, %xor3A_3284 : vector<64x128xi32>
      %shift_left3A_3286 = arith.constant 29 : i32
      %shift_left3A_3287 = vector.broadcast %shift_left3A_3286 : i32 to vector<64x128xi32>
      %shift_left3A_3288 = arith.shli %xor3A_3284, %shift_left3A_3287 : vector<64x128xi32>
      %shift_right_logical3A_3289 = arith.constant 3 : i32
      %shift_right_logical3A_3290 = vector.broadcast %shift_right_logical3A_3289 : i32 to vector<64x128xi32>
      %shift_right_logical3A_3291 = arith.shrui %xor3A_3284, %shift_right_logical3A_3290 : vector<64x128xi32>
      %or3A_3292 = arith.ori %shift_left3A_3288, %shift_right_logical3A_3291 : vector<64x128xi32>
      %xor3A_3293 = arith.xori %add3A_3285, %or3A_3292 : vector<64x128xi32>
      %add3A_3294 = arith.addi %add3A_3285, %xor3A_3293 : vector<64x128xi32>
      %shift_left3A_3295 = arith.constant 16 : i32
      %shift_left3A_3296 = vector.broadcast %shift_left3A_3295 : i32 to vector<64x128xi32>
      %shift_left3A_3297 = arith.shli %xor3A_3293, %shift_left3A_3296 : vector<64x128xi32>
      %shift_right_logical3A_3298 = arith.constant 16 : i32
      %shift_right_logical3A_3299 = vector.broadcast %shift_right_logical3A_3298 : i32 to vector<64x128xi32>
      %shift_right_logical3A_3300 = arith.shrui %xor3A_3293, %shift_right_logical3A_3299 : vector<64x128xi32>
      %or3A_3301 = arith.ori %shift_left3A_3297, %shift_right_logical3A_3300 : vector<64x128xi32>
      %xor3A_3302 = arith.xori %add3A_3294, %or3A_3301 : vector<64x128xi32>
      %add3A_3303 = arith.addi %add3A_3294, %xor3A_3302 : vector<64x128xi32>
      %shift_left3A_3304 = arith.constant 24 : i32
      %shift_left3A_3305 = vector.broadcast %shift_left3A_3304 : i32 to vector<64x128xi32>
      %shift_left3A_3306 = arith.shli %xor3A_3302, %shift_left3A_3305 : vector<64x128xi32>
      %shift_right_logical3A_3307 = arith.constant 8 : i32
      %shift_right_logical3A_3308 = vector.broadcast %shift_right_logical3A_3307 : i32 to vector<64x128xi32>
      %shift_right_logical3A_3309 = arith.shrui %xor3A_3302, %shift_right_logical3A_3308 : vector<64x128xi32>
      %or3A_3310 = arith.ori %shift_left3A_3306, %shift_right_logical3A_3309 : vector<64x128xi32>
      %xor3A_3311 = arith.xori %add3A_3303, %or3A_3310 : vector<64x128xi32>
      %add3A_3312 = arith.addi %add3A_3303, %xor3A_3232 : vector<64x128xi32>
      %add3A_3313 = arith.addi %xor3A_3311, %while3A_3223 : vector<64x128xi32>
      %add3A_3314 = arith.constant 2 : i32
      %add3A_3315 = vector.broadcast %add3A_3314 : i32 to vector<64x128xi32>
      %add3A_3316 = arith.addi %add3A_3313, %add3A_3315 : vector<64x128xi32>
      %add3A_3317 = arith.addi %add3A_3312, %add3A_3316 : vector<64x128xi32>
      %shift_left3A_3318 = arith.constant 13 : i32
      %shift_left3A_3319 = vector.broadcast %shift_left3A_3318 : i32 to vector<64x128xi32>
      %shift_left3A_3320 = arith.shli %add3A_3316, %shift_left3A_3319 : vector<64x128xi32>
      %shift_right_logical3A_3321 = arith.constant 19 : i32
      %shift_right_logical3A_3322 = vector.broadcast %shift_right_logical3A_3321 : i32 to vector<64x128xi32>
      %shift_right_logical3A_3323 = arith.shrui %add3A_3316, %shift_right_logical3A_3322 : vector<64x128xi32>
      %or3A_3324 = arith.ori %shift_left3A_3320, %shift_right_logical3A_3323 : vector<64x128xi32>
      %xor3A_3325 = arith.xori %add3A_3317, %or3A_3324 : vector<64x128xi32>
      %add3A_3326 = arith.addi %add3A_3317, %xor3A_3325 : vector<64x128xi32>
      %shift_left3A_3327 = arith.constant 15 : i32
      %shift_left3A_3328 = vector.broadcast %shift_left3A_3327 : i32 to vector<64x128xi32>
      %shift_left3A_3329 = arith.shli %xor3A_3325, %shift_left3A_3328 : vector<64x128xi32>
      %shift_right_logical3A_3330 = arith.constant 17 : i32
      %shift_right_logical3A_3331 = vector.broadcast %shift_right_logical3A_3330 : i32 to vector<64x128xi32>
      %shift_right_logical3A_3332 = arith.shrui %xor3A_3325, %shift_right_logical3A_3331 : vector<64x128xi32>
      %or3A_3333 = arith.ori %shift_left3A_3329, %shift_right_logical3A_3332 : vector<64x128xi32>
      %xor3A_3334 = arith.xori %add3A_3326, %or3A_3333 : vector<64x128xi32>
      %add3A_3335 = arith.addi %add3A_3326, %xor3A_3334 : vector<64x128xi32>
      %shift_left3A_3336 = arith.constant 26 : i32
      %shift_left3A_3337 = vector.broadcast %shift_left3A_3336 : i32 to vector<64x128xi32>
      %shift_left3A_3338 = arith.shli %xor3A_3334, %shift_left3A_3337 : vector<64x128xi32>
      %shift_right_logical3A_3339 = arith.constant 6 : i32
      %shift_right_logical3A_3340 = vector.broadcast %shift_right_logical3A_3339 : i32 to vector<64x128xi32>
      %shift_right_logical3A_3341 = arith.shrui %xor3A_3334, %shift_right_logical3A_3340 : vector<64x128xi32>
      %or3A_3342 = arith.ori %shift_left3A_3338, %shift_right_logical3A_3341 : vector<64x128xi32>
      %xor3A_3343 = arith.xori %add3A_3335, %or3A_3342 : vector<64x128xi32>
      %add3A_3344 = arith.addi %add3A_3335, %xor3A_3343 : vector<64x128xi32>
      %shift_left3A_3345 = arith.constant 6 : i32
      %shift_left3A_3346 = vector.broadcast %shift_left3A_3345 : i32 to vector<64x128xi32>
      %shift_left3A_3347 = arith.shli %xor3A_3343, %shift_left3A_3346 : vector<64x128xi32>
      %shift_right_logical3A_3348 = arith.constant 26 : i32
      %shift_right_logical3A_3349 = vector.broadcast %shift_right_logical3A_3348 : i32 to vector<64x128xi32>
      %shift_right_logical3A_3350 = arith.shrui %xor3A_3343, %shift_right_logical3A_3349 : vector<64x128xi32>
      %or3A_3351 = arith.ori %shift_left3A_3347, %shift_right_logical3A_3350 : vector<64x128xi32>
      %xor3A_3352 = arith.xori %add3A_3344, %or3A_3351 : vector<64x128xi32>
      %add3A_3353 = arith.addi %add3A_3344, %while3A_3223 : vector<64x128xi32>
      %add3A_3354 = arith.addi %xor3A_3352, %while3A_3224 : vector<64x128xi32>
      %add3A_3355 = arith.constant 3 : i32
      %add3A_3356 = vector.broadcast %add3A_3355 : i32 to vector<64x128xi32>
      %add3A_3357 = arith.addi %add3A_3354, %add3A_3356 : vector<64x128xi32>
      %add3A_3358 = arith.addi %add3A_3353, %add3A_3357 : vector<64x128xi32>
      %shift_left3A_3359 = arith.constant 17 : i32
      %shift_left3A_3360 = vector.broadcast %shift_left3A_3359 : i32 to vector<64x128xi32>
      %shift_left3A_3361 = arith.shli %add3A_3357, %shift_left3A_3360 : vector<64x128xi32>
      %shift_right_logical3A_3362 = arith.constant 15 : i32
      %shift_right_logical3A_3363 = vector.broadcast %shift_right_logical3A_3362 : i32 to vector<64x128xi32>
      %shift_right_logical3A_3364 = arith.shrui %add3A_3357, %shift_right_logical3A_3363 : vector<64x128xi32>
      %or3A_3365 = arith.ori %shift_left3A_3361, %shift_right_logical3A_3364 : vector<64x128xi32>
      %xor3A_3366 = arith.xori %add3A_3358, %or3A_3365 : vector<64x128xi32>
      %add3A_3367 = arith.addi %add3A_3358, %xor3A_3366 : vector<64x128xi32>
      %shift_left3A_3368 = arith.constant 29 : i32
      %shift_left3A_3369 = vector.broadcast %shift_left3A_3368 : i32 to vector<64x128xi32>
      %shift_left3A_3370 = arith.shli %xor3A_3366, %shift_left3A_3369 : vector<64x128xi32>
      %shift_right_logical3A_3371 = arith.constant 3 : i32
      %shift_right_logical3A_3372 = vector.broadcast %shift_right_logical3A_3371 : i32 to vector<64x128xi32>
      %shift_right_logical3A_3373 = arith.shrui %xor3A_3366, %shift_right_logical3A_3372 : vector<64x128xi32>
      %or3A_3374 = arith.ori %shift_left3A_3370, %shift_right_logical3A_3373 : vector<64x128xi32>
      %xor3A_3375 = arith.xori %add3A_3367, %or3A_3374 : vector<64x128xi32>
      %add3A_3376 = arith.addi %add3A_3367, %xor3A_3375 : vector<64x128xi32>
      %shift_left3A_3377 = arith.constant 16 : i32
      %shift_left3A_3378 = vector.broadcast %shift_left3A_3377 : i32 to vector<64x128xi32>
      %shift_left3A_3379 = arith.shli %xor3A_3375, %shift_left3A_3378 : vector<64x128xi32>
      %shift_right_logical3A_3380 = arith.constant 16 : i32
      %shift_right_logical3A_3381 = vector.broadcast %shift_right_logical3A_3380 : i32 to vector<64x128xi32>
      %shift_right_logical3A_3382 = arith.shrui %xor3A_3375, %shift_right_logical3A_3381 : vector<64x128xi32>
      %or3A_3383 = arith.ori %shift_left3A_3379, %shift_right_logical3A_3382 : vector<64x128xi32>
      %xor3A_3384 = arith.xori %add3A_3376, %or3A_3383 : vector<64x128xi32>
      %add3A_3385 = arith.addi %add3A_3376, %xor3A_3384 : vector<64x128xi32>
      %shift_left3A_3386 = arith.constant 24 : i32
      %shift_left3A_3387 = vector.broadcast %shift_left3A_3386 : i32 to vector<64x128xi32>
      %shift_left3A_3388 = arith.shli %xor3A_3384, %shift_left3A_3387 : vector<64x128xi32>
      %shift_right_logical3A_3389 = arith.constant 8 : i32
      %shift_right_logical3A_3390 = vector.broadcast %shift_right_logical3A_3389 : i32 to vector<64x128xi32>
      %shift_right_logical3A_3391 = arith.shrui %xor3A_3384, %shift_right_logical3A_3390 : vector<64x128xi32>
      %or3A_3392 = arith.ori %shift_left3A_3388, %shift_right_logical3A_3391 : vector<64x128xi32>
      %xor3A_3393 = arith.xori %add3A_3385, %or3A_3392 : vector<64x128xi32>
      %add3A_3394 = arith.addi %add3A_3385, %while3A_3224 : vector<64x128xi32>
      %add3A_3395 = arith.addi %xor3A_3393, %xor3A_3232 : vector<64x128xi32>
      %add3A_3396 = arith.constant 4 : i32
      %add3A_3397 = vector.broadcast %add3A_3396 : i32 to vector<64x128xi32>
      %add3A_3398 = arith.addi %add3A_3395, %add3A_3397 : vector<64x128xi32>
      %add3A_3399 = arith.addi %add3A_3394, %add3A_3398 : vector<64x128xi32>
      %shift_left3A_3400 = arith.constant 13 : i32
      %shift_left3A_3401 = vector.broadcast %shift_left3A_3400 : i32 to vector<64x128xi32>
      %shift_left3A_3402 = arith.shli %add3A_3398, %shift_left3A_3401 : vector<64x128xi32>
      %shift_right_logical3A_3403 = arith.constant 19 : i32
      %shift_right_logical3A_3404 = vector.broadcast %shift_right_logical3A_3403 : i32 to vector<64x128xi32>
      %shift_right_logical3A_3405 = arith.shrui %add3A_3398, %shift_right_logical3A_3404 : vector<64x128xi32>
      %or3A_3406 = arith.ori %shift_left3A_3402, %shift_right_logical3A_3405 : vector<64x128xi32>
      %xor3A_3407 = arith.xori %add3A_3399, %or3A_3406 : vector<64x128xi32>
      %add3A_3408 = arith.addi %add3A_3399, %xor3A_3407 : vector<64x128xi32>
      %shift_left3A_3409 = arith.constant 15 : i32
      %shift_left3A_3410 = vector.broadcast %shift_left3A_3409 : i32 to vector<64x128xi32>
      %shift_left3A_3411 = arith.shli %xor3A_3407, %shift_left3A_3410 : vector<64x128xi32>
      %shift_right_logical3A_3412 = arith.constant 17 : i32
      %shift_right_logical3A_3413 = vector.broadcast %shift_right_logical3A_3412 : i32 to vector<64x128xi32>
      %shift_right_logical3A_3414 = arith.shrui %xor3A_3407, %shift_right_logical3A_3413 : vector<64x128xi32>
      %or3A_3415 = arith.ori %shift_left3A_3411, %shift_right_logical3A_3414 : vector<64x128xi32>
      %xor3A_3416 = arith.xori %add3A_3408, %or3A_3415 : vector<64x128xi32>
      %add3A_3417 = arith.addi %add3A_3408, %xor3A_3416 : vector<64x128xi32>
      %shift_left3A_3418 = arith.constant 26 : i32
      %shift_left3A_3419 = vector.broadcast %shift_left3A_3418 : i32 to vector<64x128xi32>
      %shift_left3A_3420 = arith.shli %xor3A_3416, %shift_left3A_3419 : vector<64x128xi32>
      %shift_right_logical3A_3421 = arith.constant 6 : i32
      %shift_right_logical3A_3422 = vector.broadcast %shift_right_logical3A_3421 : i32 to vector<64x128xi32>
      %shift_right_logical3A_3423 = arith.shrui %xor3A_3416, %shift_right_logical3A_3422 : vector<64x128xi32>
      %or3A_3424 = arith.ori %shift_left3A_3420, %shift_right_logical3A_3423 : vector<64x128xi32>
      %xor3A_3425 = arith.xori %add3A_3417, %or3A_3424 : vector<64x128xi32>
      %add3A_3426 = arith.addi %add3A_3417, %xor3A_3425 : vector<64x128xi32>
      %shift_left3A_3427 = arith.constant 6 : i32
      %shift_left3A_3428 = vector.broadcast %shift_left3A_3427 : i32 to vector<64x128xi32>
      %shift_left3A_3429 = arith.shli %xor3A_3425, %shift_left3A_3428 : vector<64x128xi32>
      %shift_right_logical3A_3430 = arith.constant 26 : i32
      %shift_right_logical3A_3431 = vector.broadcast %shift_right_logical3A_3430 : i32 to vector<64x128xi32>
      %shift_right_logical3A_3432 = arith.shrui %xor3A_3425, %shift_right_logical3A_3431 : vector<64x128xi32>
      %or3A_3433 = arith.ori %shift_left3A_3429, %shift_right_logical3A_3432 : vector<64x128xi32>
      %xor3A_3434 = arith.xori %add3A_3426, %or3A_3433 : vector<64x128xi32>
      %add3A_3435 = arith.addi %add3A_3426, %xor3A_3232 : vector<64x128xi32>
      %add3A_3436 = arith.addi %xor3A_3434, %while3A_3223 : vector<64x128xi32>
      %add3A_3437 = arith.constant 5 : i32
      %add3A_3438 = vector.broadcast %add3A_3437 : i32 to vector<64x128xi32>
      %add3A_3439 = arith.addi %add3A_3436, %add3A_3438 : vector<64x128xi32>
      %add3A_3440 = arith.constant 1 : i32
      %add3A_3441 = vector.broadcast %add3A_3440 : i32 to vector<64x128xi32>
      %add3A_3442 = arith.addi %broadcast_in_dim3A_677, %add3A_3441 : vector<64x128xi32>
      %xor3A_3443 = arith.xori %while3A_3223, %while3A_3224 : vector<64x128xi32>
      %xor3A_3444 = arith.constant 466688986 : i32
      %xor3A_3445 = vector.broadcast %xor3A_3444 : i32 to vector<64x128xi32>
      %xor3A_3446 = arith.xori %xor3A_3443, %xor3A_3445 : vector<64x128xi32>
      %add3A_3447 = arith.addi %broadcast_in_dim3A_677, %while3A_3223 : vector<64x128xi32>
      %add3A_3448 = arith.addi %add3A_3442, %while3A_3224 : vector<64x128xi32>
      %add3A_3449 = arith.addi %add3A_3447, %add3A_3448 : vector<64x128xi32>
      %shift_left3A_3450 = arith.constant 13 : i32
      %shift_left3A_3451 = vector.broadcast %shift_left3A_3450 : i32 to vector<64x128xi32>
      %shift_left3A_3452 = arith.shli %add3A_3448, %shift_left3A_3451 : vector<64x128xi32>
      %shift_right_logical3A_3453 = arith.constant 19 : i32
      %shift_right_logical3A_3454 = vector.broadcast %shift_right_logical3A_3453 : i32 to vector<64x128xi32>
      %shift_right_logical3A_3455 = arith.shrui %add3A_3448, %shift_right_logical3A_3454 : vector<64x128xi32>
      %or3A_3456 = arith.ori %shift_left3A_3452, %shift_right_logical3A_3455 : vector<64x128xi32>
      %xor3A_3457 = arith.xori %add3A_3449, %or3A_3456 : vector<64x128xi32>
      %add3A_3458 = arith.addi %add3A_3449, %xor3A_3457 : vector<64x128xi32>
      %shift_left3A_3459 = arith.constant 15 : i32
      %shift_left3A_3460 = vector.broadcast %shift_left3A_3459 : i32 to vector<64x128xi32>
      %shift_left3A_3461 = arith.shli %xor3A_3457, %shift_left3A_3460 : vector<64x128xi32>
      %shift_right_logical3A_3462 = arith.constant 17 : i32
      %shift_right_logical3A_3463 = vector.broadcast %shift_right_logical3A_3462 : i32 to vector<64x128xi32>
      %shift_right_logical3A_3464 = arith.shrui %xor3A_3457, %shift_right_logical3A_3463 : vector<64x128xi32>
      %or3A_3465 = arith.ori %shift_left3A_3461, %shift_right_logical3A_3464 : vector<64x128xi32>
      %xor3A_3466 = arith.xori %add3A_3458, %or3A_3465 : vector<64x128xi32>
      %add3A_3467 = arith.addi %add3A_3458, %xor3A_3466 : vector<64x128xi32>
      %shift_left3A_3468 = arith.constant 26 : i32
      %shift_left3A_3469 = vector.broadcast %shift_left3A_3468 : i32 to vector<64x128xi32>
      %shift_left3A_3470 = arith.shli %xor3A_3466, %shift_left3A_3469 : vector<64x128xi32>
      %shift_right_logical3A_3471 = arith.constant 6 : i32
      %shift_right_logical3A_3472 = vector.broadcast %shift_right_logical3A_3471 : i32 to vector<64x128xi32>
      %shift_right_logical3A_3473 = arith.shrui %xor3A_3466, %shift_right_logical3A_3472 : vector<64x128xi32>
      %or3A_3474 = arith.ori %shift_left3A_3470, %shift_right_logical3A_3473 : vector<64x128xi32>
      %xor3A_3475 = arith.xori %add3A_3467, %or3A_3474 : vector<64x128xi32>
      %add3A_3476 = arith.addi %add3A_3467, %xor3A_3475 : vector<64x128xi32>
      %shift_left3A_3477 = arith.constant 6 : i32
      %shift_left3A_3478 = vector.broadcast %shift_left3A_3477 : i32 to vector<64x128xi32>
      %shift_left3A_3479 = arith.shli %xor3A_3475, %shift_left3A_3478 : vector<64x128xi32>
      %shift_right_logical3A_3480 = arith.constant 26 : i32
      %shift_right_logical3A_3481 = vector.broadcast %shift_right_logical3A_3480 : i32 to vector<64x128xi32>
      %shift_right_logical3A_3482 = arith.shrui %xor3A_3475, %shift_right_logical3A_3481 : vector<64x128xi32>
      %or3A_3483 = arith.ori %shift_left3A_3479, %shift_right_logical3A_3482 : vector<64x128xi32>
      %xor3A_3484 = arith.xori %add3A_3476, %or3A_3483 : vector<64x128xi32>
      %add3A_3485 = arith.addi %add3A_3476, %while3A_3224 : vector<64x128xi32>
      %add3A_3486 = arith.addi %xor3A_3484, %xor3A_3446 : vector<64x128xi32>
      %add3A_3487 = arith.constant 1 : i32
      %add3A_3488 = vector.broadcast %add3A_3487 : i32 to vector<64x128xi32>
      %add3A_3489 = arith.addi %add3A_3486, %add3A_3488 : vector<64x128xi32>
      %add3A_3490 = arith.addi %add3A_3485, %add3A_3489 : vector<64x128xi32>
      %shift_left3A_3491 = arith.constant 17 : i32
      %shift_left3A_3492 = vector.broadcast %shift_left3A_3491 : i32 to vector<64x128xi32>
      %shift_left3A_3493 = arith.shli %add3A_3489, %shift_left3A_3492 : vector<64x128xi32>
      %shift_right_logical3A_3494 = arith.constant 15 : i32
      %shift_right_logical3A_3495 = vector.broadcast %shift_right_logical3A_3494 : i32 to vector<64x128xi32>
      %shift_right_logical3A_3496 = arith.shrui %add3A_3489, %shift_right_logical3A_3495 : vector<64x128xi32>
      %or3A_3497 = arith.ori %shift_left3A_3493, %shift_right_logical3A_3496 : vector<64x128xi32>
      %xor3A_3498 = arith.xori %add3A_3490, %or3A_3497 : vector<64x128xi32>
      %add3A_3499 = arith.addi %add3A_3490, %xor3A_3498 : vector<64x128xi32>
      %shift_left3A_3500 = arith.constant 29 : i32
      %shift_left3A_3501 = vector.broadcast %shift_left3A_3500 : i32 to vector<64x128xi32>
      %shift_left3A_3502 = arith.shli %xor3A_3498, %shift_left3A_3501 : vector<64x128xi32>
      %shift_right_logical3A_3503 = arith.constant 3 : i32
      %shift_right_logical3A_3504 = vector.broadcast %shift_right_logical3A_3503 : i32 to vector<64x128xi32>
      %shift_right_logical3A_3505 = arith.shrui %xor3A_3498, %shift_right_logical3A_3504 : vector<64x128xi32>
      %or3A_3506 = arith.ori %shift_left3A_3502, %shift_right_logical3A_3505 : vector<64x128xi32>
      %xor3A_3507 = arith.xori %add3A_3499, %or3A_3506 : vector<64x128xi32>
      %add3A_3508 = arith.addi %add3A_3499, %xor3A_3507 : vector<64x128xi32>
      %shift_left3A_3509 = arith.constant 16 : i32
      %shift_left3A_3510 = vector.broadcast %shift_left3A_3509 : i32 to vector<64x128xi32>
      %shift_left3A_3511 = arith.shli %xor3A_3507, %shift_left3A_3510 : vector<64x128xi32>
      %shift_right_logical3A_3512 = arith.constant 16 : i32
      %shift_right_logical3A_3513 = vector.broadcast %shift_right_logical3A_3512 : i32 to vector<64x128xi32>
      %shift_right_logical3A_3514 = arith.shrui %xor3A_3507, %shift_right_logical3A_3513 : vector<64x128xi32>
      %or3A_3515 = arith.ori %shift_left3A_3511, %shift_right_logical3A_3514 : vector<64x128xi32>
      %xor3A_3516 = arith.xori %add3A_3508, %or3A_3515 : vector<64x128xi32>
      %add3A_3517 = arith.addi %add3A_3508, %xor3A_3516 : vector<64x128xi32>
      %shift_left3A_3518 = arith.constant 24 : i32
      %shift_left3A_3519 = vector.broadcast %shift_left3A_3518 : i32 to vector<64x128xi32>
      %shift_left3A_3520 = arith.shli %xor3A_3516, %shift_left3A_3519 : vector<64x128xi32>
      %shift_right_logical3A_3521 = arith.constant 8 : i32
      %shift_right_logical3A_3522 = vector.broadcast %shift_right_logical3A_3521 : i32 to vector<64x128xi32>
      %shift_right_logical3A_3523 = arith.shrui %xor3A_3516, %shift_right_logical3A_3522 : vector<64x128xi32>
      %or3A_3524 = arith.ori %shift_left3A_3520, %shift_right_logical3A_3523 : vector<64x128xi32>
      %xor3A_3525 = arith.xori %add3A_3517, %or3A_3524 : vector<64x128xi32>
      %add3A_3526 = arith.addi %add3A_3517, %xor3A_3446 : vector<64x128xi32>
      %add3A_3527 = arith.addi %xor3A_3525, %while3A_3223 : vector<64x128xi32>
      %add3A_3528 = arith.constant 2 : i32
      %add3A_3529 = vector.broadcast %add3A_3528 : i32 to vector<64x128xi32>
      %add3A_3530 = arith.addi %add3A_3527, %add3A_3529 : vector<64x128xi32>
      %add3A_3531 = arith.addi %add3A_3526, %add3A_3530 : vector<64x128xi32>
      %shift_left3A_3532 = arith.constant 13 : i32
      %shift_left3A_3533 = vector.broadcast %shift_left3A_3532 : i32 to vector<64x128xi32>
      %shift_left3A_3534 = arith.shli %add3A_3530, %shift_left3A_3533 : vector<64x128xi32>
      %shift_right_logical3A_3535 = arith.constant 19 : i32
      %shift_right_logical3A_3536 = vector.broadcast %shift_right_logical3A_3535 : i32 to vector<64x128xi32>
      %shift_right_logical3A_3537 = arith.shrui %add3A_3530, %shift_right_logical3A_3536 : vector<64x128xi32>
      %or3A_3538 = arith.ori %shift_left3A_3534, %shift_right_logical3A_3537 : vector<64x128xi32>
      %xor3A_3539 = arith.xori %add3A_3531, %or3A_3538 : vector<64x128xi32>
      %add3A_3540 = arith.addi %add3A_3531, %xor3A_3539 : vector<64x128xi32>
      %shift_left3A_3541 = arith.constant 15 : i32
      %shift_left3A_3542 = vector.broadcast %shift_left3A_3541 : i32 to vector<64x128xi32>
      %shift_left3A_3543 = arith.shli %xor3A_3539, %shift_left3A_3542 : vector<64x128xi32>
      %shift_right_logical3A_3544 = arith.constant 17 : i32
      %shift_right_logical3A_3545 = vector.broadcast %shift_right_logical3A_3544 : i32 to vector<64x128xi32>
      %shift_right_logical3A_3546 = arith.shrui %xor3A_3539, %shift_right_logical3A_3545 : vector<64x128xi32>
      %or3A_3547 = arith.ori %shift_left3A_3543, %shift_right_logical3A_3546 : vector<64x128xi32>
      %xor3A_3548 = arith.xori %add3A_3540, %or3A_3547 : vector<64x128xi32>
      %add3A_3549 = arith.addi %add3A_3540, %xor3A_3548 : vector<64x128xi32>
      %shift_left3A_3550 = arith.constant 26 : i32
      %shift_left3A_3551 = vector.broadcast %shift_left3A_3550 : i32 to vector<64x128xi32>
      %shift_left3A_3552 = arith.shli %xor3A_3548, %shift_left3A_3551 : vector<64x128xi32>
      %shift_right_logical3A_3553 = arith.constant 6 : i32
      %shift_right_logical3A_3554 = vector.broadcast %shift_right_logical3A_3553 : i32 to vector<64x128xi32>
      %shift_right_logical3A_3555 = arith.shrui %xor3A_3548, %shift_right_logical3A_3554 : vector<64x128xi32>
      %or3A_3556 = arith.ori %shift_left3A_3552, %shift_right_logical3A_3555 : vector<64x128xi32>
      %xor3A_3557 = arith.xori %add3A_3549, %or3A_3556 : vector<64x128xi32>
      %add3A_3558 = arith.addi %add3A_3549, %xor3A_3557 : vector<64x128xi32>
      %shift_left3A_3559 = arith.constant 6 : i32
      %shift_left3A_3560 = vector.broadcast %shift_left3A_3559 : i32 to vector<64x128xi32>
      %shift_left3A_3561 = arith.shli %xor3A_3557, %shift_left3A_3560 : vector<64x128xi32>
      %shift_right_logical3A_3562 = arith.constant 26 : i32
      %shift_right_logical3A_3563 = vector.broadcast %shift_right_logical3A_3562 : i32 to vector<64x128xi32>
      %shift_right_logical3A_3564 = arith.shrui %xor3A_3557, %shift_right_logical3A_3563 : vector<64x128xi32>
      %or3A_3565 = arith.ori %shift_left3A_3561, %shift_right_logical3A_3564 : vector<64x128xi32>
      %xor3A_3566 = arith.xori %add3A_3558, %or3A_3565 : vector<64x128xi32>
      %add3A_3567 = arith.addi %add3A_3558, %while3A_3223 : vector<64x128xi32>
      %add3A_3568 = arith.addi %xor3A_3566, %while3A_3224 : vector<64x128xi32>
      %add3A_3569 = arith.constant 3 : i32
      %add3A_3570 = vector.broadcast %add3A_3569 : i32 to vector<64x128xi32>
      %add3A_3571 = arith.addi %add3A_3568, %add3A_3570 : vector<64x128xi32>
      %add3A_3572 = arith.addi %add3A_3567, %add3A_3571 : vector<64x128xi32>
      %shift_left3A_3573 = arith.constant 17 : i32
      %shift_left3A_3574 = vector.broadcast %shift_left3A_3573 : i32 to vector<64x128xi32>
      %shift_left3A_3575 = arith.shli %add3A_3571, %shift_left3A_3574 : vector<64x128xi32>
      %shift_right_logical3A_3576 = arith.constant 15 : i32
      %shift_right_logical3A_3577 = vector.broadcast %shift_right_logical3A_3576 : i32 to vector<64x128xi32>
      %shift_right_logical3A_3578 = arith.shrui %add3A_3571, %shift_right_logical3A_3577 : vector<64x128xi32>
      %or3A_3579 = arith.ori %shift_left3A_3575, %shift_right_logical3A_3578 : vector<64x128xi32>
      %xor3A_3580 = arith.xori %add3A_3572, %or3A_3579 : vector<64x128xi32>
      %add3A_3581 = arith.addi %add3A_3572, %xor3A_3580 : vector<64x128xi32>
      %shift_left3A_3582 = arith.constant 29 : i32
      %shift_left3A_3583 = vector.broadcast %shift_left3A_3582 : i32 to vector<64x128xi32>
      %shift_left3A_3584 = arith.shli %xor3A_3580, %shift_left3A_3583 : vector<64x128xi32>
      %shift_right_logical3A_3585 = arith.constant 3 : i32
      %shift_right_logical3A_3586 = vector.broadcast %shift_right_logical3A_3585 : i32 to vector<64x128xi32>
      %shift_right_logical3A_3587 = arith.shrui %xor3A_3580, %shift_right_logical3A_3586 : vector<64x128xi32>
      %or3A_3588 = arith.ori %shift_left3A_3584, %shift_right_logical3A_3587 : vector<64x128xi32>
      %xor3A_3589 = arith.xori %add3A_3581, %or3A_3588 : vector<64x128xi32>
      %add3A_3590 = arith.addi %add3A_3581, %xor3A_3589 : vector<64x128xi32>
      %shift_left3A_3591 = arith.constant 16 : i32
      %shift_left3A_3592 = vector.broadcast %shift_left3A_3591 : i32 to vector<64x128xi32>
      %shift_left3A_3593 = arith.shli %xor3A_3589, %shift_left3A_3592 : vector<64x128xi32>
      %shift_right_logical3A_3594 = arith.constant 16 : i32
      %shift_right_logical3A_3595 = vector.broadcast %shift_right_logical3A_3594 : i32 to vector<64x128xi32>
      %shift_right_logical3A_3596 = arith.shrui %xor3A_3589, %shift_right_logical3A_3595 : vector<64x128xi32>
      %or3A_3597 = arith.ori %shift_left3A_3593, %shift_right_logical3A_3596 : vector<64x128xi32>
      %xor3A_3598 = arith.xori %add3A_3590, %or3A_3597 : vector<64x128xi32>
      %add3A_3599 = arith.addi %add3A_3590, %xor3A_3598 : vector<64x128xi32>
      %shift_left3A_3600 = arith.constant 24 : i32
      %shift_left3A_3601 = vector.broadcast %shift_left3A_3600 : i32 to vector<64x128xi32>
      %shift_left3A_3602 = arith.shli %xor3A_3598, %shift_left3A_3601 : vector<64x128xi32>
      %shift_right_logical3A_3603 = arith.constant 8 : i32
      %shift_right_logical3A_3604 = vector.broadcast %shift_right_logical3A_3603 : i32 to vector<64x128xi32>
      %shift_right_logical3A_3605 = arith.shrui %xor3A_3598, %shift_right_logical3A_3604 : vector<64x128xi32>
      %or3A_3606 = arith.ori %shift_left3A_3602, %shift_right_logical3A_3605 : vector<64x128xi32>
      %xor3A_3607 = arith.xori %add3A_3599, %or3A_3606 : vector<64x128xi32>
      %add3A_3608 = arith.addi %add3A_3599, %while3A_3224 : vector<64x128xi32>
      %add3A_3609 = arith.addi %xor3A_3607, %xor3A_3446 : vector<64x128xi32>
      %add3A_3610 = arith.constant 4 : i32
      %add3A_3611 = vector.broadcast %add3A_3610 : i32 to vector<64x128xi32>
      %add3A_3612 = arith.addi %add3A_3609, %add3A_3611 : vector<64x128xi32>
      %add3A_3613 = arith.addi %add3A_3608, %add3A_3612 : vector<64x128xi32>
      %shift_left3A_3614 = arith.constant 13 : i32
      %shift_left3A_3615 = vector.broadcast %shift_left3A_3614 : i32 to vector<64x128xi32>
      %shift_left3A_3616 = arith.shli %add3A_3612, %shift_left3A_3615 : vector<64x128xi32>
      %shift_right_logical3A_3617 = arith.constant 19 : i32
      %shift_right_logical3A_3618 = vector.broadcast %shift_right_logical3A_3617 : i32 to vector<64x128xi32>
      %shift_right_logical3A_3619 = arith.shrui %add3A_3612, %shift_right_logical3A_3618 : vector<64x128xi32>
      %or3A_3620 = arith.ori %shift_left3A_3616, %shift_right_logical3A_3619 : vector<64x128xi32>
      %xor3A_3621 = arith.xori %add3A_3613, %or3A_3620 : vector<64x128xi32>
      %add3A_3622 = arith.addi %add3A_3613, %xor3A_3621 : vector<64x128xi32>
      %shift_left3A_3623 = arith.constant 15 : i32
      %shift_left3A_3624 = vector.broadcast %shift_left3A_3623 : i32 to vector<64x128xi32>
      %shift_left3A_3625 = arith.shli %xor3A_3621, %shift_left3A_3624 : vector<64x128xi32>
      %shift_right_logical3A_3626 = arith.constant 17 : i32
      %shift_right_logical3A_3627 = vector.broadcast %shift_right_logical3A_3626 : i32 to vector<64x128xi32>
      %shift_right_logical3A_3628 = arith.shrui %xor3A_3621, %shift_right_logical3A_3627 : vector<64x128xi32>
      %or3A_3629 = arith.ori %shift_left3A_3625, %shift_right_logical3A_3628 : vector<64x128xi32>
      %xor3A_3630 = arith.xori %add3A_3622, %or3A_3629 : vector<64x128xi32>
      %add3A_3631 = arith.addi %add3A_3622, %xor3A_3630 : vector<64x128xi32>
      %shift_left3A_3632 = arith.constant 26 : i32
      %shift_left3A_3633 = vector.broadcast %shift_left3A_3632 : i32 to vector<64x128xi32>
      %shift_left3A_3634 = arith.shli %xor3A_3630, %shift_left3A_3633 : vector<64x128xi32>
      %shift_right_logical3A_3635 = arith.constant 6 : i32
      %shift_right_logical3A_3636 = vector.broadcast %shift_right_logical3A_3635 : i32 to vector<64x128xi32>
      %shift_right_logical3A_3637 = arith.shrui %xor3A_3630, %shift_right_logical3A_3636 : vector<64x128xi32>
      %or3A_3638 = arith.ori %shift_left3A_3634, %shift_right_logical3A_3637 : vector<64x128xi32>
      %xor3A_3639 = arith.xori %add3A_3631, %or3A_3638 : vector<64x128xi32>
      %add3A_3640 = arith.addi %add3A_3631, %xor3A_3639 : vector<64x128xi32>
      %shift_left3A_3641 = arith.constant 6 : i32
      %shift_left3A_3642 = vector.broadcast %shift_left3A_3641 : i32 to vector<64x128xi32>
      %shift_left3A_3643 = arith.shli %xor3A_3639, %shift_left3A_3642 : vector<64x128xi32>
      %shift_right_logical3A_3644 = arith.constant 26 : i32
      %shift_right_logical3A_3645 = vector.broadcast %shift_right_logical3A_3644 : i32 to vector<64x128xi32>
      %shift_right_logical3A_3646 = arith.shrui %xor3A_3639, %shift_right_logical3A_3645 : vector<64x128xi32>
      %or3A_3647 = arith.ori %shift_left3A_3643, %shift_right_logical3A_3646 : vector<64x128xi32>
      %xor3A_3648 = arith.xori %add3A_3640, %or3A_3647 : vector<64x128xi32>
      %add3A_3649 = arith.addi %add3A_3640, %xor3A_3446 : vector<64x128xi32>
      %add3A_3650 = arith.addi %xor3A_3648, %while3A_3223 : vector<64x128xi32>
      %add3A_3651 = arith.constant 5 : i32
      %add3A_3652 = vector.broadcast %add3A_3651 : i32 to vector<64x128xi32>
      %add3A_3653 = arith.addi %add3A_3650, %add3A_3652 : vector<64x128xi32>
      %broadcast_in_dim3A_3654 = arith.constant 0 : i32
      %broadcast_in_dim3A_3655 = vector.broadcast %broadcast_in_dim3A_3654 : i32 to vector<64x128xi32>
      %xor3A_3656 = arith.xori %add3A_3649, %add3A_3653 : vector<64x128xi32>
      %xor3A_3657 = arith.constant 466688986 : i32
      %xor3A_3658 = vector.broadcast %xor3A_3657 : i32 to vector<64x128xi32>
      %xor3A_3659 = arith.xori %xor3A_3656, %xor3A_3658 : vector<64x128xi32>
      %add3A_3660 = arith.addi %broadcast_in_dim3A_3655, %add3A_3649 : vector<64x128xi32>
      %add3A_3661 = arith.addi %broadcast_in_dim3A_3655, %add3A_3653 : vector<64x128xi32>
      %add3A_3662 = arith.addi %add3A_3660, %add3A_3661 : vector<64x128xi32>
      %shift_left3A_3663 = arith.constant 13 : i32
      %shift_left3A_3664 = vector.broadcast %shift_left3A_3663 : i32 to vector<64x128xi32>
      %shift_left3A_3665 = arith.shli %add3A_3661, %shift_left3A_3664 : vector<64x128xi32>
      %shift_right_logical3A_3666 = arith.constant 19 : i32
      %shift_right_logical3A_3667 = vector.broadcast %shift_right_logical3A_3666 : i32 to vector<64x128xi32>
      %shift_right_logical3A_3668 = arith.shrui %add3A_3661, %shift_right_logical3A_3667 : vector<64x128xi32>
      %or3A_3669 = arith.ori %shift_left3A_3665, %shift_right_logical3A_3668 : vector<64x128xi32>
      %xor3A_3670 = arith.xori %add3A_3662, %or3A_3669 : vector<64x128xi32>
      %add3A_3671 = arith.addi %add3A_3662, %xor3A_3670 : vector<64x128xi32>
      %shift_left3A_3672 = arith.constant 15 : i32
      %shift_left3A_3673 = vector.broadcast %shift_left3A_3672 : i32 to vector<64x128xi32>
      %shift_left3A_3674 = arith.shli %xor3A_3670, %shift_left3A_3673 : vector<64x128xi32>
      %shift_right_logical3A_3675 = arith.constant 17 : i32
      %shift_right_logical3A_3676 = vector.broadcast %shift_right_logical3A_3675 : i32 to vector<64x128xi32>
      %shift_right_logical3A_3677 = arith.shrui %xor3A_3670, %shift_right_logical3A_3676 : vector<64x128xi32>
      %or3A_3678 = arith.ori %shift_left3A_3674, %shift_right_logical3A_3677 : vector<64x128xi32>
      %xor3A_3679 = arith.xori %add3A_3671, %or3A_3678 : vector<64x128xi32>
      %add3A_3680 = arith.addi %add3A_3671, %xor3A_3679 : vector<64x128xi32>
      %shift_left3A_3681 = arith.constant 26 : i32
      %shift_left3A_3682 = vector.broadcast %shift_left3A_3681 : i32 to vector<64x128xi32>
      %shift_left3A_3683 = arith.shli %xor3A_3679, %shift_left3A_3682 : vector<64x128xi32>
      %shift_right_logical3A_3684 = arith.constant 6 : i32
      %shift_right_logical3A_3685 = vector.broadcast %shift_right_logical3A_3684 : i32 to vector<64x128xi32>
      %shift_right_logical3A_3686 = arith.shrui %xor3A_3679, %shift_right_logical3A_3685 : vector<64x128xi32>
      %or3A_3687 = arith.ori %shift_left3A_3683, %shift_right_logical3A_3686 : vector<64x128xi32>
      %xor3A_3688 = arith.xori %add3A_3680, %or3A_3687 : vector<64x128xi32>
      %add3A_3689 = arith.addi %add3A_3680, %xor3A_3688 : vector<64x128xi32>
      %shift_left3A_3690 = arith.constant 6 : i32
      %shift_left3A_3691 = vector.broadcast %shift_left3A_3690 : i32 to vector<64x128xi32>
      %shift_left3A_3692 = arith.shli %xor3A_3688, %shift_left3A_3691 : vector<64x128xi32>
      %shift_right_logical3A_3693 = arith.constant 26 : i32
      %shift_right_logical3A_3694 = vector.broadcast %shift_right_logical3A_3693 : i32 to vector<64x128xi32>
      %shift_right_logical3A_3695 = arith.shrui %xor3A_3688, %shift_right_logical3A_3694 : vector<64x128xi32>
      %or3A_3696 = arith.ori %shift_left3A_3692, %shift_right_logical3A_3695 : vector<64x128xi32>
      %xor3A_3697 = arith.xori %add3A_3689, %or3A_3696 : vector<64x128xi32>
      %add3A_3698 = arith.addi %add3A_3689, %add3A_3653 : vector<64x128xi32>
      %add3A_3699 = arith.addi %xor3A_3697, %xor3A_3659 : vector<64x128xi32>
      %add3A_3700 = arith.constant 1 : i32
      %add3A_3701 = vector.broadcast %add3A_3700 : i32 to vector<64x128xi32>
      %add3A_3702 = arith.addi %add3A_3699, %add3A_3701 : vector<64x128xi32>
      %add3A_3703 = arith.addi %add3A_3698, %add3A_3702 : vector<64x128xi32>
      %shift_left3A_3704 = arith.constant 17 : i32
      %shift_left3A_3705 = vector.broadcast %shift_left3A_3704 : i32 to vector<64x128xi32>
      %shift_left3A_3706 = arith.shli %add3A_3702, %shift_left3A_3705 : vector<64x128xi32>
      %shift_right_logical3A_3707 = arith.constant 15 : i32
      %shift_right_logical3A_3708 = vector.broadcast %shift_right_logical3A_3707 : i32 to vector<64x128xi32>
      %shift_right_logical3A_3709 = arith.shrui %add3A_3702, %shift_right_logical3A_3708 : vector<64x128xi32>
      %or3A_3710 = arith.ori %shift_left3A_3706, %shift_right_logical3A_3709 : vector<64x128xi32>
      %xor3A_3711 = arith.xori %add3A_3703, %or3A_3710 : vector<64x128xi32>
      %add3A_3712 = arith.addi %add3A_3703, %xor3A_3711 : vector<64x128xi32>
      %shift_left3A_3713 = arith.constant 29 : i32
      %shift_left3A_3714 = vector.broadcast %shift_left3A_3713 : i32 to vector<64x128xi32>
      %shift_left3A_3715 = arith.shli %xor3A_3711, %shift_left3A_3714 : vector<64x128xi32>
      %shift_right_logical3A_3716 = arith.constant 3 : i32
      %shift_right_logical3A_3717 = vector.broadcast %shift_right_logical3A_3716 : i32 to vector<64x128xi32>
      %shift_right_logical3A_3718 = arith.shrui %xor3A_3711, %shift_right_logical3A_3717 : vector<64x128xi32>
      %or3A_3719 = arith.ori %shift_left3A_3715, %shift_right_logical3A_3718 : vector<64x128xi32>
      %xor3A_3720 = arith.xori %add3A_3712, %or3A_3719 : vector<64x128xi32>
      %add3A_3721 = arith.addi %add3A_3712, %xor3A_3720 : vector<64x128xi32>
      %shift_left3A_3722 = arith.constant 16 : i32
      %shift_left3A_3723 = vector.broadcast %shift_left3A_3722 : i32 to vector<64x128xi32>
      %shift_left3A_3724 = arith.shli %xor3A_3720, %shift_left3A_3723 : vector<64x128xi32>
      %shift_right_logical3A_3725 = arith.constant 16 : i32
      %shift_right_logical3A_3726 = vector.broadcast %shift_right_logical3A_3725 : i32 to vector<64x128xi32>
      %shift_right_logical3A_3727 = arith.shrui %xor3A_3720, %shift_right_logical3A_3726 : vector<64x128xi32>
      %or3A_3728 = arith.ori %shift_left3A_3724, %shift_right_logical3A_3727 : vector<64x128xi32>
      %xor3A_3729 = arith.xori %add3A_3721, %or3A_3728 : vector<64x128xi32>
      %add3A_3730 = arith.addi %add3A_3721, %xor3A_3729 : vector<64x128xi32>
      %shift_left3A_3731 = arith.constant 24 : i32
      %shift_left3A_3732 = vector.broadcast %shift_left3A_3731 : i32 to vector<64x128xi32>
      %shift_left3A_3733 = arith.shli %xor3A_3729, %shift_left3A_3732 : vector<64x128xi32>
      %shift_right_logical3A_3734 = arith.constant 8 : i32
      %shift_right_logical3A_3735 = vector.broadcast %shift_right_logical3A_3734 : i32 to vector<64x128xi32>
      %shift_right_logical3A_3736 = arith.shrui %xor3A_3729, %shift_right_logical3A_3735 : vector<64x128xi32>
      %or3A_3737 = arith.ori %shift_left3A_3733, %shift_right_logical3A_3736 : vector<64x128xi32>
      %xor3A_3738 = arith.xori %add3A_3730, %or3A_3737 : vector<64x128xi32>
      %add3A_3739 = arith.addi %add3A_3730, %xor3A_3659 : vector<64x128xi32>
      %add3A_3740 = arith.addi %xor3A_3738, %add3A_3649 : vector<64x128xi32>
      %add3A_3741 = arith.constant 2 : i32
      %add3A_3742 = vector.broadcast %add3A_3741 : i32 to vector<64x128xi32>
      %add3A_3743 = arith.addi %add3A_3740, %add3A_3742 : vector<64x128xi32>
      %add3A_3744 = arith.addi %add3A_3739, %add3A_3743 : vector<64x128xi32>
      %shift_left3A_3745 = arith.constant 13 : i32
      %shift_left3A_3746 = vector.broadcast %shift_left3A_3745 : i32 to vector<64x128xi32>
      %shift_left3A_3747 = arith.shli %add3A_3743, %shift_left3A_3746 : vector<64x128xi32>
      %shift_right_logical3A_3748 = arith.constant 19 : i32
      %shift_right_logical3A_3749 = vector.broadcast %shift_right_logical3A_3748 : i32 to vector<64x128xi32>
      %shift_right_logical3A_3750 = arith.shrui %add3A_3743, %shift_right_logical3A_3749 : vector<64x128xi32>
      %or3A_3751 = arith.ori %shift_left3A_3747, %shift_right_logical3A_3750 : vector<64x128xi32>
      %xor3A_3752 = arith.xori %add3A_3744, %or3A_3751 : vector<64x128xi32>
      %add3A_3753 = arith.addi %add3A_3744, %xor3A_3752 : vector<64x128xi32>
      %shift_left3A_3754 = arith.constant 15 : i32
      %shift_left3A_3755 = vector.broadcast %shift_left3A_3754 : i32 to vector<64x128xi32>
      %shift_left3A_3756 = arith.shli %xor3A_3752, %shift_left3A_3755 : vector<64x128xi32>
      %shift_right_logical3A_3757 = arith.constant 17 : i32
      %shift_right_logical3A_3758 = vector.broadcast %shift_right_logical3A_3757 : i32 to vector<64x128xi32>
      %shift_right_logical3A_3759 = arith.shrui %xor3A_3752, %shift_right_logical3A_3758 : vector<64x128xi32>
      %or3A_3760 = arith.ori %shift_left3A_3756, %shift_right_logical3A_3759 : vector<64x128xi32>
      %xor3A_3761 = arith.xori %add3A_3753, %or3A_3760 : vector<64x128xi32>
      %add3A_3762 = arith.addi %add3A_3753, %xor3A_3761 : vector<64x128xi32>
      %shift_left3A_3763 = arith.constant 26 : i32
      %shift_left3A_3764 = vector.broadcast %shift_left3A_3763 : i32 to vector<64x128xi32>
      %shift_left3A_3765 = arith.shli %xor3A_3761, %shift_left3A_3764 : vector<64x128xi32>
      %shift_right_logical3A_3766 = arith.constant 6 : i32
      %shift_right_logical3A_3767 = vector.broadcast %shift_right_logical3A_3766 : i32 to vector<64x128xi32>
      %shift_right_logical3A_3768 = arith.shrui %xor3A_3761, %shift_right_logical3A_3767 : vector<64x128xi32>
      %or3A_3769 = arith.ori %shift_left3A_3765, %shift_right_logical3A_3768 : vector<64x128xi32>
      %xor3A_3770 = arith.xori %add3A_3762, %or3A_3769 : vector<64x128xi32>
      %add3A_3771 = arith.addi %add3A_3762, %xor3A_3770 : vector<64x128xi32>
      %shift_left3A_3772 = arith.constant 6 : i32
      %shift_left3A_3773 = vector.broadcast %shift_left3A_3772 : i32 to vector<64x128xi32>
      %shift_left3A_3774 = arith.shli %xor3A_3770, %shift_left3A_3773 : vector<64x128xi32>
      %shift_right_logical3A_3775 = arith.constant 26 : i32
      %shift_right_logical3A_3776 = vector.broadcast %shift_right_logical3A_3775 : i32 to vector<64x128xi32>
      %shift_right_logical3A_3777 = arith.shrui %xor3A_3770, %shift_right_logical3A_3776 : vector<64x128xi32>
      %or3A_3778 = arith.ori %shift_left3A_3774, %shift_right_logical3A_3777 : vector<64x128xi32>
      %xor3A_3779 = arith.xori %add3A_3771, %or3A_3778 : vector<64x128xi32>
      %add3A_3780 = arith.addi %add3A_3771, %add3A_3649 : vector<64x128xi32>
      %add3A_3781 = arith.addi %xor3A_3779, %add3A_3653 : vector<64x128xi32>
      %add3A_3782 = arith.constant 3 : i32
      %add3A_3783 = vector.broadcast %add3A_3782 : i32 to vector<64x128xi32>
      %add3A_3784 = arith.addi %add3A_3781, %add3A_3783 : vector<64x128xi32>
      %add3A_3785 = arith.addi %add3A_3780, %add3A_3784 : vector<64x128xi32>
      %shift_left3A_3786 = arith.constant 17 : i32
      %shift_left3A_3787 = vector.broadcast %shift_left3A_3786 : i32 to vector<64x128xi32>
      %shift_left3A_3788 = arith.shli %add3A_3784, %shift_left3A_3787 : vector<64x128xi32>
      %shift_right_logical3A_3789 = arith.constant 15 : i32
      %shift_right_logical3A_3790 = vector.broadcast %shift_right_logical3A_3789 : i32 to vector<64x128xi32>
      %shift_right_logical3A_3791 = arith.shrui %add3A_3784, %shift_right_logical3A_3790 : vector<64x128xi32>
      %or3A_3792 = arith.ori %shift_left3A_3788, %shift_right_logical3A_3791 : vector<64x128xi32>
      %xor3A_3793 = arith.xori %add3A_3785, %or3A_3792 : vector<64x128xi32>
      %add3A_3794 = arith.addi %add3A_3785, %xor3A_3793 : vector<64x128xi32>
      %shift_left3A_3795 = arith.constant 29 : i32
      %shift_left3A_3796 = vector.broadcast %shift_left3A_3795 : i32 to vector<64x128xi32>
      %shift_left3A_3797 = arith.shli %xor3A_3793, %shift_left3A_3796 : vector<64x128xi32>
      %shift_right_logical3A_3798 = arith.constant 3 : i32
      %shift_right_logical3A_3799 = vector.broadcast %shift_right_logical3A_3798 : i32 to vector<64x128xi32>
      %shift_right_logical3A_3800 = arith.shrui %xor3A_3793, %shift_right_logical3A_3799 : vector<64x128xi32>
      %or3A_3801 = arith.ori %shift_left3A_3797, %shift_right_logical3A_3800 : vector<64x128xi32>
      %xor3A_3802 = arith.xori %add3A_3794, %or3A_3801 : vector<64x128xi32>
      %add3A_3803 = arith.addi %add3A_3794, %xor3A_3802 : vector<64x128xi32>
      %shift_left3A_3804 = arith.constant 16 : i32
      %shift_left3A_3805 = vector.broadcast %shift_left3A_3804 : i32 to vector<64x128xi32>
      %shift_left3A_3806 = arith.shli %xor3A_3802, %shift_left3A_3805 : vector<64x128xi32>
      %shift_right_logical3A_3807 = arith.constant 16 : i32
      %shift_right_logical3A_3808 = vector.broadcast %shift_right_logical3A_3807 : i32 to vector<64x128xi32>
      %shift_right_logical3A_3809 = arith.shrui %xor3A_3802, %shift_right_logical3A_3808 : vector<64x128xi32>
      %or3A_3810 = arith.ori %shift_left3A_3806, %shift_right_logical3A_3809 : vector<64x128xi32>
      %xor3A_3811 = arith.xori %add3A_3803, %or3A_3810 : vector<64x128xi32>
      %add3A_3812 = arith.addi %add3A_3803, %xor3A_3811 : vector<64x128xi32>
      %shift_left3A_3813 = arith.constant 24 : i32
      %shift_left3A_3814 = vector.broadcast %shift_left3A_3813 : i32 to vector<64x128xi32>
      %shift_left3A_3815 = arith.shli %xor3A_3811, %shift_left3A_3814 : vector<64x128xi32>
      %shift_right_logical3A_3816 = arith.constant 8 : i32
      %shift_right_logical3A_3817 = vector.broadcast %shift_right_logical3A_3816 : i32 to vector<64x128xi32>
      %shift_right_logical3A_3818 = arith.shrui %xor3A_3811, %shift_right_logical3A_3817 : vector<64x128xi32>
      %or3A_3819 = arith.ori %shift_left3A_3815, %shift_right_logical3A_3818 : vector<64x128xi32>
      %xor3A_3820 = arith.xori %add3A_3812, %or3A_3819 : vector<64x128xi32>
      %add3A_3821 = arith.addi %add3A_3812, %add3A_3653 : vector<64x128xi32>
      %add3A_3822 = arith.addi %xor3A_3820, %xor3A_3659 : vector<64x128xi32>
      %add3A_3823 = arith.constant 4 : i32
      %add3A_3824 = vector.broadcast %add3A_3823 : i32 to vector<64x128xi32>
      %add3A_3825 = arith.addi %add3A_3822, %add3A_3824 : vector<64x128xi32>
      %add3A_3826 = arith.addi %add3A_3821, %add3A_3825 : vector<64x128xi32>
      %shift_left3A_3827 = arith.constant 13 : i32
      %shift_left3A_3828 = vector.broadcast %shift_left3A_3827 : i32 to vector<64x128xi32>
      %shift_left3A_3829 = arith.shli %add3A_3825, %shift_left3A_3828 : vector<64x128xi32>
      %shift_right_logical3A_3830 = arith.constant 19 : i32
      %shift_right_logical3A_3831 = vector.broadcast %shift_right_logical3A_3830 : i32 to vector<64x128xi32>
      %shift_right_logical3A_3832 = arith.shrui %add3A_3825, %shift_right_logical3A_3831 : vector<64x128xi32>
      %or3A_3833 = arith.ori %shift_left3A_3829, %shift_right_logical3A_3832 : vector<64x128xi32>
      %xor3A_3834 = arith.xori %add3A_3826, %or3A_3833 : vector<64x128xi32>
      %add3A_3835 = arith.addi %add3A_3826, %xor3A_3834 : vector<64x128xi32>
      %shift_left3A_3836 = arith.constant 15 : i32
      %shift_left3A_3837 = vector.broadcast %shift_left3A_3836 : i32 to vector<64x128xi32>
      %shift_left3A_3838 = arith.shli %xor3A_3834, %shift_left3A_3837 : vector<64x128xi32>
      %shift_right_logical3A_3839 = arith.constant 17 : i32
      %shift_right_logical3A_3840 = vector.broadcast %shift_right_logical3A_3839 : i32 to vector<64x128xi32>
      %shift_right_logical3A_3841 = arith.shrui %xor3A_3834, %shift_right_logical3A_3840 : vector<64x128xi32>
      %or3A_3842 = arith.ori %shift_left3A_3838, %shift_right_logical3A_3841 : vector<64x128xi32>
      %xor3A_3843 = arith.xori %add3A_3835, %or3A_3842 : vector<64x128xi32>
      %add3A_3844 = arith.addi %add3A_3835, %xor3A_3843 : vector<64x128xi32>
      %shift_left3A_3845 = arith.constant 26 : i32
      %shift_left3A_3846 = vector.broadcast %shift_left3A_3845 : i32 to vector<64x128xi32>
      %shift_left3A_3847 = arith.shli %xor3A_3843, %shift_left3A_3846 : vector<64x128xi32>
      %shift_right_logical3A_3848 = arith.constant 6 : i32
      %shift_right_logical3A_3849 = vector.broadcast %shift_right_logical3A_3848 : i32 to vector<64x128xi32>
      %shift_right_logical3A_3850 = arith.shrui %xor3A_3843, %shift_right_logical3A_3849 : vector<64x128xi32>
      %or3A_3851 = arith.ori %shift_left3A_3847, %shift_right_logical3A_3850 : vector<64x128xi32>
      %xor3A_3852 = arith.xori %add3A_3844, %or3A_3851 : vector<64x128xi32>
      %add3A_3853 = arith.addi %add3A_3844, %xor3A_3852 : vector<64x128xi32>
      %shift_left3A_3854 = arith.constant 6 : i32
      %shift_left3A_3855 = vector.broadcast %shift_left3A_3854 : i32 to vector<64x128xi32>
      %shift_left3A_3856 = arith.shli %xor3A_3852, %shift_left3A_3855 : vector<64x128xi32>
      %shift_right_logical3A_3857 = arith.constant 26 : i32
      %shift_right_logical3A_3858 = vector.broadcast %shift_right_logical3A_3857 : i32 to vector<64x128xi32>
      %shift_right_logical3A_3859 = arith.shrui %xor3A_3852, %shift_right_logical3A_3858 : vector<64x128xi32>
      %or3A_3860 = arith.ori %shift_left3A_3856, %shift_right_logical3A_3859 : vector<64x128xi32>
      %xor3A_3861 = arith.xori %add3A_3853, %or3A_3860 : vector<64x128xi32>
      %add3A_3862 = arith.addi %add3A_3853, %xor3A_3659 : vector<64x128xi32>
      %add3A_3863 = arith.addi %xor3A_3861, %add3A_3649 : vector<64x128xi32>
      %add3A_3864 = arith.constant 5 : i32
      %add3A_3865 = vector.broadcast %add3A_3864 : i32 to vector<64x128xi32>
      %add3A_3866 = arith.addi %add3A_3863, %add3A_3865 : vector<64x128xi32>
      %xor3A_3867 = arith.xori %add3A_3862, %add3A_3866 : vector<64x128xi32>
      %shift_right_logical3A_3868 = arith.constant 9 : i32
      %shift_right_logical3A_3869 = vector.broadcast %shift_right_logical3A_3868 : i32 to vector<64x128xi32>
      %shift_right_logical3A_3870 = arith.shrui %xor3A_3867, %shift_right_logical3A_3869 : vector<64x128xi32>
      %or3A_3871 = arith.constant 1065353216 : i32
      %or3A_3872 = vector.broadcast %or3A_3871 : i32 to vector<64x128xi32>
      %or3A_3873 = arith.ori %shift_right_logical3A_3870, %or3A_3872 : vector<64x128xi32>
      %bitcast_convert_type3A_3874 = tpu.bitcast %or3A_3873 : vector<64x128xi32> -> vector<64x128xf32>
      %sub3A_3875 = arith.constant 1.000000e+00 : f32
      %sub3A_3876 = vector.broadcast %sub3A_3875 : f32 to vector<64x128xf32>
      %sub3A_3877 = arith.subf %bitcast_convert_type3A_3874, %sub3A_3876 : vector<64x128xf32>
      %mul3A_3878 = arith.constant 2.000000e+00 : f32
      %mul3A_3879 = vector.broadcast %mul3A_3878 : f32 to vector<64x128xf32>
      %mul3A_3880 = arith.mulf %sub3A_3877, %mul3A_3879 : vector<64x128xf32>
      %add3A_3881 = arith.constant -0.99999994 : f32
      %add3A_3882 = vector.broadcast %add3A_3881 : f32 to vector<64x128xf32>
      %add3A_3883 = arith.addf %mul3A_3880, %add3A_3882 : vector<64x128xf32>
      %max3A_3884 = arith.constant -0.99999994 : f32
      %max3A_3885 = vector.broadcast %max3A_3884 : f32 to vector<64x128xf32>
      %max3A_3886 = arith.maximumf %max3A_3885, %add3A_3883 : vector<64x128xf32>
      %neg3A_3887 = arith.constant 0.000000e+00 : f32
      %neg3A_3888 = vector.broadcast %neg3A_3887 : f32 to vector<64x128xf32>
      %neg3A_3889 = arith.subf %neg3A_3888, %max3A_3886 : vector<64x128xf32>
      %mul3A_3890 = arith.mulf %neg3A_3889, %max3A_3886 : vector<64x128xf32>
      %log1p3A_3891 = math.log1p %mul3A_3890 : vector<64x128xf32>
      %neg3A_3892 = arith.constant 0.000000e+00 : f32
      %neg3A_3893 = vector.broadcast %neg3A_3892 : f32 to vector<64x128xf32>
      %neg3A_3894 = arith.subf %neg3A_3893, %log1p3A_3891 : vector<64x128xf32>
      %sub3A_3895 = arith.constant 2.500000e+00 : f32
      %sub3A_3896 = vector.broadcast %sub3A_3895 : f32 to vector<64x128xf32>
      %sub3A_3897 = arith.subf %neg3A_3894, %sub3A_3896 : vector<64x128xf32>
      %broadcast_in_dim3A_3898 = arith.constant 2.81022636E-8 : f32
      %broadcast_in_dim3A_3899 = vector.broadcast %broadcast_in_dim3A_3898 : f32 to vector<64x128xf32>
      %mul3A_3900 = arith.mulf %broadcast_in_dim3A_3899, %sub3A_3897 : vector<64x128xf32>
      %add3A_3901 = arith.constant 3.43273939E-7 : f32
      %add3A_3902 = vector.broadcast %add3A_3901 : f32 to vector<64x128xf32>
      %add3A_3903 = arith.addf %add3A_3902, %mul3A_3900 : vector<64x128xf32>
      %mul3A_3904 = arith.mulf %add3A_3903, %sub3A_3897 : vector<64x128xf32>
      %add3A_3905 = arith.constant -3.5233877E-6 : f32
      %add3A_3906 = vector.broadcast %add3A_3905 : f32 to vector<64x128xf32>
      %add3A_3907 = arith.addf %add3A_3906, %mul3A_3904 : vector<64x128xf32>
      %mul3A_3908 = arith.mulf %add3A_3907, %sub3A_3897 : vector<64x128xf32>
      %add3A_3909 = arith.constant -4.39150654E-6 : f32
      %add3A_3910 = vector.broadcast %add3A_3909 : f32 to vector<64x128xf32>
      %add3A_3911 = arith.addf %add3A_3910, %mul3A_3908 : vector<64x128xf32>
      %mul3A_3912 = arith.mulf %add3A_3911, %sub3A_3897 : vector<64x128xf32>
      %add3A_3913 = arith.constant 2.1858087E-4 : f32
      %add3A_3914 = vector.broadcast %add3A_3913 : f32 to vector<64x128xf32>
      %add3A_3915 = arith.addf %add3A_3914, %mul3A_3912 : vector<64x128xf32>
      %mul3A_3916 = arith.mulf %add3A_3915, %sub3A_3897 : vector<64x128xf32>
      %add3A_3917 = arith.constant -0.00125372503 : f32
      %add3A_3918 = vector.broadcast %add3A_3917 : f32 to vector<64x128xf32>
      %add3A_3919 = arith.addf %add3A_3918, %mul3A_3916 : vector<64x128xf32>
      %mul3A_3920 = arith.mulf %add3A_3919, %sub3A_3897 : vector<64x128xf32>
      %add3A_3921 = arith.constant -0.00417768164 : f32
      %add3A_3922 = vector.broadcast %add3A_3921 : f32 to vector<64x128xf32>
      %add3A_3923 = arith.addf %add3A_3922, %mul3A_3920 : vector<64x128xf32>
      %mul3A_3924 = arith.mulf %add3A_3923, %sub3A_3897 : vector<64x128xf32>
      %add3A_3925 = arith.constant 0.246640727 : f32
      %add3A_3926 = vector.broadcast %add3A_3925 : f32 to vector<64x128xf32>
      %add3A_3927 = arith.addf %add3A_3926, %mul3A_3924 : vector<64x128xf32>
      %mul3A_3928 = arith.mulf %add3A_3927, %sub3A_3897 : vector<64x128xf32>
      %add3A_3929 = arith.constant 1.50140941 : f32
      %add3A_3930 = vector.broadcast %add3A_3929 : f32 to vector<64x128xf32>
      %add3A_3931 = arith.addf %add3A_3930, %mul3A_3928 : vector<64x128xf32>
      %sqrt3A_3932 = math.sqrt %neg3A_3894 : vector<64x128xf32>
      %sub3A_3933 = arith.constant 3.000000e+00 : f32
      %sub3A_3934 = vector.broadcast %sub3A_3933 : f32 to vector<64x128xf32>
      %sub3A_3935 = arith.subf %sqrt3A_3932, %sub3A_3934 : vector<64x128xf32>
      %broadcast_in_dim3A_3936 = arith.constant -2.00214257E-4 : f32
      %broadcast_in_dim3A_3937 = vector.broadcast %broadcast_in_dim3A_3936 : f32 to vector<64x128xf32>
      %mul3A_3938 = arith.mulf %broadcast_in_dim3A_3937, %sub3A_3935 : vector<64x128xf32>
      %add3A_3939 = arith.constant 1.00950558E-4 : f32
      %add3A_3940 = vector.broadcast %add3A_3939 : f32 to vector<64x128xf32>
      %add3A_3941 = arith.addf %add3A_3940, %mul3A_3938 : vector<64x128xf32>
      %mul3A_3942 = arith.mulf %add3A_3941, %sub3A_3935 : vector<64x128xf32>
      %add3A_3943 = arith.constant 0.00134934322 : f32
      %add3A_3944 = vector.broadcast %add3A_3943 : f32 to vector<64x128xf32>
      %add3A_3945 = arith.addf %add3A_3944, %mul3A_3942 : vector<64x128xf32>
      %mul3A_3946 = arith.mulf %add3A_3945, %sub3A_3935 : vector<64x128xf32>
      %add3A_3947 = arith.constant -0.00367342844 : f32
      %add3A_3948 = vector.broadcast %add3A_3947 : f32 to vector<64x128xf32>
      %add3A_3949 = arith.addf %add3A_3948, %mul3A_3946 : vector<64x128xf32>
      %mul3A_3950 = arith.mulf %add3A_3949, %sub3A_3935 : vector<64x128xf32>
      %add3A_3951 = arith.constant 0.00573950773 : f32
      %add3A_3952 = vector.broadcast %add3A_3951 : f32 to vector<64x128xf32>
      %add3A_3953 = arith.addf %add3A_3952, %mul3A_3950 : vector<64x128xf32>
      %mul3A_3954 = arith.mulf %add3A_3953, %sub3A_3935 : vector<64x128xf32>
      %add3A_3955 = arith.constant -0.0076224613 : f32
      %add3A_3956 = vector.broadcast %add3A_3955 : f32 to vector<64x128xf32>
      %add3A_3957 = arith.addf %add3A_3956, %mul3A_3954 : vector<64x128xf32>
      %mul3A_3958 = arith.mulf %add3A_3957, %sub3A_3935 : vector<64x128xf32>
      %add3A_3959 = arith.constant 0.00943887047 : f32
      %add3A_3960 = vector.broadcast %add3A_3959 : f32 to vector<64x128xf32>
      %add3A_3961 = arith.addf %add3A_3960, %mul3A_3958 : vector<64x128xf32>
      %mul3A_3962 = arith.mulf %add3A_3961, %sub3A_3935 : vector<64x128xf32>
      %add3A_3963 = arith.constant 1.00167406 : f32
      %add3A_3964 = vector.broadcast %add3A_3963 : f32 to vector<64x128xf32>
      %add3A_3965 = arith.addf %add3A_3964, %mul3A_3962 : vector<64x128xf32>
      %mul3A_3966 = arith.mulf %add3A_3965, %sub3A_3935 : vector<64x128xf32>
      %add3A_3967 = arith.constant 2.83297682 : f32
      %add3A_3968 = vector.broadcast %add3A_3967 : f32 to vector<64x128xf32>
      %add3A_3969 = arith.addf %add3A_3968, %mul3A_3966 : vector<64x128xf32>
      %lt3A_3970 = arith.constant 5.000000e+00 : f32
      %lt3A_3971 = vector.broadcast %lt3A_3970 : f32 to vector<64x128xf32>
      %lt3A_3972 = arith.cmpf olt, %neg3A_3894, %lt3A_3971 : vector<64x128xf32>
      %select_n3A_3973 = arith.select %lt3A_3972, %add3A_3931, %add3A_3969 : vector<64x128xi1>, vector<64x128xf32>
      %mul3A_3974 = arith.mulf %select_n3A_3973, %max3A_3886 : vector<64x128xf32>
      %mul3A_3975 = arith.constant 1.41421354 : f32
      %mul3A_3976 = vector.broadcast %mul3A_3975 : f32 to vector<64x128xf32>
      %mul3A_3977 = arith.mulf %mul3A_3976, %mul3A_3974 : vector<64x128xf32>
      %mul3A_3978 = arith.mulf %mul3A_3977, %div3A_1325 : vector<64x128xf32>
      %add3A_3979 = arith.constant 1.000000e+00 : f32
      %add3A_3980 = vector.broadcast %add3A_3979 : f32 to vector<64x128xf32>
      %add3A_3981 = arith.addf %add3A_3980, %mul3A_3978 : vector<64x128xf32>
      %select_n3A_3982 = arith.select %le3A_3228, %add3A_3435, %while3A_3223 : vector<64x128xi1>, vector<64x128xi32>
      %select_n3A_3983 = arith.select %le3A_3228, %add3A_3439, %while3A_3224 : vector<64x128xi1>, vector<64x128xi32>
      %select_n3A_3984 = arith.select %le3A_3228, %mul3A_3977, %while3A_3225 : vector<64x128xi1>, vector<64x128xf32>
      %select_n3A_3985 = arith.select %le3A_3228, %add3A_3981, %while3A_3226 : vector<64x128xi1>, vector<64x128xf32>
      scf.yield %select_n3A_3982, %select_n3A_3983, %select_n3A_3984, %select_n3A_3985 : vector<64x128xi32>, vector<64x128xi32>, vector<64x128xf32>, vector<64x128xf32>
    }
    %mul3A_2714 = arith.mulf %while3A#2, %while3A#2 : vector<64x128xf32>
    %mul3A_2715 = arith.mulf %while3A#3, %while3A#3 : vector<64x128xf32>
    %mul3A_2716 = arith.mulf %mul3A_2715, %while3A#3 : vector<64x128xf32>
    %broadcast_in_dim3A_2717 = arith.constant 0 : i32
    %broadcast_in_dim3A_2718 = vector.broadcast %broadcast_in_dim3A_2717 : i32 to vector<64x128xi32>
    %xor3A_2719 = arith.xori %add3A_1960, %add3A_1964 : vector<64x128xi32>
    %xor3A_2720 = arith.constant 466688986 : i32
    %xor3A_2721 = vector.broadcast %xor3A_2720 : i32 to vector<64x128xi32>
    %xor3A_2722 = arith.xori %xor3A_2719, %xor3A_2721 : vector<64x128xi32>
    %add3A_2723 = arith.addi %broadcast_in_dim3A_2718, %add3A_1960 : vector<64x128xi32>
    %add3A_2724 = arith.addi %broadcast_in_dim3A_2718, %add3A_1964 : vector<64x128xi32>
    %add3A_2725 = arith.addi %add3A_2723, %add3A_2724 : vector<64x128xi32>
    %shift_left3A_2726 = arith.constant 13 : i32
    %shift_left3A_2727 = vector.broadcast %shift_left3A_2726 : i32 to vector<64x128xi32>
    %shift_left3A_2728 = arith.shli %add3A_2724, %shift_left3A_2727 : vector<64x128xi32>
    %shift_right_logical3A_2729 = arith.constant 19 : i32
    %shift_right_logical3A_2730 = vector.broadcast %shift_right_logical3A_2729 : i32 to vector<64x128xi32>
    %shift_right_logical3A_2731 = arith.shrui %add3A_2724, %shift_right_logical3A_2730 : vector<64x128xi32>
    %or3A_2732 = arith.ori %shift_left3A_2728, %shift_right_logical3A_2731 : vector<64x128xi32>
    %xor3A_2733 = arith.xori %add3A_2725, %or3A_2732 : vector<64x128xi32>
    %add3A_2734 = arith.addi %add3A_2725, %xor3A_2733 : vector<64x128xi32>
    %shift_left3A_2735 = arith.constant 15 : i32
    %shift_left3A_2736 = vector.broadcast %shift_left3A_2735 : i32 to vector<64x128xi32>
    %shift_left3A_2737 = arith.shli %xor3A_2733, %shift_left3A_2736 : vector<64x128xi32>
    %shift_right_logical3A_2738 = arith.constant 17 : i32
    %shift_right_logical3A_2739 = vector.broadcast %shift_right_logical3A_2738 : i32 to vector<64x128xi32>
    %shift_right_logical3A_2740 = arith.shrui %xor3A_2733, %shift_right_logical3A_2739 : vector<64x128xi32>
    %or3A_2741 = arith.ori %shift_left3A_2737, %shift_right_logical3A_2740 : vector<64x128xi32>
    %xor3A_2742 = arith.xori %add3A_2734, %or3A_2741 : vector<64x128xi32>
    %add3A_2743 = arith.addi %add3A_2734, %xor3A_2742 : vector<64x128xi32>
    %shift_left3A_2744 = arith.constant 26 : i32
    %shift_left3A_2745 = vector.broadcast %shift_left3A_2744 : i32 to vector<64x128xi32>
    %shift_left3A_2746 = arith.shli %xor3A_2742, %shift_left3A_2745 : vector<64x128xi32>
    %shift_right_logical3A_2747 = arith.constant 6 : i32
    %shift_right_logical3A_2748 = vector.broadcast %shift_right_logical3A_2747 : i32 to vector<64x128xi32>
    %shift_right_logical3A_2749 = arith.shrui %xor3A_2742, %shift_right_logical3A_2748 : vector<64x128xi32>
    %or3A_2750 = arith.ori %shift_left3A_2746, %shift_right_logical3A_2749 : vector<64x128xi32>
    %xor3A_2751 = arith.xori %add3A_2743, %or3A_2750 : vector<64x128xi32>
    %add3A_2752 = arith.addi %add3A_2743, %xor3A_2751 : vector<64x128xi32>
    %shift_left3A_2753 = arith.constant 6 : i32
    %shift_left3A_2754 = vector.broadcast %shift_left3A_2753 : i32 to vector<64x128xi32>
    %shift_left3A_2755 = arith.shli %xor3A_2751, %shift_left3A_2754 : vector<64x128xi32>
    %shift_right_logical3A_2756 = arith.constant 26 : i32
    %shift_right_logical3A_2757 = vector.broadcast %shift_right_logical3A_2756 : i32 to vector<64x128xi32>
    %shift_right_logical3A_2758 = arith.shrui %xor3A_2751, %shift_right_logical3A_2757 : vector<64x128xi32>
    %or3A_2759 = arith.ori %shift_left3A_2755, %shift_right_logical3A_2758 : vector<64x128xi32>
    %xor3A_2760 = arith.xori %add3A_2752, %or3A_2759 : vector<64x128xi32>
    %add3A_2761 = arith.addi %add3A_2752, %add3A_1964 : vector<64x128xi32>
    %add3A_2762 = arith.addi %xor3A_2760, %xor3A_2722 : vector<64x128xi32>
    %add3A_2763 = arith.constant 1 : i32
    %add3A_2764 = vector.broadcast %add3A_2763 : i32 to vector<64x128xi32>
    %add3A_2765 = arith.addi %add3A_2762, %add3A_2764 : vector<64x128xi32>
    %add3A_2766 = arith.addi %add3A_2761, %add3A_2765 : vector<64x128xi32>
    %shift_left3A_2767 = arith.constant 17 : i32
    %shift_left3A_2768 = vector.broadcast %shift_left3A_2767 : i32 to vector<64x128xi32>
    %shift_left3A_2769 = arith.shli %add3A_2765, %shift_left3A_2768 : vector<64x128xi32>
    %shift_right_logical3A_2770 = arith.constant 15 : i32
    %shift_right_logical3A_2771 = vector.broadcast %shift_right_logical3A_2770 : i32 to vector<64x128xi32>
    %shift_right_logical3A_2772 = arith.shrui %add3A_2765, %shift_right_logical3A_2771 : vector<64x128xi32>
    %or3A_2773 = arith.ori %shift_left3A_2769, %shift_right_logical3A_2772 : vector<64x128xi32>
    %xor3A_2774 = arith.xori %add3A_2766, %or3A_2773 : vector<64x128xi32>
    %add3A_2775 = arith.addi %add3A_2766, %xor3A_2774 : vector<64x128xi32>
    %shift_left3A_2776 = arith.constant 29 : i32
    %shift_left3A_2777 = vector.broadcast %shift_left3A_2776 : i32 to vector<64x128xi32>
    %shift_left3A_2778 = arith.shli %xor3A_2774, %shift_left3A_2777 : vector<64x128xi32>
    %shift_right_logical3A_2779 = arith.constant 3 : i32
    %shift_right_logical3A_2780 = vector.broadcast %shift_right_logical3A_2779 : i32 to vector<64x128xi32>
    %shift_right_logical3A_2781 = arith.shrui %xor3A_2774, %shift_right_logical3A_2780 : vector<64x128xi32>
    %or3A_2782 = arith.ori %shift_left3A_2778, %shift_right_logical3A_2781 : vector<64x128xi32>
    %xor3A_2783 = arith.xori %add3A_2775, %or3A_2782 : vector<64x128xi32>
    %add3A_2784 = arith.addi %add3A_2775, %xor3A_2783 : vector<64x128xi32>
    %shift_left3A_2785 = arith.constant 16 : i32
    %shift_left3A_2786 = vector.broadcast %shift_left3A_2785 : i32 to vector<64x128xi32>
    %shift_left3A_2787 = arith.shli %xor3A_2783, %shift_left3A_2786 : vector<64x128xi32>
    %shift_right_logical3A_2788 = arith.constant 16 : i32
    %shift_right_logical3A_2789 = vector.broadcast %shift_right_logical3A_2788 : i32 to vector<64x128xi32>
    %shift_right_logical3A_2790 = arith.shrui %xor3A_2783, %shift_right_logical3A_2789 : vector<64x128xi32>
    %or3A_2791 = arith.ori %shift_left3A_2787, %shift_right_logical3A_2790 : vector<64x128xi32>
    %xor3A_2792 = arith.xori %add3A_2784, %or3A_2791 : vector<64x128xi32>
    %add3A_2793 = arith.addi %add3A_2784, %xor3A_2792 : vector<64x128xi32>
    %shift_left3A_2794 = arith.constant 24 : i32
    %shift_left3A_2795 = vector.broadcast %shift_left3A_2794 : i32 to vector<64x128xi32>
    %shift_left3A_2796 = arith.shli %xor3A_2792, %shift_left3A_2795 : vector<64x128xi32>
    %shift_right_logical3A_2797 = arith.constant 8 : i32
    %shift_right_logical3A_2798 = vector.broadcast %shift_right_logical3A_2797 : i32 to vector<64x128xi32>
    %shift_right_logical3A_2799 = arith.shrui %xor3A_2792, %shift_right_logical3A_2798 : vector<64x128xi32>
    %or3A_2800 = arith.ori %shift_left3A_2796, %shift_right_logical3A_2799 : vector<64x128xi32>
    %xor3A_2801 = arith.xori %add3A_2793, %or3A_2800 : vector<64x128xi32>
    %add3A_2802 = arith.addi %add3A_2793, %xor3A_2722 : vector<64x128xi32>
    %add3A_2803 = arith.addi %xor3A_2801, %add3A_1960 : vector<64x128xi32>
    %add3A_2804 = arith.constant 2 : i32
    %add3A_2805 = vector.broadcast %add3A_2804 : i32 to vector<64x128xi32>
    %add3A_2806 = arith.addi %add3A_2803, %add3A_2805 : vector<64x128xi32>
    %add3A_2807 = arith.addi %add3A_2802, %add3A_2806 : vector<64x128xi32>
    %shift_left3A_2808 = arith.constant 13 : i32
    %shift_left3A_2809 = vector.broadcast %shift_left3A_2808 : i32 to vector<64x128xi32>
    %shift_left3A_2810 = arith.shli %add3A_2806, %shift_left3A_2809 : vector<64x128xi32>
    %shift_right_logical3A_2811 = arith.constant 19 : i32
    %shift_right_logical3A_2812 = vector.broadcast %shift_right_logical3A_2811 : i32 to vector<64x128xi32>
    %shift_right_logical3A_2813 = arith.shrui %add3A_2806, %shift_right_logical3A_2812 : vector<64x128xi32>
    %or3A_2814 = arith.ori %shift_left3A_2810, %shift_right_logical3A_2813 : vector<64x128xi32>
    %xor3A_2815 = arith.xori %add3A_2807, %or3A_2814 : vector<64x128xi32>
    %add3A_2816 = arith.addi %add3A_2807, %xor3A_2815 : vector<64x128xi32>
    %shift_left3A_2817 = arith.constant 15 : i32
    %shift_left3A_2818 = vector.broadcast %shift_left3A_2817 : i32 to vector<64x128xi32>
    %shift_left3A_2819 = arith.shli %xor3A_2815, %shift_left3A_2818 : vector<64x128xi32>
    %shift_right_logical3A_2820 = arith.constant 17 : i32
    %shift_right_logical3A_2821 = vector.broadcast %shift_right_logical3A_2820 : i32 to vector<64x128xi32>
    %shift_right_logical3A_2822 = arith.shrui %xor3A_2815, %shift_right_logical3A_2821 : vector<64x128xi32>
    %or3A_2823 = arith.ori %shift_left3A_2819, %shift_right_logical3A_2822 : vector<64x128xi32>
    %xor3A_2824 = arith.xori %add3A_2816, %or3A_2823 : vector<64x128xi32>
    %add3A_2825 = arith.addi %add3A_2816, %xor3A_2824 : vector<64x128xi32>
    %shift_left3A_2826 = arith.constant 26 : i32
    %shift_left3A_2827 = vector.broadcast %shift_left3A_2826 : i32 to vector<64x128xi32>
    %shift_left3A_2828 = arith.shli %xor3A_2824, %shift_left3A_2827 : vector<64x128xi32>
    %shift_right_logical3A_2829 = arith.constant 6 : i32
    %shift_right_logical3A_2830 = vector.broadcast %shift_right_logical3A_2829 : i32 to vector<64x128xi32>
    %shift_right_logical3A_2831 = arith.shrui %xor3A_2824, %shift_right_logical3A_2830 : vector<64x128xi32>
    %or3A_2832 = arith.ori %shift_left3A_2828, %shift_right_logical3A_2831 : vector<64x128xi32>
    %xor3A_2833 = arith.xori %add3A_2825, %or3A_2832 : vector<64x128xi32>
    %add3A_2834 = arith.addi %add3A_2825, %xor3A_2833 : vector<64x128xi32>
    %shift_left3A_2835 = arith.constant 6 : i32
    %shift_left3A_2836 = vector.broadcast %shift_left3A_2835 : i32 to vector<64x128xi32>
    %shift_left3A_2837 = arith.shli %xor3A_2833, %shift_left3A_2836 : vector<64x128xi32>
    %shift_right_logical3A_2838 = arith.constant 26 : i32
    %shift_right_logical3A_2839 = vector.broadcast %shift_right_logical3A_2838 : i32 to vector<64x128xi32>
    %shift_right_logical3A_2840 = arith.shrui %xor3A_2833, %shift_right_logical3A_2839 : vector<64x128xi32>
    %or3A_2841 = arith.ori %shift_left3A_2837, %shift_right_logical3A_2840 : vector<64x128xi32>
    %xor3A_2842 = arith.xori %add3A_2834, %or3A_2841 : vector<64x128xi32>
    %add3A_2843 = arith.addi %add3A_2834, %add3A_1960 : vector<64x128xi32>
    %add3A_2844 = arith.addi %xor3A_2842, %add3A_1964 : vector<64x128xi32>
    %add3A_2845 = arith.constant 3 : i32
    %add3A_2846 = vector.broadcast %add3A_2845 : i32 to vector<64x128xi32>
    %add3A_2847 = arith.addi %add3A_2844, %add3A_2846 : vector<64x128xi32>
    %add3A_2848 = arith.addi %add3A_2843, %add3A_2847 : vector<64x128xi32>
    %shift_left3A_2849 = arith.constant 17 : i32
    %shift_left3A_2850 = vector.broadcast %shift_left3A_2849 : i32 to vector<64x128xi32>
    %shift_left3A_2851 = arith.shli %add3A_2847, %shift_left3A_2850 : vector<64x128xi32>
    %shift_right_logical3A_2852 = arith.constant 15 : i32
    %shift_right_logical3A_2853 = vector.broadcast %shift_right_logical3A_2852 : i32 to vector<64x128xi32>
    %shift_right_logical3A_2854 = arith.shrui %add3A_2847, %shift_right_logical3A_2853 : vector<64x128xi32>
    %or3A_2855 = arith.ori %shift_left3A_2851, %shift_right_logical3A_2854 : vector<64x128xi32>
    %xor3A_2856 = arith.xori %add3A_2848, %or3A_2855 : vector<64x128xi32>
    %add3A_2857 = arith.addi %add3A_2848, %xor3A_2856 : vector<64x128xi32>
    %shift_left3A_2858 = arith.constant 29 : i32
    %shift_left3A_2859 = vector.broadcast %shift_left3A_2858 : i32 to vector<64x128xi32>
    %shift_left3A_2860 = arith.shli %xor3A_2856, %shift_left3A_2859 : vector<64x128xi32>
    %shift_right_logical3A_2861 = arith.constant 3 : i32
    %shift_right_logical3A_2862 = vector.broadcast %shift_right_logical3A_2861 : i32 to vector<64x128xi32>
    %shift_right_logical3A_2863 = arith.shrui %xor3A_2856, %shift_right_logical3A_2862 : vector<64x128xi32>
    %or3A_2864 = arith.ori %shift_left3A_2860, %shift_right_logical3A_2863 : vector<64x128xi32>
    %xor3A_2865 = arith.xori %add3A_2857, %or3A_2864 : vector<64x128xi32>
    %add3A_2866 = arith.addi %add3A_2857, %xor3A_2865 : vector<64x128xi32>
    %shift_left3A_2867 = arith.constant 16 : i32
    %shift_left3A_2868 = vector.broadcast %shift_left3A_2867 : i32 to vector<64x128xi32>
    %shift_left3A_2869 = arith.shli %xor3A_2865, %shift_left3A_2868 : vector<64x128xi32>
    %shift_right_logical3A_2870 = arith.constant 16 : i32
    %shift_right_logical3A_2871 = vector.broadcast %shift_right_logical3A_2870 : i32 to vector<64x128xi32>
    %shift_right_logical3A_2872 = arith.shrui %xor3A_2865, %shift_right_logical3A_2871 : vector<64x128xi32>
    %or3A_2873 = arith.ori %shift_left3A_2869, %shift_right_logical3A_2872 : vector<64x128xi32>
    %xor3A_2874 = arith.xori %add3A_2866, %or3A_2873 : vector<64x128xi32>
    %add3A_2875 = arith.addi %add3A_2866, %xor3A_2874 : vector<64x128xi32>
    %shift_left3A_2876 = arith.constant 24 : i32
    %shift_left3A_2877 = vector.broadcast %shift_left3A_2876 : i32 to vector<64x128xi32>
    %shift_left3A_2878 = arith.shli %xor3A_2874, %shift_left3A_2877 : vector<64x128xi32>
    %shift_right_logical3A_2879 = arith.constant 8 : i32
    %shift_right_logical3A_2880 = vector.broadcast %shift_right_logical3A_2879 : i32 to vector<64x128xi32>
    %shift_right_logical3A_2881 = arith.shrui %xor3A_2874, %shift_right_logical3A_2880 : vector<64x128xi32>
    %or3A_2882 = arith.ori %shift_left3A_2878, %shift_right_logical3A_2881 : vector<64x128xi32>
    %xor3A_2883 = arith.xori %add3A_2875, %or3A_2882 : vector<64x128xi32>
    %add3A_2884 = arith.addi %add3A_2875, %add3A_1964 : vector<64x128xi32>
    %add3A_2885 = arith.addi %xor3A_2883, %xor3A_2722 : vector<64x128xi32>
    %add3A_2886 = arith.constant 4 : i32
    %add3A_2887 = vector.broadcast %add3A_2886 : i32 to vector<64x128xi32>
    %add3A_2888 = arith.addi %add3A_2885, %add3A_2887 : vector<64x128xi32>
    %add3A_2889 = arith.addi %add3A_2884, %add3A_2888 : vector<64x128xi32>
    %shift_left3A_2890 = arith.constant 13 : i32
    %shift_left3A_2891 = vector.broadcast %shift_left3A_2890 : i32 to vector<64x128xi32>
    %shift_left3A_2892 = arith.shli %add3A_2888, %shift_left3A_2891 : vector<64x128xi32>
    %shift_right_logical3A_2893 = arith.constant 19 : i32
    %shift_right_logical3A_2894 = vector.broadcast %shift_right_logical3A_2893 : i32 to vector<64x128xi32>
    %shift_right_logical3A_2895 = arith.shrui %add3A_2888, %shift_right_logical3A_2894 : vector<64x128xi32>
    %or3A_2896 = arith.ori %shift_left3A_2892, %shift_right_logical3A_2895 : vector<64x128xi32>
    %xor3A_2897 = arith.xori %add3A_2889, %or3A_2896 : vector<64x128xi32>
    %add3A_2898 = arith.addi %add3A_2889, %xor3A_2897 : vector<64x128xi32>
    %shift_left3A_2899 = arith.constant 15 : i32
    %shift_left3A_2900 = vector.broadcast %shift_left3A_2899 : i32 to vector<64x128xi32>
    %shift_left3A_2901 = arith.shli %xor3A_2897, %shift_left3A_2900 : vector<64x128xi32>
    %shift_right_logical3A_2902 = arith.constant 17 : i32
    %shift_right_logical3A_2903 = vector.broadcast %shift_right_logical3A_2902 : i32 to vector<64x128xi32>
    %shift_right_logical3A_2904 = arith.shrui %xor3A_2897, %shift_right_logical3A_2903 : vector<64x128xi32>
    %or3A_2905 = arith.ori %shift_left3A_2901, %shift_right_logical3A_2904 : vector<64x128xi32>
    %xor3A_2906 = arith.xori %add3A_2898, %or3A_2905 : vector<64x128xi32>
    %add3A_2907 = arith.addi %add3A_2898, %xor3A_2906 : vector<64x128xi32>
    %shift_left3A_2908 = arith.constant 26 : i32
    %shift_left3A_2909 = vector.broadcast %shift_left3A_2908 : i32 to vector<64x128xi32>
    %shift_left3A_2910 = arith.shli %xor3A_2906, %shift_left3A_2909 : vector<64x128xi32>
    %shift_right_logical3A_2911 = arith.constant 6 : i32
    %shift_right_logical3A_2912 = vector.broadcast %shift_right_logical3A_2911 : i32 to vector<64x128xi32>
    %shift_right_logical3A_2913 = arith.shrui %xor3A_2906, %shift_right_logical3A_2912 : vector<64x128xi32>
    %or3A_2914 = arith.ori %shift_left3A_2910, %shift_right_logical3A_2913 : vector<64x128xi32>
    %xor3A_2915 = arith.xori %add3A_2907, %or3A_2914 : vector<64x128xi32>
    %add3A_2916 = arith.addi %add3A_2907, %xor3A_2915 : vector<64x128xi32>
    %shift_left3A_2917 = arith.constant 6 : i32
    %shift_left3A_2918 = vector.broadcast %shift_left3A_2917 : i32 to vector<64x128xi32>
    %shift_left3A_2919 = arith.shli %xor3A_2915, %shift_left3A_2918 : vector<64x128xi32>
    %shift_right_logical3A_2920 = arith.constant 26 : i32
    %shift_right_logical3A_2921 = vector.broadcast %shift_right_logical3A_2920 : i32 to vector<64x128xi32>
    %shift_right_logical3A_2922 = arith.shrui %xor3A_2915, %shift_right_logical3A_2921 : vector<64x128xi32>
    %or3A_2923 = arith.ori %shift_left3A_2919, %shift_right_logical3A_2922 : vector<64x128xi32>
    %xor3A_2924 = arith.xori %add3A_2916, %or3A_2923 : vector<64x128xi32>
    %add3A_2925 = arith.addi %add3A_2916, %xor3A_2722 : vector<64x128xi32>
    %add3A_2926 = arith.addi %xor3A_2924, %add3A_1960 : vector<64x128xi32>
    %add3A_2927 = arith.constant 5 : i32
    %add3A_2928 = vector.broadcast %add3A_2927 : i32 to vector<64x128xi32>
    %add3A_2929 = arith.addi %add3A_2926, %add3A_2928 : vector<64x128xi32>
    %xor3A_2930 = arith.xori %add3A_2925, %add3A_2929 : vector<64x128xi32>
    %shift_right_logical3A_2931 = arith.constant 9 : i32
    %shift_right_logical3A_2932 = vector.broadcast %shift_right_logical3A_2931 : i32 to vector<64x128xi32>
    %shift_right_logical3A_2933 = arith.shrui %xor3A_2930, %shift_right_logical3A_2932 : vector<64x128xi32>
    %or3A_2934 = arith.constant 1065353216 : i32
    %or3A_2935 = vector.broadcast %or3A_2934 : i32 to vector<64x128xi32>
    %or3A_2936 = arith.ori %shift_right_logical3A_2933, %or3A_2935 : vector<64x128xi32>
    %bitcast_convert_type3A_2937 = tpu.bitcast %or3A_2936 : vector<64x128xi32> -> vector<64x128xf32>
    %sub3A_2938 = arith.constant 1.000000e+00 : f32
    %sub3A_2939 = vector.broadcast %sub3A_2938 : f32 to vector<64x128xf32>
    %sub3A_2940 = arith.subf %bitcast_convert_type3A_2937, %sub3A_2939 : vector<64x128xf32>
    %while3A_2941:5 = scf.while (%while3A_3223 = %add3A_1532, %while3A_3224 = %add3A_1536, %while3A_3225 = %mul3A_2714, %while3A_3226 = %mul3A_2716, %while3A_3227 = %sub3A_2940) : (vector<64x128xi32>, vector<64x128xi32>, vector<64x128xf32>, vector<64x128xf32>, vector<64x128xf32>) -> (vector<64x128xi32>, vector<64x128xi32>, vector<64x128xf32>, vector<64x128xf32>, vector<64x128xf32>) {
      %mul3A_3228 = arith.mulf %while3A_3225, %while3A_3225 : vector<64x128xf32>
      %mul3A_3229 = arith.constant 3.310000e-02 : f32
      %mul3A_3230 = vector.broadcast %mul3A_3229 : f32 to vector<64x128xf32>
      %mul3A_3231 = arith.mulf %mul3A_3230, %mul3A_3228 : vector<64x128xf32>
      %sub3A_3232 = arith.constant 1.000000e+00 : f32
      %sub3A_3233 = vector.broadcast %sub3A_3232 : f32 to vector<64x128xf32>
      %sub3A_3234 = arith.subf %sub3A_3233, %mul3A_3231 : vector<64x128xf32>
      %ge3A_3235 = arith.cmpf oge, %while3A_3227, %sub3A_3234 : vector<64x128xf32>
      %log3A_3236 = math.log %while3A_3227 : vector<64x128xf32>
      %mul3A_3237 = arith.constant 5.000000e-01 : f32
      %mul3A_3238 = vector.broadcast %mul3A_3237 : f32 to vector<64x128xf32>
      %mul3A_3239 = arith.mulf %while3A_3225, %mul3A_3238 : vector<64x128xf32>
      %sub3A_3240 = arith.constant 1.000000e+00 : f32
      %sub3A_3241 = vector.broadcast %sub3A_3240 : f32 to vector<64x128xf32>
      %sub3A_3242 = arith.subf %sub3A_3241, %while3A_3226 : vector<64x128xf32>
      %log3A_3243 = math.log %while3A_3226 : vector<64x128xf32>
      %add3A_3244 = arith.addf %sub3A_3242, %log3A_3243 : vector<64x128xf32>
      %mul3A_3245 = arith.mulf %sub3A_1322, %add3A_3244 : vector<64x128xf32>
      %add3A_3246 = arith.addf %mul3A_3239, %mul3A_3245 : vector<64x128xf32>
      %ge3A_3247 = arith.cmpf oge, %log3A_3236, %add3A_3246 : vector<64x128xf32>
      %and3A = arith.andi %ge3A_3235, %ge3A_3247 : vector<64x128xi1>
      %reduce_or3A = arith.constant 1.000000e+00 : f32
      %reduce_or3A_3248 = arith.constant 0.000000e+00 : f32
      %reduce_or3A_3249 = vector.broadcast %reduce_or3A : f32 to vector<64x128xf32>
      %reduce_or3A_3250 = vector.broadcast %reduce_or3A_3248 : f32 to vector<64x128xf32>
      %reduce_or3A_3251 = arith.select %and3A, %reduce_or3A_3249, %reduce_or3A_3250 : vector<64x128xi1>, vector<64x128xf32>
      %reduce_or3A_3252 = vector.shape_cast %reduce_or3A_3251 : vector<64x128xf32> to vector<1x64x128xf32>
      %reduce_or3A_3253 = arith.constant dense<0xFF800000> : vector<1xf32>
      %reduce_or3A_3254 = vector.multi_reduction <maximumf>, %reduce_or3A_3252, %reduce_or3A_3253 [1, 2] : vector<1x64x128xf32> to vector<1xf32>
      %reduce_or3A_3255 = vector.shape_cast %reduce_or3A_3254 : vector<1xf32> to vector<1x1x1xf32>
      %reduce_or3A_3256 = vector.extract %reduce_or3A_3255[0, 0, 0] : f32 from vector<1x1x1xf32>
      %reduce_or3A_3257 = arith.constant 0.000000e+00 : f32
      %reduce_or3A_3258 = arith.cmpf ogt, %reduce_or3A_3256, %reduce_or3A_3257 : f32
      scf.condition(%reduce_or3A_3258) %while3A_3223, %while3A_3224, %while3A_3225, %while3A_3226, %while3A_3227 : vector<64x128xi32>, vector<64x128xi32>, vector<64x128xf32>, vector<64x128xf32>, vector<64x128xf32>
    } do {
    ^bb0(%while3A_3223: vector<64x128xi32>, %while3A_3224: vector<64x128xi32>, %while3A_3225: vector<64x128xf32>, %while3A_3226: vector<64x128xf32>, %while3A_3227: vector<64x128xf32>):
      %mul3A_3228 = arith.mulf %while3A_3225, %while3A_3225 : vector<64x128xf32>
      %mul3A_3229 = arith.constant 3.310000e-02 : f32
      %mul3A_3230 = vector.broadcast %mul3A_3229 : f32 to vector<64x128xf32>
      %mul3A_3231 = arith.mulf %mul3A_3230, %mul3A_3228 : vector<64x128xf32>
      %sub3A_3232 = arith.constant 1.000000e+00 : f32
      %sub3A_3233 = vector.broadcast %sub3A_3232 : f32 to vector<64x128xf32>
      %sub3A_3234 = arith.subf %sub3A_3233, %mul3A_3231 : vector<64x128xf32>
      %ge3A_3235 = arith.cmpf oge, %while3A_3227, %sub3A_3234 : vector<64x128xf32>
      %log3A_3236 = math.log %while3A_3227 : vector<64x128xf32>
      %mul3A_3237 = arith.constant 5.000000e-01 : f32
      %mul3A_3238 = vector.broadcast %mul3A_3237 : f32 to vector<64x128xf32>
      %mul3A_3239 = arith.mulf %while3A_3225, %mul3A_3238 : vector<64x128xf32>
      %sub3A_3240 = arith.constant 1.000000e+00 : f32
      %sub3A_3241 = vector.broadcast %sub3A_3240 : f32 to vector<64x128xf32>
      %sub3A_3242 = arith.subf %sub3A_3241, %while3A_3226 : vector<64x128xf32>
      %log3A_3243 = math.log %while3A_3226 : vector<64x128xf32>
      %add3A_3244 = arith.addf %sub3A_3242, %log3A_3243 : vector<64x128xf32>
      %mul3A_3245 = arith.mulf %sub3A_1322, %add3A_3244 : vector<64x128xf32>
      %add3A_3246 = arith.addf %mul3A_3239, %mul3A_3245 : vector<64x128xf32>
      %ge3A_3247 = arith.cmpf oge, %log3A_3236, %add3A_3246 : vector<64x128xf32>
      %and3A = arith.andi %ge3A_3235, %ge3A_3247 : vector<64x128xi1>
      %xor3A_3248 = arith.xori %while3A_3223, %while3A_3224 : vector<64x128xi32>
      %xor3A_3249 = arith.constant 466688986 : i32
      %xor3A_3250 = vector.broadcast %xor3A_3249 : i32 to vector<64x128xi32>
      %xor3A_3251 = arith.xori %xor3A_3248, %xor3A_3250 : vector<64x128xi32>
      %add3A_3252 = arith.addi %broadcast_in_dim3A_677, %while3A_3223 : vector<64x128xi32>
      %add3A_3253 = arith.addi %broadcast_in_dim3A_677, %while3A_3224 : vector<64x128xi32>
      %add3A_3254 = arith.addi %add3A_3252, %add3A_3253 : vector<64x128xi32>
      %shift_left3A_3255 = arith.constant 13 : i32
      %shift_left3A_3256 = vector.broadcast %shift_left3A_3255 : i32 to vector<64x128xi32>
      %shift_left3A_3257 = arith.shli %add3A_3253, %shift_left3A_3256 : vector<64x128xi32>
      %shift_right_logical3A_3258 = arith.constant 19 : i32
      %shift_right_logical3A_3259 = vector.broadcast %shift_right_logical3A_3258 : i32 to vector<64x128xi32>
      %shift_right_logical3A_3260 = arith.shrui %add3A_3253, %shift_right_logical3A_3259 : vector<64x128xi32>
      %or3A_3261 = arith.ori %shift_left3A_3257, %shift_right_logical3A_3260 : vector<64x128xi32>
      %xor3A_3262 = arith.xori %add3A_3254, %or3A_3261 : vector<64x128xi32>
      %add3A_3263 = arith.addi %add3A_3254, %xor3A_3262 : vector<64x128xi32>
      %shift_left3A_3264 = arith.constant 15 : i32
      %shift_left3A_3265 = vector.broadcast %shift_left3A_3264 : i32 to vector<64x128xi32>
      %shift_left3A_3266 = arith.shli %xor3A_3262, %shift_left3A_3265 : vector<64x128xi32>
      %shift_right_logical3A_3267 = arith.constant 17 : i32
      %shift_right_logical3A_3268 = vector.broadcast %shift_right_logical3A_3267 : i32 to vector<64x128xi32>
      %shift_right_logical3A_3269 = arith.shrui %xor3A_3262, %shift_right_logical3A_3268 : vector<64x128xi32>
      %or3A_3270 = arith.ori %shift_left3A_3266, %shift_right_logical3A_3269 : vector<64x128xi32>
      %xor3A_3271 = arith.xori %add3A_3263, %or3A_3270 : vector<64x128xi32>
      %add3A_3272 = arith.addi %add3A_3263, %xor3A_3271 : vector<64x128xi32>
      %shift_left3A_3273 = arith.constant 26 : i32
      %shift_left3A_3274 = vector.broadcast %shift_left3A_3273 : i32 to vector<64x128xi32>
      %shift_left3A_3275 = arith.shli %xor3A_3271, %shift_left3A_3274 : vector<64x128xi32>
      %shift_right_logical3A_3276 = arith.constant 6 : i32
      %shift_right_logical3A_3277 = vector.broadcast %shift_right_logical3A_3276 : i32 to vector<64x128xi32>
      %shift_right_logical3A_3278 = arith.shrui %xor3A_3271, %shift_right_logical3A_3277 : vector<64x128xi32>
      %or3A_3279 = arith.ori %shift_left3A_3275, %shift_right_logical3A_3278 : vector<64x128xi32>
      %xor3A_3280 = arith.xori %add3A_3272, %or3A_3279 : vector<64x128xi32>
      %add3A_3281 = arith.addi %add3A_3272, %xor3A_3280 : vector<64x128xi32>
      %shift_left3A_3282 = arith.constant 6 : i32
      %shift_left3A_3283 = vector.broadcast %shift_left3A_3282 : i32 to vector<64x128xi32>
      %shift_left3A_3284 = arith.shli %xor3A_3280, %shift_left3A_3283 : vector<64x128xi32>
      %shift_right_logical3A_3285 = arith.constant 26 : i32
      %shift_right_logical3A_3286 = vector.broadcast %shift_right_logical3A_3285 : i32 to vector<64x128xi32>
      %shift_right_logical3A_3287 = arith.shrui %xor3A_3280, %shift_right_logical3A_3286 : vector<64x128xi32>
      %or3A_3288 = arith.ori %shift_left3A_3284, %shift_right_logical3A_3287 : vector<64x128xi32>
      %xor3A_3289 = arith.xori %add3A_3281, %or3A_3288 : vector<64x128xi32>
      %add3A_3290 = arith.addi %add3A_3281, %while3A_3224 : vector<64x128xi32>
      %add3A_3291 = arith.addi %xor3A_3289, %xor3A_3251 : vector<64x128xi32>
      %add3A_3292 = arith.constant 1 : i32
      %add3A_3293 = vector.broadcast %add3A_3292 : i32 to vector<64x128xi32>
      %add3A_3294 = arith.addi %add3A_3291, %add3A_3293 : vector<64x128xi32>
      %add3A_3295 = arith.addi %add3A_3290, %add3A_3294 : vector<64x128xi32>
      %shift_left3A_3296 = arith.constant 17 : i32
      %shift_left3A_3297 = vector.broadcast %shift_left3A_3296 : i32 to vector<64x128xi32>
      %shift_left3A_3298 = arith.shli %add3A_3294, %shift_left3A_3297 : vector<64x128xi32>
      %shift_right_logical3A_3299 = arith.constant 15 : i32
      %shift_right_logical3A_3300 = vector.broadcast %shift_right_logical3A_3299 : i32 to vector<64x128xi32>
      %shift_right_logical3A_3301 = arith.shrui %add3A_3294, %shift_right_logical3A_3300 : vector<64x128xi32>
      %or3A_3302 = arith.ori %shift_left3A_3298, %shift_right_logical3A_3301 : vector<64x128xi32>
      %xor3A_3303 = arith.xori %add3A_3295, %or3A_3302 : vector<64x128xi32>
      %add3A_3304 = arith.addi %add3A_3295, %xor3A_3303 : vector<64x128xi32>
      %shift_left3A_3305 = arith.constant 29 : i32
      %shift_left3A_3306 = vector.broadcast %shift_left3A_3305 : i32 to vector<64x128xi32>
      %shift_left3A_3307 = arith.shli %xor3A_3303, %shift_left3A_3306 : vector<64x128xi32>
      %shift_right_logical3A_3308 = arith.constant 3 : i32
      %shift_right_logical3A_3309 = vector.broadcast %shift_right_logical3A_3308 : i32 to vector<64x128xi32>
      %shift_right_logical3A_3310 = arith.shrui %xor3A_3303, %shift_right_logical3A_3309 : vector<64x128xi32>
      %or3A_3311 = arith.ori %shift_left3A_3307, %shift_right_logical3A_3310 : vector<64x128xi32>
      %xor3A_3312 = arith.xori %add3A_3304, %or3A_3311 : vector<64x128xi32>
      %add3A_3313 = arith.addi %add3A_3304, %xor3A_3312 : vector<64x128xi32>
      %shift_left3A_3314 = arith.constant 16 : i32
      %shift_left3A_3315 = vector.broadcast %shift_left3A_3314 : i32 to vector<64x128xi32>
      %shift_left3A_3316 = arith.shli %xor3A_3312, %shift_left3A_3315 : vector<64x128xi32>
      %shift_right_logical3A_3317 = arith.constant 16 : i32
      %shift_right_logical3A_3318 = vector.broadcast %shift_right_logical3A_3317 : i32 to vector<64x128xi32>
      %shift_right_logical3A_3319 = arith.shrui %xor3A_3312, %shift_right_logical3A_3318 : vector<64x128xi32>
      %or3A_3320 = arith.ori %shift_left3A_3316, %shift_right_logical3A_3319 : vector<64x128xi32>
      %xor3A_3321 = arith.xori %add3A_3313, %or3A_3320 : vector<64x128xi32>
      %add3A_3322 = arith.addi %add3A_3313, %xor3A_3321 : vector<64x128xi32>
      %shift_left3A_3323 = arith.constant 24 : i32
      %shift_left3A_3324 = vector.broadcast %shift_left3A_3323 : i32 to vector<64x128xi32>
      %shift_left3A_3325 = arith.shli %xor3A_3321, %shift_left3A_3324 : vector<64x128xi32>
      %shift_right_logical3A_3326 = arith.constant 8 : i32
      %shift_right_logical3A_3327 = vector.broadcast %shift_right_logical3A_3326 : i32 to vector<64x128xi32>
      %shift_right_logical3A_3328 = arith.shrui %xor3A_3321, %shift_right_logical3A_3327 : vector<64x128xi32>
      %or3A_3329 = arith.ori %shift_left3A_3325, %shift_right_logical3A_3328 : vector<64x128xi32>
      %xor3A_3330 = arith.xori %add3A_3322, %or3A_3329 : vector<64x128xi32>
      %add3A_3331 = arith.addi %add3A_3322, %xor3A_3251 : vector<64x128xi32>
      %add3A_3332 = arith.addi %xor3A_3330, %while3A_3223 : vector<64x128xi32>
      %add3A_3333 = arith.constant 2 : i32
      %add3A_3334 = vector.broadcast %add3A_3333 : i32 to vector<64x128xi32>
      %add3A_3335 = arith.addi %add3A_3332, %add3A_3334 : vector<64x128xi32>
      %add3A_3336 = arith.addi %add3A_3331, %add3A_3335 : vector<64x128xi32>
      %shift_left3A_3337 = arith.constant 13 : i32
      %shift_left3A_3338 = vector.broadcast %shift_left3A_3337 : i32 to vector<64x128xi32>
      %shift_left3A_3339 = arith.shli %add3A_3335, %shift_left3A_3338 : vector<64x128xi32>
      %shift_right_logical3A_3340 = arith.constant 19 : i32
      %shift_right_logical3A_3341 = vector.broadcast %shift_right_logical3A_3340 : i32 to vector<64x128xi32>
      %shift_right_logical3A_3342 = arith.shrui %add3A_3335, %shift_right_logical3A_3341 : vector<64x128xi32>
      %or3A_3343 = arith.ori %shift_left3A_3339, %shift_right_logical3A_3342 : vector<64x128xi32>
      %xor3A_3344 = arith.xori %add3A_3336, %or3A_3343 : vector<64x128xi32>
      %add3A_3345 = arith.addi %add3A_3336, %xor3A_3344 : vector<64x128xi32>
      %shift_left3A_3346 = arith.constant 15 : i32
      %shift_left3A_3347 = vector.broadcast %shift_left3A_3346 : i32 to vector<64x128xi32>
      %shift_left3A_3348 = arith.shli %xor3A_3344, %shift_left3A_3347 : vector<64x128xi32>
      %shift_right_logical3A_3349 = arith.constant 17 : i32
      %shift_right_logical3A_3350 = vector.broadcast %shift_right_logical3A_3349 : i32 to vector<64x128xi32>
      %shift_right_logical3A_3351 = arith.shrui %xor3A_3344, %shift_right_logical3A_3350 : vector<64x128xi32>
      %or3A_3352 = arith.ori %shift_left3A_3348, %shift_right_logical3A_3351 : vector<64x128xi32>
      %xor3A_3353 = arith.xori %add3A_3345, %or3A_3352 : vector<64x128xi32>
      %add3A_3354 = arith.addi %add3A_3345, %xor3A_3353 : vector<64x128xi32>
      %shift_left3A_3355 = arith.constant 26 : i32
      %shift_left3A_3356 = vector.broadcast %shift_left3A_3355 : i32 to vector<64x128xi32>
      %shift_left3A_3357 = arith.shli %xor3A_3353, %shift_left3A_3356 : vector<64x128xi32>
      %shift_right_logical3A_3358 = arith.constant 6 : i32
      %shift_right_logical3A_3359 = vector.broadcast %shift_right_logical3A_3358 : i32 to vector<64x128xi32>
      %shift_right_logical3A_3360 = arith.shrui %xor3A_3353, %shift_right_logical3A_3359 : vector<64x128xi32>
      %or3A_3361 = arith.ori %shift_left3A_3357, %shift_right_logical3A_3360 : vector<64x128xi32>
      %xor3A_3362 = arith.xori %add3A_3354, %or3A_3361 : vector<64x128xi32>
      %add3A_3363 = arith.addi %add3A_3354, %xor3A_3362 : vector<64x128xi32>
      %shift_left3A_3364 = arith.constant 6 : i32
      %shift_left3A_3365 = vector.broadcast %shift_left3A_3364 : i32 to vector<64x128xi32>
      %shift_left3A_3366 = arith.shli %xor3A_3362, %shift_left3A_3365 : vector<64x128xi32>
      %shift_right_logical3A_3367 = arith.constant 26 : i32
      %shift_right_logical3A_3368 = vector.broadcast %shift_right_logical3A_3367 : i32 to vector<64x128xi32>
      %shift_right_logical3A_3369 = arith.shrui %xor3A_3362, %shift_right_logical3A_3368 : vector<64x128xi32>
      %or3A_3370 = arith.ori %shift_left3A_3366, %shift_right_logical3A_3369 : vector<64x128xi32>
      %xor3A_3371 = arith.xori %add3A_3363, %or3A_3370 : vector<64x128xi32>
      %add3A_3372 = arith.addi %add3A_3363, %while3A_3223 : vector<64x128xi32>
      %add3A_3373 = arith.addi %xor3A_3371, %while3A_3224 : vector<64x128xi32>
      %add3A_3374 = arith.constant 3 : i32
      %add3A_3375 = vector.broadcast %add3A_3374 : i32 to vector<64x128xi32>
      %add3A_3376 = arith.addi %add3A_3373, %add3A_3375 : vector<64x128xi32>
      %add3A_3377 = arith.addi %add3A_3372, %add3A_3376 : vector<64x128xi32>
      %shift_left3A_3378 = arith.constant 17 : i32
      %shift_left3A_3379 = vector.broadcast %shift_left3A_3378 : i32 to vector<64x128xi32>
      %shift_left3A_3380 = arith.shli %add3A_3376, %shift_left3A_3379 : vector<64x128xi32>
      %shift_right_logical3A_3381 = arith.constant 15 : i32
      %shift_right_logical3A_3382 = vector.broadcast %shift_right_logical3A_3381 : i32 to vector<64x128xi32>
      %shift_right_logical3A_3383 = arith.shrui %add3A_3376, %shift_right_logical3A_3382 : vector<64x128xi32>
      %or3A_3384 = arith.ori %shift_left3A_3380, %shift_right_logical3A_3383 : vector<64x128xi32>
      %xor3A_3385 = arith.xori %add3A_3377, %or3A_3384 : vector<64x128xi32>
      %add3A_3386 = arith.addi %add3A_3377, %xor3A_3385 : vector<64x128xi32>
      %shift_left3A_3387 = arith.constant 29 : i32
      %shift_left3A_3388 = vector.broadcast %shift_left3A_3387 : i32 to vector<64x128xi32>
      %shift_left3A_3389 = arith.shli %xor3A_3385, %shift_left3A_3388 : vector<64x128xi32>
      %shift_right_logical3A_3390 = arith.constant 3 : i32
      %shift_right_logical3A_3391 = vector.broadcast %shift_right_logical3A_3390 : i32 to vector<64x128xi32>
      %shift_right_logical3A_3392 = arith.shrui %xor3A_3385, %shift_right_logical3A_3391 : vector<64x128xi32>
      %or3A_3393 = arith.ori %shift_left3A_3389, %shift_right_logical3A_3392 : vector<64x128xi32>
      %xor3A_3394 = arith.xori %add3A_3386, %or3A_3393 : vector<64x128xi32>
      %add3A_3395 = arith.addi %add3A_3386, %xor3A_3394 : vector<64x128xi32>
      %shift_left3A_3396 = arith.constant 16 : i32
      %shift_left3A_3397 = vector.broadcast %shift_left3A_3396 : i32 to vector<64x128xi32>
      %shift_left3A_3398 = arith.shli %xor3A_3394, %shift_left3A_3397 : vector<64x128xi32>
      %shift_right_logical3A_3399 = arith.constant 16 : i32
      %shift_right_logical3A_3400 = vector.broadcast %shift_right_logical3A_3399 : i32 to vector<64x128xi32>
      %shift_right_logical3A_3401 = arith.shrui %xor3A_3394, %shift_right_logical3A_3400 : vector<64x128xi32>
      %or3A_3402 = arith.ori %shift_left3A_3398, %shift_right_logical3A_3401 : vector<64x128xi32>
      %xor3A_3403 = arith.xori %add3A_3395, %or3A_3402 : vector<64x128xi32>
      %add3A_3404 = arith.addi %add3A_3395, %xor3A_3403 : vector<64x128xi32>
      %shift_left3A_3405 = arith.constant 24 : i32
      %shift_left3A_3406 = vector.broadcast %shift_left3A_3405 : i32 to vector<64x128xi32>
      %shift_left3A_3407 = arith.shli %xor3A_3403, %shift_left3A_3406 : vector<64x128xi32>
      %shift_right_logical3A_3408 = arith.constant 8 : i32
      %shift_right_logical3A_3409 = vector.broadcast %shift_right_logical3A_3408 : i32 to vector<64x128xi32>
      %shift_right_logical3A_3410 = arith.shrui %xor3A_3403, %shift_right_logical3A_3409 : vector<64x128xi32>
      %or3A_3411 = arith.ori %shift_left3A_3407, %shift_right_logical3A_3410 : vector<64x128xi32>
      %xor3A_3412 = arith.xori %add3A_3404, %or3A_3411 : vector<64x128xi32>
      %add3A_3413 = arith.addi %add3A_3404, %while3A_3224 : vector<64x128xi32>
      %add3A_3414 = arith.addi %xor3A_3412, %xor3A_3251 : vector<64x128xi32>
      %add3A_3415 = arith.constant 4 : i32
      %add3A_3416 = vector.broadcast %add3A_3415 : i32 to vector<64x128xi32>
      %add3A_3417 = arith.addi %add3A_3414, %add3A_3416 : vector<64x128xi32>
      %add3A_3418 = arith.addi %add3A_3413, %add3A_3417 : vector<64x128xi32>
      %shift_left3A_3419 = arith.constant 13 : i32
      %shift_left3A_3420 = vector.broadcast %shift_left3A_3419 : i32 to vector<64x128xi32>
      %shift_left3A_3421 = arith.shli %add3A_3417, %shift_left3A_3420 : vector<64x128xi32>
      %shift_right_logical3A_3422 = arith.constant 19 : i32
      %shift_right_logical3A_3423 = vector.broadcast %shift_right_logical3A_3422 : i32 to vector<64x128xi32>
      %shift_right_logical3A_3424 = arith.shrui %add3A_3417, %shift_right_logical3A_3423 : vector<64x128xi32>
      %or3A_3425 = arith.ori %shift_left3A_3421, %shift_right_logical3A_3424 : vector<64x128xi32>
      %xor3A_3426 = arith.xori %add3A_3418, %or3A_3425 : vector<64x128xi32>
      %add3A_3427 = arith.addi %add3A_3418, %xor3A_3426 : vector<64x128xi32>
      %shift_left3A_3428 = arith.constant 15 : i32
      %shift_left3A_3429 = vector.broadcast %shift_left3A_3428 : i32 to vector<64x128xi32>
      %shift_left3A_3430 = arith.shli %xor3A_3426, %shift_left3A_3429 : vector<64x128xi32>
      %shift_right_logical3A_3431 = arith.constant 17 : i32
      %shift_right_logical3A_3432 = vector.broadcast %shift_right_logical3A_3431 : i32 to vector<64x128xi32>
      %shift_right_logical3A_3433 = arith.shrui %xor3A_3426, %shift_right_logical3A_3432 : vector<64x128xi32>
      %or3A_3434 = arith.ori %shift_left3A_3430, %shift_right_logical3A_3433 : vector<64x128xi32>
      %xor3A_3435 = arith.xori %add3A_3427, %or3A_3434 : vector<64x128xi32>
      %add3A_3436 = arith.addi %add3A_3427, %xor3A_3435 : vector<64x128xi32>
      %shift_left3A_3437 = arith.constant 26 : i32
      %shift_left3A_3438 = vector.broadcast %shift_left3A_3437 : i32 to vector<64x128xi32>
      %shift_left3A_3439 = arith.shli %xor3A_3435, %shift_left3A_3438 : vector<64x128xi32>
      %shift_right_logical3A_3440 = arith.constant 6 : i32
      %shift_right_logical3A_3441 = vector.broadcast %shift_right_logical3A_3440 : i32 to vector<64x128xi32>
      %shift_right_logical3A_3442 = arith.shrui %xor3A_3435, %shift_right_logical3A_3441 : vector<64x128xi32>
      %or3A_3443 = arith.ori %shift_left3A_3439, %shift_right_logical3A_3442 : vector<64x128xi32>
      %xor3A_3444 = arith.xori %add3A_3436, %or3A_3443 : vector<64x128xi32>
      %add3A_3445 = arith.addi %add3A_3436, %xor3A_3444 : vector<64x128xi32>
      %shift_left3A_3446 = arith.constant 6 : i32
      %shift_left3A_3447 = vector.broadcast %shift_left3A_3446 : i32 to vector<64x128xi32>
      %shift_left3A_3448 = arith.shli %xor3A_3444, %shift_left3A_3447 : vector<64x128xi32>
      %shift_right_logical3A_3449 = arith.constant 26 : i32
      %shift_right_logical3A_3450 = vector.broadcast %shift_right_logical3A_3449 : i32 to vector<64x128xi32>
      %shift_right_logical3A_3451 = arith.shrui %xor3A_3444, %shift_right_logical3A_3450 : vector<64x128xi32>
      %or3A_3452 = arith.ori %shift_left3A_3448, %shift_right_logical3A_3451 : vector<64x128xi32>
      %xor3A_3453 = arith.xori %add3A_3445, %or3A_3452 : vector<64x128xi32>
      %add3A_3454 = arith.addi %add3A_3445, %xor3A_3251 : vector<64x128xi32>
      %add3A_3455 = arith.addi %xor3A_3453, %while3A_3223 : vector<64x128xi32>
      %add3A_3456 = arith.constant 5 : i32
      %add3A_3457 = vector.broadcast %add3A_3456 : i32 to vector<64x128xi32>
      %add3A_3458 = arith.addi %add3A_3455, %add3A_3457 : vector<64x128xi32>
      %add3A_3459 = arith.constant 1 : i32
      %add3A_3460 = vector.broadcast %add3A_3459 : i32 to vector<64x128xi32>
      %add3A_3461 = arith.addi %broadcast_in_dim3A_677, %add3A_3460 : vector<64x128xi32>
      %xor3A_3462 = arith.xori %while3A_3223, %while3A_3224 : vector<64x128xi32>
      %xor3A_3463 = arith.constant 466688986 : i32
      %xor3A_3464 = vector.broadcast %xor3A_3463 : i32 to vector<64x128xi32>
      %xor3A_3465 = arith.xori %xor3A_3462, %xor3A_3464 : vector<64x128xi32>
      %add3A_3466 = arith.addi %broadcast_in_dim3A_677, %while3A_3223 : vector<64x128xi32>
      %add3A_3467 = arith.addi %add3A_3461, %while3A_3224 : vector<64x128xi32>
      %add3A_3468 = arith.addi %add3A_3466, %add3A_3467 : vector<64x128xi32>
      %shift_left3A_3469 = arith.constant 13 : i32
      %shift_left3A_3470 = vector.broadcast %shift_left3A_3469 : i32 to vector<64x128xi32>
      %shift_left3A_3471 = arith.shli %add3A_3467, %shift_left3A_3470 : vector<64x128xi32>
      %shift_right_logical3A_3472 = arith.constant 19 : i32
      %shift_right_logical3A_3473 = vector.broadcast %shift_right_logical3A_3472 : i32 to vector<64x128xi32>
      %shift_right_logical3A_3474 = arith.shrui %add3A_3467, %shift_right_logical3A_3473 : vector<64x128xi32>
      %or3A_3475 = arith.ori %shift_left3A_3471, %shift_right_logical3A_3474 : vector<64x128xi32>
      %xor3A_3476 = arith.xori %add3A_3468, %or3A_3475 : vector<64x128xi32>
      %add3A_3477 = arith.addi %add3A_3468, %xor3A_3476 : vector<64x128xi32>
      %shift_left3A_3478 = arith.constant 15 : i32
      %shift_left3A_3479 = vector.broadcast %shift_left3A_3478 : i32 to vector<64x128xi32>
      %shift_left3A_3480 = arith.shli %xor3A_3476, %shift_left3A_3479 : vector<64x128xi32>
      %shift_right_logical3A_3481 = arith.constant 17 : i32
      %shift_right_logical3A_3482 = vector.broadcast %shift_right_logical3A_3481 : i32 to vector<64x128xi32>
      %shift_right_logical3A_3483 = arith.shrui %xor3A_3476, %shift_right_logical3A_3482 : vector<64x128xi32>
      %or3A_3484 = arith.ori %shift_left3A_3480, %shift_right_logical3A_3483 : vector<64x128xi32>
      %xor3A_3485 = arith.xori %add3A_3477, %or3A_3484 : vector<64x128xi32>
      %add3A_3486 = arith.addi %add3A_3477, %xor3A_3485 : vector<64x128xi32>
      %shift_left3A_3487 = arith.constant 26 : i32
      %shift_left3A_3488 = vector.broadcast %shift_left3A_3487 : i32 to vector<64x128xi32>
      %shift_left3A_3489 = arith.shli %xor3A_3485, %shift_left3A_3488 : vector<64x128xi32>
      %shift_right_logical3A_3490 = arith.constant 6 : i32
      %shift_right_logical3A_3491 = vector.broadcast %shift_right_logical3A_3490 : i32 to vector<64x128xi32>
      %shift_right_logical3A_3492 = arith.shrui %xor3A_3485, %shift_right_logical3A_3491 : vector<64x128xi32>
      %or3A_3493 = arith.ori %shift_left3A_3489, %shift_right_logical3A_3492 : vector<64x128xi32>
      %xor3A_3494 = arith.xori %add3A_3486, %or3A_3493 : vector<64x128xi32>
      %add3A_3495 = arith.addi %add3A_3486, %xor3A_3494 : vector<64x128xi32>
      %shift_left3A_3496 = arith.constant 6 : i32
      %shift_left3A_3497 = vector.broadcast %shift_left3A_3496 : i32 to vector<64x128xi32>
      %shift_left3A_3498 = arith.shli %xor3A_3494, %shift_left3A_3497 : vector<64x128xi32>
      %shift_right_logical3A_3499 = arith.constant 26 : i32
      %shift_right_logical3A_3500 = vector.broadcast %shift_right_logical3A_3499 : i32 to vector<64x128xi32>
      %shift_right_logical3A_3501 = arith.shrui %xor3A_3494, %shift_right_logical3A_3500 : vector<64x128xi32>
      %or3A_3502 = arith.ori %shift_left3A_3498, %shift_right_logical3A_3501 : vector<64x128xi32>
      %xor3A_3503 = arith.xori %add3A_3495, %or3A_3502 : vector<64x128xi32>
      %add3A_3504 = arith.addi %add3A_3495, %while3A_3224 : vector<64x128xi32>
      %add3A_3505 = arith.addi %xor3A_3503, %xor3A_3465 : vector<64x128xi32>
      %add3A_3506 = arith.constant 1 : i32
      %add3A_3507 = vector.broadcast %add3A_3506 : i32 to vector<64x128xi32>
      %add3A_3508 = arith.addi %add3A_3505, %add3A_3507 : vector<64x128xi32>
      %add3A_3509 = arith.addi %add3A_3504, %add3A_3508 : vector<64x128xi32>
      %shift_left3A_3510 = arith.constant 17 : i32
      %shift_left3A_3511 = vector.broadcast %shift_left3A_3510 : i32 to vector<64x128xi32>
      %shift_left3A_3512 = arith.shli %add3A_3508, %shift_left3A_3511 : vector<64x128xi32>
      %shift_right_logical3A_3513 = arith.constant 15 : i32
      %shift_right_logical3A_3514 = vector.broadcast %shift_right_logical3A_3513 : i32 to vector<64x128xi32>
      %shift_right_logical3A_3515 = arith.shrui %add3A_3508, %shift_right_logical3A_3514 : vector<64x128xi32>
      %or3A_3516 = arith.ori %shift_left3A_3512, %shift_right_logical3A_3515 : vector<64x128xi32>
      %xor3A_3517 = arith.xori %add3A_3509, %or3A_3516 : vector<64x128xi32>
      %add3A_3518 = arith.addi %add3A_3509, %xor3A_3517 : vector<64x128xi32>
      %shift_left3A_3519 = arith.constant 29 : i32
      %shift_left3A_3520 = vector.broadcast %shift_left3A_3519 : i32 to vector<64x128xi32>
      %shift_left3A_3521 = arith.shli %xor3A_3517, %shift_left3A_3520 : vector<64x128xi32>
      %shift_right_logical3A_3522 = arith.constant 3 : i32
      %shift_right_logical3A_3523 = vector.broadcast %shift_right_logical3A_3522 : i32 to vector<64x128xi32>
      %shift_right_logical3A_3524 = arith.shrui %xor3A_3517, %shift_right_logical3A_3523 : vector<64x128xi32>
      %or3A_3525 = arith.ori %shift_left3A_3521, %shift_right_logical3A_3524 : vector<64x128xi32>
      %xor3A_3526 = arith.xori %add3A_3518, %or3A_3525 : vector<64x128xi32>
      %add3A_3527 = arith.addi %add3A_3518, %xor3A_3526 : vector<64x128xi32>
      %shift_left3A_3528 = arith.constant 16 : i32
      %shift_left3A_3529 = vector.broadcast %shift_left3A_3528 : i32 to vector<64x128xi32>
      %shift_left3A_3530 = arith.shli %xor3A_3526, %shift_left3A_3529 : vector<64x128xi32>
      %shift_right_logical3A_3531 = arith.constant 16 : i32
      %shift_right_logical3A_3532 = vector.broadcast %shift_right_logical3A_3531 : i32 to vector<64x128xi32>
      %shift_right_logical3A_3533 = arith.shrui %xor3A_3526, %shift_right_logical3A_3532 : vector<64x128xi32>
      %or3A_3534 = arith.ori %shift_left3A_3530, %shift_right_logical3A_3533 : vector<64x128xi32>
      %xor3A_3535 = arith.xori %add3A_3527, %or3A_3534 : vector<64x128xi32>
      %add3A_3536 = arith.addi %add3A_3527, %xor3A_3535 : vector<64x128xi32>
      %shift_left3A_3537 = arith.constant 24 : i32
      %shift_left3A_3538 = vector.broadcast %shift_left3A_3537 : i32 to vector<64x128xi32>
      %shift_left3A_3539 = arith.shli %xor3A_3535, %shift_left3A_3538 : vector<64x128xi32>
      %shift_right_logical3A_3540 = arith.constant 8 : i32
      %shift_right_logical3A_3541 = vector.broadcast %shift_right_logical3A_3540 : i32 to vector<64x128xi32>
      %shift_right_logical3A_3542 = arith.shrui %xor3A_3535, %shift_right_logical3A_3541 : vector<64x128xi32>
      %or3A_3543 = arith.ori %shift_left3A_3539, %shift_right_logical3A_3542 : vector<64x128xi32>
      %xor3A_3544 = arith.xori %add3A_3536, %or3A_3543 : vector<64x128xi32>
      %add3A_3545 = arith.addi %add3A_3536, %xor3A_3465 : vector<64x128xi32>
      %add3A_3546 = arith.addi %xor3A_3544, %while3A_3223 : vector<64x128xi32>
      %add3A_3547 = arith.constant 2 : i32
      %add3A_3548 = vector.broadcast %add3A_3547 : i32 to vector<64x128xi32>
      %add3A_3549 = arith.addi %add3A_3546, %add3A_3548 : vector<64x128xi32>
      %add3A_3550 = arith.addi %add3A_3545, %add3A_3549 : vector<64x128xi32>
      %shift_left3A_3551 = arith.constant 13 : i32
      %shift_left3A_3552 = vector.broadcast %shift_left3A_3551 : i32 to vector<64x128xi32>
      %shift_left3A_3553 = arith.shli %add3A_3549, %shift_left3A_3552 : vector<64x128xi32>
      %shift_right_logical3A_3554 = arith.constant 19 : i32
      %shift_right_logical3A_3555 = vector.broadcast %shift_right_logical3A_3554 : i32 to vector<64x128xi32>
      %shift_right_logical3A_3556 = arith.shrui %add3A_3549, %shift_right_logical3A_3555 : vector<64x128xi32>
      %or3A_3557 = arith.ori %shift_left3A_3553, %shift_right_logical3A_3556 : vector<64x128xi32>
      %xor3A_3558 = arith.xori %add3A_3550, %or3A_3557 : vector<64x128xi32>
      %add3A_3559 = arith.addi %add3A_3550, %xor3A_3558 : vector<64x128xi32>
      %shift_left3A_3560 = arith.constant 15 : i32
      %shift_left3A_3561 = vector.broadcast %shift_left3A_3560 : i32 to vector<64x128xi32>
      %shift_left3A_3562 = arith.shli %xor3A_3558, %shift_left3A_3561 : vector<64x128xi32>
      %shift_right_logical3A_3563 = arith.constant 17 : i32
      %shift_right_logical3A_3564 = vector.broadcast %shift_right_logical3A_3563 : i32 to vector<64x128xi32>
      %shift_right_logical3A_3565 = arith.shrui %xor3A_3558, %shift_right_logical3A_3564 : vector<64x128xi32>
      %or3A_3566 = arith.ori %shift_left3A_3562, %shift_right_logical3A_3565 : vector<64x128xi32>
      %xor3A_3567 = arith.xori %add3A_3559, %or3A_3566 : vector<64x128xi32>
      %add3A_3568 = arith.addi %add3A_3559, %xor3A_3567 : vector<64x128xi32>
      %shift_left3A_3569 = arith.constant 26 : i32
      %shift_left3A_3570 = vector.broadcast %shift_left3A_3569 : i32 to vector<64x128xi32>
      %shift_left3A_3571 = arith.shli %xor3A_3567, %shift_left3A_3570 : vector<64x128xi32>
      %shift_right_logical3A_3572 = arith.constant 6 : i32
      %shift_right_logical3A_3573 = vector.broadcast %shift_right_logical3A_3572 : i32 to vector<64x128xi32>
      %shift_right_logical3A_3574 = arith.shrui %xor3A_3567, %shift_right_logical3A_3573 : vector<64x128xi32>
      %or3A_3575 = arith.ori %shift_left3A_3571, %shift_right_logical3A_3574 : vector<64x128xi32>
      %xor3A_3576 = arith.xori %add3A_3568, %or3A_3575 : vector<64x128xi32>
      %add3A_3577 = arith.addi %add3A_3568, %xor3A_3576 : vector<64x128xi32>
      %shift_left3A_3578 = arith.constant 6 : i32
      %shift_left3A_3579 = vector.broadcast %shift_left3A_3578 : i32 to vector<64x128xi32>
      %shift_left3A_3580 = arith.shli %xor3A_3576, %shift_left3A_3579 : vector<64x128xi32>
      %shift_right_logical3A_3581 = arith.constant 26 : i32
      %shift_right_logical3A_3582 = vector.broadcast %shift_right_logical3A_3581 : i32 to vector<64x128xi32>
      %shift_right_logical3A_3583 = arith.shrui %xor3A_3576, %shift_right_logical3A_3582 : vector<64x128xi32>
      %or3A_3584 = arith.ori %shift_left3A_3580, %shift_right_logical3A_3583 : vector<64x128xi32>
      %xor3A_3585 = arith.xori %add3A_3577, %or3A_3584 : vector<64x128xi32>
      %add3A_3586 = arith.addi %add3A_3577, %while3A_3223 : vector<64x128xi32>
      %add3A_3587 = arith.addi %xor3A_3585, %while3A_3224 : vector<64x128xi32>
      %add3A_3588 = arith.constant 3 : i32
      %add3A_3589 = vector.broadcast %add3A_3588 : i32 to vector<64x128xi32>
      %add3A_3590 = arith.addi %add3A_3587, %add3A_3589 : vector<64x128xi32>
      %add3A_3591 = arith.addi %add3A_3586, %add3A_3590 : vector<64x128xi32>
      %shift_left3A_3592 = arith.constant 17 : i32
      %shift_left3A_3593 = vector.broadcast %shift_left3A_3592 : i32 to vector<64x128xi32>
      %shift_left3A_3594 = arith.shli %add3A_3590, %shift_left3A_3593 : vector<64x128xi32>
      %shift_right_logical3A_3595 = arith.constant 15 : i32
      %shift_right_logical3A_3596 = vector.broadcast %shift_right_logical3A_3595 : i32 to vector<64x128xi32>
      %shift_right_logical3A_3597 = arith.shrui %add3A_3590, %shift_right_logical3A_3596 : vector<64x128xi32>
      %or3A_3598 = arith.ori %shift_left3A_3594, %shift_right_logical3A_3597 : vector<64x128xi32>
      %xor3A_3599 = arith.xori %add3A_3591, %or3A_3598 : vector<64x128xi32>
      %add3A_3600 = arith.addi %add3A_3591, %xor3A_3599 : vector<64x128xi32>
      %shift_left3A_3601 = arith.constant 29 : i32
      %shift_left3A_3602 = vector.broadcast %shift_left3A_3601 : i32 to vector<64x128xi32>
      %shift_left3A_3603 = arith.shli %xor3A_3599, %shift_left3A_3602 : vector<64x128xi32>
      %shift_right_logical3A_3604 = arith.constant 3 : i32
      %shift_right_logical3A_3605 = vector.broadcast %shift_right_logical3A_3604 : i32 to vector<64x128xi32>
      %shift_right_logical3A_3606 = arith.shrui %xor3A_3599, %shift_right_logical3A_3605 : vector<64x128xi32>
      %or3A_3607 = arith.ori %shift_left3A_3603, %shift_right_logical3A_3606 : vector<64x128xi32>
      %xor3A_3608 = arith.xori %add3A_3600, %or3A_3607 : vector<64x128xi32>
      %add3A_3609 = arith.addi %add3A_3600, %xor3A_3608 : vector<64x128xi32>
      %shift_left3A_3610 = arith.constant 16 : i32
      %shift_left3A_3611 = vector.broadcast %shift_left3A_3610 : i32 to vector<64x128xi32>
      %shift_left3A_3612 = arith.shli %xor3A_3608, %shift_left3A_3611 : vector<64x128xi32>
      %shift_right_logical3A_3613 = arith.constant 16 : i32
      %shift_right_logical3A_3614 = vector.broadcast %shift_right_logical3A_3613 : i32 to vector<64x128xi32>
      %shift_right_logical3A_3615 = arith.shrui %xor3A_3608, %shift_right_logical3A_3614 : vector<64x128xi32>
      %or3A_3616 = arith.ori %shift_left3A_3612, %shift_right_logical3A_3615 : vector<64x128xi32>
      %xor3A_3617 = arith.xori %add3A_3609, %or3A_3616 : vector<64x128xi32>
      %add3A_3618 = arith.addi %add3A_3609, %xor3A_3617 : vector<64x128xi32>
      %shift_left3A_3619 = arith.constant 24 : i32
      %shift_left3A_3620 = vector.broadcast %shift_left3A_3619 : i32 to vector<64x128xi32>
      %shift_left3A_3621 = arith.shli %xor3A_3617, %shift_left3A_3620 : vector<64x128xi32>
      %shift_right_logical3A_3622 = arith.constant 8 : i32
      %shift_right_logical3A_3623 = vector.broadcast %shift_right_logical3A_3622 : i32 to vector<64x128xi32>
      %shift_right_logical3A_3624 = arith.shrui %xor3A_3617, %shift_right_logical3A_3623 : vector<64x128xi32>
      %or3A_3625 = arith.ori %shift_left3A_3621, %shift_right_logical3A_3624 : vector<64x128xi32>
      %xor3A_3626 = arith.xori %add3A_3618, %or3A_3625 : vector<64x128xi32>
      %add3A_3627 = arith.addi %add3A_3618, %while3A_3224 : vector<64x128xi32>
      %add3A_3628 = arith.addi %xor3A_3626, %xor3A_3465 : vector<64x128xi32>
      %add3A_3629 = arith.constant 4 : i32
      %add3A_3630 = vector.broadcast %add3A_3629 : i32 to vector<64x128xi32>
      %add3A_3631 = arith.addi %add3A_3628, %add3A_3630 : vector<64x128xi32>
      %add3A_3632 = arith.addi %add3A_3627, %add3A_3631 : vector<64x128xi32>
      %shift_left3A_3633 = arith.constant 13 : i32
      %shift_left3A_3634 = vector.broadcast %shift_left3A_3633 : i32 to vector<64x128xi32>
      %shift_left3A_3635 = arith.shli %add3A_3631, %shift_left3A_3634 : vector<64x128xi32>
      %shift_right_logical3A_3636 = arith.constant 19 : i32
      %shift_right_logical3A_3637 = vector.broadcast %shift_right_logical3A_3636 : i32 to vector<64x128xi32>
      %shift_right_logical3A_3638 = arith.shrui %add3A_3631, %shift_right_logical3A_3637 : vector<64x128xi32>
      %or3A_3639 = arith.ori %shift_left3A_3635, %shift_right_logical3A_3638 : vector<64x128xi32>
      %xor3A_3640 = arith.xori %add3A_3632, %or3A_3639 : vector<64x128xi32>
      %add3A_3641 = arith.addi %add3A_3632, %xor3A_3640 : vector<64x128xi32>
      %shift_left3A_3642 = arith.constant 15 : i32
      %shift_left3A_3643 = vector.broadcast %shift_left3A_3642 : i32 to vector<64x128xi32>
      %shift_left3A_3644 = arith.shli %xor3A_3640, %shift_left3A_3643 : vector<64x128xi32>
      %shift_right_logical3A_3645 = arith.constant 17 : i32
      %shift_right_logical3A_3646 = vector.broadcast %shift_right_logical3A_3645 : i32 to vector<64x128xi32>
      %shift_right_logical3A_3647 = arith.shrui %xor3A_3640, %shift_right_logical3A_3646 : vector<64x128xi32>
      %or3A_3648 = arith.ori %shift_left3A_3644, %shift_right_logical3A_3647 : vector<64x128xi32>
      %xor3A_3649 = arith.xori %add3A_3641, %or3A_3648 : vector<64x128xi32>
      %add3A_3650 = arith.addi %add3A_3641, %xor3A_3649 : vector<64x128xi32>
      %shift_left3A_3651 = arith.constant 26 : i32
      %shift_left3A_3652 = vector.broadcast %shift_left3A_3651 : i32 to vector<64x128xi32>
      %shift_left3A_3653 = arith.shli %xor3A_3649, %shift_left3A_3652 : vector<64x128xi32>
      %shift_right_logical3A_3654 = arith.constant 6 : i32
      %shift_right_logical3A_3655 = vector.broadcast %shift_right_logical3A_3654 : i32 to vector<64x128xi32>
      %shift_right_logical3A_3656 = arith.shrui %xor3A_3649, %shift_right_logical3A_3655 : vector<64x128xi32>
      %or3A_3657 = arith.ori %shift_left3A_3653, %shift_right_logical3A_3656 : vector<64x128xi32>
      %xor3A_3658 = arith.xori %add3A_3650, %or3A_3657 : vector<64x128xi32>
      %add3A_3659 = arith.addi %add3A_3650, %xor3A_3658 : vector<64x128xi32>
      %shift_left3A_3660 = arith.constant 6 : i32
      %shift_left3A_3661 = vector.broadcast %shift_left3A_3660 : i32 to vector<64x128xi32>
      %shift_left3A_3662 = arith.shli %xor3A_3658, %shift_left3A_3661 : vector<64x128xi32>
      %shift_right_logical3A_3663 = arith.constant 26 : i32
      %shift_right_logical3A_3664 = vector.broadcast %shift_right_logical3A_3663 : i32 to vector<64x128xi32>
      %shift_right_logical3A_3665 = arith.shrui %xor3A_3658, %shift_right_logical3A_3664 : vector<64x128xi32>
      %or3A_3666 = arith.ori %shift_left3A_3662, %shift_right_logical3A_3665 : vector<64x128xi32>
      %xor3A_3667 = arith.xori %add3A_3659, %or3A_3666 : vector<64x128xi32>
      %add3A_3668 = arith.addi %add3A_3659, %xor3A_3465 : vector<64x128xi32>
      %add3A_3669 = arith.addi %xor3A_3667, %while3A_3223 : vector<64x128xi32>
      %add3A_3670 = arith.constant 5 : i32
      %add3A_3671 = vector.broadcast %add3A_3670 : i32 to vector<64x128xi32>
      %add3A_3672 = arith.addi %add3A_3669, %add3A_3671 : vector<64x128xi32>
      %add3A_3673 = arith.constant 2 : i32
      %add3A_3674 = vector.broadcast %add3A_3673 : i32 to vector<64x128xi32>
      %add3A_3675 = arith.addi %broadcast_in_dim3A_677, %add3A_3674 : vector<64x128xi32>
      %xor3A_3676 = arith.xori %while3A_3223, %while3A_3224 : vector<64x128xi32>
      %xor3A_3677 = arith.constant 466688986 : i32
      %xor3A_3678 = vector.broadcast %xor3A_3677 : i32 to vector<64x128xi32>
      %xor3A_3679 = arith.xori %xor3A_3676, %xor3A_3678 : vector<64x128xi32>
      %add3A_3680 = arith.addi %broadcast_in_dim3A_677, %while3A_3223 : vector<64x128xi32>
      %add3A_3681 = arith.addi %add3A_3675, %while3A_3224 : vector<64x128xi32>
      %add3A_3682 = arith.addi %add3A_3680, %add3A_3681 : vector<64x128xi32>
      %shift_left3A_3683 = arith.constant 13 : i32
      %shift_left3A_3684 = vector.broadcast %shift_left3A_3683 : i32 to vector<64x128xi32>
      %shift_left3A_3685 = arith.shli %add3A_3681, %shift_left3A_3684 : vector<64x128xi32>
      %shift_right_logical3A_3686 = arith.constant 19 : i32
      %shift_right_logical3A_3687 = vector.broadcast %shift_right_logical3A_3686 : i32 to vector<64x128xi32>
      %shift_right_logical3A_3688 = arith.shrui %add3A_3681, %shift_right_logical3A_3687 : vector<64x128xi32>
      %or3A_3689 = arith.ori %shift_left3A_3685, %shift_right_logical3A_3688 : vector<64x128xi32>
      %xor3A_3690 = arith.xori %add3A_3682, %or3A_3689 : vector<64x128xi32>
      %add3A_3691 = arith.addi %add3A_3682, %xor3A_3690 : vector<64x128xi32>
      %shift_left3A_3692 = arith.constant 15 : i32
      %shift_left3A_3693 = vector.broadcast %shift_left3A_3692 : i32 to vector<64x128xi32>
      %shift_left3A_3694 = arith.shli %xor3A_3690, %shift_left3A_3693 : vector<64x128xi32>
      %shift_right_logical3A_3695 = arith.constant 17 : i32
      %shift_right_logical3A_3696 = vector.broadcast %shift_right_logical3A_3695 : i32 to vector<64x128xi32>
      %shift_right_logical3A_3697 = arith.shrui %xor3A_3690, %shift_right_logical3A_3696 : vector<64x128xi32>
      %or3A_3698 = arith.ori %shift_left3A_3694, %shift_right_logical3A_3697 : vector<64x128xi32>
      %xor3A_3699 = arith.xori %add3A_3691, %or3A_3698 : vector<64x128xi32>
      %add3A_3700 = arith.addi %add3A_3691, %xor3A_3699 : vector<64x128xi32>
      %shift_left3A_3701 = arith.constant 26 : i32
      %shift_left3A_3702 = vector.broadcast %shift_left3A_3701 : i32 to vector<64x128xi32>
      %shift_left3A_3703 = arith.shli %xor3A_3699, %shift_left3A_3702 : vector<64x128xi32>
      %shift_right_logical3A_3704 = arith.constant 6 : i32
      %shift_right_logical3A_3705 = vector.broadcast %shift_right_logical3A_3704 : i32 to vector<64x128xi32>
      %shift_right_logical3A_3706 = arith.shrui %xor3A_3699, %shift_right_logical3A_3705 : vector<64x128xi32>
      %or3A_3707 = arith.ori %shift_left3A_3703, %shift_right_logical3A_3706 : vector<64x128xi32>
      %xor3A_3708 = arith.xori %add3A_3700, %or3A_3707 : vector<64x128xi32>
      %add3A_3709 = arith.addi %add3A_3700, %xor3A_3708 : vector<64x128xi32>
      %shift_left3A_3710 = arith.constant 6 : i32
      %shift_left3A_3711 = vector.broadcast %shift_left3A_3710 : i32 to vector<64x128xi32>
      %shift_left3A_3712 = arith.shli %xor3A_3708, %shift_left3A_3711 : vector<64x128xi32>
      %shift_right_logical3A_3713 = arith.constant 26 : i32
      %shift_right_logical3A_3714 = vector.broadcast %shift_right_logical3A_3713 : i32 to vector<64x128xi32>
      %shift_right_logical3A_3715 = arith.shrui %xor3A_3708, %shift_right_logical3A_3714 : vector<64x128xi32>
      %or3A_3716 = arith.ori %shift_left3A_3712, %shift_right_logical3A_3715 : vector<64x128xi32>
      %xor3A_3717 = arith.xori %add3A_3709, %or3A_3716 : vector<64x128xi32>
      %add3A_3718 = arith.addi %add3A_3709, %while3A_3224 : vector<64x128xi32>
      %add3A_3719 = arith.addi %xor3A_3717, %xor3A_3679 : vector<64x128xi32>
      %add3A_3720 = arith.constant 1 : i32
      %add3A_3721 = vector.broadcast %add3A_3720 : i32 to vector<64x128xi32>
      %add3A_3722 = arith.addi %add3A_3719, %add3A_3721 : vector<64x128xi32>
      %add3A_3723 = arith.addi %add3A_3718, %add3A_3722 : vector<64x128xi32>
      %shift_left3A_3724 = arith.constant 17 : i32
      %shift_left3A_3725 = vector.broadcast %shift_left3A_3724 : i32 to vector<64x128xi32>
      %shift_left3A_3726 = arith.shli %add3A_3722, %shift_left3A_3725 : vector<64x128xi32>
      %shift_right_logical3A_3727 = arith.constant 15 : i32
      %shift_right_logical3A_3728 = vector.broadcast %shift_right_logical3A_3727 : i32 to vector<64x128xi32>
      %shift_right_logical3A_3729 = arith.shrui %add3A_3722, %shift_right_logical3A_3728 : vector<64x128xi32>
      %or3A_3730 = arith.ori %shift_left3A_3726, %shift_right_logical3A_3729 : vector<64x128xi32>
      %xor3A_3731 = arith.xori %add3A_3723, %or3A_3730 : vector<64x128xi32>
      %add3A_3732 = arith.addi %add3A_3723, %xor3A_3731 : vector<64x128xi32>
      %shift_left3A_3733 = arith.constant 29 : i32
      %shift_left3A_3734 = vector.broadcast %shift_left3A_3733 : i32 to vector<64x128xi32>
      %shift_left3A_3735 = arith.shli %xor3A_3731, %shift_left3A_3734 : vector<64x128xi32>
      %shift_right_logical3A_3736 = arith.constant 3 : i32
      %shift_right_logical3A_3737 = vector.broadcast %shift_right_logical3A_3736 : i32 to vector<64x128xi32>
      %shift_right_logical3A_3738 = arith.shrui %xor3A_3731, %shift_right_logical3A_3737 : vector<64x128xi32>
      %or3A_3739 = arith.ori %shift_left3A_3735, %shift_right_logical3A_3738 : vector<64x128xi32>
      %xor3A_3740 = arith.xori %add3A_3732, %or3A_3739 : vector<64x128xi32>
      %add3A_3741 = arith.addi %add3A_3732, %xor3A_3740 : vector<64x128xi32>
      %shift_left3A_3742 = arith.constant 16 : i32
      %shift_left3A_3743 = vector.broadcast %shift_left3A_3742 : i32 to vector<64x128xi32>
      %shift_left3A_3744 = arith.shli %xor3A_3740, %shift_left3A_3743 : vector<64x128xi32>
      %shift_right_logical3A_3745 = arith.constant 16 : i32
      %shift_right_logical3A_3746 = vector.broadcast %shift_right_logical3A_3745 : i32 to vector<64x128xi32>
      %shift_right_logical3A_3747 = arith.shrui %xor3A_3740, %shift_right_logical3A_3746 : vector<64x128xi32>
      %or3A_3748 = arith.ori %shift_left3A_3744, %shift_right_logical3A_3747 : vector<64x128xi32>
      %xor3A_3749 = arith.xori %add3A_3741, %or3A_3748 : vector<64x128xi32>
      %add3A_3750 = arith.addi %add3A_3741, %xor3A_3749 : vector<64x128xi32>
      %shift_left3A_3751 = arith.constant 24 : i32
      %shift_left3A_3752 = vector.broadcast %shift_left3A_3751 : i32 to vector<64x128xi32>
      %shift_left3A_3753 = arith.shli %xor3A_3749, %shift_left3A_3752 : vector<64x128xi32>
      %shift_right_logical3A_3754 = arith.constant 8 : i32
      %shift_right_logical3A_3755 = vector.broadcast %shift_right_logical3A_3754 : i32 to vector<64x128xi32>
      %shift_right_logical3A_3756 = arith.shrui %xor3A_3749, %shift_right_logical3A_3755 : vector<64x128xi32>
      %or3A_3757 = arith.ori %shift_left3A_3753, %shift_right_logical3A_3756 : vector<64x128xi32>
      %xor3A_3758 = arith.xori %add3A_3750, %or3A_3757 : vector<64x128xi32>
      %add3A_3759 = arith.addi %add3A_3750, %xor3A_3679 : vector<64x128xi32>
      %add3A_3760 = arith.addi %xor3A_3758, %while3A_3223 : vector<64x128xi32>
      %add3A_3761 = arith.constant 2 : i32
      %add3A_3762 = vector.broadcast %add3A_3761 : i32 to vector<64x128xi32>
      %add3A_3763 = arith.addi %add3A_3760, %add3A_3762 : vector<64x128xi32>
      %add3A_3764 = arith.addi %add3A_3759, %add3A_3763 : vector<64x128xi32>
      %shift_left3A_3765 = arith.constant 13 : i32
      %shift_left3A_3766 = vector.broadcast %shift_left3A_3765 : i32 to vector<64x128xi32>
      %shift_left3A_3767 = arith.shli %add3A_3763, %shift_left3A_3766 : vector<64x128xi32>
      %shift_right_logical3A_3768 = arith.constant 19 : i32
      %shift_right_logical3A_3769 = vector.broadcast %shift_right_logical3A_3768 : i32 to vector<64x128xi32>
      %shift_right_logical3A_3770 = arith.shrui %add3A_3763, %shift_right_logical3A_3769 : vector<64x128xi32>
      %or3A_3771 = arith.ori %shift_left3A_3767, %shift_right_logical3A_3770 : vector<64x128xi32>
      %xor3A_3772 = arith.xori %add3A_3764, %or3A_3771 : vector<64x128xi32>
      %add3A_3773 = arith.addi %add3A_3764, %xor3A_3772 : vector<64x128xi32>
      %shift_left3A_3774 = arith.constant 15 : i32
      %shift_left3A_3775 = vector.broadcast %shift_left3A_3774 : i32 to vector<64x128xi32>
      %shift_left3A_3776 = arith.shli %xor3A_3772, %shift_left3A_3775 : vector<64x128xi32>
      %shift_right_logical3A_3777 = arith.constant 17 : i32
      %shift_right_logical3A_3778 = vector.broadcast %shift_right_logical3A_3777 : i32 to vector<64x128xi32>
      %shift_right_logical3A_3779 = arith.shrui %xor3A_3772, %shift_right_logical3A_3778 : vector<64x128xi32>
      %or3A_3780 = arith.ori %shift_left3A_3776, %shift_right_logical3A_3779 : vector<64x128xi32>
      %xor3A_3781 = arith.xori %add3A_3773, %or3A_3780 : vector<64x128xi32>
      %add3A_3782 = arith.addi %add3A_3773, %xor3A_3781 : vector<64x128xi32>
      %shift_left3A_3783 = arith.constant 26 : i32
      %shift_left3A_3784 = vector.broadcast %shift_left3A_3783 : i32 to vector<64x128xi32>
      %shift_left3A_3785 = arith.shli %xor3A_3781, %shift_left3A_3784 : vector<64x128xi32>
      %shift_right_logical3A_3786 = arith.constant 6 : i32
      %shift_right_logical3A_3787 = vector.broadcast %shift_right_logical3A_3786 : i32 to vector<64x128xi32>
      %shift_right_logical3A_3788 = arith.shrui %xor3A_3781, %shift_right_logical3A_3787 : vector<64x128xi32>
      %or3A_3789 = arith.ori %shift_left3A_3785, %shift_right_logical3A_3788 : vector<64x128xi32>
      %xor3A_3790 = arith.xori %add3A_3782, %or3A_3789 : vector<64x128xi32>
      %add3A_3791 = arith.addi %add3A_3782, %xor3A_3790 : vector<64x128xi32>
      %shift_left3A_3792 = arith.constant 6 : i32
      %shift_left3A_3793 = vector.broadcast %shift_left3A_3792 : i32 to vector<64x128xi32>
      %shift_left3A_3794 = arith.shli %xor3A_3790, %shift_left3A_3793 : vector<64x128xi32>
      %shift_right_logical3A_3795 = arith.constant 26 : i32
      %shift_right_logical3A_3796 = vector.broadcast %shift_right_logical3A_3795 : i32 to vector<64x128xi32>
      %shift_right_logical3A_3797 = arith.shrui %xor3A_3790, %shift_right_logical3A_3796 : vector<64x128xi32>
      %or3A_3798 = arith.ori %shift_left3A_3794, %shift_right_logical3A_3797 : vector<64x128xi32>
      %xor3A_3799 = arith.xori %add3A_3791, %or3A_3798 : vector<64x128xi32>
      %add3A_3800 = arith.addi %add3A_3791, %while3A_3223 : vector<64x128xi32>
      %add3A_3801 = arith.addi %xor3A_3799, %while3A_3224 : vector<64x128xi32>
      %add3A_3802 = arith.constant 3 : i32
      %add3A_3803 = vector.broadcast %add3A_3802 : i32 to vector<64x128xi32>
      %add3A_3804 = arith.addi %add3A_3801, %add3A_3803 : vector<64x128xi32>
      %add3A_3805 = arith.addi %add3A_3800, %add3A_3804 : vector<64x128xi32>
      %shift_left3A_3806 = arith.constant 17 : i32
      %shift_left3A_3807 = vector.broadcast %shift_left3A_3806 : i32 to vector<64x128xi32>
      %shift_left3A_3808 = arith.shli %add3A_3804, %shift_left3A_3807 : vector<64x128xi32>
      %shift_right_logical3A_3809 = arith.constant 15 : i32
      %shift_right_logical3A_3810 = vector.broadcast %shift_right_logical3A_3809 : i32 to vector<64x128xi32>
      %shift_right_logical3A_3811 = arith.shrui %add3A_3804, %shift_right_logical3A_3810 : vector<64x128xi32>
      %or3A_3812 = arith.ori %shift_left3A_3808, %shift_right_logical3A_3811 : vector<64x128xi32>
      %xor3A_3813 = arith.xori %add3A_3805, %or3A_3812 : vector<64x128xi32>
      %add3A_3814 = arith.addi %add3A_3805, %xor3A_3813 : vector<64x128xi32>
      %shift_left3A_3815 = arith.constant 29 : i32
      %shift_left3A_3816 = vector.broadcast %shift_left3A_3815 : i32 to vector<64x128xi32>
      %shift_left3A_3817 = arith.shli %xor3A_3813, %shift_left3A_3816 : vector<64x128xi32>
      %shift_right_logical3A_3818 = arith.constant 3 : i32
      %shift_right_logical3A_3819 = vector.broadcast %shift_right_logical3A_3818 : i32 to vector<64x128xi32>
      %shift_right_logical3A_3820 = arith.shrui %xor3A_3813, %shift_right_logical3A_3819 : vector<64x128xi32>
      %or3A_3821 = arith.ori %shift_left3A_3817, %shift_right_logical3A_3820 : vector<64x128xi32>
      %xor3A_3822 = arith.xori %add3A_3814, %or3A_3821 : vector<64x128xi32>
      %add3A_3823 = arith.addi %add3A_3814, %xor3A_3822 : vector<64x128xi32>
      %shift_left3A_3824 = arith.constant 16 : i32
      %shift_left3A_3825 = vector.broadcast %shift_left3A_3824 : i32 to vector<64x128xi32>
      %shift_left3A_3826 = arith.shli %xor3A_3822, %shift_left3A_3825 : vector<64x128xi32>
      %shift_right_logical3A_3827 = arith.constant 16 : i32
      %shift_right_logical3A_3828 = vector.broadcast %shift_right_logical3A_3827 : i32 to vector<64x128xi32>
      %shift_right_logical3A_3829 = arith.shrui %xor3A_3822, %shift_right_logical3A_3828 : vector<64x128xi32>
      %or3A_3830 = arith.ori %shift_left3A_3826, %shift_right_logical3A_3829 : vector<64x128xi32>
      %xor3A_3831 = arith.xori %add3A_3823, %or3A_3830 : vector<64x128xi32>
      %add3A_3832 = arith.addi %add3A_3823, %xor3A_3831 : vector<64x128xi32>
      %shift_left3A_3833 = arith.constant 24 : i32
      %shift_left3A_3834 = vector.broadcast %shift_left3A_3833 : i32 to vector<64x128xi32>
      %shift_left3A_3835 = arith.shli %xor3A_3831, %shift_left3A_3834 : vector<64x128xi32>
      %shift_right_logical3A_3836 = arith.constant 8 : i32
      %shift_right_logical3A_3837 = vector.broadcast %shift_right_logical3A_3836 : i32 to vector<64x128xi32>
      %shift_right_logical3A_3838 = arith.shrui %xor3A_3831, %shift_right_logical3A_3837 : vector<64x128xi32>
      %or3A_3839 = arith.ori %shift_left3A_3835, %shift_right_logical3A_3838 : vector<64x128xi32>
      %xor3A_3840 = arith.xori %add3A_3832, %or3A_3839 : vector<64x128xi32>
      %add3A_3841 = arith.addi %add3A_3832, %while3A_3224 : vector<64x128xi32>
      %add3A_3842 = arith.addi %xor3A_3840, %xor3A_3679 : vector<64x128xi32>
      %add3A_3843 = arith.constant 4 : i32
      %add3A_3844 = vector.broadcast %add3A_3843 : i32 to vector<64x128xi32>
      %add3A_3845 = arith.addi %add3A_3842, %add3A_3844 : vector<64x128xi32>
      %add3A_3846 = arith.addi %add3A_3841, %add3A_3845 : vector<64x128xi32>
      %shift_left3A_3847 = arith.constant 13 : i32
      %shift_left3A_3848 = vector.broadcast %shift_left3A_3847 : i32 to vector<64x128xi32>
      %shift_left3A_3849 = arith.shli %add3A_3845, %shift_left3A_3848 : vector<64x128xi32>
      %shift_right_logical3A_3850 = arith.constant 19 : i32
      %shift_right_logical3A_3851 = vector.broadcast %shift_right_logical3A_3850 : i32 to vector<64x128xi32>
      %shift_right_logical3A_3852 = arith.shrui %add3A_3845, %shift_right_logical3A_3851 : vector<64x128xi32>
      %or3A_3853 = arith.ori %shift_left3A_3849, %shift_right_logical3A_3852 : vector<64x128xi32>
      %xor3A_3854 = arith.xori %add3A_3846, %or3A_3853 : vector<64x128xi32>
      %add3A_3855 = arith.addi %add3A_3846, %xor3A_3854 : vector<64x128xi32>
      %shift_left3A_3856 = arith.constant 15 : i32
      %shift_left3A_3857 = vector.broadcast %shift_left3A_3856 : i32 to vector<64x128xi32>
      %shift_left3A_3858 = arith.shli %xor3A_3854, %shift_left3A_3857 : vector<64x128xi32>
      %shift_right_logical3A_3859 = arith.constant 17 : i32
      %shift_right_logical3A_3860 = vector.broadcast %shift_right_logical3A_3859 : i32 to vector<64x128xi32>
      %shift_right_logical3A_3861 = arith.shrui %xor3A_3854, %shift_right_logical3A_3860 : vector<64x128xi32>
      %or3A_3862 = arith.ori %shift_left3A_3858, %shift_right_logical3A_3861 : vector<64x128xi32>
      %xor3A_3863 = arith.xori %add3A_3855, %or3A_3862 : vector<64x128xi32>
      %add3A_3864 = arith.addi %add3A_3855, %xor3A_3863 : vector<64x128xi32>
      %shift_left3A_3865 = arith.constant 26 : i32
      %shift_left3A_3866 = vector.broadcast %shift_left3A_3865 : i32 to vector<64x128xi32>
      %shift_left3A_3867 = arith.shli %xor3A_3863, %shift_left3A_3866 : vector<64x128xi32>
      %shift_right_logical3A_3868 = arith.constant 6 : i32
      %shift_right_logical3A_3869 = vector.broadcast %shift_right_logical3A_3868 : i32 to vector<64x128xi32>
      %shift_right_logical3A_3870 = arith.shrui %xor3A_3863, %shift_right_logical3A_3869 : vector<64x128xi32>
      %or3A_3871 = arith.ori %shift_left3A_3867, %shift_right_logical3A_3870 : vector<64x128xi32>
      %xor3A_3872 = arith.xori %add3A_3864, %or3A_3871 : vector<64x128xi32>
      %add3A_3873 = arith.addi %add3A_3864, %xor3A_3872 : vector<64x128xi32>
      %shift_left3A_3874 = arith.constant 6 : i32
      %shift_left3A_3875 = vector.broadcast %shift_left3A_3874 : i32 to vector<64x128xi32>
      %shift_left3A_3876 = arith.shli %xor3A_3872, %shift_left3A_3875 : vector<64x128xi32>
      %shift_right_logical3A_3877 = arith.constant 26 : i32
      %shift_right_logical3A_3878 = vector.broadcast %shift_right_logical3A_3877 : i32 to vector<64x128xi32>
      %shift_right_logical3A_3879 = arith.shrui %xor3A_3872, %shift_right_logical3A_3878 : vector<64x128xi32>
      %or3A_3880 = arith.ori %shift_left3A_3876, %shift_right_logical3A_3879 : vector<64x128xi32>
      %xor3A_3881 = arith.xori %add3A_3873, %or3A_3880 : vector<64x128xi32>
      %add3A_3882 = arith.addi %add3A_3873, %xor3A_3679 : vector<64x128xi32>
      %add3A_3883 = arith.addi %xor3A_3881, %while3A_3223 : vector<64x128xi32>
      %add3A_3884 = arith.constant 5 : i32
      %add3A_3885 = vector.broadcast %add3A_3884 : i32 to vector<64x128xi32>
      %add3A_3886 = arith.addi %add3A_3883, %add3A_3885 : vector<64x128xi32>
      %broadcast_in_dim3A_3887 = arith.constant 0.000000e+00 : f32
      %broadcast_in_dim3A_3888 = vector.broadcast %broadcast_in_dim3A_3887 : f32 to vector<64x128xf32>
      %broadcast_in_dim3A_3889 = arith.constant -1.000000e+00 : f32
      %broadcast_in_dim3A_3890 = vector.broadcast %broadcast_in_dim3A_3889 : f32 to vector<64x128xf32>
      %while3A_3891:4 = scf.while (%while3A_4124 = %add3A_3668, %while3A_4125 = %add3A_3672, %while3A_4126 = %broadcast_in_dim3A_3888, %while3A_4127 = %broadcast_in_dim3A_3890) : (vector<64x128xi32>, vector<64x128xi32>, vector<64x128xf32>, vector<64x128xf32>) -> (vector<64x128xi32>, vector<64x128xi32>, vector<64x128xf32>, vector<64x128xf32>) {
        %le3A = arith.constant 0.000000e+00 : f32
        %le3A_4128 = vector.broadcast %le3A : f32 to vector<64x128xf32>
        %le3A_4129 = arith.cmpf ole, %while3A_4127, %le3A_4128 : vector<64x128xf32>
        %reduce_or3A = arith.constant 1.000000e+00 : f32
        %reduce_or3A_4130 = arith.constant 0.000000e+00 : f32
        %reduce_or3A_4131 = vector.broadcast %reduce_or3A : f32 to vector<64x128xf32>
        %reduce_or3A_4132 = vector.broadcast %reduce_or3A_4130 : f32 to vector<64x128xf32>
        %reduce_or3A_4133 = arith.select %le3A_4129, %reduce_or3A_4131, %reduce_or3A_4132 : vector<64x128xi1>, vector<64x128xf32>
        %reduce_or3A_4134 = vector.shape_cast %reduce_or3A_4133 : vector<64x128xf32> to vector<1x64x128xf32>
        %reduce_or3A_4135 = arith.constant dense<0xFF800000> : vector<1xf32>
        %reduce_or3A_4136 = vector.multi_reduction <maximumf>, %reduce_or3A_4134, %reduce_or3A_4135 [1, 2] : vector<1x64x128xf32> to vector<1xf32>
        %reduce_or3A_4137 = vector.shape_cast %reduce_or3A_4136 : vector<1xf32> to vector<1x1x1xf32>
        %reduce_or3A_4138 = vector.extract %reduce_or3A_4137[0, 0, 0] : f32 from vector<1x1x1xf32>
        %reduce_or3A_4139 = arith.constant 0.000000e+00 : f32
        %reduce_or3A_4140 = arith.cmpf ogt, %reduce_or3A_4138, %reduce_or3A_4139 : f32
        scf.condition(%reduce_or3A_4140) %while3A_4124, %while3A_4125, %while3A_4126, %while3A_4127 : vector<64x128xi32>, vector<64x128xi32>, vector<64x128xf32>, vector<64x128xf32>
      } do {
      ^bb0(%while3A_4124: vector<64x128xi32>, %while3A_4125: vector<64x128xi32>, %while3A_4126: vector<64x128xf32>, %while3A_4127: vector<64x128xf32>):
        %le3A = arith.constant 0.000000e+00 : f32
        %le3A_4128 = vector.broadcast %le3A : f32 to vector<64x128xf32>
        %le3A_4129 = arith.cmpf ole, %while3A_4127, %le3A_4128 : vector<64x128xf32>
        %xor3A_4130 = arith.xori %while3A_4124, %while3A_4125 : vector<64x128xi32>
        %xor3A_4131 = arith.constant 466688986 : i32
        %xor3A_4132 = vector.broadcast %xor3A_4131 : i32 to vector<64x128xi32>
        %xor3A_4133 = arith.xori %xor3A_4130, %xor3A_4132 : vector<64x128xi32>
        %add3A_4134 = arith.addi %broadcast_in_dim3A_677, %while3A_4124 : vector<64x128xi32>
        %add3A_4135 = arith.addi %broadcast_in_dim3A_677, %while3A_4125 : vector<64x128xi32>
        %add3A_4136 = arith.addi %add3A_4134, %add3A_4135 : vector<64x128xi32>
        %shift_left3A_4137 = arith.constant 13 : i32
        %shift_left3A_4138 = vector.broadcast %shift_left3A_4137 : i32 to vector<64x128xi32>
        %shift_left3A_4139 = arith.shli %add3A_4135, %shift_left3A_4138 : vector<64x128xi32>
        %shift_right_logical3A_4140 = arith.constant 19 : i32
        %shift_right_logical3A_4141 = vector.broadcast %shift_right_logical3A_4140 : i32 to vector<64x128xi32>
        %shift_right_logical3A_4142 = arith.shrui %add3A_4135, %shift_right_logical3A_4141 : vector<64x128xi32>
        %or3A_4143 = arith.ori %shift_left3A_4139, %shift_right_logical3A_4142 : vector<64x128xi32>
        %xor3A_4144 = arith.xori %add3A_4136, %or3A_4143 : vector<64x128xi32>
        %add3A_4145 = arith.addi %add3A_4136, %xor3A_4144 : vector<64x128xi32>
        %shift_left3A_4146 = arith.constant 15 : i32
        %shift_left3A_4147 = vector.broadcast %shift_left3A_4146 : i32 to vector<64x128xi32>
        %shift_left3A_4148 = arith.shli %xor3A_4144, %shift_left3A_4147 : vector<64x128xi32>
        %shift_right_logical3A_4149 = arith.constant 17 : i32
        %shift_right_logical3A_4150 = vector.broadcast %shift_right_logical3A_4149 : i32 to vector<64x128xi32>
        %shift_right_logical3A_4151 = arith.shrui %xor3A_4144, %shift_right_logical3A_4150 : vector<64x128xi32>
        %or3A_4152 = arith.ori %shift_left3A_4148, %shift_right_logical3A_4151 : vector<64x128xi32>
        %xor3A_4153 = arith.xori %add3A_4145, %or3A_4152 : vector<64x128xi32>
        %add3A_4154 = arith.addi %add3A_4145, %xor3A_4153 : vector<64x128xi32>
        %shift_left3A_4155 = arith.constant 26 : i32
        %shift_left3A_4156 = vector.broadcast %shift_left3A_4155 : i32 to vector<64x128xi32>
        %shift_left3A_4157 = arith.shli %xor3A_4153, %shift_left3A_4156 : vector<64x128xi32>
        %shift_right_logical3A_4158 = arith.constant 6 : i32
        %shift_right_logical3A_4159 = vector.broadcast %shift_right_logical3A_4158 : i32 to vector<64x128xi32>
        %shift_right_logical3A_4160 = arith.shrui %xor3A_4153, %shift_right_logical3A_4159 : vector<64x128xi32>
        %or3A_4161 = arith.ori %shift_left3A_4157, %shift_right_logical3A_4160 : vector<64x128xi32>
        %xor3A_4162 = arith.xori %add3A_4154, %or3A_4161 : vector<64x128xi32>
        %add3A_4163 = arith.addi %add3A_4154, %xor3A_4162 : vector<64x128xi32>
        %shift_left3A_4164 = arith.constant 6 : i32
        %shift_left3A_4165 = vector.broadcast %shift_left3A_4164 : i32 to vector<64x128xi32>
        %shift_left3A_4166 = arith.shli %xor3A_4162, %shift_left3A_4165 : vector<64x128xi32>
        %shift_right_logical3A_4167 = arith.constant 26 : i32
        %shift_right_logical3A_4168 = vector.broadcast %shift_right_logical3A_4167 : i32 to vector<64x128xi32>
        %shift_right_logical3A_4169 = arith.shrui %xor3A_4162, %shift_right_logical3A_4168 : vector<64x128xi32>
        %or3A_4170 = arith.ori %shift_left3A_4166, %shift_right_logical3A_4169 : vector<64x128xi32>
        %xor3A_4171 = arith.xori %add3A_4163, %or3A_4170 : vector<64x128xi32>
        %add3A_4172 = arith.addi %add3A_4163, %while3A_4125 : vector<64x128xi32>
        %add3A_4173 = arith.addi %xor3A_4171, %xor3A_4133 : vector<64x128xi32>
        %add3A_4174 = arith.constant 1 : i32
        %add3A_4175 = vector.broadcast %add3A_4174 : i32 to vector<64x128xi32>
        %add3A_4176 = arith.addi %add3A_4173, %add3A_4175 : vector<64x128xi32>
        %add3A_4177 = arith.addi %add3A_4172, %add3A_4176 : vector<64x128xi32>
        %shift_left3A_4178 = arith.constant 17 : i32
        %shift_left3A_4179 = vector.broadcast %shift_left3A_4178 : i32 to vector<64x128xi32>
        %shift_left3A_4180 = arith.shli %add3A_4176, %shift_left3A_4179 : vector<64x128xi32>
        %shift_right_logical3A_4181 = arith.constant 15 : i32
        %shift_right_logical3A_4182 = vector.broadcast %shift_right_logical3A_4181 : i32 to vector<64x128xi32>
        %shift_right_logical3A_4183 = arith.shrui %add3A_4176, %shift_right_logical3A_4182 : vector<64x128xi32>
        %or3A_4184 = arith.ori %shift_left3A_4180, %shift_right_logical3A_4183 : vector<64x128xi32>
        %xor3A_4185 = arith.xori %add3A_4177, %or3A_4184 : vector<64x128xi32>
        %add3A_4186 = arith.addi %add3A_4177, %xor3A_4185 : vector<64x128xi32>
        %shift_left3A_4187 = arith.constant 29 : i32
        %shift_left3A_4188 = vector.broadcast %shift_left3A_4187 : i32 to vector<64x128xi32>
        %shift_left3A_4189 = arith.shli %xor3A_4185, %shift_left3A_4188 : vector<64x128xi32>
        %shift_right_logical3A_4190 = arith.constant 3 : i32
        %shift_right_logical3A_4191 = vector.broadcast %shift_right_logical3A_4190 : i32 to vector<64x128xi32>
        %shift_right_logical3A_4192 = arith.shrui %xor3A_4185, %shift_right_logical3A_4191 : vector<64x128xi32>
        %or3A_4193 = arith.ori %shift_left3A_4189, %shift_right_logical3A_4192 : vector<64x128xi32>
        %xor3A_4194 = arith.xori %add3A_4186, %or3A_4193 : vector<64x128xi32>
        %add3A_4195 = arith.addi %add3A_4186, %xor3A_4194 : vector<64x128xi32>
        %shift_left3A_4196 = arith.constant 16 : i32
        %shift_left3A_4197 = vector.broadcast %shift_left3A_4196 : i32 to vector<64x128xi32>
        %shift_left3A_4198 = arith.shli %xor3A_4194, %shift_left3A_4197 : vector<64x128xi32>
        %shift_right_logical3A_4199 = arith.constant 16 : i32
        %shift_right_logical3A_4200 = vector.broadcast %shift_right_logical3A_4199 : i32 to vector<64x128xi32>
        %shift_right_logical3A_4201 = arith.shrui %xor3A_4194, %shift_right_logical3A_4200 : vector<64x128xi32>
        %or3A_4202 = arith.ori %shift_left3A_4198, %shift_right_logical3A_4201 : vector<64x128xi32>
        %xor3A_4203 = arith.xori %add3A_4195, %or3A_4202 : vector<64x128xi32>
        %add3A_4204 = arith.addi %add3A_4195, %xor3A_4203 : vector<64x128xi32>
        %shift_left3A_4205 = arith.constant 24 : i32
        %shift_left3A_4206 = vector.broadcast %shift_left3A_4205 : i32 to vector<64x128xi32>
        %shift_left3A_4207 = arith.shli %xor3A_4203, %shift_left3A_4206 : vector<64x128xi32>
        %shift_right_logical3A_4208 = arith.constant 8 : i32
        %shift_right_logical3A_4209 = vector.broadcast %shift_right_logical3A_4208 : i32 to vector<64x128xi32>
        %shift_right_logical3A_4210 = arith.shrui %xor3A_4203, %shift_right_logical3A_4209 : vector<64x128xi32>
        %or3A_4211 = arith.ori %shift_left3A_4207, %shift_right_logical3A_4210 : vector<64x128xi32>
        %xor3A_4212 = arith.xori %add3A_4204, %or3A_4211 : vector<64x128xi32>
        %add3A_4213 = arith.addi %add3A_4204, %xor3A_4133 : vector<64x128xi32>
        %add3A_4214 = arith.addi %xor3A_4212, %while3A_4124 : vector<64x128xi32>
        %add3A_4215 = arith.constant 2 : i32
        %add3A_4216 = vector.broadcast %add3A_4215 : i32 to vector<64x128xi32>
        %add3A_4217 = arith.addi %add3A_4214, %add3A_4216 : vector<64x128xi32>
        %add3A_4218 = arith.addi %add3A_4213, %add3A_4217 : vector<64x128xi32>
        %shift_left3A_4219 = arith.constant 13 : i32
        %shift_left3A_4220 = vector.broadcast %shift_left3A_4219 : i32 to vector<64x128xi32>
        %shift_left3A_4221 = arith.shli %add3A_4217, %shift_left3A_4220 : vector<64x128xi32>
        %shift_right_logical3A_4222 = arith.constant 19 : i32
        %shift_right_logical3A_4223 = vector.broadcast %shift_right_logical3A_4222 : i32 to vector<64x128xi32>
        %shift_right_logical3A_4224 = arith.shrui %add3A_4217, %shift_right_logical3A_4223 : vector<64x128xi32>
        %or3A_4225 = arith.ori %shift_left3A_4221, %shift_right_logical3A_4224 : vector<64x128xi32>
        %xor3A_4226 = arith.xori %add3A_4218, %or3A_4225 : vector<64x128xi32>
        %add3A_4227 = arith.addi %add3A_4218, %xor3A_4226 : vector<64x128xi32>
        %shift_left3A_4228 = arith.constant 15 : i32
        %shift_left3A_4229 = vector.broadcast %shift_left3A_4228 : i32 to vector<64x128xi32>
        %shift_left3A_4230 = arith.shli %xor3A_4226, %shift_left3A_4229 : vector<64x128xi32>
        %shift_right_logical3A_4231 = arith.constant 17 : i32
        %shift_right_logical3A_4232 = vector.broadcast %shift_right_logical3A_4231 : i32 to vector<64x128xi32>
        %shift_right_logical3A_4233 = arith.shrui %xor3A_4226, %shift_right_logical3A_4232 : vector<64x128xi32>
        %or3A_4234 = arith.ori %shift_left3A_4230, %shift_right_logical3A_4233 : vector<64x128xi32>
        %xor3A_4235 = arith.xori %add3A_4227, %or3A_4234 : vector<64x128xi32>
        %add3A_4236 = arith.addi %add3A_4227, %xor3A_4235 : vector<64x128xi32>
        %shift_left3A_4237 = arith.constant 26 : i32
        %shift_left3A_4238 = vector.broadcast %shift_left3A_4237 : i32 to vector<64x128xi32>
        %shift_left3A_4239 = arith.shli %xor3A_4235, %shift_left3A_4238 : vector<64x128xi32>
        %shift_right_logical3A_4240 = arith.constant 6 : i32
        %shift_right_logical3A_4241 = vector.broadcast %shift_right_logical3A_4240 : i32 to vector<64x128xi32>
        %shift_right_logical3A_4242 = arith.shrui %xor3A_4235, %shift_right_logical3A_4241 : vector<64x128xi32>
        %or3A_4243 = arith.ori %shift_left3A_4239, %shift_right_logical3A_4242 : vector<64x128xi32>
        %xor3A_4244 = arith.xori %add3A_4236, %or3A_4243 : vector<64x128xi32>
        %add3A_4245 = arith.addi %add3A_4236, %xor3A_4244 : vector<64x128xi32>
        %shift_left3A_4246 = arith.constant 6 : i32
        %shift_left3A_4247 = vector.broadcast %shift_left3A_4246 : i32 to vector<64x128xi32>
        %shift_left3A_4248 = arith.shli %xor3A_4244, %shift_left3A_4247 : vector<64x128xi32>
        %shift_right_logical3A_4249 = arith.constant 26 : i32
        %shift_right_logical3A_4250 = vector.broadcast %shift_right_logical3A_4249 : i32 to vector<64x128xi32>
        %shift_right_logical3A_4251 = arith.shrui %xor3A_4244, %shift_right_logical3A_4250 : vector<64x128xi32>
        %or3A_4252 = arith.ori %shift_left3A_4248, %shift_right_logical3A_4251 : vector<64x128xi32>
        %xor3A_4253 = arith.xori %add3A_4245, %or3A_4252 : vector<64x128xi32>
        %add3A_4254 = arith.addi %add3A_4245, %while3A_4124 : vector<64x128xi32>
        %add3A_4255 = arith.addi %xor3A_4253, %while3A_4125 : vector<64x128xi32>
        %add3A_4256 = arith.constant 3 : i32
        %add3A_4257 = vector.broadcast %add3A_4256 : i32 to vector<64x128xi32>
        %add3A_4258 = arith.addi %add3A_4255, %add3A_4257 : vector<64x128xi32>
        %add3A_4259 = arith.addi %add3A_4254, %add3A_4258 : vector<64x128xi32>
        %shift_left3A_4260 = arith.constant 17 : i32
        %shift_left3A_4261 = vector.broadcast %shift_left3A_4260 : i32 to vector<64x128xi32>
        %shift_left3A_4262 = arith.shli %add3A_4258, %shift_left3A_4261 : vector<64x128xi32>
        %shift_right_logical3A_4263 = arith.constant 15 : i32
        %shift_right_logical3A_4264 = vector.broadcast %shift_right_logical3A_4263 : i32 to vector<64x128xi32>
        %shift_right_logical3A_4265 = arith.shrui %add3A_4258, %shift_right_logical3A_4264 : vector<64x128xi32>
        %or3A_4266 = arith.ori %shift_left3A_4262, %shift_right_logical3A_4265 : vector<64x128xi32>
        %xor3A_4267 = arith.xori %add3A_4259, %or3A_4266 : vector<64x128xi32>
        %add3A_4268 = arith.addi %add3A_4259, %xor3A_4267 : vector<64x128xi32>
        %shift_left3A_4269 = arith.constant 29 : i32
        %shift_left3A_4270 = vector.broadcast %shift_left3A_4269 : i32 to vector<64x128xi32>
        %shift_left3A_4271 = arith.shli %xor3A_4267, %shift_left3A_4270 : vector<64x128xi32>
        %shift_right_logical3A_4272 = arith.constant 3 : i32
        %shift_right_logical3A_4273 = vector.broadcast %shift_right_logical3A_4272 : i32 to vector<64x128xi32>
        %shift_right_logical3A_4274 = arith.shrui %xor3A_4267, %shift_right_logical3A_4273 : vector<64x128xi32>
        %or3A_4275 = arith.ori %shift_left3A_4271, %shift_right_logical3A_4274 : vector<64x128xi32>
        %xor3A_4276 = arith.xori %add3A_4268, %or3A_4275 : vector<64x128xi32>
        %add3A_4277 = arith.addi %add3A_4268, %xor3A_4276 : vector<64x128xi32>
        %shift_left3A_4278 = arith.constant 16 : i32
        %shift_left3A_4279 = vector.broadcast %shift_left3A_4278 : i32 to vector<64x128xi32>
        %shift_left3A_4280 = arith.shli %xor3A_4276, %shift_left3A_4279 : vector<64x128xi32>
        %shift_right_logical3A_4281 = arith.constant 16 : i32
        %shift_right_logical3A_4282 = vector.broadcast %shift_right_logical3A_4281 : i32 to vector<64x128xi32>
        %shift_right_logical3A_4283 = arith.shrui %xor3A_4276, %shift_right_logical3A_4282 : vector<64x128xi32>
        %or3A_4284 = arith.ori %shift_left3A_4280, %shift_right_logical3A_4283 : vector<64x128xi32>
        %xor3A_4285 = arith.xori %add3A_4277, %or3A_4284 : vector<64x128xi32>
        %add3A_4286 = arith.addi %add3A_4277, %xor3A_4285 : vector<64x128xi32>
        %shift_left3A_4287 = arith.constant 24 : i32
        %shift_left3A_4288 = vector.broadcast %shift_left3A_4287 : i32 to vector<64x128xi32>
        %shift_left3A_4289 = arith.shli %xor3A_4285, %shift_left3A_4288 : vector<64x128xi32>
        %shift_right_logical3A_4290 = arith.constant 8 : i32
        %shift_right_logical3A_4291 = vector.broadcast %shift_right_logical3A_4290 : i32 to vector<64x128xi32>
        %shift_right_logical3A_4292 = arith.shrui %xor3A_4285, %shift_right_logical3A_4291 : vector<64x128xi32>
        %or3A_4293 = arith.ori %shift_left3A_4289, %shift_right_logical3A_4292 : vector<64x128xi32>
        %xor3A_4294 = arith.xori %add3A_4286, %or3A_4293 : vector<64x128xi32>
        %add3A_4295 = arith.addi %add3A_4286, %while3A_4125 : vector<64x128xi32>
        %add3A_4296 = arith.addi %xor3A_4294, %xor3A_4133 : vector<64x128xi32>
        %add3A_4297 = arith.constant 4 : i32
        %add3A_4298 = vector.broadcast %add3A_4297 : i32 to vector<64x128xi32>
        %add3A_4299 = arith.addi %add3A_4296, %add3A_4298 : vector<64x128xi32>
        %add3A_4300 = arith.addi %add3A_4295, %add3A_4299 : vector<64x128xi32>
        %shift_left3A_4301 = arith.constant 13 : i32
        %shift_left3A_4302 = vector.broadcast %shift_left3A_4301 : i32 to vector<64x128xi32>
        %shift_left3A_4303 = arith.shli %add3A_4299, %shift_left3A_4302 : vector<64x128xi32>
        %shift_right_logical3A_4304 = arith.constant 19 : i32
        %shift_right_logical3A_4305 = vector.broadcast %shift_right_logical3A_4304 : i32 to vector<64x128xi32>
        %shift_right_logical3A_4306 = arith.shrui %add3A_4299, %shift_right_logical3A_4305 : vector<64x128xi32>
        %or3A_4307 = arith.ori %shift_left3A_4303, %shift_right_logical3A_4306 : vector<64x128xi32>
        %xor3A_4308 = arith.xori %add3A_4300, %or3A_4307 : vector<64x128xi32>
        %add3A_4309 = arith.addi %add3A_4300, %xor3A_4308 : vector<64x128xi32>
        %shift_left3A_4310 = arith.constant 15 : i32
        %shift_left3A_4311 = vector.broadcast %shift_left3A_4310 : i32 to vector<64x128xi32>
        %shift_left3A_4312 = arith.shli %xor3A_4308, %shift_left3A_4311 : vector<64x128xi32>
        %shift_right_logical3A_4313 = arith.constant 17 : i32
        %shift_right_logical3A_4314 = vector.broadcast %shift_right_logical3A_4313 : i32 to vector<64x128xi32>
        %shift_right_logical3A_4315 = arith.shrui %xor3A_4308, %shift_right_logical3A_4314 : vector<64x128xi32>
        %or3A_4316 = arith.ori %shift_left3A_4312, %shift_right_logical3A_4315 : vector<64x128xi32>
        %xor3A_4317 = arith.xori %add3A_4309, %or3A_4316 : vector<64x128xi32>
        %add3A_4318 = arith.addi %add3A_4309, %xor3A_4317 : vector<64x128xi32>
        %shift_left3A_4319 = arith.constant 26 : i32
        %shift_left3A_4320 = vector.broadcast %shift_left3A_4319 : i32 to vector<64x128xi32>
        %shift_left3A_4321 = arith.shli %xor3A_4317, %shift_left3A_4320 : vector<64x128xi32>
        %shift_right_logical3A_4322 = arith.constant 6 : i32
        %shift_right_logical3A_4323 = vector.broadcast %shift_right_logical3A_4322 : i32 to vector<64x128xi32>
        %shift_right_logical3A_4324 = arith.shrui %xor3A_4317, %shift_right_logical3A_4323 : vector<64x128xi32>
        %or3A_4325 = arith.ori %shift_left3A_4321, %shift_right_logical3A_4324 : vector<64x128xi32>
        %xor3A_4326 = arith.xori %add3A_4318, %or3A_4325 : vector<64x128xi32>
        %add3A_4327 = arith.addi %add3A_4318, %xor3A_4326 : vector<64x128xi32>
        %shift_left3A_4328 = arith.constant 6 : i32
        %shift_left3A_4329 = vector.broadcast %shift_left3A_4328 : i32 to vector<64x128xi32>
        %shift_left3A_4330 = arith.shli %xor3A_4326, %shift_left3A_4329 : vector<64x128xi32>
        %shift_right_logical3A_4331 = arith.constant 26 : i32
        %shift_right_logical3A_4332 = vector.broadcast %shift_right_logical3A_4331 : i32 to vector<64x128xi32>
        %shift_right_logical3A_4333 = arith.shrui %xor3A_4326, %shift_right_logical3A_4332 : vector<64x128xi32>
        %or3A_4334 = arith.ori %shift_left3A_4330, %shift_right_logical3A_4333 : vector<64x128xi32>
        %xor3A_4335 = arith.xori %add3A_4327, %or3A_4334 : vector<64x128xi32>
        %add3A_4336 = arith.addi %add3A_4327, %xor3A_4133 : vector<64x128xi32>
        %add3A_4337 = arith.addi %xor3A_4335, %while3A_4124 : vector<64x128xi32>
        %add3A_4338 = arith.constant 5 : i32
        %add3A_4339 = vector.broadcast %add3A_4338 : i32 to vector<64x128xi32>
        %add3A_4340 = arith.addi %add3A_4337, %add3A_4339 : vector<64x128xi32>
        %add3A_4341 = arith.constant 1 : i32
        %add3A_4342 = vector.broadcast %add3A_4341 : i32 to vector<64x128xi32>
        %add3A_4343 = arith.addi %broadcast_in_dim3A_677, %add3A_4342 : vector<64x128xi32>
        %xor3A_4344 = arith.xori %while3A_4124, %while3A_4125 : vector<64x128xi32>
        %xor3A_4345 = arith.constant 466688986 : i32
        %xor3A_4346 = vector.broadcast %xor3A_4345 : i32 to vector<64x128xi32>
        %xor3A_4347 = arith.xori %xor3A_4344, %xor3A_4346 : vector<64x128xi32>
        %add3A_4348 = arith.addi %broadcast_in_dim3A_677, %while3A_4124 : vector<64x128xi32>
        %add3A_4349 = arith.addi %add3A_4343, %while3A_4125 : vector<64x128xi32>
        %add3A_4350 = arith.addi %add3A_4348, %add3A_4349 : vector<64x128xi32>
        %shift_left3A_4351 = arith.constant 13 : i32
        %shift_left3A_4352 = vector.broadcast %shift_left3A_4351 : i32 to vector<64x128xi32>
        %shift_left3A_4353 = arith.shli %add3A_4349, %shift_left3A_4352 : vector<64x128xi32>
        %shift_right_logical3A_4354 = arith.constant 19 : i32
        %shift_right_logical3A_4355 = vector.broadcast %shift_right_logical3A_4354 : i32 to vector<64x128xi32>
        %shift_right_logical3A_4356 = arith.shrui %add3A_4349, %shift_right_logical3A_4355 : vector<64x128xi32>
        %or3A_4357 = arith.ori %shift_left3A_4353, %shift_right_logical3A_4356 : vector<64x128xi32>
        %xor3A_4358 = arith.xori %add3A_4350, %or3A_4357 : vector<64x128xi32>
        %add3A_4359 = arith.addi %add3A_4350, %xor3A_4358 : vector<64x128xi32>
        %shift_left3A_4360 = arith.constant 15 : i32
        %shift_left3A_4361 = vector.broadcast %shift_left3A_4360 : i32 to vector<64x128xi32>
        %shift_left3A_4362 = arith.shli %xor3A_4358, %shift_left3A_4361 : vector<64x128xi32>
        %shift_right_logical3A_4363 = arith.constant 17 : i32
        %shift_right_logical3A_4364 = vector.broadcast %shift_right_logical3A_4363 : i32 to vector<64x128xi32>
        %shift_right_logical3A_4365 = arith.shrui %xor3A_4358, %shift_right_logical3A_4364 : vector<64x128xi32>
        %or3A_4366 = arith.ori %shift_left3A_4362, %shift_right_logical3A_4365 : vector<64x128xi32>
        %xor3A_4367 = arith.xori %add3A_4359, %or3A_4366 : vector<64x128xi32>
        %add3A_4368 = arith.addi %add3A_4359, %xor3A_4367 : vector<64x128xi32>
        %shift_left3A_4369 = arith.constant 26 : i32
        %shift_left3A_4370 = vector.broadcast %shift_left3A_4369 : i32 to vector<64x128xi32>
        %shift_left3A_4371 = arith.shli %xor3A_4367, %shift_left3A_4370 : vector<64x128xi32>
        %shift_right_logical3A_4372 = arith.constant 6 : i32
        %shift_right_logical3A_4373 = vector.broadcast %shift_right_logical3A_4372 : i32 to vector<64x128xi32>
        %shift_right_logical3A_4374 = arith.shrui %xor3A_4367, %shift_right_logical3A_4373 : vector<64x128xi32>
        %or3A_4375 = arith.ori %shift_left3A_4371, %shift_right_logical3A_4374 : vector<64x128xi32>
        %xor3A_4376 = arith.xori %add3A_4368, %or3A_4375 : vector<64x128xi32>
        %add3A_4377 = arith.addi %add3A_4368, %xor3A_4376 : vector<64x128xi32>
        %shift_left3A_4378 = arith.constant 6 : i32
        %shift_left3A_4379 = vector.broadcast %shift_left3A_4378 : i32 to vector<64x128xi32>
        %shift_left3A_4380 = arith.shli %xor3A_4376, %shift_left3A_4379 : vector<64x128xi32>
        %shift_right_logical3A_4381 = arith.constant 26 : i32
        %shift_right_logical3A_4382 = vector.broadcast %shift_right_logical3A_4381 : i32 to vector<64x128xi32>
        %shift_right_logical3A_4383 = arith.shrui %xor3A_4376, %shift_right_logical3A_4382 : vector<64x128xi32>
        %or3A_4384 = arith.ori %shift_left3A_4380, %shift_right_logical3A_4383 : vector<64x128xi32>
        %xor3A_4385 = arith.xori %add3A_4377, %or3A_4384 : vector<64x128xi32>
        %add3A_4386 = arith.addi %add3A_4377, %while3A_4125 : vector<64x128xi32>
        %add3A_4387 = arith.addi %xor3A_4385, %xor3A_4347 : vector<64x128xi32>
        %add3A_4388 = arith.constant 1 : i32
        %add3A_4389 = vector.broadcast %add3A_4388 : i32 to vector<64x128xi32>
        %add3A_4390 = arith.addi %add3A_4387, %add3A_4389 : vector<64x128xi32>
        %add3A_4391 = arith.addi %add3A_4386, %add3A_4390 : vector<64x128xi32>
        %shift_left3A_4392 = arith.constant 17 : i32
        %shift_left3A_4393 = vector.broadcast %shift_left3A_4392 : i32 to vector<64x128xi32>
        %shift_left3A_4394 = arith.shli %add3A_4390, %shift_left3A_4393 : vector<64x128xi32>
        %shift_right_logical3A_4395 = arith.constant 15 : i32
        %shift_right_logical3A_4396 = vector.broadcast %shift_right_logical3A_4395 : i32 to vector<64x128xi32>
        %shift_right_logical3A_4397 = arith.shrui %add3A_4390, %shift_right_logical3A_4396 : vector<64x128xi32>
        %or3A_4398 = arith.ori %shift_left3A_4394, %shift_right_logical3A_4397 : vector<64x128xi32>
        %xor3A_4399 = arith.xori %add3A_4391, %or3A_4398 : vector<64x128xi32>
        %add3A_4400 = arith.addi %add3A_4391, %xor3A_4399 : vector<64x128xi32>
        %shift_left3A_4401 = arith.constant 29 : i32
        %shift_left3A_4402 = vector.broadcast %shift_left3A_4401 : i32 to vector<64x128xi32>
        %shift_left3A_4403 = arith.shli %xor3A_4399, %shift_left3A_4402 : vector<64x128xi32>
        %shift_right_logical3A_4404 = arith.constant 3 : i32
        %shift_right_logical3A_4405 = vector.broadcast %shift_right_logical3A_4404 : i32 to vector<64x128xi32>
        %shift_right_logical3A_4406 = arith.shrui %xor3A_4399, %shift_right_logical3A_4405 : vector<64x128xi32>
        %or3A_4407 = arith.ori %shift_left3A_4403, %shift_right_logical3A_4406 : vector<64x128xi32>
        %xor3A_4408 = arith.xori %add3A_4400, %or3A_4407 : vector<64x128xi32>
        %add3A_4409 = arith.addi %add3A_4400, %xor3A_4408 : vector<64x128xi32>
        %shift_left3A_4410 = arith.constant 16 : i32
        %shift_left3A_4411 = vector.broadcast %shift_left3A_4410 : i32 to vector<64x128xi32>
        %shift_left3A_4412 = arith.shli %xor3A_4408, %shift_left3A_4411 : vector<64x128xi32>
        %shift_right_logical3A_4413 = arith.constant 16 : i32
        %shift_right_logical3A_4414 = vector.broadcast %shift_right_logical3A_4413 : i32 to vector<64x128xi32>
        %shift_right_logical3A_4415 = arith.shrui %xor3A_4408, %shift_right_logical3A_4414 : vector<64x128xi32>
        %or3A_4416 = arith.ori %shift_left3A_4412, %shift_right_logical3A_4415 : vector<64x128xi32>
        %xor3A_4417 = arith.xori %add3A_4409, %or3A_4416 : vector<64x128xi32>
        %add3A_4418 = arith.addi %add3A_4409, %xor3A_4417 : vector<64x128xi32>
        %shift_left3A_4419 = arith.constant 24 : i32
        %shift_left3A_4420 = vector.broadcast %shift_left3A_4419 : i32 to vector<64x128xi32>
        %shift_left3A_4421 = arith.shli %xor3A_4417, %shift_left3A_4420 : vector<64x128xi32>
        %shift_right_logical3A_4422 = arith.constant 8 : i32
        %shift_right_logical3A_4423 = vector.broadcast %shift_right_logical3A_4422 : i32 to vector<64x128xi32>
        %shift_right_logical3A_4424 = arith.shrui %xor3A_4417, %shift_right_logical3A_4423 : vector<64x128xi32>
        %or3A_4425 = arith.ori %shift_left3A_4421, %shift_right_logical3A_4424 : vector<64x128xi32>
        %xor3A_4426 = arith.xori %add3A_4418, %or3A_4425 : vector<64x128xi32>
        %add3A_4427 = arith.addi %add3A_4418, %xor3A_4347 : vector<64x128xi32>
        %add3A_4428 = arith.addi %xor3A_4426, %while3A_4124 : vector<64x128xi32>
        %add3A_4429 = arith.constant 2 : i32
        %add3A_4430 = vector.broadcast %add3A_4429 : i32 to vector<64x128xi32>
        %add3A_4431 = arith.addi %add3A_4428, %add3A_4430 : vector<64x128xi32>
        %add3A_4432 = arith.addi %add3A_4427, %add3A_4431 : vector<64x128xi32>
        %shift_left3A_4433 = arith.constant 13 : i32
        %shift_left3A_4434 = vector.broadcast %shift_left3A_4433 : i32 to vector<64x128xi32>
        %shift_left3A_4435 = arith.shli %add3A_4431, %shift_left3A_4434 : vector<64x128xi32>
        %shift_right_logical3A_4436 = arith.constant 19 : i32
        %shift_right_logical3A_4437 = vector.broadcast %shift_right_logical3A_4436 : i32 to vector<64x128xi32>
        %shift_right_logical3A_4438 = arith.shrui %add3A_4431, %shift_right_logical3A_4437 : vector<64x128xi32>
        %or3A_4439 = arith.ori %shift_left3A_4435, %shift_right_logical3A_4438 : vector<64x128xi32>
        %xor3A_4440 = arith.xori %add3A_4432, %or3A_4439 : vector<64x128xi32>
        %add3A_4441 = arith.addi %add3A_4432, %xor3A_4440 : vector<64x128xi32>
        %shift_left3A_4442 = arith.constant 15 : i32
        %shift_left3A_4443 = vector.broadcast %shift_left3A_4442 : i32 to vector<64x128xi32>
        %shift_left3A_4444 = arith.shli %xor3A_4440, %shift_left3A_4443 : vector<64x128xi32>
        %shift_right_logical3A_4445 = arith.constant 17 : i32
        %shift_right_logical3A_4446 = vector.broadcast %shift_right_logical3A_4445 : i32 to vector<64x128xi32>
        %shift_right_logical3A_4447 = arith.shrui %xor3A_4440, %shift_right_logical3A_4446 : vector<64x128xi32>
        %or3A_4448 = arith.ori %shift_left3A_4444, %shift_right_logical3A_4447 : vector<64x128xi32>
        %xor3A_4449 = arith.xori %add3A_4441, %or3A_4448 : vector<64x128xi32>
        %add3A_4450 = arith.addi %add3A_4441, %xor3A_4449 : vector<64x128xi32>
        %shift_left3A_4451 = arith.constant 26 : i32
        %shift_left3A_4452 = vector.broadcast %shift_left3A_4451 : i32 to vector<64x128xi32>
        %shift_left3A_4453 = arith.shli %xor3A_4449, %shift_left3A_4452 : vector<64x128xi32>
        %shift_right_logical3A_4454 = arith.constant 6 : i32
        %shift_right_logical3A_4455 = vector.broadcast %shift_right_logical3A_4454 : i32 to vector<64x128xi32>
        %shift_right_logical3A_4456 = arith.shrui %xor3A_4449, %shift_right_logical3A_4455 : vector<64x128xi32>
        %or3A_4457 = arith.ori %shift_left3A_4453, %shift_right_logical3A_4456 : vector<64x128xi32>
        %xor3A_4458 = arith.xori %add3A_4450, %or3A_4457 : vector<64x128xi32>
        %add3A_4459 = arith.addi %add3A_4450, %xor3A_4458 : vector<64x128xi32>
        %shift_left3A_4460 = arith.constant 6 : i32
        %shift_left3A_4461 = vector.broadcast %shift_left3A_4460 : i32 to vector<64x128xi32>
        %shift_left3A_4462 = arith.shli %xor3A_4458, %shift_left3A_4461 : vector<64x128xi32>
        %shift_right_logical3A_4463 = arith.constant 26 : i32
        %shift_right_logical3A_4464 = vector.broadcast %shift_right_logical3A_4463 : i32 to vector<64x128xi32>
        %shift_right_logical3A_4465 = arith.shrui %xor3A_4458, %shift_right_logical3A_4464 : vector<64x128xi32>
        %or3A_4466 = arith.ori %shift_left3A_4462, %shift_right_logical3A_4465 : vector<64x128xi32>
        %xor3A_4467 = arith.xori %add3A_4459, %or3A_4466 : vector<64x128xi32>
        %add3A_4468 = arith.addi %add3A_4459, %while3A_4124 : vector<64x128xi32>
        %add3A_4469 = arith.addi %xor3A_4467, %while3A_4125 : vector<64x128xi32>
        %add3A_4470 = arith.constant 3 : i32
        %add3A_4471 = vector.broadcast %add3A_4470 : i32 to vector<64x128xi32>
        %add3A_4472 = arith.addi %add3A_4469, %add3A_4471 : vector<64x128xi32>
        %add3A_4473 = arith.addi %add3A_4468, %add3A_4472 : vector<64x128xi32>
        %shift_left3A_4474 = arith.constant 17 : i32
        %shift_left3A_4475 = vector.broadcast %shift_left3A_4474 : i32 to vector<64x128xi32>
        %shift_left3A_4476 = arith.shli %add3A_4472, %shift_left3A_4475 : vector<64x128xi32>
        %shift_right_logical3A_4477 = arith.constant 15 : i32
        %shift_right_logical3A_4478 = vector.broadcast %shift_right_logical3A_4477 : i32 to vector<64x128xi32>
        %shift_right_logical3A_4479 = arith.shrui %add3A_4472, %shift_right_logical3A_4478 : vector<64x128xi32>
        %or3A_4480 = arith.ori %shift_left3A_4476, %shift_right_logical3A_4479 : vector<64x128xi32>
        %xor3A_4481 = arith.xori %add3A_4473, %or3A_4480 : vector<64x128xi32>
        %add3A_4482 = arith.addi %add3A_4473, %xor3A_4481 : vector<64x128xi32>
        %shift_left3A_4483 = arith.constant 29 : i32
        %shift_left3A_4484 = vector.broadcast %shift_left3A_4483 : i32 to vector<64x128xi32>
        %shift_left3A_4485 = arith.shli %xor3A_4481, %shift_left3A_4484 : vector<64x128xi32>
        %shift_right_logical3A_4486 = arith.constant 3 : i32
        %shift_right_logical3A_4487 = vector.broadcast %shift_right_logical3A_4486 : i32 to vector<64x128xi32>
        %shift_right_logical3A_4488 = arith.shrui %xor3A_4481, %shift_right_logical3A_4487 : vector<64x128xi32>
        %or3A_4489 = arith.ori %shift_left3A_4485, %shift_right_logical3A_4488 : vector<64x128xi32>
        %xor3A_4490 = arith.xori %add3A_4482, %or3A_4489 : vector<64x128xi32>
        %add3A_4491 = arith.addi %add3A_4482, %xor3A_4490 : vector<64x128xi32>
        %shift_left3A_4492 = arith.constant 16 : i32
        %shift_left3A_4493 = vector.broadcast %shift_left3A_4492 : i32 to vector<64x128xi32>
        %shift_left3A_4494 = arith.shli %xor3A_4490, %shift_left3A_4493 : vector<64x128xi32>
        %shift_right_logical3A_4495 = arith.constant 16 : i32
        %shift_right_logical3A_4496 = vector.broadcast %shift_right_logical3A_4495 : i32 to vector<64x128xi32>
        %shift_right_logical3A_4497 = arith.shrui %xor3A_4490, %shift_right_logical3A_4496 : vector<64x128xi32>
        %or3A_4498 = arith.ori %shift_left3A_4494, %shift_right_logical3A_4497 : vector<64x128xi32>
        %xor3A_4499 = arith.xori %add3A_4491, %or3A_4498 : vector<64x128xi32>
        %add3A_4500 = arith.addi %add3A_4491, %xor3A_4499 : vector<64x128xi32>
        %shift_left3A_4501 = arith.constant 24 : i32
        %shift_left3A_4502 = vector.broadcast %shift_left3A_4501 : i32 to vector<64x128xi32>
        %shift_left3A_4503 = arith.shli %xor3A_4499, %shift_left3A_4502 : vector<64x128xi32>
        %shift_right_logical3A_4504 = arith.constant 8 : i32
        %shift_right_logical3A_4505 = vector.broadcast %shift_right_logical3A_4504 : i32 to vector<64x128xi32>
        %shift_right_logical3A_4506 = arith.shrui %xor3A_4499, %shift_right_logical3A_4505 : vector<64x128xi32>
        %or3A_4507 = arith.ori %shift_left3A_4503, %shift_right_logical3A_4506 : vector<64x128xi32>
        %xor3A_4508 = arith.xori %add3A_4500, %or3A_4507 : vector<64x128xi32>
        %add3A_4509 = arith.addi %add3A_4500, %while3A_4125 : vector<64x128xi32>
        %add3A_4510 = arith.addi %xor3A_4508, %xor3A_4347 : vector<64x128xi32>
        %add3A_4511 = arith.constant 4 : i32
        %add3A_4512 = vector.broadcast %add3A_4511 : i32 to vector<64x128xi32>
        %add3A_4513 = arith.addi %add3A_4510, %add3A_4512 : vector<64x128xi32>
        %add3A_4514 = arith.addi %add3A_4509, %add3A_4513 : vector<64x128xi32>
        %shift_left3A_4515 = arith.constant 13 : i32
        %shift_left3A_4516 = vector.broadcast %shift_left3A_4515 : i32 to vector<64x128xi32>
        %shift_left3A_4517 = arith.shli %add3A_4513, %shift_left3A_4516 : vector<64x128xi32>
        %shift_right_logical3A_4518 = arith.constant 19 : i32
        %shift_right_logical3A_4519 = vector.broadcast %shift_right_logical3A_4518 : i32 to vector<64x128xi32>
        %shift_right_logical3A_4520 = arith.shrui %add3A_4513, %shift_right_logical3A_4519 : vector<64x128xi32>
        %or3A_4521 = arith.ori %shift_left3A_4517, %shift_right_logical3A_4520 : vector<64x128xi32>
        %xor3A_4522 = arith.xori %add3A_4514, %or3A_4521 : vector<64x128xi32>
        %add3A_4523 = arith.addi %add3A_4514, %xor3A_4522 : vector<64x128xi32>
        %shift_left3A_4524 = arith.constant 15 : i32
        %shift_left3A_4525 = vector.broadcast %shift_left3A_4524 : i32 to vector<64x128xi32>
        %shift_left3A_4526 = arith.shli %xor3A_4522, %shift_left3A_4525 : vector<64x128xi32>
        %shift_right_logical3A_4527 = arith.constant 17 : i32
        %shift_right_logical3A_4528 = vector.broadcast %shift_right_logical3A_4527 : i32 to vector<64x128xi32>
        %shift_right_logical3A_4529 = arith.shrui %xor3A_4522, %shift_right_logical3A_4528 : vector<64x128xi32>
        %or3A_4530 = arith.ori %shift_left3A_4526, %shift_right_logical3A_4529 : vector<64x128xi32>
        %xor3A_4531 = arith.xori %add3A_4523, %or3A_4530 : vector<64x128xi32>
        %add3A_4532 = arith.addi %add3A_4523, %xor3A_4531 : vector<64x128xi32>
        %shift_left3A_4533 = arith.constant 26 : i32
        %shift_left3A_4534 = vector.broadcast %shift_left3A_4533 : i32 to vector<64x128xi32>
        %shift_left3A_4535 = arith.shli %xor3A_4531, %shift_left3A_4534 : vector<64x128xi32>
        %shift_right_logical3A_4536 = arith.constant 6 : i32
        %shift_right_logical3A_4537 = vector.broadcast %shift_right_logical3A_4536 : i32 to vector<64x128xi32>
        %shift_right_logical3A_4538 = arith.shrui %xor3A_4531, %shift_right_logical3A_4537 : vector<64x128xi32>
        %or3A_4539 = arith.ori %shift_left3A_4535, %shift_right_logical3A_4538 : vector<64x128xi32>
        %xor3A_4540 = arith.xori %add3A_4532, %or3A_4539 : vector<64x128xi32>
        %add3A_4541 = arith.addi %add3A_4532, %xor3A_4540 : vector<64x128xi32>
        %shift_left3A_4542 = arith.constant 6 : i32
        %shift_left3A_4543 = vector.broadcast %shift_left3A_4542 : i32 to vector<64x128xi32>
        %shift_left3A_4544 = arith.shli %xor3A_4540, %shift_left3A_4543 : vector<64x128xi32>
        %shift_right_logical3A_4545 = arith.constant 26 : i32
        %shift_right_logical3A_4546 = vector.broadcast %shift_right_logical3A_4545 : i32 to vector<64x128xi32>
        %shift_right_logical3A_4547 = arith.shrui %xor3A_4540, %shift_right_logical3A_4546 : vector<64x128xi32>
        %or3A_4548 = arith.ori %shift_left3A_4544, %shift_right_logical3A_4547 : vector<64x128xi32>
        %xor3A_4549 = arith.xori %add3A_4541, %or3A_4548 : vector<64x128xi32>
        %add3A_4550 = arith.addi %add3A_4541, %xor3A_4347 : vector<64x128xi32>
        %add3A_4551 = arith.addi %xor3A_4549, %while3A_4124 : vector<64x128xi32>
        %add3A_4552 = arith.constant 5 : i32
        %add3A_4553 = vector.broadcast %add3A_4552 : i32 to vector<64x128xi32>
        %add3A_4554 = arith.addi %add3A_4551, %add3A_4553 : vector<64x128xi32>
        %broadcast_in_dim3A_4555 = arith.constant 0 : i32
        %broadcast_in_dim3A_4556 = vector.broadcast %broadcast_in_dim3A_4555 : i32 to vector<64x128xi32>
        %xor3A_4557 = arith.xori %add3A_4550, %add3A_4554 : vector<64x128xi32>
        %xor3A_4558 = arith.constant 466688986 : i32
        %xor3A_4559 = vector.broadcast %xor3A_4558 : i32 to vector<64x128xi32>
        %xor3A_4560 = arith.xori %xor3A_4557, %xor3A_4559 : vector<64x128xi32>
        %add3A_4561 = arith.addi %broadcast_in_dim3A_4556, %add3A_4550 : vector<64x128xi32>
        %add3A_4562 = arith.addi %broadcast_in_dim3A_4556, %add3A_4554 : vector<64x128xi32>
        %add3A_4563 = arith.addi %add3A_4561, %add3A_4562 : vector<64x128xi32>
        %shift_left3A_4564 = arith.constant 13 : i32
        %shift_left3A_4565 = vector.broadcast %shift_left3A_4564 : i32 to vector<64x128xi32>
        %shift_left3A_4566 = arith.shli %add3A_4562, %shift_left3A_4565 : vector<64x128xi32>
        %shift_right_logical3A_4567 = arith.constant 19 : i32
        %shift_right_logical3A_4568 = vector.broadcast %shift_right_logical3A_4567 : i32 to vector<64x128xi32>
        %shift_right_logical3A_4569 = arith.shrui %add3A_4562, %shift_right_logical3A_4568 : vector<64x128xi32>
        %or3A_4570 = arith.ori %shift_left3A_4566, %shift_right_logical3A_4569 : vector<64x128xi32>
        %xor3A_4571 = arith.xori %add3A_4563, %or3A_4570 : vector<64x128xi32>
        %add3A_4572 = arith.addi %add3A_4563, %xor3A_4571 : vector<64x128xi32>
        %shift_left3A_4573 = arith.constant 15 : i32
        %shift_left3A_4574 = vector.broadcast %shift_left3A_4573 : i32 to vector<64x128xi32>
        %shift_left3A_4575 = arith.shli %xor3A_4571, %shift_left3A_4574 : vector<64x128xi32>
        %shift_right_logical3A_4576 = arith.constant 17 : i32
        %shift_right_logical3A_4577 = vector.broadcast %shift_right_logical3A_4576 : i32 to vector<64x128xi32>
        %shift_right_logical3A_4578 = arith.shrui %xor3A_4571, %shift_right_logical3A_4577 : vector<64x128xi32>
        %or3A_4579 = arith.ori %shift_left3A_4575, %shift_right_logical3A_4578 : vector<64x128xi32>
        %xor3A_4580 = arith.xori %add3A_4572, %or3A_4579 : vector<64x128xi32>
        %add3A_4581 = arith.addi %add3A_4572, %xor3A_4580 : vector<64x128xi32>
        %shift_left3A_4582 = arith.constant 26 : i32
        %shift_left3A_4583 = vector.broadcast %shift_left3A_4582 : i32 to vector<64x128xi32>
        %shift_left3A_4584 = arith.shli %xor3A_4580, %shift_left3A_4583 : vector<64x128xi32>
        %shift_right_logical3A_4585 = arith.constant 6 : i32
        %shift_right_logical3A_4586 = vector.broadcast %shift_right_logical3A_4585 : i32 to vector<64x128xi32>
        %shift_right_logical3A_4587 = arith.shrui %xor3A_4580, %shift_right_logical3A_4586 : vector<64x128xi32>
        %or3A_4588 = arith.ori %shift_left3A_4584, %shift_right_logical3A_4587 : vector<64x128xi32>
        %xor3A_4589 = arith.xori %add3A_4581, %or3A_4588 : vector<64x128xi32>
        %add3A_4590 = arith.addi %add3A_4581, %xor3A_4589 : vector<64x128xi32>
        %shift_left3A_4591 = arith.constant 6 : i32
        %shift_left3A_4592 = vector.broadcast %shift_left3A_4591 : i32 to vector<64x128xi32>
        %shift_left3A_4593 = arith.shli %xor3A_4589, %shift_left3A_4592 : vector<64x128xi32>
        %shift_right_logical3A_4594 = arith.constant 26 : i32
        %shift_right_logical3A_4595 = vector.broadcast %shift_right_logical3A_4594 : i32 to vector<64x128xi32>
        %shift_right_logical3A_4596 = arith.shrui %xor3A_4589, %shift_right_logical3A_4595 : vector<64x128xi32>
        %or3A_4597 = arith.ori %shift_left3A_4593, %shift_right_logical3A_4596 : vector<64x128xi32>
        %xor3A_4598 = arith.xori %add3A_4590, %or3A_4597 : vector<64x128xi32>
        %add3A_4599 = arith.addi %add3A_4590, %add3A_4554 : vector<64x128xi32>
        %add3A_4600 = arith.addi %xor3A_4598, %xor3A_4560 : vector<64x128xi32>
        %add3A_4601 = arith.constant 1 : i32
        %add3A_4602 = vector.broadcast %add3A_4601 : i32 to vector<64x128xi32>
        %add3A_4603 = arith.addi %add3A_4600, %add3A_4602 : vector<64x128xi32>
        %add3A_4604 = arith.addi %add3A_4599, %add3A_4603 : vector<64x128xi32>
        %shift_left3A_4605 = arith.constant 17 : i32
        %shift_left3A_4606 = vector.broadcast %shift_left3A_4605 : i32 to vector<64x128xi32>
        %shift_left3A_4607 = arith.shli %add3A_4603, %shift_left3A_4606 : vector<64x128xi32>
        %shift_right_logical3A_4608 = arith.constant 15 : i32
        %shift_right_logical3A_4609 = vector.broadcast %shift_right_logical3A_4608 : i32 to vector<64x128xi32>
        %shift_right_logical3A_4610 = arith.shrui %add3A_4603, %shift_right_logical3A_4609 : vector<64x128xi32>
        %or3A_4611 = arith.ori %shift_left3A_4607, %shift_right_logical3A_4610 : vector<64x128xi32>
        %xor3A_4612 = arith.xori %add3A_4604, %or3A_4611 : vector<64x128xi32>
        %add3A_4613 = arith.addi %add3A_4604, %xor3A_4612 : vector<64x128xi32>
        %shift_left3A_4614 = arith.constant 29 : i32
        %shift_left3A_4615 = vector.broadcast %shift_left3A_4614 : i32 to vector<64x128xi32>
        %shift_left3A_4616 = arith.shli %xor3A_4612, %shift_left3A_4615 : vector<64x128xi32>
        %shift_right_logical3A_4617 = arith.constant 3 : i32
        %shift_right_logical3A_4618 = vector.broadcast %shift_right_logical3A_4617 : i32 to vector<64x128xi32>
        %shift_right_logical3A_4619 = arith.shrui %xor3A_4612, %shift_right_logical3A_4618 : vector<64x128xi32>
        %or3A_4620 = arith.ori %shift_left3A_4616, %shift_right_logical3A_4619 : vector<64x128xi32>
        %xor3A_4621 = arith.xori %add3A_4613, %or3A_4620 : vector<64x128xi32>
        %add3A_4622 = arith.addi %add3A_4613, %xor3A_4621 : vector<64x128xi32>
        %shift_left3A_4623 = arith.constant 16 : i32
        %shift_left3A_4624 = vector.broadcast %shift_left3A_4623 : i32 to vector<64x128xi32>
        %shift_left3A_4625 = arith.shli %xor3A_4621, %shift_left3A_4624 : vector<64x128xi32>
        %shift_right_logical3A_4626 = arith.constant 16 : i32
        %shift_right_logical3A_4627 = vector.broadcast %shift_right_logical3A_4626 : i32 to vector<64x128xi32>
        %shift_right_logical3A_4628 = arith.shrui %xor3A_4621, %shift_right_logical3A_4627 : vector<64x128xi32>
        %or3A_4629 = arith.ori %shift_left3A_4625, %shift_right_logical3A_4628 : vector<64x128xi32>
        %xor3A_4630 = arith.xori %add3A_4622, %or3A_4629 : vector<64x128xi32>
        %add3A_4631 = arith.addi %add3A_4622, %xor3A_4630 : vector<64x128xi32>
        %shift_left3A_4632 = arith.constant 24 : i32
        %shift_left3A_4633 = vector.broadcast %shift_left3A_4632 : i32 to vector<64x128xi32>
        %shift_left3A_4634 = arith.shli %xor3A_4630, %shift_left3A_4633 : vector<64x128xi32>
        %shift_right_logical3A_4635 = arith.constant 8 : i32
        %shift_right_logical3A_4636 = vector.broadcast %shift_right_logical3A_4635 : i32 to vector<64x128xi32>
        %shift_right_logical3A_4637 = arith.shrui %xor3A_4630, %shift_right_logical3A_4636 : vector<64x128xi32>
        %or3A_4638 = arith.ori %shift_left3A_4634, %shift_right_logical3A_4637 : vector<64x128xi32>
        %xor3A_4639 = arith.xori %add3A_4631, %or3A_4638 : vector<64x128xi32>
        %add3A_4640 = arith.addi %add3A_4631, %xor3A_4560 : vector<64x128xi32>
        %add3A_4641 = arith.addi %xor3A_4639, %add3A_4550 : vector<64x128xi32>
        %add3A_4642 = arith.constant 2 : i32
        %add3A_4643 = vector.broadcast %add3A_4642 : i32 to vector<64x128xi32>
        %add3A_4644 = arith.addi %add3A_4641, %add3A_4643 : vector<64x128xi32>
        %add3A_4645 = arith.addi %add3A_4640, %add3A_4644 : vector<64x128xi32>
        %shift_left3A_4646 = arith.constant 13 : i32
        %shift_left3A_4647 = vector.broadcast %shift_left3A_4646 : i32 to vector<64x128xi32>
        %shift_left3A_4648 = arith.shli %add3A_4644, %shift_left3A_4647 : vector<64x128xi32>
        %shift_right_logical3A_4649 = arith.constant 19 : i32
        %shift_right_logical3A_4650 = vector.broadcast %shift_right_logical3A_4649 : i32 to vector<64x128xi32>
        %shift_right_logical3A_4651 = arith.shrui %add3A_4644, %shift_right_logical3A_4650 : vector<64x128xi32>
        %or3A_4652 = arith.ori %shift_left3A_4648, %shift_right_logical3A_4651 : vector<64x128xi32>
        %xor3A_4653 = arith.xori %add3A_4645, %or3A_4652 : vector<64x128xi32>
        %add3A_4654 = arith.addi %add3A_4645, %xor3A_4653 : vector<64x128xi32>
        %shift_left3A_4655 = arith.constant 15 : i32
        %shift_left3A_4656 = vector.broadcast %shift_left3A_4655 : i32 to vector<64x128xi32>
        %shift_left3A_4657 = arith.shli %xor3A_4653, %shift_left3A_4656 : vector<64x128xi32>
        %shift_right_logical3A_4658 = arith.constant 17 : i32
        %shift_right_logical3A_4659 = vector.broadcast %shift_right_logical3A_4658 : i32 to vector<64x128xi32>
        %shift_right_logical3A_4660 = arith.shrui %xor3A_4653, %shift_right_logical3A_4659 : vector<64x128xi32>
        %or3A_4661 = arith.ori %shift_left3A_4657, %shift_right_logical3A_4660 : vector<64x128xi32>
        %xor3A_4662 = arith.xori %add3A_4654, %or3A_4661 : vector<64x128xi32>
        %add3A_4663 = arith.addi %add3A_4654, %xor3A_4662 : vector<64x128xi32>
        %shift_left3A_4664 = arith.constant 26 : i32
        %shift_left3A_4665 = vector.broadcast %shift_left3A_4664 : i32 to vector<64x128xi32>
        %shift_left3A_4666 = arith.shli %xor3A_4662, %shift_left3A_4665 : vector<64x128xi32>
        %shift_right_logical3A_4667 = arith.constant 6 : i32
        %shift_right_logical3A_4668 = vector.broadcast %shift_right_logical3A_4667 : i32 to vector<64x128xi32>
        %shift_right_logical3A_4669 = arith.shrui %xor3A_4662, %shift_right_logical3A_4668 : vector<64x128xi32>
        %or3A_4670 = arith.ori %shift_left3A_4666, %shift_right_logical3A_4669 : vector<64x128xi32>
        %xor3A_4671 = arith.xori %add3A_4663, %or3A_4670 : vector<64x128xi32>
        %add3A_4672 = arith.addi %add3A_4663, %xor3A_4671 : vector<64x128xi32>
        %shift_left3A_4673 = arith.constant 6 : i32
        %shift_left3A_4674 = vector.broadcast %shift_left3A_4673 : i32 to vector<64x128xi32>
        %shift_left3A_4675 = arith.shli %xor3A_4671, %shift_left3A_4674 : vector<64x128xi32>
        %shift_right_logical3A_4676 = arith.constant 26 : i32
        %shift_right_logical3A_4677 = vector.broadcast %shift_right_logical3A_4676 : i32 to vector<64x128xi32>
        %shift_right_logical3A_4678 = arith.shrui %xor3A_4671, %shift_right_logical3A_4677 : vector<64x128xi32>
        %or3A_4679 = arith.ori %shift_left3A_4675, %shift_right_logical3A_4678 : vector<64x128xi32>
        %xor3A_4680 = arith.xori %add3A_4672, %or3A_4679 : vector<64x128xi32>
        %add3A_4681 = arith.addi %add3A_4672, %add3A_4550 : vector<64x128xi32>
        %add3A_4682 = arith.addi %xor3A_4680, %add3A_4554 : vector<64x128xi32>
        %add3A_4683 = arith.constant 3 : i32
        %add3A_4684 = vector.broadcast %add3A_4683 : i32 to vector<64x128xi32>
        %add3A_4685 = arith.addi %add3A_4682, %add3A_4684 : vector<64x128xi32>
        %add3A_4686 = arith.addi %add3A_4681, %add3A_4685 : vector<64x128xi32>
        %shift_left3A_4687 = arith.constant 17 : i32
        %shift_left3A_4688 = vector.broadcast %shift_left3A_4687 : i32 to vector<64x128xi32>
        %shift_left3A_4689 = arith.shli %add3A_4685, %shift_left3A_4688 : vector<64x128xi32>
        %shift_right_logical3A_4690 = arith.constant 15 : i32
        %shift_right_logical3A_4691 = vector.broadcast %shift_right_logical3A_4690 : i32 to vector<64x128xi32>
        %shift_right_logical3A_4692 = arith.shrui %add3A_4685, %shift_right_logical3A_4691 : vector<64x128xi32>
        %or3A_4693 = arith.ori %shift_left3A_4689, %shift_right_logical3A_4692 : vector<64x128xi32>
        %xor3A_4694 = arith.xori %add3A_4686, %or3A_4693 : vector<64x128xi32>
        %add3A_4695 = arith.addi %add3A_4686, %xor3A_4694 : vector<64x128xi32>
        %shift_left3A_4696 = arith.constant 29 : i32
        %shift_left3A_4697 = vector.broadcast %shift_left3A_4696 : i32 to vector<64x128xi32>
        %shift_left3A_4698 = arith.shli %xor3A_4694, %shift_left3A_4697 : vector<64x128xi32>
        %shift_right_logical3A_4699 = arith.constant 3 : i32
        %shift_right_logical3A_4700 = vector.broadcast %shift_right_logical3A_4699 : i32 to vector<64x128xi32>
        %shift_right_logical3A_4701 = arith.shrui %xor3A_4694, %shift_right_logical3A_4700 : vector<64x128xi32>
        %or3A_4702 = arith.ori %shift_left3A_4698, %shift_right_logical3A_4701 : vector<64x128xi32>
        %xor3A_4703 = arith.xori %add3A_4695, %or3A_4702 : vector<64x128xi32>
        %add3A_4704 = arith.addi %add3A_4695, %xor3A_4703 : vector<64x128xi32>
        %shift_left3A_4705 = arith.constant 16 : i32
        %shift_left3A_4706 = vector.broadcast %shift_left3A_4705 : i32 to vector<64x128xi32>
        %shift_left3A_4707 = arith.shli %xor3A_4703, %shift_left3A_4706 : vector<64x128xi32>
        %shift_right_logical3A_4708 = arith.constant 16 : i32
        %shift_right_logical3A_4709 = vector.broadcast %shift_right_logical3A_4708 : i32 to vector<64x128xi32>
        %shift_right_logical3A_4710 = arith.shrui %xor3A_4703, %shift_right_logical3A_4709 : vector<64x128xi32>
        %or3A_4711 = arith.ori %shift_left3A_4707, %shift_right_logical3A_4710 : vector<64x128xi32>
        %xor3A_4712 = arith.xori %add3A_4704, %or3A_4711 : vector<64x128xi32>
        %add3A_4713 = arith.addi %add3A_4704, %xor3A_4712 : vector<64x128xi32>
        %shift_left3A_4714 = arith.constant 24 : i32
        %shift_left3A_4715 = vector.broadcast %shift_left3A_4714 : i32 to vector<64x128xi32>
        %shift_left3A_4716 = arith.shli %xor3A_4712, %shift_left3A_4715 : vector<64x128xi32>
        %shift_right_logical3A_4717 = arith.constant 8 : i32
        %shift_right_logical3A_4718 = vector.broadcast %shift_right_logical3A_4717 : i32 to vector<64x128xi32>
        %shift_right_logical3A_4719 = arith.shrui %xor3A_4712, %shift_right_logical3A_4718 : vector<64x128xi32>
        %or3A_4720 = arith.ori %shift_left3A_4716, %shift_right_logical3A_4719 : vector<64x128xi32>
        %xor3A_4721 = arith.xori %add3A_4713, %or3A_4720 : vector<64x128xi32>
        %add3A_4722 = arith.addi %add3A_4713, %add3A_4554 : vector<64x128xi32>
        %add3A_4723 = arith.addi %xor3A_4721, %xor3A_4560 : vector<64x128xi32>
        %add3A_4724 = arith.constant 4 : i32
        %add3A_4725 = vector.broadcast %add3A_4724 : i32 to vector<64x128xi32>
        %add3A_4726 = arith.addi %add3A_4723, %add3A_4725 : vector<64x128xi32>
        %add3A_4727 = arith.addi %add3A_4722, %add3A_4726 : vector<64x128xi32>
        %shift_left3A_4728 = arith.constant 13 : i32
        %shift_left3A_4729 = vector.broadcast %shift_left3A_4728 : i32 to vector<64x128xi32>
        %shift_left3A_4730 = arith.shli %add3A_4726, %shift_left3A_4729 : vector<64x128xi32>
        %shift_right_logical3A_4731 = arith.constant 19 : i32
        %shift_right_logical3A_4732 = vector.broadcast %shift_right_logical3A_4731 : i32 to vector<64x128xi32>
        %shift_right_logical3A_4733 = arith.shrui %add3A_4726, %shift_right_logical3A_4732 : vector<64x128xi32>
        %or3A_4734 = arith.ori %shift_left3A_4730, %shift_right_logical3A_4733 : vector<64x128xi32>
        %xor3A_4735 = arith.xori %add3A_4727, %or3A_4734 : vector<64x128xi32>
        %add3A_4736 = arith.addi %add3A_4727, %xor3A_4735 : vector<64x128xi32>
        %shift_left3A_4737 = arith.constant 15 : i32
        %shift_left3A_4738 = vector.broadcast %shift_left3A_4737 : i32 to vector<64x128xi32>
        %shift_left3A_4739 = arith.shli %xor3A_4735, %shift_left3A_4738 : vector<64x128xi32>
        %shift_right_logical3A_4740 = arith.constant 17 : i32
        %shift_right_logical3A_4741 = vector.broadcast %shift_right_logical3A_4740 : i32 to vector<64x128xi32>
        %shift_right_logical3A_4742 = arith.shrui %xor3A_4735, %shift_right_logical3A_4741 : vector<64x128xi32>
        %or3A_4743 = arith.ori %shift_left3A_4739, %shift_right_logical3A_4742 : vector<64x128xi32>
        %xor3A_4744 = arith.xori %add3A_4736, %or3A_4743 : vector<64x128xi32>
        %add3A_4745 = arith.addi %add3A_4736, %xor3A_4744 : vector<64x128xi32>
        %shift_left3A_4746 = arith.constant 26 : i32
        %shift_left3A_4747 = vector.broadcast %shift_left3A_4746 : i32 to vector<64x128xi32>
        %shift_left3A_4748 = arith.shli %xor3A_4744, %shift_left3A_4747 : vector<64x128xi32>
        %shift_right_logical3A_4749 = arith.constant 6 : i32
        %shift_right_logical3A_4750 = vector.broadcast %shift_right_logical3A_4749 : i32 to vector<64x128xi32>
        %shift_right_logical3A_4751 = arith.shrui %xor3A_4744, %shift_right_logical3A_4750 : vector<64x128xi32>
        %or3A_4752 = arith.ori %shift_left3A_4748, %shift_right_logical3A_4751 : vector<64x128xi32>
        %xor3A_4753 = arith.xori %add3A_4745, %or3A_4752 : vector<64x128xi32>
        %add3A_4754 = arith.addi %add3A_4745, %xor3A_4753 : vector<64x128xi32>
        %shift_left3A_4755 = arith.constant 6 : i32
        %shift_left3A_4756 = vector.broadcast %shift_left3A_4755 : i32 to vector<64x128xi32>
        %shift_left3A_4757 = arith.shli %xor3A_4753, %shift_left3A_4756 : vector<64x128xi32>
        %shift_right_logical3A_4758 = arith.constant 26 : i32
        %shift_right_logical3A_4759 = vector.broadcast %shift_right_logical3A_4758 : i32 to vector<64x128xi32>
        %shift_right_logical3A_4760 = arith.shrui %xor3A_4753, %shift_right_logical3A_4759 : vector<64x128xi32>
        %or3A_4761 = arith.ori %shift_left3A_4757, %shift_right_logical3A_4760 : vector<64x128xi32>
        %xor3A_4762 = arith.xori %add3A_4754, %or3A_4761 : vector<64x128xi32>
        %add3A_4763 = arith.addi %add3A_4754, %xor3A_4560 : vector<64x128xi32>
        %add3A_4764 = arith.addi %xor3A_4762, %add3A_4550 : vector<64x128xi32>
        %add3A_4765 = arith.constant 5 : i32
        %add3A_4766 = vector.broadcast %add3A_4765 : i32 to vector<64x128xi32>
        %add3A_4767 = arith.addi %add3A_4764, %add3A_4766 : vector<64x128xi32>
        %xor3A_4768 = arith.xori %add3A_4763, %add3A_4767 : vector<64x128xi32>
        %shift_right_logical3A_4769 = arith.constant 9 : i32
        %shift_right_logical3A_4770 = vector.broadcast %shift_right_logical3A_4769 : i32 to vector<64x128xi32>
        %shift_right_logical3A_4771 = arith.shrui %xor3A_4768, %shift_right_logical3A_4770 : vector<64x128xi32>
        %or3A_4772 = arith.constant 1065353216 : i32
        %or3A_4773 = vector.broadcast %or3A_4772 : i32 to vector<64x128xi32>
        %or3A_4774 = arith.ori %shift_right_logical3A_4771, %or3A_4773 : vector<64x128xi32>
        %bitcast_convert_type3A_4775 = tpu.bitcast %or3A_4774 : vector<64x128xi32> -> vector<64x128xf32>
        %sub3A_4776 = arith.constant 1.000000e+00 : f32
        %sub3A_4777 = vector.broadcast %sub3A_4776 : f32 to vector<64x128xf32>
        %sub3A_4778 = arith.subf %bitcast_convert_type3A_4775, %sub3A_4777 : vector<64x128xf32>
        %mul3A_4779 = arith.constant 2.000000e+00 : f32
        %mul3A_4780 = vector.broadcast %mul3A_4779 : f32 to vector<64x128xf32>
        %mul3A_4781 = arith.mulf %sub3A_4778, %mul3A_4780 : vector<64x128xf32>
        %add3A_4782 = arith.constant -0.99999994 : f32
        %add3A_4783 = vector.broadcast %add3A_4782 : f32 to vector<64x128xf32>
        %add3A_4784 = arith.addf %mul3A_4781, %add3A_4783 : vector<64x128xf32>
        %max3A_4785 = arith.constant -0.99999994 : f32
        %max3A_4786 = vector.broadcast %max3A_4785 : f32 to vector<64x128xf32>
        %max3A_4787 = arith.maximumf %max3A_4786, %add3A_4784 : vector<64x128xf32>
        %neg3A_4788 = arith.constant 0.000000e+00 : f32
        %neg3A_4789 = vector.broadcast %neg3A_4788 : f32 to vector<64x128xf32>
        %neg3A_4790 = arith.subf %neg3A_4789, %max3A_4787 : vector<64x128xf32>
        %mul3A_4791 = arith.mulf %neg3A_4790, %max3A_4787 : vector<64x128xf32>
        %log1p3A_4792 = math.log1p %mul3A_4791 : vector<64x128xf32>
        %neg3A_4793 = arith.constant 0.000000e+00 : f32
        %neg3A_4794 = vector.broadcast %neg3A_4793 : f32 to vector<64x128xf32>
        %neg3A_4795 = arith.subf %neg3A_4794, %log1p3A_4792 : vector<64x128xf32>
        %sub3A_4796 = arith.constant 2.500000e+00 : f32
        %sub3A_4797 = vector.broadcast %sub3A_4796 : f32 to vector<64x128xf32>
        %sub3A_4798 = arith.subf %neg3A_4795, %sub3A_4797 : vector<64x128xf32>
        %broadcast_in_dim3A_4799 = arith.constant 2.81022636E-8 : f32
        %broadcast_in_dim3A_4800 = vector.broadcast %broadcast_in_dim3A_4799 : f32 to vector<64x128xf32>
        %mul3A_4801 = arith.mulf %broadcast_in_dim3A_4800, %sub3A_4798 : vector<64x128xf32>
        %add3A_4802 = arith.constant 3.43273939E-7 : f32
        %add3A_4803 = vector.broadcast %add3A_4802 : f32 to vector<64x128xf32>
        %add3A_4804 = arith.addf %add3A_4803, %mul3A_4801 : vector<64x128xf32>
        %mul3A_4805 = arith.mulf %add3A_4804, %sub3A_4798 : vector<64x128xf32>
        %add3A_4806 = arith.constant -3.5233877E-6 : f32
        %add3A_4807 = vector.broadcast %add3A_4806 : f32 to vector<64x128xf32>
        %add3A_4808 = arith.addf %add3A_4807, %mul3A_4805 : vector<64x128xf32>
        %mul3A_4809 = arith.mulf %add3A_4808, %sub3A_4798 : vector<64x128xf32>
        %add3A_4810 = arith.constant -4.39150654E-6 : f32
        %add3A_4811 = vector.broadcast %add3A_4810 : f32 to vector<64x128xf32>
        %add3A_4812 = arith.addf %add3A_4811, %mul3A_4809 : vector<64x128xf32>
        %mul3A_4813 = arith.mulf %add3A_4812, %sub3A_4798 : vector<64x128xf32>
        %add3A_4814 = arith.constant 2.1858087E-4 : f32
        %add3A_4815 = vector.broadcast %add3A_4814 : f32 to vector<64x128xf32>
        %add3A_4816 = arith.addf %add3A_4815, %mul3A_4813 : vector<64x128xf32>
        %mul3A_4817 = arith.mulf %add3A_4816, %sub3A_4798 : vector<64x128xf32>
        %add3A_4818 = arith.constant -0.00125372503 : f32
        %add3A_4819 = vector.broadcast %add3A_4818 : f32 to vector<64x128xf32>
        %add3A_4820 = arith.addf %add3A_4819, %mul3A_4817 : vector<64x128xf32>
        %mul3A_4821 = arith.mulf %add3A_4820, %sub3A_4798 : vector<64x128xf32>
        %add3A_4822 = arith.constant -0.00417768164 : f32
        %add3A_4823 = vector.broadcast %add3A_4822 : f32 to vector<64x128xf32>
        %add3A_4824 = arith.addf %add3A_4823, %mul3A_4821 : vector<64x128xf32>
        %mul3A_4825 = arith.mulf %add3A_4824, %sub3A_4798 : vector<64x128xf32>
        %add3A_4826 = arith.constant 0.246640727 : f32
        %add3A_4827 = vector.broadcast %add3A_4826 : f32 to vector<64x128xf32>
        %add3A_4828 = arith.addf %add3A_4827, %mul3A_4825 : vector<64x128xf32>
        %mul3A_4829 = arith.mulf %add3A_4828, %sub3A_4798 : vector<64x128xf32>
        %add3A_4830 = arith.constant 1.50140941 : f32
        %add3A_4831 = vector.broadcast %add3A_4830 : f32 to vector<64x128xf32>
        %add3A_4832 = arith.addf %add3A_4831, %mul3A_4829 : vector<64x128xf32>
        %sqrt3A_4833 = math.sqrt %neg3A_4795 : vector<64x128xf32>
        %sub3A_4834 = arith.constant 3.000000e+00 : f32
        %sub3A_4835 = vector.broadcast %sub3A_4834 : f32 to vector<64x128xf32>
        %sub3A_4836 = arith.subf %sqrt3A_4833, %sub3A_4835 : vector<64x128xf32>
        %broadcast_in_dim3A_4837 = arith.constant -2.00214257E-4 : f32
        %broadcast_in_dim3A_4838 = vector.broadcast %broadcast_in_dim3A_4837 : f32 to vector<64x128xf32>
        %mul3A_4839 = arith.mulf %broadcast_in_dim3A_4838, %sub3A_4836 : vector<64x128xf32>
        %add3A_4840 = arith.constant 1.00950558E-4 : f32
        %add3A_4841 = vector.broadcast %add3A_4840 : f32 to vector<64x128xf32>
        %add3A_4842 = arith.addf %add3A_4841, %mul3A_4839 : vector<64x128xf32>
        %mul3A_4843 = arith.mulf %add3A_4842, %sub3A_4836 : vector<64x128xf32>
        %add3A_4844 = arith.constant 0.00134934322 : f32
        %add3A_4845 = vector.broadcast %add3A_4844 : f32 to vector<64x128xf32>
        %add3A_4846 = arith.addf %add3A_4845, %mul3A_4843 : vector<64x128xf32>
        %mul3A_4847 = arith.mulf %add3A_4846, %sub3A_4836 : vector<64x128xf32>
        %add3A_4848 = arith.constant -0.00367342844 : f32
        %add3A_4849 = vector.broadcast %add3A_4848 : f32 to vector<64x128xf32>
        %add3A_4850 = arith.addf %add3A_4849, %mul3A_4847 : vector<64x128xf32>
        %mul3A_4851 = arith.mulf %add3A_4850, %sub3A_4836 : vector<64x128xf32>
        %add3A_4852 = arith.constant 0.00573950773 : f32
        %add3A_4853 = vector.broadcast %add3A_4852 : f32 to vector<64x128xf32>
        %add3A_4854 = arith.addf %add3A_4853, %mul3A_4851 : vector<64x128xf32>
        %mul3A_4855 = arith.mulf %add3A_4854, %sub3A_4836 : vector<64x128xf32>
        %add3A_4856 = arith.constant -0.0076224613 : f32
        %add3A_4857 = vector.broadcast %add3A_4856 : f32 to vector<64x128xf32>
        %add3A_4858 = arith.addf %add3A_4857, %mul3A_4855 : vector<64x128xf32>
        %mul3A_4859 = arith.mulf %add3A_4858, %sub3A_4836 : vector<64x128xf32>
        %add3A_4860 = arith.constant 0.00943887047 : f32
        %add3A_4861 = vector.broadcast %add3A_4860 : f32 to vector<64x128xf32>
        %add3A_4862 = arith.addf %add3A_4861, %mul3A_4859 : vector<64x128xf32>
        %mul3A_4863 = arith.mulf %add3A_4862, %sub3A_4836 : vector<64x128xf32>
        %add3A_4864 = arith.constant 1.00167406 : f32
        %add3A_4865 = vector.broadcast %add3A_4864 : f32 to vector<64x128xf32>
        %add3A_4866 = arith.addf %add3A_4865, %mul3A_4863 : vector<64x128xf32>
        %mul3A_4867 = arith.mulf %add3A_4866, %sub3A_4836 : vector<64x128xf32>
        %add3A_4868 = arith.constant 2.83297682 : f32
        %add3A_4869 = vector.broadcast %add3A_4868 : f32 to vector<64x128xf32>
        %add3A_4870 = arith.addf %add3A_4869, %mul3A_4867 : vector<64x128xf32>
        %lt3A_4871 = arith.constant 5.000000e+00 : f32
        %lt3A_4872 = vector.broadcast %lt3A_4871 : f32 to vector<64x128xf32>
        %lt3A_4873 = arith.cmpf olt, %neg3A_4795, %lt3A_4872 : vector<64x128xf32>
        %select_n3A_4874 = arith.select %lt3A_4873, %add3A_4832, %add3A_4870 : vector<64x128xi1>, vector<64x128xf32>
        %mul3A_4875 = arith.mulf %select_n3A_4874, %max3A_4787 : vector<64x128xf32>
        %mul3A_4876 = arith.constant 1.41421354 : f32
        %mul3A_4877 = vector.broadcast %mul3A_4876 : f32 to vector<64x128xf32>
        %mul3A_4878 = arith.mulf %mul3A_4877, %mul3A_4875 : vector<64x128xf32>
        %mul3A_4879 = arith.mulf %mul3A_4878, %div3A_1325 : vector<64x128xf32>
        %add3A_4880 = arith.constant 1.000000e+00 : f32
        %add3A_4881 = vector.broadcast %add3A_4880 : f32 to vector<64x128xf32>
        %add3A_4882 = arith.addf %add3A_4881, %mul3A_4879 : vector<64x128xf32>
        %select_n3A_4883 = arith.select %le3A_4129, %add3A_4336, %while3A_4124 : vector<64x128xi1>, vector<64x128xi32>
        %select_n3A_4884 = arith.select %le3A_4129, %add3A_4340, %while3A_4125 : vector<64x128xi1>, vector<64x128xi32>
        %select_n3A_4885 = arith.select %le3A_4129, %mul3A_4878, %while3A_4126 : vector<64x128xi1>, vector<64x128xf32>
        %select_n3A_4886 = arith.select %le3A_4129, %add3A_4882, %while3A_4127 : vector<64x128xi1>, vector<64x128xf32>
        scf.yield %select_n3A_4883, %select_n3A_4884, %select_n3A_4885, %select_n3A_4886 : vector<64x128xi32>, vector<64x128xi32>, vector<64x128xf32>, vector<64x128xf32>
      }
      %mul3A_3892 = arith.mulf %while3A_3891#2, %while3A_3891#2 : vector<64x128xf32>
      %mul3A_3893 = arith.mulf %while3A_3891#3, %while3A_3891#3 : vector<64x128xf32>
      %mul3A_3894 = arith.mulf %mul3A_3893, %while3A_3891#3 : vector<64x128xf32>
      %broadcast_in_dim3A_3895 = arith.constant 0 : i32
      %broadcast_in_dim3A_3896 = vector.broadcast %broadcast_in_dim3A_3895 : i32 to vector<64x128xi32>
      %xor3A_3897 = arith.xori %add3A_3882, %add3A_3886 : vector<64x128xi32>
      %xor3A_3898 = arith.constant 466688986 : i32
      %xor3A_3899 = vector.broadcast %xor3A_3898 : i32 to vector<64x128xi32>
      %xor3A_3900 = arith.xori %xor3A_3897, %xor3A_3899 : vector<64x128xi32>
      %add3A_3901 = arith.addi %broadcast_in_dim3A_3896, %add3A_3882 : vector<64x128xi32>
      %add3A_3902 = arith.addi %broadcast_in_dim3A_3896, %add3A_3886 : vector<64x128xi32>
      %add3A_3903 = arith.addi %add3A_3901, %add3A_3902 : vector<64x128xi32>
      %shift_left3A_3904 = arith.constant 13 : i32
      %shift_left3A_3905 = vector.broadcast %shift_left3A_3904 : i32 to vector<64x128xi32>
      %shift_left3A_3906 = arith.shli %add3A_3902, %shift_left3A_3905 : vector<64x128xi32>
      %shift_right_logical3A_3907 = arith.constant 19 : i32
      %shift_right_logical3A_3908 = vector.broadcast %shift_right_logical3A_3907 : i32 to vector<64x128xi32>
      %shift_right_logical3A_3909 = arith.shrui %add3A_3902, %shift_right_logical3A_3908 : vector<64x128xi32>
      %or3A_3910 = arith.ori %shift_left3A_3906, %shift_right_logical3A_3909 : vector<64x128xi32>
      %xor3A_3911 = arith.xori %add3A_3903, %or3A_3910 : vector<64x128xi32>
      %add3A_3912 = arith.addi %add3A_3903, %xor3A_3911 : vector<64x128xi32>
      %shift_left3A_3913 = arith.constant 15 : i32
      %shift_left3A_3914 = vector.broadcast %shift_left3A_3913 : i32 to vector<64x128xi32>
      %shift_left3A_3915 = arith.shli %xor3A_3911, %shift_left3A_3914 : vector<64x128xi32>
      %shift_right_logical3A_3916 = arith.constant 17 : i32
      %shift_right_logical3A_3917 = vector.broadcast %shift_right_logical3A_3916 : i32 to vector<64x128xi32>
      %shift_right_logical3A_3918 = arith.shrui %xor3A_3911, %shift_right_logical3A_3917 : vector<64x128xi32>
      %or3A_3919 = arith.ori %shift_left3A_3915, %shift_right_logical3A_3918 : vector<64x128xi32>
      %xor3A_3920 = arith.xori %add3A_3912, %or3A_3919 : vector<64x128xi32>
      %add3A_3921 = arith.addi %add3A_3912, %xor3A_3920 : vector<64x128xi32>
      %shift_left3A_3922 = arith.constant 26 : i32
      %shift_left3A_3923 = vector.broadcast %shift_left3A_3922 : i32 to vector<64x128xi32>
      %shift_left3A_3924 = arith.shli %xor3A_3920, %shift_left3A_3923 : vector<64x128xi32>
      %shift_right_logical3A_3925 = arith.constant 6 : i32
      %shift_right_logical3A_3926 = vector.broadcast %shift_right_logical3A_3925 : i32 to vector<64x128xi32>
      %shift_right_logical3A_3927 = arith.shrui %xor3A_3920, %shift_right_logical3A_3926 : vector<64x128xi32>
      %or3A_3928 = arith.ori %shift_left3A_3924, %shift_right_logical3A_3927 : vector<64x128xi32>
      %xor3A_3929 = arith.xori %add3A_3921, %or3A_3928 : vector<64x128xi32>
      %add3A_3930 = arith.addi %add3A_3921, %xor3A_3929 : vector<64x128xi32>
      %shift_left3A_3931 = arith.constant 6 : i32
      %shift_left3A_3932 = vector.broadcast %shift_left3A_3931 : i32 to vector<64x128xi32>
      %shift_left3A_3933 = arith.shli %xor3A_3929, %shift_left3A_3932 : vector<64x128xi32>
      %shift_right_logical3A_3934 = arith.constant 26 : i32
      %shift_right_logical3A_3935 = vector.broadcast %shift_right_logical3A_3934 : i32 to vector<64x128xi32>
      %shift_right_logical3A_3936 = arith.shrui %xor3A_3929, %shift_right_logical3A_3935 : vector<64x128xi32>
      %or3A_3937 = arith.ori %shift_left3A_3933, %shift_right_logical3A_3936 : vector<64x128xi32>
      %xor3A_3938 = arith.xori %add3A_3930, %or3A_3937 : vector<64x128xi32>
      %add3A_3939 = arith.addi %add3A_3930, %add3A_3886 : vector<64x128xi32>
      %add3A_3940 = arith.addi %xor3A_3938, %xor3A_3900 : vector<64x128xi32>
      %add3A_3941 = arith.constant 1 : i32
      %add3A_3942 = vector.broadcast %add3A_3941 : i32 to vector<64x128xi32>
      %add3A_3943 = arith.addi %add3A_3940, %add3A_3942 : vector<64x128xi32>
      %add3A_3944 = arith.addi %add3A_3939, %add3A_3943 : vector<64x128xi32>
      %shift_left3A_3945 = arith.constant 17 : i32
      %shift_left3A_3946 = vector.broadcast %shift_left3A_3945 : i32 to vector<64x128xi32>
      %shift_left3A_3947 = arith.shli %add3A_3943, %shift_left3A_3946 : vector<64x128xi32>
      %shift_right_logical3A_3948 = arith.constant 15 : i32
      %shift_right_logical3A_3949 = vector.broadcast %shift_right_logical3A_3948 : i32 to vector<64x128xi32>
      %shift_right_logical3A_3950 = arith.shrui %add3A_3943, %shift_right_logical3A_3949 : vector<64x128xi32>
      %or3A_3951 = arith.ori %shift_left3A_3947, %shift_right_logical3A_3950 : vector<64x128xi32>
      %xor3A_3952 = arith.xori %add3A_3944, %or3A_3951 : vector<64x128xi32>
      %add3A_3953 = arith.addi %add3A_3944, %xor3A_3952 : vector<64x128xi32>
      %shift_left3A_3954 = arith.constant 29 : i32
      %shift_left3A_3955 = vector.broadcast %shift_left3A_3954 : i32 to vector<64x128xi32>
      %shift_left3A_3956 = arith.shli %xor3A_3952, %shift_left3A_3955 : vector<64x128xi32>
      %shift_right_logical3A_3957 = arith.constant 3 : i32
      %shift_right_logical3A_3958 = vector.broadcast %shift_right_logical3A_3957 : i32 to vector<64x128xi32>
      %shift_right_logical3A_3959 = arith.shrui %xor3A_3952, %shift_right_logical3A_3958 : vector<64x128xi32>
      %or3A_3960 = arith.ori %shift_left3A_3956, %shift_right_logical3A_3959 : vector<64x128xi32>
      %xor3A_3961 = arith.xori %add3A_3953, %or3A_3960 : vector<64x128xi32>
      %add3A_3962 = arith.addi %add3A_3953, %xor3A_3961 : vector<64x128xi32>
      %shift_left3A_3963 = arith.constant 16 : i32
      %shift_left3A_3964 = vector.broadcast %shift_left3A_3963 : i32 to vector<64x128xi32>
      %shift_left3A_3965 = arith.shli %xor3A_3961, %shift_left3A_3964 : vector<64x128xi32>
      %shift_right_logical3A_3966 = arith.constant 16 : i32
      %shift_right_logical3A_3967 = vector.broadcast %shift_right_logical3A_3966 : i32 to vector<64x128xi32>
      %shift_right_logical3A_3968 = arith.shrui %xor3A_3961, %shift_right_logical3A_3967 : vector<64x128xi32>
      %or3A_3969 = arith.ori %shift_left3A_3965, %shift_right_logical3A_3968 : vector<64x128xi32>
      %xor3A_3970 = arith.xori %add3A_3962, %or3A_3969 : vector<64x128xi32>
      %add3A_3971 = arith.addi %add3A_3962, %xor3A_3970 : vector<64x128xi32>
      %shift_left3A_3972 = arith.constant 24 : i32
      %shift_left3A_3973 = vector.broadcast %shift_left3A_3972 : i32 to vector<64x128xi32>
      %shift_left3A_3974 = arith.shli %xor3A_3970, %shift_left3A_3973 : vector<64x128xi32>
      %shift_right_logical3A_3975 = arith.constant 8 : i32
      %shift_right_logical3A_3976 = vector.broadcast %shift_right_logical3A_3975 : i32 to vector<64x128xi32>
      %shift_right_logical3A_3977 = arith.shrui %xor3A_3970, %shift_right_logical3A_3976 : vector<64x128xi32>
      %or3A_3978 = arith.ori %shift_left3A_3974, %shift_right_logical3A_3977 : vector<64x128xi32>
      %xor3A_3979 = arith.xori %add3A_3971, %or3A_3978 : vector<64x128xi32>
      %add3A_3980 = arith.addi %add3A_3971, %xor3A_3900 : vector<64x128xi32>
      %add3A_3981 = arith.addi %xor3A_3979, %add3A_3882 : vector<64x128xi32>
      %add3A_3982 = arith.constant 2 : i32
      %add3A_3983 = vector.broadcast %add3A_3982 : i32 to vector<64x128xi32>
      %add3A_3984 = arith.addi %add3A_3981, %add3A_3983 : vector<64x128xi32>
      %add3A_3985 = arith.addi %add3A_3980, %add3A_3984 : vector<64x128xi32>
      %shift_left3A_3986 = arith.constant 13 : i32
      %shift_left3A_3987 = vector.broadcast %shift_left3A_3986 : i32 to vector<64x128xi32>
      %shift_left3A_3988 = arith.shli %add3A_3984, %shift_left3A_3987 : vector<64x128xi32>
      %shift_right_logical3A_3989 = arith.constant 19 : i32
      %shift_right_logical3A_3990 = vector.broadcast %shift_right_logical3A_3989 : i32 to vector<64x128xi32>
      %shift_right_logical3A_3991 = arith.shrui %add3A_3984, %shift_right_logical3A_3990 : vector<64x128xi32>
      %or3A_3992 = arith.ori %shift_left3A_3988, %shift_right_logical3A_3991 : vector<64x128xi32>
      %xor3A_3993 = arith.xori %add3A_3985, %or3A_3992 : vector<64x128xi32>
      %add3A_3994 = arith.addi %add3A_3985, %xor3A_3993 : vector<64x128xi32>
      %shift_left3A_3995 = arith.constant 15 : i32
      %shift_left3A_3996 = vector.broadcast %shift_left3A_3995 : i32 to vector<64x128xi32>
      %shift_left3A_3997 = arith.shli %xor3A_3993, %shift_left3A_3996 : vector<64x128xi32>
      %shift_right_logical3A_3998 = arith.constant 17 : i32
      %shift_right_logical3A_3999 = vector.broadcast %shift_right_logical3A_3998 : i32 to vector<64x128xi32>
      %shift_right_logical3A_4000 = arith.shrui %xor3A_3993, %shift_right_logical3A_3999 : vector<64x128xi32>
      %or3A_4001 = arith.ori %shift_left3A_3997, %shift_right_logical3A_4000 : vector<64x128xi32>
      %xor3A_4002 = arith.xori %add3A_3994, %or3A_4001 : vector<64x128xi32>
      %add3A_4003 = arith.addi %add3A_3994, %xor3A_4002 : vector<64x128xi32>
      %shift_left3A_4004 = arith.constant 26 : i32
      %shift_left3A_4005 = vector.broadcast %shift_left3A_4004 : i32 to vector<64x128xi32>
      %shift_left3A_4006 = arith.shli %xor3A_4002, %shift_left3A_4005 : vector<64x128xi32>
      %shift_right_logical3A_4007 = arith.constant 6 : i32
      %shift_right_logical3A_4008 = vector.broadcast %shift_right_logical3A_4007 : i32 to vector<64x128xi32>
      %shift_right_logical3A_4009 = arith.shrui %xor3A_4002, %shift_right_logical3A_4008 : vector<64x128xi32>
      %or3A_4010 = arith.ori %shift_left3A_4006, %shift_right_logical3A_4009 : vector<64x128xi32>
      %xor3A_4011 = arith.xori %add3A_4003, %or3A_4010 : vector<64x128xi32>
      %add3A_4012 = arith.addi %add3A_4003, %xor3A_4011 : vector<64x128xi32>
      %shift_left3A_4013 = arith.constant 6 : i32
      %shift_left3A_4014 = vector.broadcast %shift_left3A_4013 : i32 to vector<64x128xi32>
      %shift_left3A_4015 = arith.shli %xor3A_4011, %shift_left3A_4014 : vector<64x128xi32>
      %shift_right_logical3A_4016 = arith.constant 26 : i32
      %shift_right_logical3A_4017 = vector.broadcast %shift_right_logical3A_4016 : i32 to vector<64x128xi32>
      %shift_right_logical3A_4018 = arith.shrui %xor3A_4011, %shift_right_logical3A_4017 : vector<64x128xi32>
      %or3A_4019 = arith.ori %shift_left3A_4015, %shift_right_logical3A_4018 : vector<64x128xi32>
      %xor3A_4020 = arith.xori %add3A_4012, %or3A_4019 : vector<64x128xi32>
      %add3A_4021 = arith.addi %add3A_4012, %add3A_3882 : vector<64x128xi32>
      %add3A_4022 = arith.addi %xor3A_4020, %add3A_3886 : vector<64x128xi32>
      %add3A_4023 = arith.constant 3 : i32
      %add3A_4024 = vector.broadcast %add3A_4023 : i32 to vector<64x128xi32>
      %add3A_4025 = arith.addi %add3A_4022, %add3A_4024 : vector<64x128xi32>
      %add3A_4026 = arith.addi %add3A_4021, %add3A_4025 : vector<64x128xi32>
      %shift_left3A_4027 = arith.constant 17 : i32
      %shift_left3A_4028 = vector.broadcast %shift_left3A_4027 : i32 to vector<64x128xi32>
      %shift_left3A_4029 = arith.shli %add3A_4025, %shift_left3A_4028 : vector<64x128xi32>
      %shift_right_logical3A_4030 = arith.constant 15 : i32
      %shift_right_logical3A_4031 = vector.broadcast %shift_right_logical3A_4030 : i32 to vector<64x128xi32>
      %shift_right_logical3A_4032 = arith.shrui %add3A_4025, %shift_right_logical3A_4031 : vector<64x128xi32>
      %or3A_4033 = arith.ori %shift_left3A_4029, %shift_right_logical3A_4032 : vector<64x128xi32>
      %xor3A_4034 = arith.xori %add3A_4026, %or3A_4033 : vector<64x128xi32>
      %add3A_4035 = arith.addi %add3A_4026, %xor3A_4034 : vector<64x128xi32>
      %shift_left3A_4036 = arith.constant 29 : i32
      %shift_left3A_4037 = vector.broadcast %shift_left3A_4036 : i32 to vector<64x128xi32>
      %shift_left3A_4038 = arith.shli %xor3A_4034, %shift_left3A_4037 : vector<64x128xi32>
      %shift_right_logical3A_4039 = arith.constant 3 : i32
      %shift_right_logical3A_4040 = vector.broadcast %shift_right_logical3A_4039 : i32 to vector<64x128xi32>
      %shift_right_logical3A_4041 = arith.shrui %xor3A_4034, %shift_right_logical3A_4040 : vector<64x128xi32>
      %or3A_4042 = arith.ori %shift_left3A_4038, %shift_right_logical3A_4041 : vector<64x128xi32>
      %xor3A_4043 = arith.xori %add3A_4035, %or3A_4042 : vector<64x128xi32>
      %add3A_4044 = arith.addi %add3A_4035, %xor3A_4043 : vector<64x128xi32>
      %shift_left3A_4045 = arith.constant 16 : i32
      %shift_left3A_4046 = vector.broadcast %shift_left3A_4045 : i32 to vector<64x128xi32>
      %shift_left3A_4047 = arith.shli %xor3A_4043, %shift_left3A_4046 : vector<64x128xi32>
      %shift_right_logical3A_4048 = arith.constant 16 : i32
      %shift_right_logical3A_4049 = vector.broadcast %shift_right_logical3A_4048 : i32 to vector<64x128xi32>
      %shift_right_logical3A_4050 = arith.shrui %xor3A_4043, %shift_right_logical3A_4049 : vector<64x128xi32>
      %or3A_4051 = arith.ori %shift_left3A_4047, %shift_right_logical3A_4050 : vector<64x128xi32>
      %xor3A_4052 = arith.xori %add3A_4044, %or3A_4051 : vector<64x128xi32>
      %add3A_4053 = arith.addi %add3A_4044, %xor3A_4052 : vector<64x128xi32>
      %shift_left3A_4054 = arith.constant 24 : i32
      %shift_left3A_4055 = vector.broadcast %shift_left3A_4054 : i32 to vector<64x128xi32>
      %shift_left3A_4056 = arith.shli %xor3A_4052, %shift_left3A_4055 : vector<64x128xi32>
      %shift_right_logical3A_4057 = arith.constant 8 : i32
      %shift_right_logical3A_4058 = vector.broadcast %shift_right_logical3A_4057 : i32 to vector<64x128xi32>
      %shift_right_logical3A_4059 = arith.shrui %xor3A_4052, %shift_right_logical3A_4058 : vector<64x128xi32>
      %or3A_4060 = arith.ori %shift_left3A_4056, %shift_right_logical3A_4059 : vector<64x128xi32>
      %xor3A_4061 = arith.xori %add3A_4053, %or3A_4060 : vector<64x128xi32>
      %add3A_4062 = arith.addi %add3A_4053, %add3A_3886 : vector<64x128xi32>
      %add3A_4063 = arith.addi %xor3A_4061, %xor3A_3900 : vector<64x128xi32>
      %add3A_4064 = arith.constant 4 : i32
      %add3A_4065 = vector.broadcast %add3A_4064 : i32 to vector<64x128xi32>
      %add3A_4066 = arith.addi %add3A_4063, %add3A_4065 : vector<64x128xi32>
      %add3A_4067 = arith.addi %add3A_4062, %add3A_4066 : vector<64x128xi32>
      %shift_left3A_4068 = arith.constant 13 : i32
      %shift_left3A_4069 = vector.broadcast %shift_left3A_4068 : i32 to vector<64x128xi32>
      %shift_left3A_4070 = arith.shli %add3A_4066, %shift_left3A_4069 : vector<64x128xi32>
      %shift_right_logical3A_4071 = arith.constant 19 : i32
      %shift_right_logical3A_4072 = vector.broadcast %shift_right_logical3A_4071 : i32 to vector<64x128xi32>
      %shift_right_logical3A_4073 = arith.shrui %add3A_4066, %shift_right_logical3A_4072 : vector<64x128xi32>
      %or3A_4074 = arith.ori %shift_left3A_4070, %shift_right_logical3A_4073 : vector<64x128xi32>
      %xor3A_4075 = arith.xori %add3A_4067, %or3A_4074 : vector<64x128xi32>
      %add3A_4076 = arith.addi %add3A_4067, %xor3A_4075 : vector<64x128xi32>
      %shift_left3A_4077 = arith.constant 15 : i32
      %shift_left3A_4078 = vector.broadcast %shift_left3A_4077 : i32 to vector<64x128xi32>
      %shift_left3A_4079 = arith.shli %xor3A_4075, %shift_left3A_4078 : vector<64x128xi32>
      %shift_right_logical3A_4080 = arith.constant 17 : i32
      %shift_right_logical3A_4081 = vector.broadcast %shift_right_logical3A_4080 : i32 to vector<64x128xi32>
      %shift_right_logical3A_4082 = arith.shrui %xor3A_4075, %shift_right_logical3A_4081 : vector<64x128xi32>
      %or3A_4083 = arith.ori %shift_left3A_4079, %shift_right_logical3A_4082 : vector<64x128xi32>
      %xor3A_4084 = arith.xori %add3A_4076, %or3A_4083 : vector<64x128xi32>
      %add3A_4085 = arith.addi %add3A_4076, %xor3A_4084 : vector<64x128xi32>
      %shift_left3A_4086 = arith.constant 26 : i32
      %shift_left3A_4087 = vector.broadcast %shift_left3A_4086 : i32 to vector<64x128xi32>
      %shift_left3A_4088 = arith.shli %xor3A_4084, %shift_left3A_4087 : vector<64x128xi32>
      %shift_right_logical3A_4089 = arith.constant 6 : i32
      %shift_right_logical3A_4090 = vector.broadcast %shift_right_logical3A_4089 : i32 to vector<64x128xi32>
      %shift_right_logical3A_4091 = arith.shrui %xor3A_4084, %shift_right_logical3A_4090 : vector<64x128xi32>
      %or3A_4092 = arith.ori %shift_left3A_4088, %shift_right_logical3A_4091 : vector<64x128xi32>
      %xor3A_4093 = arith.xori %add3A_4085, %or3A_4092 : vector<64x128xi32>
      %add3A_4094 = arith.addi %add3A_4085, %xor3A_4093 : vector<64x128xi32>
      %shift_left3A_4095 = arith.constant 6 : i32
      %shift_left3A_4096 = vector.broadcast %shift_left3A_4095 : i32 to vector<64x128xi32>
      %shift_left3A_4097 = arith.shli %xor3A_4093, %shift_left3A_4096 : vector<64x128xi32>
      %shift_right_logical3A_4098 = arith.constant 26 : i32
      %shift_right_logical3A_4099 = vector.broadcast %shift_right_logical3A_4098 : i32 to vector<64x128xi32>
      %shift_right_logical3A_4100 = arith.shrui %xor3A_4093, %shift_right_logical3A_4099 : vector<64x128xi32>
      %or3A_4101 = arith.ori %shift_left3A_4097, %shift_right_logical3A_4100 : vector<64x128xi32>
      %xor3A_4102 = arith.xori %add3A_4094, %or3A_4101 : vector<64x128xi32>
      %add3A_4103 = arith.addi %add3A_4094, %xor3A_3900 : vector<64x128xi32>
      %add3A_4104 = arith.addi %xor3A_4102, %add3A_3882 : vector<64x128xi32>
      %add3A_4105 = arith.constant 5 : i32
      %add3A_4106 = vector.broadcast %add3A_4105 : i32 to vector<64x128xi32>
      %add3A_4107 = arith.addi %add3A_4104, %add3A_4106 : vector<64x128xi32>
      %xor3A_4108 = arith.xori %add3A_4103, %add3A_4107 : vector<64x128xi32>
      %shift_right_logical3A_4109 = arith.constant 9 : i32
      %shift_right_logical3A_4110 = vector.broadcast %shift_right_logical3A_4109 : i32 to vector<64x128xi32>
      %shift_right_logical3A_4111 = arith.shrui %xor3A_4108, %shift_right_logical3A_4110 : vector<64x128xi32>
      %or3A_4112 = arith.constant 1065353216 : i32
      %or3A_4113 = vector.broadcast %or3A_4112 : i32 to vector<64x128xi32>
      %or3A_4114 = arith.ori %shift_right_logical3A_4111, %or3A_4113 : vector<64x128xi32>
      %bitcast_convert_type3A_4115 = tpu.bitcast %or3A_4114 : vector<64x128xi32> -> vector<64x128xf32>
      %sub3A_4116 = arith.constant 1.000000e+00 : f32
      %sub3A_4117 = vector.broadcast %sub3A_4116 : f32 to vector<64x128xf32>
      %sub3A_4118 = arith.subf %bitcast_convert_type3A_4115, %sub3A_4117 : vector<64x128xf32>
      %select_n3A_4119 = arith.select %and3A, %add3A_3454, %while3A_3223 : vector<64x128xi1>, vector<64x128xi32>
      %select_n3A_4120 = arith.select %and3A, %add3A_3458, %while3A_3224 : vector<64x128xi1>, vector<64x128xi32>
      %select_n3A_4121 = arith.select %and3A, %mul3A_3892, %while3A_3225 : vector<64x128xi1>, vector<64x128xf32>
      %select_n3A_4122 = arith.select %and3A, %mul3A_3894, %while3A_3226 : vector<64x128xi1>, vector<64x128xf32>
      %select_n3A_4123 = arith.select %and3A, %sub3A_4118, %while3A_3227 : vector<64x128xi1>, vector<64x128xf32>
      scf.yield %select_n3A_4119, %select_n3A_4120, %select_n3A_4121, %select_n3A_4122, %select_n3A_4123 : vector<64x128xi32>, vector<64x128xi32>, vector<64x128xf32>, vector<64x128xf32>, vector<64x128xf32>
    }
    %broadcast_in_dim3A_2942 = arith.constant 0 : i32
    %broadcast_in_dim3A_2943 = vector.broadcast %broadcast_in_dim3A_2942 : i32 to vector<64x128xi32>
    %xor3A_2944 = arith.xori %add3A_1309, %add3A_1313 : vector<64x128xi32>
    %xor3A_2945 = arith.constant 466688986 : i32
    %xor3A_2946 = vector.broadcast %xor3A_2945 : i32 to vector<64x128xi32>
    %xor3A_2947 = arith.xori %xor3A_2944, %xor3A_2946 : vector<64x128xi32>
    %add3A_2948 = arith.addi %broadcast_in_dim3A_2943, %add3A_1309 : vector<64x128xi32>
    %add3A_2949 = arith.addi %broadcast_in_dim3A_2943, %add3A_1313 : vector<64x128xi32>
    %add3A_2950 = arith.addi %add3A_2948, %add3A_2949 : vector<64x128xi32>
    %shift_left3A_2951 = arith.constant 13 : i32
    %shift_left3A_2952 = vector.broadcast %shift_left3A_2951 : i32 to vector<64x128xi32>
    %shift_left3A_2953 = arith.shli %add3A_2949, %shift_left3A_2952 : vector<64x128xi32>
    %shift_right_logical3A_2954 = arith.constant 19 : i32
    %shift_right_logical3A_2955 = vector.broadcast %shift_right_logical3A_2954 : i32 to vector<64x128xi32>
    %shift_right_logical3A_2956 = arith.shrui %add3A_2949, %shift_right_logical3A_2955 : vector<64x128xi32>
    %or3A_2957 = arith.ori %shift_left3A_2953, %shift_right_logical3A_2956 : vector<64x128xi32>
    %xor3A_2958 = arith.xori %add3A_2950, %or3A_2957 : vector<64x128xi32>
    %add3A_2959 = arith.addi %add3A_2950, %xor3A_2958 : vector<64x128xi32>
    %shift_left3A_2960 = arith.constant 15 : i32
    %shift_left3A_2961 = vector.broadcast %shift_left3A_2960 : i32 to vector<64x128xi32>
    %shift_left3A_2962 = arith.shli %xor3A_2958, %shift_left3A_2961 : vector<64x128xi32>
    %shift_right_logical3A_2963 = arith.constant 17 : i32
    %shift_right_logical3A_2964 = vector.broadcast %shift_right_logical3A_2963 : i32 to vector<64x128xi32>
    %shift_right_logical3A_2965 = arith.shrui %xor3A_2958, %shift_right_logical3A_2964 : vector<64x128xi32>
    %or3A_2966 = arith.ori %shift_left3A_2962, %shift_right_logical3A_2965 : vector<64x128xi32>
    %xor3A_2967 = arith.xori %add3A_2959, %or3A_2966 : vector<64x128xi32>
    %add3A_2968 = arith.addi %add3A_2959, %xor3A_2967 : vector<64x128xi32>
    %shift_left3A_2969 = arith.constant 26 : i32
    %shift_left3A_2970 = vector.broadcast %shift_left3A_2969 : i32 to vector<64x128xi32>
    %shift_left3A_2971 = arith.shli %xor3A_2967, %shift_left3A_2970 : vector<64x128xi32>
    %shift_right_logical3A_2972 = arith.constant 6 : i32
    %shift_right_logical3A_2973 = vector.broadcast %shift_right_logical3A_2972 : i32 to vector<64x128xi32>
    %shift_right_logical3A_2974 = arith.shrui %xor3A_2967, %shift_right_logical3A_2973 : vector<64x128xi32>
    %or3A_2975 = arith.ori %shift_left3A_2971, %shift_right_logical3A_2974 : vector<64x128xi32>
    %xor3A_2976 = arith.xori %add3A_2968, %or3A_2975 : vector<64x128xi32>
    %add3A_2977 = arith.addi %add3A_2968, %xor3A_2976 : vector<64x128xi32>
    %shift_left3A_2978 = arith.constant 6 : i32
    %shift_left3A_2979 = vector.broadcast %shift_left3A_2978 : i32 to vector<64x128xi32>
    %shift_left3A_2980 = arith.shli %xor3A_2976, %shift_left3A_2979 : vector<64x128xi32>
    %shift_right_logical3A_2981 = arith.constant 26 : i32
    %shift_right_logical3A_2982 = vector.broadcast %shift_right_logical3A_2981 : i32 to vector<64x128xi32>
    %shift_right_logical3A_2983 = arith.shrui %xor3A_2976, %shift_right_logical3A_2982 : vector<64x128xi32>
    %or3A_2984 = arith.ori %shift_left3A_2980, %shift_right_logical3A_2983 : vector<64x128xi32>
    %xor3A_2985 = arith.xori %add3A_2977, %or3A_2984 : vector<64x128xi32>
    %add3A_2986 = arith.addi %add3A_2977, %add3A_1313 : vector<64x128xi32>
    %add3A_2987 = arith.addi %xor3A_2985, %xor3A_2947 : vector<64x128xi32>
    %add3A_2988 = arith.constant 1 : i32
    %add3A_2989 = vector.broadcast %add3A_2988 : i32 to vector<64x128xi32>
    %add3A_2990 = arith.addi %add3A_2987, %add3A_2989 : vector<64x128xi32>
    %add3A_2991 = arith.addi %add3A_2986, %add3A_2990 : vector<64x128xi32>
    %shift_left3A_2992 = arith.constant 17 : i32
    %shift_left3A_2993 = vector.broadcast %shift_left3A_2992 : i32 to vector<64x128xi32>
    %shift_left3A_2994 = arith.shli %add3A_2990, %shift_left3A_2993 : vector<64x128xi32>
    %shift_right_logical3A_2995 = arith.constant 15 : i32
    %shift_right_logical3A_2996 = vector.broadcast %shift_right_logical3A_2995 : i32 to vector<64x128xi32>
    %shift_right_logical3A_2997 = arith.shrui %add3A_2990, %shift_right_logical3A_2996 : vector<64x128xi32>
    %or3A_2998 = arith.ori %shift_left3A_2994, %shift_right_logical3A_2997 : vector<64x128xi32>
    %xor3A_2999 = arith.xori %add3A_2991, %or3A_2998 : vector<64x128xi32>
    %add3A_3000 = arith.addi %add3A_2991, %xor3A_2999 : vector<64x128xi32>
    %shift_left3A_3001 = arith.constant 29 : i32
    %shift_left3A_3002 = vector.broadcast %shift_left3A_3001 : i32 to vector<64x128xi32>
    %shift_left3A_3003 = arith.shli %xor3A_2999, %shift_left3A_3002 : vector<64x128xi32>
    %shift_right_logical3A_3004 = arith.constant 3 : i32
    %shift_right_logical3A_3005 = vector.broadcast %shift_right_logical3A_3004 : i32 to vector<64x128xi32>
    %shift_right_logical3A_3006 = arith.shrui %xor3A_2999, %shift_right_logical3A_3005 : vector<64x128xi32>
    %or3A_3007 = arith.ori %shift_left3A_3003, %shift_right_logical3A_3006 : vector<64x128xi32>
    %xor3A_3008 = arith.xori %add3A_3000, %or3A_3007 : vector<64x128xi32>
    %add3A_3009 = arith.addi %add3A_3000, %xor3A_3008 : vector<64x128xi32>
    %shift_left3A_3010 = arith.constant 16 : i32
    %shift_left3A_3011 = vector.broadcast %shift_left3A_3010 : i32 to vector<64x128xi32>
    %shift_left3A_3012 = arith.shli %xor3A_3008, %shift_left3A_3011 : vector<64x128xi32>
    %shift_right_logical3A_3013 = arith.constant 16 : i32
    %shift_right_logical3A_3014 = vector.broadcast %shift_right_logical3A_3013 : i32 to vector<64x128xi32>
    %shift_right_logical3A_3015 = arith.shrui %xor3A_3008, %shift_right_logical3A_3014 : vector<64x128xi32>
    %or3A_3016 = arith.ori %shift_left3A_3012, %shift_right_logical3A_3015 : vector<64x128xi32>
    %xor3A_3017 = arith.xori %add3A_3009, %or3A_3016 : vector<64x128xi32>
    %add3A_3018 = arith.addi %add3A_3009, %xor3A_3017 : vector<64x128xi32>
    %shift_left3A_3019 = arith.constant 24 : i32
    %shift_left3A_3020 = vector.broadcast %shift_left3A_3019 : i32 to vector<64x128xi32>
    %shift_left3A_3021 = arith.shli %xor3A_3017, %shift_left3A_3020 : vector<64x128xi32>
    %shift_right_logical3A_3022 = arith.constant 8 : i32
    %shift_right_logical3A_3023 = vector.broadcast %shift_right_logical3A_3022 : i32 to vector<64x128xi32>
    %shift_right_logical3A_3024 = arith.shrui %xor3A_3017, %shift_right_logical3A_3023 : vector<64x128xi32>
    %or3A_3025 = arith.ori %shift_left3A_3021, %shift_right_logical3A_3024 : vector<64x128xi32>
    %xor3A_3026 = arith.xori %add3A_3018, %or3A_3025 : vector<64x128xi32>
    %add3A_3027 = arith.addi %add3A_3018, %xor3A_2947 : vector<64x128xi32>
    %add3A_3028 = arith.addi %xor3A_3026, %add3A_1309 : vector<64x128xi32>
    %add3A_3029 = arith.constant 2 : i32
    %add3A_3030 = vector.broadcast %add3A_3029 : i32 to vector<64x128xi32>
    %add3A_3031 = arith.addi %add3A_3028, %add3A_3030 : vector<64x128xi32>
    %add3A_3032 = arith.addi %add3A_3027, %add3A_3031 : vector<64x128xi32>
    %shift_left3A_3033 = arith.constant 13 : i32
    %shift_left3A_3034 = vector.broadcast %shift_left3A_3033 : i32 to vector<64x128xi32>
    %shift_left3A_3035 = arith.shli %add3A_3031, %shift_left3A_3034 : vector<64x128xi32>
    %shift_right_logical3A_3036 = arith.constant 19 : i32
    %shift_right_logical3A_3037 = vector.broadcast %shift_right_logical3A_3036 : i32 to vector<64x128xi32>
    %shift_right_logical3A_3038 = arith.shrui %add3A_3031, %shift_right_logical3A_3037 : vector<64x128xi32>
    %or3A_3039 = arith.ori %shift_left3A_3035, %shift_right_logical3A_3038 : vector<64x128xi32>
    %xor3A_3040 = arith.xori %add3A_3032, %or3A_3039 : vector<64x128xi32>
    %add3A_3041 = arith.addi %add3A_3032, %xor3A_3040 : vector<64x128xi32>
    %shift_left3A_3042 = arith.constant 15 : i32
    %shift_left3A_3043 = vector.broadcast %shift_left3A_3042 : i32 to vector<64x128xi32>
    %shift_left3A_3044 = arith.shli %xor3A_3040, %shift_left3A_3043 : vector<64x128xi32>
    %shift_right_logical3A_3045 = arith.constant 17 : i32
    %shift_right_logical3A_3046 = vector.broadcast %shift_right_logical3A_3045 : i32 to vector<64x128xi32>
    %shift_right_logical3A_3047 = arith.shrui %xor3A_3040, %shift_right_logical3A_3046 : vector<64x128xi32>
    %or3A_3048 = arith.ori %shift_left3A_3044, %shift_right_logical3A_3047 : vector<64x128xi32>
    %xor3A_3049 = arith.xori %add3A_3041, %or3A_3048 : vector<64x128xi32>
    %add3A_3050 = arith.addi %add3A_3041, %xor3A_3049 : vector<64x128xi32>
    %shift_left3A_3051 = arith.constant 26 : i32
    %shift_left3A_3052 = vector.broadcast %shift_left3A_3051 : i32 to vector<64x128xi32>
    %shift_left3A_3053 = arith.shli %xor3A_3049, %shift_left3A_3052 : vector<64x128xi32>
    %shift_right_logical3A_3054 = arith.constant 6 : i32
    %shift_right_logical3A_3055 = vector.broadcast %shift_right_logical3A_3054 : i32 to vector<64x128xi32>
    %shift_right_logical3A_3056 = arith.shrui %xor3A_3049, %shift_right_logical3A_3055 : vector<64x128xi32>
    %or3A_3057 = arith.ori %shift_left3A_3053, %shift_right_logical3A_3056 : vector<64x128xi32>
    %xor3A_3058 = arith.xori %add3A_3050, %or3A_3057 : vector<64x128xi32>
    %add3A_3059 = arith.addi %add3A_3050, %xor3A_3058 : vector<64x128xi32>
    %shift_left3A_3060 = arith.constant 6 : i32
    %shift_left3A_3061 = vector.broadcast %shift_left3A_3060 : i32 to vector<64x128xi32>
    %shift_left3A_3062 = arith.shli %xor3A_3058, %shift_left3A_3061 : vector<64x128xi32>
    %shift_right_logical3A_3063 = arith.constant 26 : i32
    %shift_right_logical3A_3064 = vector.broadcast %shift_right_logical3A_3063 : i32 to vector<64x128xi32>
    %shift_right_logical3A_3065 = arith.shrui %xor3A_3058, %shift_right_logical3A_3064 : vector<64x128xi32>
    %or3A_3066 = arith.ori %shift_left3A_3062, %shift_right_logical3A_3065 : vector<64x128xi32>
    %xor3A_3067 = arith.xori %add3A_3059, %or3A_3066 : vector<64x128xi32>
    %add3A_3068 = arith.addi %add3A_3059, %add3A_1309 : vector<64x128xi32>
    %add3A_3069 = arith.addi %xor3A_3067, %add3A_1313 : vector<64x128xi32>
    %add3A_3070 = arith.constant 3 : i32
    %add3A_3071 = vector.broadcast %add3A_3070 : i32 to vector<64x128xi32>
    %add3A_3072 = arith.addi %add3A_3069, %add3A_3071 : vector<64x128xi32>
    %add3A_3073 = arith.addi %add3A_3068, %add3A_3072 : vector<64x128xi32>
    %shift_left3A_3074 = arith.constant 17 : i32
    %shift_left3A_3075 = vector.broadcast %shift_left3A_3074 : i32 to vector<64x128xi32>
    %shift_left3A_3076 = arith.shli %add3A_3072, %shift_left3A_3075 : vector<64x128xi32>
    %shift_right_logical3A_3077 = arith.constant 15 : i32
    %shift_right_logical3A_3078 = vector.broadcast %shift_right_logical3A_3077 : i32 to vector<64x128xi32>
    %shift_right_logical3A_3079 = arith.shrui %add3A_3072, %shift_right_logical3A_3078 : vector<64x128xi32>
    %or3A_3080 = arith.ori %shift_left3A_3076, %shift_right_logical3A_3079 : vector<64x128xi32>
    %xor3A_3081 = arith.xori %add3A_3073, %or3A_3080 : vector<64x128xi32>
    %add3A_3082 = arith.addi %add3A_3073, %xor3A_3081 : vector<64x128xi32>
    %shift_left3A_3083 = arith.constant 29 : i32
    %shift_left3A_3084 = vector.broadcast %shift_left3A_3083 : i32 to vector<64x128xi32>
    %shift_left3A_3085 = arith.shli %xor3A_3081, %shift_left3A_3084 : vector<64x128xi32>
    %shift_right_logical3A_3086 = arith.constant 3 : i32
    %shift_right_logical3A_3087 = vector.broadcast %shift_right_logical3A_3086 : i32 to vector<64x128xi32>
    %shift_right_logical3A_3088 = arith.shrui %xor3A_3081, %shift_right_logical3A_3087 : vector<64x128xi32>
    %or3A_3089 = arith.ori %shift_left3A_3085, %shift_right_logical3A_3088 : vector<64x128xi32>
    %xor3A_3090 = arith.xori %add3A_3082, %or3A_3089 : vector<64x128xi32>
    %add3A_3091 = arith.addi %add3A_3082, %xor3A_3090 : vector<64x128xi32>
    %shift_left3A_3092 = arith.constant 16 : i32
    %shift_left3A_3093 = vector.broadcast %shift_left3A_3092 : i32 to vector<64x128xi32>
    %shift_left3A_3094 = arith.shli %xor3A_3090, %shift_left3A_3093 : vector<64x128xi32>
    %shift_right_logical3A_3095 = arith.constant 16 : i32
    %shift_right_logical3A_3096 = vector.broadcast %shift_right_logical3A_3095 : i32 to vector<64x128xi32>
    %shift_right_logical3A_3097 = arith.shrui %xor3A_3090, %shift_right_logical3A_3096 : vector<64x128xi32>
    %or3A_3098 = arith.ori %shift_left3A_3094, %shift_right_logical3A_3097 : vector<64x128xi32>
    %xor3A_3099 = arith.xori %add3A_3091, %or3A_3098 : vector<64x128xi32>
    %add3A_3100 = arith.addi %add3A_3091, %xor3A_3099 : vector<64x128xi32>
    %shift_left3A_3101 = arith.constant 24 : i32
    %shift_left3A_3102 = vector.broadcast %shift_left3A_3101 : i32 to vector<64x128xi32>
    %shift_left3A_3103 = arith.shli %xor3A_3099, %shift_left3A_3102 : vector<64x128xi32>
    %shift_right_logical3A_3104 = arith.constant 8 : i32
    %shift_right_logical3A_3105 = vector.broadcast %shift_right_logical3A_3104 : i32 to vector<64x128xi32>
    %shift_right_logical3A_3106 = arith.shrui %xor3A_3099, %shift_right_logical3A_3105 : vector<64x128xi32>
    %or3A_3107 = arith.ori %shift_left3A_3103, %shift_right_logical3A_3106 : vector<64x128xi32>
    %xor3A_3108 = arith.xori %add3A_3100, %or3A_3107 : vector<64x128xi32>
    %add3A_3109 = arith.addi %add3A_3100, %add3A_1313 : vector<64x128xi32>
    %add3A_3110 = arith.addi %xor3A_3108, %xor3A_2947 : vector<64x128xi32>
    %add3A_3111 = arith.constant 4 : i32
    %add3A_3112 = vector.broadcast %add3A_3111 : i32 to vector<64x128xi32>
    %add3A_3113 = arith.addi %add3A_3110, %add3A_3112 : vector<64x128xi32>
    %add3A_3114 = arith.addi %add3A_3109, %add3A_3113 : vector<64x128xi32>
    %shift_left3A_3115 = arith.constant 13 : i32
    %shift_left3A_3116 = vector.broadcast %shift_left3A_3115 : i32 to vector<64x128xi32>
    %shift_left3A_3117 = arith.shli %add3A_3113, %shift_left3A_3116 : vector<64x128xi32>
    %shift_right_logical3A_3118 = arith.constant 19 : i32
    %shift_right_logical3A_3119 = vector.broadcast %shift_right_logical3A_3118 : i32 to vector<64x128xi32>
    %shift_right_logical3A_3120 = arith.shrui %add3A_3113, %shift_right_logical3A_3119 : vector<64x128xi32>
    %or3A_3121 = arith.ori %shift_left3A_3117, %shift_right_logical3A_3120 : vector<64x128xi32>
    %xor3A_3122 = arith.xori %add3A_3114, %or3A_3121 : vector<64x128xi32>
    %add3A_3123 = arith.addi %add3A_3114, %xor3A_3122 : vector<64x128xi32>
    %shift_left3A_3124 = arith.constant 15 : i32
    %shift_left3A_3125 = vector.broadcast %shift_left3A_3124 : i32 to vector<64x128xi32>
    %shift_left3A_3126 = arith.shli %xor3A_3122, %shift_left3A_3125 : vector<64x128xi32>
    %shift_right_logical3A_3127 = arith.constant 17 : i32
    %shift_right_logical3A_3128 = vector.broadcast %shift_right_logical3A_3127 : i32 to vector<64x128xi32>
    %shift_right_logical3A_3129 = arith.shrui %xor3A_3122, %shift_right_logical3A_3128 : vector<64x128xi32>
    %or3A_3130 = arith.ori %shift_left3A_3126, %shift_right_logical3A_3129 : vector<64x128xi32>
    %xor3A_3131 = arith.xori %add3A_3123, %or3A_3130 : vector<64x128xi32>
    %add3A_3132 = arith.addi %add3A_3123, %xor3A_3131 : vector<64x128xi32>
    %shift_left3A_3133 = arith.constant 26 : i32
    %shift_left3A_3134 = vector.broadcast %shift_left3A_3133 : i32 to vector<64x128xi32>
    %shift_left3A_3135 = arith.shli %xor3A_3131, %shift_left3A_3134 : vector<64x128xi32>
    %shift_right_logical3A_3136 = arith.constant 6 : i32
    %shift_right_logical3A_3137 = vector.broadcast %shift_right_logical3A_3136 : i32 to vector<64x128xi32>
    %shift_right_logical3A_3138 = arith.shrui %xor3A_3131, %shift_right_logical3A_3137 : vector<64x128xi32>
    %or3A_3139 = arith.ori %shift_left3A_3135, %shift_right_logical3A_3138 : vector<64x128xi32>
    %xor3A_3140 = arith.xori %add3A_3132, %or3A_3139 : vector<64x128xi32>
    %add3A_3141 = arith.addi %add3A_3132, %xor3A_3140 : vector<64x128xi32>
    %shift_left3A_3142 = arith.constant 6 : i32
    %shift_left3A_3143 = vector.broadcast %shift_left3A_3142 : i32 to vector<64x128xi32>
    %shift_left3A_3144 = arith.shli %xor3A_3140, %shift_left3A_3143 : vector<64x128xi32>
    %shift_right_logical3A_3145 = arith.constant 26 : i32
    %shift_right_logical3A_3146 = vector.broadcast %shift_right_logical3A_3145 : i32 to vector<64x128xi32>
    %shift_right_logical3A_3147 = arith.shrui %xor3A_3140, %shift_right_logical3A_3146 : vector<64x128xi32>
    %or3A_3148 = arith.ori %shift_left3A_3144, %shift_right_logical3A_3147 : vector<64x128xi32>
    %xor3A_3149 = arith.xori %add3A_3141, %or3A_3148 : vector<64x128xi32>
    %add3A_3150 = arith.addi %add3A_3141, %xor3A_2947 : vector<64x128xi32>
    %add3A_3151 = arith.addi %xor3A_3149, %add3A_1309 : vector<64x128xi32>
    %add3A_3152 = arith.constant 5 : i32
    %add3A_3153 = vector.broadcast %add3A_3152 : i32 to vector<64x128xi32>
    %add3A_3154 = arith.addi %add3A_3151, %add3A_3153 : vector<64x128xi32>
    %xor3A_3155 = arith.xori %add3A_3150, %add3A_3154 : vector<64x128xi32>
    %shift_right_logical3A_3156 = arith.constant 9 : i32
    %shift_right_logical3A_3157 = vector.broadcast %shift_right_logical3A_3156 : i32 to vector<64x128xi32>
    %shift_right_logical3A_3158 = arith.shrui %xor3A_3155, %shift_right_logical3A_3157 : vector<64x128xi32>
    %or3A_3159 = arith.constant 1065353216 : i32
    %or3A_3160 = vector.broadcast %or3A_3159 : i32 to vector<64x128xi32>
    %or3A_3161 = arith.ori %shift_right_logical3A_3158, %or3A_3160 : vector<64x128xi32>
    %bitcast_convert_type3A_3162 = tpu.bitcast %or3A_3161 : vector<64x128xi32> -> vector<64x128xf32>
    %sub3A_3163 = arith.constant 1.000000e+00 : f32
    %sub3A_3164 = vector.broadcast %sub3A_3163 : f32 to vector<64x128xf32>
    %sub3A_3165 = arith.subf %bitcast_convert_type3A_3162, %sub3A_3164 : vector<64x128xf32>
    %neg3A_3166 = arith.constant 0.000000e+00 : f32
    %neg3A_3167 = vector.broadcast %neg3A_3166 : f32 to vector<64x128xf32>
    %neg3A_3168 = arith.subf %neg3A_3167, %sub3A_3165 : vector<64x128xf32>
    %log1p3A_3169 = math.log1p %neg3A_3168 : vector<64x128xf32>
    %eq3A = arith.constant 0.000000e+00 : f32
    %eq3A_3170 = vector.broadcast %eq3A : f32 to vector<64x128xf32>
    %eq3A_3171 = arith.cmpf oeq, %log1p3A_3169, %eq3A_3170 : vector<64x128xf32>
    %or3A_3172 = arith.ori %ge3A_1315, %eq3A_3171 : vector<64x128xi1>
    %div3A_3173 = arith.constant 1.000000e+00 : f32
    %div3A_3174 = vector.broadcast %div3A_3173 : f32 to vector<64x128xf32>
    %div3A_3175 = arith.divf %div3A_3174, %exp3A : vector<64x128xf32>
    %mul3A_3176 = arith.mulf %log1p3A_3169, %div3A_3175 : vector<64x128xf32>
    %jit3A_3177 = arith.constant 0.000000e+00 : f32
    %broadcast_in_dim3A_3178 = vector.broadcast %jit3A_3177 : f32 to vector<64x128xf32>
    %select_n3A_3179 = arith.select %or3A_3172, %broadcast_in_dim3A_3178, %mul3A_3176 : vector<64x128xi1>, vector<64x128xf32>
    %log3A_3180 = math.log %sub3A_1322 : vector<64x128xf32>
    %log3A_3181 = math.log %while3A_2941#3 : vector<64x128xf32>
    %add3A_3182 = arith.addf %log3A_3180, %log3A_3181 : vector<64x128xf32>
    %add3A_3183 = arith.addf %add3A_3182, %select_n3A_3179 : vector<64x128xf32>
    %jit3A_3184 = arith.constant 0xFF800000 : f32
    %broadcast_in_dim3A_3185 = vector.broadcast %jit3A_3184 : f32 to vector<64x128xf32>
    %select_n3A_3186 = arith.select %lt3A_3, %add3A_3183, %broadcast_in_dim3A_3185 : vector<64x128xi1>, vector<64x128xf32>
    %reduce_max3A = arith.constant dense<0xFF800000> : vector<64xf32>
    %reduce_max3A_3187 = vector.multi_reduction <maximumf>, %select_n3A_3186, %reduce_max3A [1] : vector<64x128xf32> to vector<64xf32>
    %broadcast_in_dim3A_3188 = vector.shape_cast %reduce_max3A_3187 : vector<64xf32> to vector<64x1xf32>
    %jit3A_3189 = arith.constant 0xFF800000 : f32
    %broadcast_in_dim3A_3190 = vector.broadcast %jit3A_3189 : f32 to vector<64x128xf32>
    %select_n3A_3191 = arith.select %lt3A_3, %broadcast_in_dim3A_3190, %add3A_3183 : vector<64x128xi1>, vector<64x128xf32>
    %reduce_max3A_3192 = arith.constant dense<0xFF800000> : vector<64xf32>
    %reduce_max3A_3193 = vector.multi_reduction <maximumf>, %select_n3A_3191, %reduce_max3A_3192 [1] : vector<64x128xf32> to vector<64xf32>
    %broadcast_in_dim3A_3194 = vector.shape_cast %reduce_max3A_3193 : vector<64xf32> to vector<64x1xf32>
    %broadcast_in_dim3A_3195 = vector.shape_cast %broadcast_in_dim3A_3188 : vector<64x1xf32> to vector<64x1xf32>
    %broadcast_in_dim3A_3196 = vector.broadcast %broadcast_in_dim3A_3195 : vector<64x1xf32> to vector<64x128xf32>
    %broadcast_in_dim3A_3197 = vector.shape_cast %broadcast_in_dim3A_3194 : vector<64x1xf32> to vector<64x1xf32>
    %broadcast_in_dim3A_3198 = vector.broadcast %broadcast_in_dim3A_3197 : vector<64x1xf32> to vector<64x128xf32>
    %select_n3A_3199 = arith.select %lt3A_3, %broadcast_in_dim3A_3196, %broadcast_in_dim3A_3198 : vector<64x128xi1>, vector<64x128xf32>
    %sub3A_3200 = arith.subf %add3A_3183, %select_n3A_3199 : vector<64x128xf32>
    %exp3A_3201 = math.exp %sub3A_3200 : vector<64x128xf32>
    %jit3A_3202 = arith.constant 0.000000e+00 : f32
    %broadcast_in_dim3A_3203 = vector.broadcast %jit3A_3202 : f32 to vector<64x128xf32>
    %select_n3A_3204 = arith.select %lt3A_3, %exp3A_3201, %broadcast_in_dim3A_3203 : vector<64x128xi1>, vector<64x128xf32>
    %reduce_sum3A_3205 = arith.constant dense<0.000000e+00> : vector<64xf32>
    %reduce_sum3A_3206 = vector.multi_reduction <add>, %select_n3A_3204, %reduce_sum3A_3205 [1] : vector<64x128xf32> to vector<64xf32>
    %broadcast_in_dim3A_3207 = vector.shape_cast %reduce_sum3A_3206 : vector<64xf32> to vector<64x1xf32>
    %jit3A_3208 = arith.constant 0.000000e+00 : f32
    %broadcast_in_dim3A_3209 = vector.broadcast %jit3A_3208 : f32 to vector<64x128xf32>
    %select_n3A_3210 = arith.select %lt3A_3, %broadcast_in_dim3A_3209, %exp3A_3201 : vector<64x128xi1>, vector<64x128xf32>
    %reduce_sum3A_3211 = arith.constant dense<0.000000e+00> : vector<64xf32>
    %reduce_sum3A_3212 = vector.multi_reduction <add>, %select_n3A_3210, %reduce_sum3A_3211 [1] : vector<64x128xf32> to vector<64xf32>
    %broadcast_in_dim3A_3213 = vector.shape_cast %reduce_sum3A_3212 : vector<64xf32> to vector<64x1xf32>
    %broadcast_in_dim3A_3214 = vector.shape_cast %broadcast_in_dim3A_3207 : vector<64x1xf32> to vector<64x1xf32>
    %broadcast_in_dim3A_3215 = vector.broadcast %broadcast_in_dim3A_3214 : vector<64x1xf32> to vector<64x128xf32>
    %broadcast_in_dim3A_3216 = vector.shape_cast %broadcast_in_dim3A_3213 : vector<64x1xf32> to vector<64x1xf32>
    %broadcast_in_dim3A_3217 = vector.broadcast %broadcast_in_dim3A_3216 : vector<64x1xf32> to vector<64x128xf32>
    %select_n3A_3218 = arith.select %lt3A_3, %broadcast_in_dim3A_3215, %broadcast_in_dim3A_3217 : vector<64x128xi1>, vector<64x128xf32>
    %div3A_3219 = arith.divf %exp3A_3201, %select_n3A_3218 : vector<64x128xf32>
    %swap3A_3220 = arith.constant 0 : index
    %swap3A_3221 = arith.constant 0 : index
    %swap3A_3222 = vector.load %arg3[%swap3A_3220, %swap3A_3221] : memref<64x128xf32, #tpu.memory_space<vmem>>, vector<64x128xf32>
    tpu.vector_store %arg3[%swap3A_3220, %swap3A_3221], %div3A_3219 {strides = array<i32>} : memref<64x128xf32, #tpu.memory_space<vmem>>, vector<64x128xf32>,
    return
  }
  func.func @transform_0(%arg0: i32) -> (i32, i32) {
    %c0_i32 = arith.constant 0 : i32
    %c0_i32_0 = arith.constant 0 : i32
    %c0_i32_1 = arith.constant 0 : i32
    return %c0_i32, %c0_i32_0 : i32, i32
  }
  func.func @transform_1(%arg0: i32) -> (i32, i32) {
    %c0_i32 = arith.constant 0 : i32
    %c0_i32_0 = arith.constant 0 : i32
    return %arg0, %c0_i32 : i32, i32
  }
  func.func @transform_2(%arg0: i32) -> (i32, i32) {
    %c0_i32 = arith.constant 0 : i32
    %c0_i32_0 = arith.constant 0 : i32
    return %arg0, %c0_i32 : i32, i32
  }
  func.func @transform_3(%arg0: i32) -> (i32, i32) {
    %c0_i32 = arith.constant 0 : i32
    %c0_i32_0 = arith.constant 0 : i32
    return %arg0, %c0_i32 : i32, i32
  }
}

</mosaic_0001>

<sc_bundles>
// kernel: kernel.4.cloned.1.call-start
scs
__scs_entry_jumppad:
0x0: {  	(pc) =	sbr.rel $0x88, $3  }
0x1: {  	(tag) =	ssettag $0x0;
	lr =	simm.s32 $0x1  }
0x2: {  	[smem:$0x3F9E] =	sst lr;
	_ =	strace $0xD0000000  }
0x3: {  	_ = 	snop  }
0x4: {  	_ = 	snop  }
0x5: {  	_ = 	snop  }
0x6: {  	_ = 	snop  }
0x7: {  	_ = 	snop  }
__scs_overlays_trampoline_lowered:
0x8: {  	[smem:$0x3FAD] =	sst s0  }
0x9: {  	[smem:$0x3FAE] =	sst s1  }
0xa: {  	[smem:$0x3FAF] =	sst s2  }
0xb: {  	[smem:$0x3FB0] =	sst s3  }
0xc: {  	[smem:$0x3FB1] =	sst s4  }
0xd: {  	[smem:$0x3FB2] =	sst s5  }
0xe: {  	[smem:$0x3FB3] =	sst s6  }
0xf: {  	[smem:$0x3FB4] =	sst s7  }
0x10: {  	[smem:$0x3FB5] =	sst s8  }
0x11: {  	[smem:$0x3FB6] =	sst s9;
	s0 =	simm.s32 @!p0 $0x0  }
0x12: {  	s1 =	sld [smem:$0x3F9C];
	s0 =	simm.s32 @p0 $0x1  }
0x13: {  	[smem:$0x3FB7] =	sst s0;
	s0 =	simm.s32 @!p1 $0x0  }
0x14: {  	s2 =	sld [smem:$0x3F9B];
	s0 =	simm.s32 @p1 $0x1  }
0x15: {  	[smem:$0x3FB8] =	sst s0;
	s0 =	simm.s32 @!p2 $0x0  }
0x16: {  	s3 =	sld [smem:$0x3FDB];
	s0 =	simm.s32 @p2 $0x1  }
0x17: {  	s4 =	simm.s32 $0x1BF5;
	[smem:$0x3FBA] =	sst s0  }
0x18: {  	s0 =	sld [smem:$0x3F9D];
	_ =	swait.ge [sflag:s4], $0x0  }
0x19: {  	s7 =	sld [smem:$0x3F9E]  }
0x1a: {  	s8 =	sadd.s32 $0xFFFFE003, lr  }
0x1b: {  	s9 =	sadd.s32 $0xFFFFFEF7, lr;
	s5 =	simm.s32 $0xFFFFFFFF;
	p2 =	slt.u32 s8, $0xFFFFF086  }
0x1c: {  	p1 =	slt.u32 s9, $0xF7A;
	s5 =	simm.s32 @!p2 $0x0  }
0x1d: {  	s5 =	simm.s32 @p1 $0x1;
	p0 =	seq.s32 s7, s2  }
0x1e: {  	s7 =	smul.u32 @!p0 $0xF7A, s2;
	p2 =	seq.s32 @!p0 s5, $0x0  }
0x1f: {  	s9 =	smul.u32 $0xF7A, s1;
	s8 =	simm.s32 @!p0 $0x1BF5;
	p2 =	por !p2, p0  }
0x20: {  	[sflag:s8] =	ssyncset.s32 @!p0 $0xFFFFF086;
	s6 =	sadd.s32 @!p0 s3, s7;
	s7 =	simm.s32 @!p0 $0x108  }
0x21: {  	s3 =	sadd.s32 s3, s9;
	s6 =	sadd.s32 @!p0 $0x88, s6;
	s7 =	simm.s32 @p2 $0x1082  }
0x22: {  	[simem:s7], [sflag:s8] =	dma.local @!p0 [hbm:s6], $0xF7A  }
0x23: {  	s9 =	sor.u32 $0xD0000000, s2;
	s6 =	simm.s32 $0x108;
	_ =	swait.ge @!p0 [sflag:s8], $0x0  }
0x24: {  	s3 =	sadd.s32 $0x88, s3;
	s6 =	simm.s32 @!p1 $0x1082;
	[sflag:s4] =	ssyncset.s32 $0xFFFFF086  }
0x25: {  	[simem:s6], [sflag:s4] =	dma.local [hbm:s3], $0xF7A  }
0x26: {  	[smem:$0x3F9E] =	sst s1;
	(tag) =	ssettag s2;
	_ =	strace s9  }
0x27: {  	s1 =	sld [smem:$0x3FAE]  }
0x28: {  	s2 =	sld [smem:$0x3FAF]  }
0x29: {  	s4 =	sld [smem:$0x3FB1]  }
0x2a: {  	p0 =	seq.s32 s5, $0x0;
	s5 =	sld [smem:$0x3FB2]  }
0x2b: {  	s6 =	sld [smem:$0x3FB3]  }
0x2c: {  	s7 =	sld [smem:$0x3FB4]  }
0x2d: {  	s3 =	simm.s32 $0x108;
	s8 =	sld [smem:$0x3FB5]  }
0x2e: {  	s3 =	simm.s32 @!p0 $0x1082;
	s9 =	sld [smem:$0x3FB6]  }
0x2f: {  	lr =	sadd.s32 s0, s3;
	s0 =	sld [smem:$0x3FAD]  }
0x30: {  	s3 =	sld [smem:$0x3FB0]  }
0x31: {  	[smem:$0x3FB9] =	sst s10  }
0x32: {  	s10 =	sld [smem:$0x3FB7];
	_ =	sdelay $0x3  }
0x33: {  	p0 =	seq.s32 s10, $0x1;
	s10 =	sld [smem:$0x3FB9];
	_ =	sdelay $0x3  }
0x34: {  	[smem:$0x3FB9] =	sst s10  }
0x35: {  	s10 =	sld [smem:$0x3FB8];
	_ =	sdelay $0x3  }
0x36: {  	p1 =	seq.s32 s10, $0x1;
	s10 =	sld [smem:$0x3FB9];
	_ =	sdelay $0x3  }
0x37: {  	[smem:$0x3FB9] =	sst s10  }
0x38: {  	s10 =	sld [smem:$0x3FBA]  }
0x39: {  	_ = 	snop;
	(pc) =	sbr.ind lr, $3  }
0x3a: {  	_ = 	snop  }
0x3b: {  	_ = 	snop  }
0x3c: {  	p2 =	seq.s32 s10, $0x1;
	s10 =	sld [smem:$0x3FB9]  }
0x3d: {  	_ =	shalt  }
0x3e: {  	_ =	shalt  }
0x3f: {  	_ =	shalt  }
0x40: {  	_ =	shalt  }
0x41: {  	_ =	shalt  }
0x42: {  	_ =	shalt  }
0x43: {  	_ =	shalt  }
0x44: {  	_ =	shalt  }
0x45: {  	_ =	shalt  }
0x46: {  	_ =	shalt  }
0x47: {  	_ =	shalt  }
0x48: {  	_ =	shalt  }
0x49: {  	_ =	shalt  }
0x4a: {  	_ =	shalt  }
0x4b: {  	_ =	shalt  }
0x4c: {  	_ =	shalt  }
0x4d: {  	_ =	shalt  }
0x4e: {  	_ =	shalt  }
0x4f: {  	_ =	shalt  }
0x50: {  	_ =	shalt  }
0x51: {  	_ =	shalt  }
0x52: {  	_ =	shalt  }
0x53: {  	_ =	shalt  }
0x54: {  	_ =	shalt  }
0x55: {  	_ =	shalt  }
0x56: {  	_ =	shalt  }
0x57: {  	_ =	shalt  }
0x58: {  	_ =	shalt  }
0x59: {  	_ =	shalt  }
0x5a: {  	_ =	shalt  }
0x5b: {  	_ =	shalt  }
0x5c: {  	_ =	shalt  }
0x5d: {  	_ =	shalt  }
0x5e: {  	_ =	shalt  }
0x5f: {  	_ =	shalt  }
0x60: {  	_ =	shalt  }
0x61: {  	_ =	shalt  }
0x62: {  	_ =	shalt  }
0x63: {  	_ =	shalt  }
0x64: {  	_ =	shalt  }
0x65: {  	_ =	shalt  }
0x66: {  	_ =	shalt  }
0x67: {  	_ =	shalt  }
0x68: {  	_ =	shalt  }
0x69: {  	_ =	shalt  }
0x6a: {  	_ =	shalt  }
0x6b: {  	_ =	shalt  }
0x6c: {  	_ =	shalt  }
0x6d: {  	_ =	shalt  }
0x6e: {  	_ =	shalt  }
0x6f: {  	_ =	shalt  }
0x70: {  	_ =	shalt  }
0x71: {  	_ =	shalt  }
0x72: {  	_ =	shalt  }
0x73: {  	_ =	shalt  }
0x74: {  	_ =	shalt  }
0x75: {  	_ =	shalt  }
0x76: {  	_ =	shalt  }
0x77: {  	_ =	shalt  }
0x78: {  	_ =	shalt  }
0x79: {  	_ =	shalt  }
0x7a: {  	_ =	shalt  }
0x7b: {  	_ =	shalt  }
0x7c: {  	_ =	shalt  }
0x7d: {  	_ =	shalt  }
0x7e: {  	_ =	shalt  }
0x7f: {  	_ =	shalt  }
0x80: {  	_ =	shalt  }
0x81: {  	_ =	shalt  }
0x82: {  	_ =	shalt  }
0x83: {  	_ =	shalt  }
0x84: {  	_ =	shalt  }
0x85: {  	_ =	shalt  }
0x86: {  	_ =	shalt  }
0x87: {  	_ =	shalt  }
.Lfunc_end0:
.L_simem_size_0:
called_computation_lowered:
.L_overlay_start_0:
0x88: {  	s2 =	sld [smem:$0x3FD9]  }
0x89: {  	s3 =	sld [smem:$0x3FFE];
	_ =	sdelay $0x1  }
0x8a: {  	s1 =	srdreg.scid  }
0x8b: {  	s0 =	sand.u32 $0x1, s1  }
0x8c: {  	s14 =	sshll.u32 s0, $0xA;
	s2 =	sadd.s32 s3, s2  }
0x8d: {  	s2 =	sadd.s32 s2, s14  }
0x8e: {  	[smem:$0x3FC5] =	sst s2  }
0x8f: {  	_ = 	snop  }
0x90: {  	s2 =	sld [smem:$0x3FD0];
	_ =	sdelay $0x2  }
0x91: {  	s4 =	simm.s32 $0xA;
	s5 =	simm.s32 $0x10;
	s15 =	sld [smem:$0x3FC9]  }
0x92: {  	[smem:s5], [sflag:s4] =	dma.local [hbm:s2], $0x1  }
0x93: {  	_ =	swait.eq [sflag:s4], $0x1  }
0x94: {  	[sflag:s4] =	ssyncset.done $0x0  }
0x95: {  	[sflag:s4] =	ssyncadd.s32 $0xFFFFFFFF  }
0x96: {  	s16 =	sld [smem:$0x10];
	(tm) =	ssettm $0x1  }
0x97: {  	s17 =	sld [smem:$0x3FFB];
	_ =	sdelay $0x3  }
0x98: {  	_ =	strace s17  }
0x99: {  	s4 =	sld [smem:$0x3FFC];
	_ =	sdelay $0x3  }
0x9a: {  	_ =	strace s4  }
0x9b: {  	s4 =	sld [smem:$0x3FFD];
	_ =	sdelay $0x3  }
0x9c: {  	_ =	strace s4  }
0x9d: {  	_ =	strace $0x8FFFFFFF  }
0x9e: {  	s18 =	sld [smem:$0x3FDB];
	_ =	sdelay $0x1  }
0x9f: {  	s19 =	simm.s32 $_scs_section_size  }
0xa0: {  	s6 =	simm.s32 $_size__tile_overlayer_lowered;
	s7 =	simm.s32 $_tile_overlayer_lowered  }
0xa1: {  	s22 =	simm.s32 $0x1BFF;
	s21 =	sshll.u32 s7, $0x1;
	s4 =	sadd.s32 s19, s18  }
0xa2: {  	s8 =	simm.s32 $0x0;
	s20 =	sshll.u32 s6, $0x1;
	s6 =	sadd.s32 s21, s4  }
0xa3: {  	[timem:s8], [sflag:s22] =	dma.local [hbm:s6], s20  }
0xa4: {  	_ =	swait.ge [sflag:s22], s20  }
0xa5: {  	s5 =	ssub.s32 $0x0, s20;
	[sflag:s22] =	ssyncset.done $0x0  }
0xa6: {  	[sflag:s22] =	ssyncadd.s32 s5;
	_ =	sdelay $0x1  }
0xa7: {  	s23 =	simm.s32 $0x1B8B  }
0xa8: {  	_ =	swait.ge [sflag:s23], $0x1  }
0xa9: {  	[sflag:s23] =	ssyncset.done $0x0  }
0xaa: {  	s25 =	simm.s32 $0x1B8E;
	s24 =	sld [smem:$0x3FFE];
	[sflag:s23] =	ssyncadd.s32 $0xFFFFFFFF  }
0xab: {  	s26 =	simm.s32 $execute0_lowered;
	[smem:$0x3FD2] =	sst s25  }
0xac: {  	s6 =	sshll.u32 s26, $0x1;
	_ =	strace $0x80000046;
	[dreg:$0x1] =	wrdreg $0xFFFFFFFF  }
0xad: {  	s28 =	simm.s32 $_size_execute0_lowered;
	s4 =	sadd.s32 s4, s6;
	[dreg:$0x0] =	wrdreg $0x0  }
0xae: {  	s6 =	sshll.u32 s28, $0x1;
	[dreg:$0x2] =	wrdreg s4  }
0xaf: {  	[dreg:$0x3] =	wrdreg s6  }
0xb0: {  	[dreg:$0x4] =	wrdreg $0xC0  }
0xb1: {  	_ =	task [dreg:s8], $0x5FFFF  }
0xb2: {  	[dreg:$0x1] =	wrdreg $0xFFFFFFFF  }
0xb3: {  	[dreg:$0x0] =	wrdreg $0x60  }
0xb4: {  	[dreg:$0x2] =	wrdreg s24  }
0xb5: {  	[dreg:$0x3] =	wrdreg s15  }
0xb6: {  	[dreg:$0x4] =	wrdreg s16  }
0xb7: {  	[dreg:$0x5] =	wrdreg $0x9  }
0xb8: {  	_ =	task.clear_ibuf [dreg:s8], $0x6FFFF;
	_ =	strace $0x90000046  }
0xb9: {  	s29 =	simm.s32 $0x9;
	_ =	strace $0x80000048  }
0xba: {  	_ =	swait.ge [sflag:s29], $0x1  }
0xbb: {  	[sflag:s29] =	ssyncadd.s32 $0xFFFFFFFF  }
0xbc: {  	_ =	strace $0x90000048  }
0xbd: {  	_ =	sfence  }
0xbe: {  	s30 =	sld [smem:$0x0];
	_ =	sdelay $0x2  }
0xbf: {  	s31 =	sshll.u32 s1, $0xD;
	s1 =	sshrl.u32 s1, $0x2  }
0xc0: {  	s3 =	sand.u32 $0x4000, s31;
	s1 =	sadd.s32 s1, s30  }
0xc1: {  	s0 =	sor.u32 s3, s0;
	s1 =	sshll.u32 s1, $0x11  }
0xc2: {  	s0 =	sor.u32 s1, s0  }
0xc3: {  	s0 =	sadd.s32 $0x8F2B, s0  }
0xc4: {  	[sflag:s0] =	ssyncadd.remote.s32 $0x1  }
0xc5: {  	_ =	sfence.sel $0xFFFF  }
0xc6: {  	[dreg:$0x0] =	wrdreg $0xFFFFFFFF;
	(pc) =	sbr.abs _section_cstart, $3  }
0xc7: {  	[dreg:$0x1] =	wrdreg $0xFFFFFFFF  }
0xc8: {  	_ =	task.clear_ibuf [dreg:s8], $0x2FFFF;
	_ =	strace $0x9FFFFFFF  }
0xc9: {  	(tm) =	ssettm $0x7FFFFFFF  }
tec
execute0_lowered:
.L_overlay_start_1:
0x0: {  	(tag) =	ssettag $0x1  }
0x1: {  	s5 =	rddreg [dreg:$0x0];
	s1 =	srdreg.scid  }
0x2: {  	s3 =	rddreg [dreg:$0x1];
	s0 =	stileid.u32;
	s14 =	sand.u32 $0x1, s1  }
0x3: {  	s15 =	rddreg [dreg:$0x2];
	s4 =	sshll.u32 s0, $0xA;
	s6 =	sshll.u32 s14, $0x9  }
0x4: {  	s2 =	simm.s32 $0x0;
	s1 =	rddreg [dreg:$0x3];
	s16 =	sor.u32 s6, s4  }
0x5: {  	[smem:$0x7FF] =	sst s2;
	s4 =	sshrl.u32 s16, $0x3  }
0x6: {  	_ =	strace $0x80000047;
	s4 =	sadd.s32 s3, s4;
	s3 =	simm.s32 $0x2  }
0x7: {  	[tilespmem:s2], [sflag:$0x2] =	stream.linear.gather [hbm4b:s4+s2], $0x200, $0x38;
	[tilespmem:$0x8200] =	vst v63  }
0x8: {  	_ =	swait.ge [sflag:s3], $0x200  }
0x9: {  	s7 =	simm.s32 $0x200;
	[sflag:s3] =	ssyncset.done $0x0  }
0xa: {  	s5 =	sadd.s32 $0xF42E00, s5;
	s6 =	simm.s32 $0x80;
	[sflag:s3] =	ssyncadd.s32 $0xFFFFFE00  }
0xb: {  	[tilespmem:s7], [sflag:$0x1] =	stream.indirect.gather [hbm4b:s5+s6], $0x40, s2, s6, $0xb8;
	[tilespmem:$0x8200] =	vst v63  }
0xc: {  	s8 =	simm.s32 $0x2200  }
0xd: {  	[tilespmem:s8], [sflag:$0x1] =	stream.indirect.gather [hbm4b:s5+s6], $0x40, s6, s6, $0xb8;
	[tilespmem:$0x8200] =	vst v63  }
0xe: {  	s9 =	simm.s32 $0x100;
	s10 =	simm.s32 $0x4200  }
0xf: {  	[tilespmem:s10], [sflag:$0x1] =	stream.indirect.gather [hbm4b:s5+s6], $0x40, s9, s6, $0xb8;
	[tilespmem:$0x8200] =	vst v63  }
0x10: {  	s11 =	simm.s32 $0x180;
	s12 =	simm.s32 $0x6200;
	s13 =	simm.s32 $0x1  }
0x11: {  	[tilespmem:s12], [sflag:$0x1] =	stream.indirect.gather [hbm4b:s5+s6], $0x40, s11, s6, $0xb8;
	[tilespmem:$0x8200] =	vst v63  }
0x12: {  	_ =	swait.ge [sflag:s13], $0x2000  }
0x13: {  	[sflag:s13] =	ssyncset.done $0x0  }
0x14: {  	[sflag:s13] =	ssyncadd.s32 $0xFFFFE000  }
0x15: {  	_ =	swait.ge [sflag:s13], $0x2000  }
0x16: {  	[sflag:s13] =	ssyncset.done $0x0  }
0x17: {  	s14 =	ssub.s32 $0x2, s14;
	[sflag:s13] =	ssyncadd.s32 $0xFFFFE000  }
0x18: {  	s17 =	sshrl.u32 s14, $0x1;
	_ =	swait.ge [sflag:s13], $0x2000  }
0x19: {  	s17 =	ssub.s32 s14, s17;
	[sflag:s13] =	ssyncset.done $0x0  }
0x1a: {  	s31 =	smax.u32 s17, $0x1;
	[sflag:s13] =	ssyncadd.s32 $0xFFFFE000  }
0x1b: {  	p0 =	sne.s32 s31, $0x1;
	_ =	swait.ge [sflag:s13], $0x2000  }
.Ltmp0:
0x1c: {  	s30 =	sshll.u32 s16, $0x3;
	[sflag:s13] =	ssyncset.done $0x0;
	(pc) =	sbr.rel @!p0 .LBB2_2-.Ltmp0, $4  }
0x1d: {  	s14 =	sadd.s32 s15, s30;
	[sflag:s13] =	ssyncadd.s32 $0xFFFFE000  }
0x1e: {  	[hbm4b:s14+s2] =	stream.linear.scatter [tilespmem:s7], [sflag:$0x2], $0x8000, $0x38;
	[tilespmem:$0x8200] =	vst v63  }
0x1f: {  	_ =	swait.ge [sflag:s3], $0x8000  }
0x20: {  	s15 =	sadd.s32 $0xFFFFFFFF, s31;
	[sflag:s3] =	ssyncset.done $0x0  }
.LBB2_1:
0x21: {  	p0 =	sne.s32 s15, $0x1;
	s15 =	sadd.s32 $0xFFFFFFFF, s15;
	[sflag:s3] =	ssyncadd.s32 $0xFFFF8000  }
0x22: {  	[tilespmem:s2], [sflag:$0x2] =	stream.linear.gather [hbm4b:s4+s2], $0x200, $0x38;
	[tilespmem:$0x8200] =	vst v63  }
0x23: {  	_ =	swait.ge [sflag:s3], $0x200  }
0x24: {  	[sflag:s3] =	ssyncset.done $0x0  }
0x25: {  	[sflag:s3] =	ssyncadd.s32 $0xFFFFFE00  }
0x26: {  	[tilespmem:s7], [sflag:$0x1] =	stream.indirect.gather [hbm4b:s5+s6], $0x40, s2, s6, $0xb8;
	[tilespmem:$0x8200] =	vst v63  }
0x27: {  	_ = 	snop  }
0x28: {  	[tilespmem:s8], [sflag:$0x1] =	stream.indirect.gather [hbm4b:s5+s6], $0x40, s6, s6, $0xb8;
	[tilespmem:$0x8200] =	vst v63  }
0x29: {  	_ = 	snop  }
0x2a: {  	[tilespmem:s10], [sflag:$0x1] =	stream.indirect.gather [hbm4b:s5+s6], $0x40, s9, s6, $0xb8;
	[tilespmem:$0x8200] =	vst v63  }
0x2b: {  	_ = 	snop  }
0x2c: {  	[tilespmem:s12], [sflag:$0x1] =	stream.indirect.gather [hbm4b:s5+s6], $0x40, s11, s6, $0xb8;
	[tilespmem:$0x8200] =	vst v63  }
0x2d: {  	_ =	swait.ge [sflag:s13], $0x2000  }
0x2e: {  	[sflag:s13] =	ssyncset.done $0x0  }
0x2f: {  	[sflag:s13] =	ssyncadd.s32 $0xFFFFE000  }
0x30: {  	_ =	swait.ge [sflag:s13], $0x2000  }
0x31: {  	[sflag:s13] =	ssyncset.done $0x0  }
0x32: {  	[sflag:s13] =	ssyncadd.s32 $0xFFFFE000  }
0x33: {  	_ =	swait.ge [sflag:s13], $0x2000  }
0x34: {  	[sflag:s13] =	ssyncset.done $0x0  }
0x35: {  	[sflag:s13] =	ssyncadd.s32 $0xFFFFE000  }
0x36: {  	_ =	swait.ge [sflag:s13], $0x2000  }
.Ltmp1:
0x37: {  	[sflag:s13] =	ssyncset.done $0x0;
	(pc) =	sbr.rel @p0 .LBB2_1-.Ltmp1, $4  }
0x38: {  	[sflag:s13] =	ssyncadd.s32 $0xFFFFE000  }
0x39: {  	[hbm4b:s14+s2] =	stream.linear.scatter [tilespmem:s7], [sflag:$0x2], $0x8000, $0x38;
	[tilespmem:$0x8200] =	vst v63  }
0x3a: {  	_ =	swait.ge [sflag:s3], $0x8000  }
0x3b: {  	[sflag:s3] =	ssyncset.done $0x0  }
.LBB2_2:
0x3c: {  	[sflag:s3] =	ssyncadd.s32 $0xFFFF8000  }
0x3d: {  	_ =	sfence.sel $0x180000  }
0x3e: {  	[bflag:$0x0] =	sbarrier.arrive $0xFFFF  }
0x3f: {  	p0 =	sne.s32 s0, $0x0;
	_ =	strace $0x90000047  }
0x40: {  	s0 =	sadd.s32 @!p0 $0x100000, s1;
	[bflag:$0x2] =	sbarrier.arrive $0xFFFF  }
0x41: {  	[sflag:s0] =	ssyncadd.tile.s32 @!p0 $0x1;
	_ =	shalt  }
.Lfunc_end2:
_tile_overlayer_lowered:
.L_overlay_start_2:
0x42: {  	(tag) =	ssettag $0x2  }
0x43: {  	s0 =	rddreg [dreg:$0x0];
	s2 =	stileid.u32  }
0x44: {  	s1 =	rddreg [dreg:$0x1];
	p0 =	sne.s32 s2, $0x0  }
0x45: {  	s3 =	rddreg [dreg:$0x2];
	[bflag:$0x3] =	sbarrier.arrive $0xFFFF;
	s2 =	simm.s32 @!p0 $0x1C02  }
0x46: {  	[timem:s3], [sflag:s2] =	dma.local @!p0 [hbm:s0], s1  }
0x47: {  	s0 =	simm.s32 @!p0 $0x2  }
0x48: {  	_ =	swait.ge @!p0 [sflag:s0], s1  }
0x49: {  	s1 =	ssub.s32 @!p0 $0x0, s1;
	[sflag:s0] =	ssyncset.done @!p0 $0x0  }
0x4a: {  	[sflag:s0] =	ssyncadd.s32 @!p0 s1  }
0x4b: {  	[bflag:$0x3] =	sbarrier.arrive $0xFFFF  }
0x4c: {  	_ =	shalt  }

</sc_bundles>
